<compile_context>
chip_gen: v7x
topology: tpu7x:2x2x1
jax: 0.10.2.dev20260603
libtpu: 0.0.44.dev20260713+nightly
codegen_flags: <defaults>
</compile_context>

<pallas_src>
import functools

import jax
import jax.numpy as jnp
from jax import lax
from jax.experimental import pallas as pl
from jax.experimental.pallas import tpu as pltpu
from jax.experimental.pallas import tpu_sc as plsc

N = 10000
E = 320000
D_IN = 128
D_HID = 16
D_OUT = 128

NC = 2
NS = 16
NW = NC * NS
SUB = 128
NCHUNK = E // SUB
CPW = NCHUNK // NW
TAIL = NCHUNK - CPW * NW
NBUF = 13
NP = 10240
NPF = NP * D_HID // 128
ROWS_PER_SUB = NP // NS
WPS = NP // NS

_sc_mesh = plsc.VectorSubcoreMesh(core_axis_name="c", subcore_axis_name="s")


def _fill_indices(edge_hbm, row, wid, idx_v, isem, with_tail):
    base = wid * CPW * SUB

    def fill(t, carry):
        pltpu.async_copy(
            edge_hbm.at[row, pl.ds(base + t * SUB, SUB)], idx_v.at[t], isem
        )
        return carry

    lax.fori_loop(0, CPW, fill, 0)
    if with_tail:
        @pl.when(wid < TAIL)
        def _():
            pltpu.async_copy(
                edge_hbm.at[row, pl.ds((NW * CPW + wid) * SUB, SUB)],
                idx_v.at[CPW],
                isem,
            )

    def drain(t, carry):
        pltpu.make_async_copy(
            edge_hbm.at[row, pl.ds(base + t * SUB, SUB)], idx_v.at[t], isem
        ).wait()
        return carry

    lax.fori_loop(0, CPW, drain, 0)
    if with_tail:
        @pl.when(wid < TAIL)
        def _():
            pltpu.make_async_copy(
                edge_hbm.at[row, pl.ds((NW * CPW + wid) * SUB, SUB)],
                idx_v.at[CPW],
                isem,
            ).wait()


@functools.partial(
    pl.kernel,
    out_type=jax.ShapeDtypeStruct((NC, NP), jnp.float32),
    mesh=_sc_mesh,
    compiler_params=pltpu.CompilerParams(use_tc_tiling_on_sc=True),
    scratch_types=[
        pltpu.VMEM((CPW + 1, SUB), jnp.int32),
        pltpu.VMEM((SUB,), jnp.float32),
        pltpu.SemaphoreType.DMA,
        pltpu.SemaphoreType.DMA,
        pltpu.VMEM_SHARED((NP,), jnp.float32),
    ],
)
def _deg(edge_hbm, zeros_hbm, out_hbm, dst_v, ones_v, isem, dsem, acc):
    cid = lax.axis_index("c")
    sid = lax.axis_index("s")
    wid = sid * NC + cid
    w0 = sid * WPS
    pltpu.sync_copy(zeros_hbm.at[pl.ds(0, WPS)], acc.at[pl.ds(w0, WPS)])
    _fill_indices(edge_hbm, 1, wid, dst_v, isem, with_tail=True)
    for i in range(SUB // 16):
        ones_v[pl.ds(i * 16, 16)] = jnp.full((16,), 1.0, jnp.float32)
    plsc.subcore_barrier()

    def fire(j, carry):
        pltpu.async_copy(ones_v, acc.at[dst_v.at[j]], dsem, add=True)
        return carry

    lax.fori_loop(0, CPW, fire, 0)

    @pl.when(wid < TAIL)
    def _():
        pltpu.async_copy(ones_v, acc.at[dst_v.at[CPW]], dsem, add=True)

    def drain(j, carry):
        pltpu.make_async_copy(ones_v, acc.at[dst_v.at[j]], dsem).wait()
        return carry

    lax.fori_loop(0, CPW, drain, 0)

    @pl.when(wid < TAIL)
    def _():
        pltpu.make_async_copy(ones_v, acc.at[dst_v.at[CPW]], dsem).wait()

    plsc.subcore_barrier()
    pltpu.sync_copy(acc.at[pl.ds(w0, WPS)], out_hbm.at[cid, pl.ds(w0, WPS)])


@functools.partial(
    pl.kernel,
    out_type=jax.ShapeDtypeStruct((NC, NP, D_HID), jnp.float32),
    mesh=_sc_mesh,
    compiler_params=pltpu.CompilerParams(use_tc_tiling_on_sc=False),
    scratch_types=[
        pltpu.VMEM((CPW + 1, SUB), jnp.int32),
        pltpu.VMEM((CPW + 1, SUB), jnp.int32),
        pltpu.VMEM((NBUF, SUB, D_HID), jnp.float32),
        pltpu.SemaphoreType.DMA,
        pltpu.SemaphoreType.DMA((NBUF,)),
        pltpu.SemaphoreType.DMA((NBUF,)),
        pltpu.VMEM_SHARED((NP, D_HID), jnp.float32),
    ],
)
def _agg(y_hbm, edge_hbm, zeros_hbm, out_hbm, src_v, dst_v, rows_v, isem, sem, ssem, acc):
    cid = lax.axis_index("c")
    sid = lax.axis_index("s")
    wid = sid * NC + cid
    r0 = sid * ROWS_PER_SUB
    pltpu.sync_copy(zeros_hbm.at[pl.ds(r0, ROWS_PER_SUB)], acc.at[pl.ds(r0, ROWS_PER_SUB)])
    _fill_indices(edge_hbm, 0, wid, src_v, isem, with_tail=True)
    _fill_indices(edge_hbm, 1, wid, dst_v, isem, with_tail=True)
    plsc.subcore_barrier()

    for b in range(NBUF):
        pltpu.async_copy(y_hbm.at[src_v.at[b]], rows_v.at[b], sem.at[b])

    def outer(o, carry):
        for b in range(NBUF):
            j = o * NBUF + b
            bp = (b - 1) % NBUF
            pltpu.make_async_copy(
                y_hbm.at[src_v.at[j]], rows_v.at[b], sem.at[b]
            ).wait()
            pltpu.async_copy(rows_v.at[b], acc.at[dst_v.at[j]], ssem.at[b], add=True)
            jp = j - 1

            @pl.when(jp >= 0)
            def _():
                pltpu.make_async_copy(
                    rows_v.at[bp], acc.at[dst_v.at[jp]], ssem.at[bp]
                ).wait()
                nxt = jp + NBUF

                @pl.when(nxt < CPW)
                def _():
                    pltpu.async_copy(y_hbm.at[src_v.at[nxt]], rows_v.at[bp], sem.at[bp])

        return carry

    lax.fori_loop(0, CPW // NBUF, outer, 0)
    pltpu.make_async_copy(
        rows_v.at[NBUF - 1], acc.at[dst_v.at[CPW - 1]], ssem.at[NBUF - 1]
    ).wait()

    @pl.when(wid < TAIL)
    def _():
        pltpu.async_copy(y_hbm.at[src_v.at[CPW]], rows_v.at[0], sem.at[0])
        pltpu.make_async_copy(y_hbm.at[src_v.at[CPW]], rows_v.at[0], sem.at[0]).wait()
        pltpu.sync_copy(rows_v.at[0], acc.at[dst_v.at[CPW]], add=True)

    plsc.subcore_barrier()
    pltpu.sync_copy(acc.at[pl.ds(r0, ROWS_PER_SUB)], out_hbm.at[cid, pl.ds(r0, ROWS_PER_SUB)])


def _scale_body(degp_ref, dinv_ref):
    deg = degp_ref[0] + degp_ref[1] + 1.0
    dinv_ref[...] = lax.rsqrt(deg)


def _scale(degp):
    return pl.pallas_call(
        _scale_body,
        out_shape=jax.ShapeDtypeStruct((NP // 128, 128), jnp.float32),
    )(degp)


def _mm1_body(x_hbm, wb_ref, o_ref, xf_ref, dsem):
    pltpu.async_copy(x_hbm.reshape(N // 8, 8 * D_IN), xf_ref, dsem).wait()
    xw = jnp.dot(xf_ref[...], wb_ref[...], preferred_element_type=jnp.float32)
    o_ref[: N // 8] = xw
    o_ref[N // 8 :] = jnp.zeros((NPF - N // 8, 128), jnp.float32)


def _mm1(x, wb):
    return pl.pallas_call(
        _mm1_body,
        in_specs=[
            pl.BlockSpec(memory_space=pltpu.MemorySpace.HBM),
            pl.BlockSpec(memory_space=pltpu.MemorySpace.VMEM),
        ],
        scratch_shapes=[
            pltpu.VMEM((N // 8, 8 * D_IN), jnp.float32),
            pltpu.SemaphoreType.DMA,
        ],
        out_shape=jax.ShapeDtypeStruct((NPF, 128), jnp.float32),
    )(x, wb)


def _y1_body(dinv_ref, xw_ref, o_ref):
    o_ref[...] = dinv_ref[...] * xw_ref[...]


def _y1(dinv16f, xwf):
    return pl.pallas_call(
        _y1_body,
        out_shape=jax.ShapeDtypeStruct((NPF, 128), jnp.float32),
    )(dinv16f, xwf)


def _mid_body(sp_ref, y1_ref, dinv_ref, b_ref, o_ref):
    agg = dinv_ref[...] * (sp_ref[0] + sp_ref[1] + y1_ref[...])
    h = jnp.maximum(agg + b_ref[...], 0.0)
    o_ref[...] = dinv_ref[...] * h


def _mid(sp, y1, dinv16, b1t):
    return pl.pallas_call(
        _mid_body,
        out_shape=jax.ShapeDtypeStruct((NPF, 128), jnp.float32),
    )(sp, y1, dinv16, b1t)


def _final_body(sp_ref, y2_ref, dinv_ref, wb_ref, b_ref, o_hbm, of_ref, dsem):
    nf = N * D_HID // 128
    zf = dinv_ref[:nf]
    zf = zf * (sp_ref[0, :nf] + sp_ref[1, :nf] + y2_ref[:nf])
    of_ref[...] = (
        jnp.dot(zf, wb_ref[...], preferred_element_type=jnp.float32) + b_ref[...]
    )
    pltpu.async_copy(of_ref, o_hbm.reshape(N // 8, 8 * D_OUT), dsem).wait()


def _final(sp, y2, dinv16, w2b, b2t):
    return pl.pallas_call(
        _final_body,
        in_specs=[pl.BlockSpec(memory_space=pltpu.MemorySpace.VMEM)] * 5,
        scratch_shapes=[
            pltpu.VMEM((N // 8, 8 * D_OUT), jnp.float32),
            pltpu.SemaphoreType.DMA,
        ],
        out_specs=pl.BlockSpec(memory_space=pltpu.MemorySpace.HBM),
        out_shape=jax.ShapeDtypeStruct((N, D_OUT), jnp.float32),
    )(sp, y2, dinv16, w2b, b2t)


def kernel(data, edge_index, W1, b1, W2, b2):
    f32 = jnp.float32
    zerosf = jnp.zeros((NPF, 128), f32)
    b1t = jnp.tile(b1, 128 // D_HID).reshape(1, 128)
    w1b = (jnp.eye(8, dtype=f32)[:, None, :, None] * W1[None, :, None, :]).reshape(
        8 * D_IN, 8 * D_HID
    )

    degp = _deg(edge_index, zerosf.reshape(NPF * 128))
    dinvf = _scale(degp.reshape(NC, NP // 128, 128))
    dinv16f = jnp.broadcast_to(
        dinvf.reshape(NP, 1), (NP, D_HID)
    ).reshape(NPF, 128)
    xwf = _mm1(data, w1b)
    y1f = _y1(dinv16f, xwf)
    s1p = _agg(y1f.reshape(NP, D_HID), edge_index, zerosf.reshape(NP, D_HID))
    y2f = _mid(s1p.reshape(NC, NPF, 128), y1f, dinv16f, b1t)
    s2p = _agg(y2f.reshape(NP, D_HID), edge_index, zerosf.reshape(NP, D_HID))
    w2b = (jnp.eye(8, dtype=f32)[:, None, :, None] * W2[None, :, None, :]).reshape(
        8 * D_HID, 8 * D_OUT
    )
    b2t = jnp.tile(b2, 8).reshape(1, 8 * D_OUT)
    return _final(s2p.reshape(NC, NPF, 128), y2f, dinv16f, w2b, b2t)

# --- scband reference (transcript-rebuilt; emitter-appended) ---
"""Pipeline reference for scband-graph-model-58016418234712 (READ-ONLY COPY).

The authoritative reference and input builder live on the scoring server;
editing this copy changes nothing except your own understanding.
"""

import jax, jax.numpy as jnp
import numpy as np

N = 10000
E = 320000
D_IN = 128
D_HID = 16
D_OUT = 128


def gcn_conv(x, edge_index, W, b):
    # Faithful GCNConv: add self-loops, symmetric normalization, linear transform, scatter-add aggregate, bias
    num_nodes = x.shape[0]
    src = edge_index[0]
    dst = edge_index[1]
    loop = jnp.arange(num_nodes, dtype=edge_index.dtype)
    src = jnp.concatenate([src, loop])
    dst = jnp.concatenate([dst, loop])
    deg = jnp.zeros((num_nodes,), dtype=x.dtype).at[dst].add(1.0)
    deg_inv_sqrt = jnp.where(deg > 0, jax.lax.rsqrt(jnp.maximum(deg, 1e-12)), 0.0)
    norm = deg_inv_sqrt[src] * deg_inv_sqrt[dst]
    xw = x @ W
    msg = xw[src] * norm[:, None]
    out = jnp.zeros((num_nodes, W.shape[1]), dtype=x.dtype).at[dst].add(msg)
    return out + b


def setup_inputs(seed: int = 0) -> dict:
    key = jax.random.key(seed)
    k1, k2, k3, k4, k5, k6 = jax.random.split(key, 6)
    data = jax.random.normal(k1, (N, D_IN), dtype=jnp.float32)
    edge_index = jax.random.randint(k2, (2, E), 0, N, dtype=jnp.int32)
    # Glorot-style init for GCNConv weights, zeros for bias (PyG default bias init is zeros)
    W1 = jax.random.normal(k3, (D_IN, D_HID), dtype=jnp.float32) * np.sqrt(2.0 / (D_IN + D_HID))
    b1 = jnp.zeros((D_HID,), dtype=jnp.float32)
    W2 = jax.random.normal(k4, (D_HID, D_OUT), dtype=jnp.float32) * np.sqrt(2.0 / (D_HID + D_OUT))
    b2 = jnp.zeros((D_OUT,), dtype=jnp.float32)
    return {"data": data, "edge_index": edge_index, "W1": W1, "b1": b1, "W2": W2, "b2": b2}


def reference(data, edge_index, W1, b1, W2, b2):
    x = gcn_conv(data, edge_index, W1, b1)
    x = jax.nn.relu(x)
    x = gcn_conv(x, edge_index, W2, b2)
    return x

if __name__ == "__main__":
    import jax
    _d = setup_inputs()
    print(jax.jit(kernel)(*tuple(_d.values())))

</pallas_src>

<mosaic_0001>
#map = affine_map<(d0, d1) -> (0, 0)>
#map1 = affine_map<(d0, d1) -> (0, 0, 0)>
module attributes {stable_mosaic.version = 14 : i64} {
  func.func @_agg(%arg0: i32, %arg1: i32, %arg2: memref<10240x16xf32, #tpu.memory_space<hbm>>, %arg3: memref<2x320000xi32, #tpu.memory_space<hbm>>, %arg4: memref<10240x16xf32, #tpu.memory_space<hbm>>, %arg5: memref<2x10240x16xf32, #tpu.memory_space<hbm>>, %arg6: memref<79x128xi32, #tpu.memory_space<vmem>>, %arg7: memref<79x128xi32, #tpu.memory_space<vmem>>, %arg8: memref<13x128x16xf32, #tpu.memory_space<vmem>>, %arg9: memref<!tpu.dma_semaphore, #tpu.memory_space<semaphore_mem>>, %arg10: memref<13x!tpu.dma_semaphore, #tpu.memory_space<semaphore_mem>>, %arg11: memref<13x!tpu.dma_semaphore, #tpu.memory_space<semaphore_mem>>, %arg12: memref<10240x16xf32, #tpu.memory_space<vmem_shared>>) attributes {dimension_semantics = [#tpu.dimension_semantics<core_parallel>, #tpu.dimension_semantics<subcore_parallel>], iteration_bounds = array<i64: 2, 16>, scalar_prefetch = 0 : i64, scratch_operands = 7 : i64, tpu.core_type = #tpu.core_type<sc_vector_subcore>, window_params = [{transform_indices = #map}, {transform_indices = #map}, {transform_indices = #map}, {transform_indices = #map1}]} {
    %mul3A = arith.constant 2 : i32
    %mul3A_0 = arith.muli %arg1, %mul3A : i32
    %add3A = arith.addi %mul3A_0, %arg0 : i32
    %mul3A_1 = arith.constant 640 : i32
    %mul3A_2 = arith.muli %arg1, %mul3A_1 : i32
    "tpu.region"() ({
      %run_scoped3A = tpu.sem_alloc : memref<!tpu.dma_semaphore, #tpu.memory_space<semaphore_mem>>
      %dma_start3A_271 = arith.constant 0 : i32
      %dma_start3A_272 = tpu.memref_slice %arg12[%mul3A_2, %dma_start3A_271] : memref<10240x16xf32, #tpu.memory_space<vmem_shared>> -> memref<640x16xf32, #tpu.memory_space<vmem_shared>>
      %dma_start3A_273 = arith.constant 0 : i32
      %dma_start3A_274 = tpu.memref_slice %arg4[%mul3A_2, %dma_start3A_273] : memref<10240x16xf32, #tpu.memory_space<hbm>> -> memref<640x16xf32, #tpu.memory_space<hbm>>
      tpu.enqueue_dma source(%dma_start3A_274 : memref<640x16xf32, #tpu.memory_space<hbm>>) target(%dma_start3A_272 : memref<640x16xf32, #tpu.memory_space<vmem_shared>>) target_semaphore(%run_scoped3A : memref<!tpu.dma_semaphore, #tpu.memory_space<semaphore_mem>>)
      %dma_wait3A_275 = arith.constant 0 : i32
      %dma_wait3A_276 = tpu.memref_slice %arg12[%mul3A_2, %dma_wait3A_275] : memref<10240x16xf32, #tpu.memory_space<vmem_shared>> -> memref<640x16xf32, #tpu.memory_space<vmem_shared>>
      %dma_wait3A_277 = arith.constant 0 : i32
      %dma_wait3A_278 = tpu.memref_slice %arg4[%mul3A_2, %dma_wait3A_277] : memref<10240x16xf32, #tpu.memory_space<hbm>> -> memref<640x16xf32, #tpu.memory_space<hbm>>
      tpu.wait_dma2 semaphore(%run_scoped3A : memref<!tpu.dma_semaphore, #tpu.memory_space<semaphore_mem>>) src(%dma_wait3A_278 : memref<640x16xf32, #tpu.memory_space<hbm>>) dst(%dma_wait3A_276 : memref<640x16xf32, #tpu.memory_space<vmem_shared>>)
      tpu.yield
    }) : () -> ()
    %mul3A_3 = arith.constant 78 : i32
    %mul3A_4 = arith.muli %add3A, %mul3A_3 : i32
    %mul3A_5 = arith.constant 128 : i32
    %mul3A_6 = arith.muli %mul3A_4, %mul3A_5 : i32
    %scan3A = arith.constant 0 : i32
    %scan3A_7 = arith.constant 0 : i32
    %scan3A_8 = arith.constant 78 : i32
    %scan3A_9 = arith.addi %scan3A_7, %scan3A_8 : i32
    %scan3A_10 = arith.constant 1 : i32
    scf.for %scan3A_271 = %scan3A_7 to %scan3A_9 step %scan3A_10  : i32 {
      %mul3A_272 = arith.constant 128 : i32
      %mul3A_273 = arith.muli %scan3A_271, %mul3A_272 : i32
      %add3A_274 = arith.addi %mul3A_6, %mul3A_273 : i32
      %dma_start3A_275 = arith.constant 0 : i32
      %dma_start3A_276 = arith.constant 0 : i32
      %dma_start3A_277 = tpu.memref_slice %arg6[%scan3A_271, %dma_start3A_276] : memref<79x128xi32, #tpu.memory_space<vmem>> -> memref<1x128xi32, #tpu.memory_space<vmem>>
      %dma_start3A_278 = tpu.memref_squeeze %dma_start3A_277 : memref<1x128xi32, #tpu.memory_space<vmem>> -> memref<128xi32, #tpu.memory_space<vmem>>
      %dma_start3A_279 = tpu.memref_slice %arg3[%dma_start3A_275, %add3A_274] : memref<2x320000xi32, #tpu.memory_space<hbm>> -> memref<1x128xi32, #tpu.memory_space<hbm>>
      %dma_start3A_280 = tpu.memref_squeeze %dma_start3A_279 : memref<1x128xi32, #tpu.memory_space<hbm>> -> memref<128xi32, #tpu.memory_space<hbm>>
      %dma_start3A_281 = arith.constant 0 : i32
      %dma_start3A_282 = tpu.memref_slice %arg6[%scan3A_271, %dma_start3A_281] : memref<79x128xi32, #tpu.memory_space<vmem>> -> memref<1x128xi32, #tpu.memory_space<vmem>>
      %dma_start3A_283 = tpu.memref_squeeze %dma_start3A_282 : memref<1x128xi32, #tpu.memory_space<vmem>> -> memref<128xi32, #tpu.memory_space<vmem>>
      %dma_start3A_284 = tpu.memref_slice %arg3[%dma_start3A_275, %add3A_274] : memref<2x320000xi32, #tpu.memory_space<hbm>> -> memref<1x128xi32, #tpu.memory_space<hbm>>
      %dma_start3A_285 = tpu.memref_squeeze %dma_start3A_284 : memref<1x128xi32, #tpu.memory_space<hbm>> -> memref<128xi32, #tpu.memory_space<hbm>>
      tpu.enqueue_dma source(%dma_start3A_285 : memref<128xi32, #tpu.memory_space<hbm>>) target(%dma_start3A_283 : memref<128xi32, #tpu.memory_space<vmem>>) target_semaphore(%arg9 : memref<!tpu.dma_semaphore, #tpu.memory_space<semaphore_mem>>)
    }
    %scan3A_11 = arith.constant 78 : i32
    %lt3A = arith.constant 4 : i32
    %lt3A_12 = arith.cmpi slt, %add3A, %lt3A : i32
    %convert_element_type3A = arith.extui %lt3A_12 : i1 to i32
    %cond3A = arith.constant 0 : i32
    %cond3A_13 = arith.cmpi ne, %convert_element_type3A, %cond3A : i32
    scf.if %cond3A_13 {
      %add3A_271 = arith.constant 2496 : i32
      %add3A_272 = arith.addi %add3A_271, %add3A : i32
      %mul3A_273 = arith.constant 128 : i32
      %mul3A_274 = arith.muli %add3A_272, %mul3A_273 : i32
      %dma_start3A_275 = arith.constant 0 : i32
      %dma_start3A_276 = arith.constant 78 : i32
      %dma_start3A_277 = arith.constant 0 : i32
      %dma_start3A_278 = tpu.memref_slice %arg6[%dma_start3A_276, %dma_start3A_277] : memref<79x128xi32, #tpu.memory_space<vmem>> -> memref<1x128xi32, #tpu.memory_space<vmem>>
      %dma_start3A_279 = tpu.memref_squeeze %dma_start3A_278 : memref<1x128xi32, #tpu.memory_space<vmem>> -> memref<128xi32, #tpu.memory_space<vmem>>
      %dma_start3A_280 = tpu.memref_slice %arg3[%dma_start3A_275, %mul3A_274] : memref<2x320000xi32, #tpu.memory_space<hbm>> -> memref<1x128xi32, #tpu.memory_space<hbm>>
      %dma_start3A_281 = tpu.memref_squeeze %dma_start3A_280 : memref<1x128xi32, #tpu.memory_space<hbm>> -> memref<128xi32, #tpu.memory_space<hbm>>
      %dma_start3A_282 = arith.constant 0 : i32
      %dma_start3A_283 = tpu.memref_slice %arg6[%dma_start3A_276, %dma_start3A_282] : memref<79x128xi32, #tpu.memory_space<vmem>> -> memref<1x128xi32, #tpu.memory_space<vmem>>
      %dma_start3A_284 = tpu.memref_squeeze %dma_start3A_283 : memref<1x128xi32, #tpu.memory_space<vmem>> -> memref<128xi32, #tpu.memory_space<vmem>>
      %dma_start3A_285 = tpu.memref_slice %arg3[%dma_start3A_275, %mul3A_274] : memref<2x320000xi32, #tpu.memory_space<hbm>> -> memref<1x128xi32, #tpu.memory_space<hbm>>
      %dma_start3A_286 = tpu.memref_squeeze %dma_start3A_285 : memref<1x128xi32, #tpu.memory_space<hbm>> -> memref<128xi32, #tpu.memory_space<hbm>>
      tpu.enqueue_dma source(%dma_start3A_286 : memref<128xi32, #tpu.memory_space<hbm>>) target(%dma_start3A_284 : memref<128xi32, #tpu.memory_space<vmem>>) target_semaphore(%arg9 : memref<!tpu.dma_semaphore, #tpu.memory_space<semaphore_mem>>)
    } else {
    }
    %scan3A_14 = arith.constant 0 : i32
    %scan3A_15 = arith.constant 0 : i32
    %scan3A_16 = arith.constant 78 : i32
    %scan3A_17 = arith.addi %scan3A_15, %scan3A_16 : i32
    %scan3A_18 = arith.constant 1 : i32
    scf.for %scan3A_271 = %scan3A_15 to %scan3A_17 step %scan3A_18  : i32 {
      %mul3A_272 = arith.constant 128 : i32
      %mul3A_273 = arith.muli %scan3A_271, %mul3A_272 : i32
      %add3A_274 = arith.addi %mul3A_6, %mul3A_273 : i32
      %dma_wait3A_275 = arith.constant 0 : i32
      %dma_wait3A_276 = arith.constant 0 : i32
      %dma_wait3A_277 = tpu.memref_slice %arg6[%scan3A_271, %dma_wait3A_276] : memref<79x128xi32, #tpu.memory_space<vmem>> -> memref<1x128xi32, #tpu.memory_space<vmem>>
      %dma_wait3A_278 = tpu.memref_squeeze %dma_wait3A_277 : memref<1x128xi32, #tpu.memory_space<vmem>> -> memref<128xi32, #tpu.memory_space<vmem>>
      %dma_wait3A_279 = tpu.memref_slice %arg3[%dma_wait3A_275, %add3A_274] : memref<2x320000xi32, #tpu.memory_space<hbm>> -> memref<1x128xi32, #tpu.memory_space<hbm>>
      %dma_wait3A_280 = tpu.memref_squeeze %dma_wait3A_279 : memref<1x128xi32, #tpu.memory_space<hbm>> -> memref<128xi32, #tpu.memory_space<hbm>>
      %dma_wait3A_281 = arith.constant 0 : i32
      %dma_wait3A_282 = tpu.memref_slice %arg6[%scan3A_271, %dma_wait3A_281] : memref<79x128xi32, #tpu.memory_space<vmem>> -> memref<1x128xi32, #tpu.memory_space<vmem>>
      %dma_wait3A_283 = tpu.memref_squeeze %dma_wait3A_282 : memref<1x128xi32, #tpu.memory_space<vmem>> -> memref<128xi32, #tpu.memory_space<vmem>>
      %dma_wait3A_284 = tpu.memref_slice %arg3[%dma_wait3A_275, %add3A_274] : memref<2x320000xi32, #tpu.memory_space<hbm>> -> memref<1x128xi32, #tpu.memory_space<hbm>>
      %dma_wait3A_285 = tpu.memref_squeeze %dma_wait3A_284 : memref<1x128xi32, #tpu.memory_space<hbm>> -> memref<128xi32, #tpu.memory_space<hbm>>
      tpu.wait_dma2 semaphore(%arg9 : memref<!tpu.dma_semaphore, #tpu.memory_space<semaphore_mem>>) src(%dma_wait3A_285 : memref<128xi32, #tpu.memory_space<hbm>>) dst(%dma_wait3A_283 : memref<128xi32, #tpu.memory_space<vmem>>)
    }
    %scan3A_19 = arith.constant 78 : i32
    %lt3A_20 = arith.constant 4 : i32
    %lt3A_21 = arith.cmpi slt, %add3A, %lt3A_20 : i32
    %convert_element_type3A_22 = arith.extui %lt3A_21 : i1 to i32
    %cond3A_23 = arith.constant 0 : i32
    %cond3A_24 = arith.cmpi ne, %convert_element_type3A_22, %cond3A_23 : i32
    scf.if %cond3A_24 {
      %add3A_271 = arith.constant 2496 : i32
      %add3A_272 = arith.addi %add3A_271, %add3A : i32
      %mul3A_273 = arith.constant 128 : i32
      %mul3A_274 = arith.muli %add3A_272, %mul3A_273 : i32
      %dma_wait3A_275 = arith.constant 0 : i32
      %dma_wait3A_276 = arith.constant 78 : i32
      %dma_wait3A_277 = arith.constant 0 : i32
      %dma_wait3A_278 = tpu.memref_slice %arg6[%dma_wait3A_276, %dma_wait3A_277] : memref<79x128xi32, #tpu.memory_space<vmem>> -> memref<1x128xi32, #tpu.memory_space<vmem>>
      %dma_wait3A_279 = tpu.memref_squeeze %dma_wait3A_278 : memref<1x128xi32, #tpu.memory_space<vmem>> -> memref<128xi32, #tpu.memory_space<vmem>>
      %dma_wait3A_280 = tpu.memref_slice %arg3[%dma_wait3A_275, %mul3A_274] : memref<2x320000xi32, #tpu.memory_space<hbm>> -> memref<1x128xi32, #tpu.memory_space<hbm>>
      %dma_wait3A_281 = tpu.memref_squeeze %dma_wait3A_280 : memref<1x128xi32, #tpu.memory_space<hbm>> -> memref<128xi32, #tpu.memory_space<hbm>>
      %dma_wait3A_282 = arith.constant 0 : i32
      %dma_wait3A_283 = tpu.memref_slice %arg6[%dma_wait3A_276, %dma_wait3A_282] : memref<79x128xi32, #tpu.memory_space<vmem>> -> memref<1x128xi32, #tpu.memory_space<vmem>>
      %dma_wait3A_284 = tpu.memref_squeeze %dma_wait3A_283 : memref<1x128xi32, #tpu.memory_space<vmem>> -> memref<128xi32, #tpu.memory_space<vmem>>
      %dma_wait3A_285 = tpu.memref_slice %arg3[%dma_wait3A_275, %mul3A_274] : memref<2x320000xi32, #tpu.memory_space<hbm>> -> memref<1x128xi32, #tpu.memory_space<hbm>>
      %dma_wait3A_286 = tpu.memref_squeeze %dma_wait3A_285 : memref<1x128xi32, #tpu.memory_space<hbm>> -> memref<128xi32, #tpu.memory_space<hbm>>
      tpu.wait_dma2 semaphore(%arg9 : memref<!tpu.dma_semaphore, #tpu.memory_space<semaphore_mem>>) src(%dma_wait3A_286 : memref<128xi32, #tpu.memory_space<hbm>>) dst(%dma_wait3A_284 : memref<128xi32, #tpu.memory_space<vmem>>)
    } else {
    }
    %mul3A_25 = arith.constant 78 : i32
    %mul3A_26 = arith.muli %add3A, %mul3A_25 : i32
    %mul3A_27 = arith.constant 128 : i32
    %mul3A_28 = arith.muli %mul3A_26, %mul3A_27 : i32
    %scan3A_29 = arith.constant 0 : i32
    %scan3A_30 = arith.constant 0 : i32
    %scan3A_31 = arith.constant 78 : i32
    %scan3A_32 = arith.addi %scan3A_30, %scan3A_31 : i32
    %scan3A_33 = arith.constant 1 : i32
    scf.for %scan3A_271 = %scan3A_30 to %scan3A_32 step %scan3A_33  : i32 {
      %mul3A_272 = arith.constant 128 : i32
      %mul3A_273 = arith.muli %scan3A_271, %mul3A_272 : i32
      %add3A_274 = arith.addi %mul3A_28, %mul3A_273 : i32
      %dma_start3A_275 = arith.constant 1 : i32
      %dma_start3A_276 = arith.constant 0 : i32
      %dma_start3A_277 = tpu.memref_slice %arg7[%scan3A_271, %dma_start3A_276] : memref<79x128xi32, #tpu.memory_space<vmem>> -> memref<1x128xi32, #tpu.memory_space<vmem>>
      %dma_start3A_278 = tpu.memref_squeeze %dma_start3A_277 : memref<1x128xi32, #tpu.memory_space<vmem>> -> memref<128xi32, #tpu.memory_space<vmem>>
      %dma_start3A_279 = tpu.memref_slice %arg3[%dma_start3A_275, %add3A_274] : memref<2x320000xi32, #tpu.memory_space<hbm>> -> memref<1x128xi32, #tpu.memory_space<hbm>>
      %dma_start3A_280 = tpu.memref_squeeze %dma_start3A_279 : memref<1x128xi32, #tpu.memory_space<hbm>> -> memref<128xi32, #tpu.memory_space<hbm>>
      %dma_start3A_281 = arith.constant 0 : i32
      %dma_start3A_282 = tpu.memref_slice %arg7[%scan3A_271, %dma_start3A_281] : memref<79x128xi32, #tpu.memory_space<vmem>> -> memref<1x128xi32, #tpu.memory_space<vmem>>
      %dma_start3A_283 = tpu.memref_squeeze %dma_start3A_282 : memref<1x128xi32, #tpu.memory_space<vmem>> -> memref<128xi32, #tpu.memory_space<vmem>>
      %dma_start3A_284 = tpu.memref_slice %arg3[%dma_start3A_275, %add3A_274] : memref<2x320000xi32, #tpu.memory_space<hbm>> -> memref<1x128xi32, #tpu.memory_space<hbm>>
      %dma_start3A_285 = tpu.memref_squeeze %dma_start3A_284 : memref<1x128xi32, #tpu.memory_space<hbm>> -> memref<128xi32, #tpu.memory_space<hbm>>
      tpu.enqueue_dma source(%dma_start3A_285 : memref<128xi32, #tpu.memory_space<hbm>>) target(%dma_start3A_283 : memref<128xi32, #tpu.memory_space<vmem>>) target_semaphore(%arg9 : memref<!tpu.dma_semaphore, #tpu.memory_space<semaphore_mem>>)
    }
    %scan3A_34 = arith.constant 78 : i32
    %lt3A_35 = arith.constant 4 : i32
    %lt3A_36 = arith.cmpi slt, %add3A, %lt3A_35 : i32
    %convert_element_type3A_37 = arith.extui %lt3A_36 : i1 to i32
    %cond3A_38 = arith.constant 0 : i32
    %cond3A_39 = arith.cmpi ne, %convert_element_type3A_37, %cond3A_38 : i32
    scf.if %cond3A_39 {
      %add3A_271 = arith.constant 2496 : i32
      %add3A_272 = arith.addi %add3A_271, %add3A : i32
      %mul3A_273 = arith.constant 128 : i32
      %mul3A_274 = arith.muli %add3A_272, %mul3A_273 : i32
      %dma_start3A_275 = arith.constant 1 : i32
      %dma_start3A_276 = arith.constant 78 : i32
      %dma_start3A_277 = arith.constant 0 : i32
      %dma_start3A_278 = tpu.memref_slice %arg7[%dma_start3A_276, %dma_start3A_277] : memref<79x128xi32, #tpu.memory_space<vmem>> -> memref<1x128xi32, #tpu.memory_space<vmem>>
      %dma_start3A_279 = tpu.memref_squeeze %dma_start3A_278 : memref<1x128xi32, #tpu.memory_space<vmem>> -> memref<128xi32, #tpu.memory_space<vmem>>
      %dma_start3A_280 = tpu.memref_slice %arg3[%dma_start3A_275, %mul3A_274] : memref<2x320000xi32, #tpu.memory_space<hbm>> -> memref<1x128xi32, #tpu.memory_space<hbm>>
      %dma_start3A_281 = tpu.memref_squeeze %dma_start3A_280 : memref<1x128xi32, #tpu.memory_space<hbm>> -> memref<128xi32, #tpu.memory_space<hbm>>
      %dma_start3A_282 = arith.constant 0 : i32
      %dma_start3A_283 = tpu.memref_slice %arg7[%dma_start3A_276, %dma_start3A_282] : memref<79x128xi32, #tpu.memory_space<vmem>> -> memref<1x128xi32, #tpu.memory_space<vmem>>
      %dma_start3A_284 = tpu.memref_squeeze %dma_start3A_283 : memref<1x128xi32, #tpu.memory_space<vmem>> -> memref<128xi32, #tpu.memory_space<vmem>>
      %dma_start3A_285 = tpu.memref_slice %arg3[%dma_start3A_275, %mul3A_274] : memref<2x320000xi32, #tpu.memory_space<hbm>> -> memref<1x128xi32, #tpu.memory_space<hbm>>
      %dma_start3A_286 = tpu.memref_squeeze %dma_start3A_285 : memref<1x128xi32, #tpu.memory_space<hbm>> -> memref<128xi32, #tpu.memory_space<hbm>>
      tpu.enqueue_dma source(%dma_start3A_286 : memref<128xi32, #tpu.memory_space<hbm>>) target(%dma_start3A_284 : memref<128xi32, #tpu.memory_space<vmem>>) target_semaphore(%arg9 : memref<!tpu.dma_semaphore, #tpu.memory_space<semaphore_mem>>)
    } else {
    }
    %scan3A_40 = arith.constant 0 : i32
    %scan3A_41 = arith.constant 0 : i32
    %scan3A_42 = arith.constant 78 : i32
    %scan3A_43 = arith.addi %scan3A_41, %scan3A_42 : i32
    %scan3A_44 = arith.constant 1 : i32
    scf.for %scan3A_271 = %scan3A_41 to %scan3A_43 step %scan3A_44  : i32 {
      %mul3A_272 = arith.constant 128 : i32
      %mul3A_273 = arith.muli %scan3A_271, %mul3A_272 : i32
      %add3A_274 = arith.addi %mul3A_28, %mul3A_273 : i32
      %dma_wait3A_275 = arith.constant 1 : i32
      %dma_wait3A_276 = arith.constant 0 : i32
      %dma_wait3A_277 = tpu.memref_slice %arg7[%scan3A_271, %dma_wait3A_276] : memref<79x128xi32, #tpu.memory_space<vmem>> -> memref<1x128xi32, #tpu.memory_space<vmem>>
      %dma_wait3A_278 = tpu.memref_squeeze %dma_wait3A_277 : memref<1x128xi32, #tpu.memory_space<vmem>> -> memref<128xi32, #tpu.memory_space<vmem>>
      %dma_wait3A_279 = tpu.memref_slice %arg3[%dma_wait3A_275, %add3A_274] : memref<2x320000xi32, #tpu.memory_space<hbm>> -> memref<1x128xi32, #tpu.memory_space<hbm>>
      %dma_wait3A_280 = tpu.memref_squeeze %dma_wait3A_279 : memref<1x128xi32, #tpu.memory_space<hbm>> -> memref<128xi32, #tpu.memory_space<hbm>>
      %dma_wait3A_281 = arith.constant 0 : i32
      %dma_wait3A_282 = tpu.memref_slice %arg7[%scan3A_271, %dma_wait3A_281] : memref<79x128xi32, #tpu.memory_space<vmem>> -> memref<1x128xi32, #tpu.memory_space<vmem>>
      %dma_wait3A_283 = tpu.memref_squeeze %dma_wait3A_282 : memref<1x128xi32, #tpu.memory_space<vmem>> -> memref<128xi32, #tpu.memory_space<vmem>>
      %dma_wait3A_284 = tpu.memref_slice %arg3[%dma_wait3A_275, %add3A_274] : memref<2x320000xi32, #tpu.memory_space<hbm>> -> memref<1x128xi32, #tpu.memory_space<hbm>>
      %dma_wait3A_285 = tpu.memref_squeeze %dma_wait3A_284 : memref<1x128xi32, #tpu.memory_space<hbm>> -> memref<128xi32, #tpu.memory_space<hbm>>
      tpu.wait_dma2 semaphore(%arg9 : memref<!tpu.dma_semaphore, #tpu.memory_space<semaphore_mem>>) src(%dma_wait3A_285 : memref<128xi32, #tpu.memory_space<hbm>>) dst(%dma_wait3A_283 : memref<128xi32, #tpu.memory_space<vmem>>)
    }
    %scan3A_45 = arith.constant 78 : i32
    %lt3A_46 = arith.constant 4 : i32
    %lt3A_47 = arith.cmpi slt, %add3A, %lt3A_46 : i32
    %convert_element_type3A_48 = arith.extui %lt3A_47 : i1 to i32
    %cond3A_49 = arith.constant 0 : i32
    %cond3A_50 = arith.cmpi ne, %convert_element_type3A_48, %cond3A_49 : i32
    scf.if %cond3A_50 {
      %add3A_271 = arith.constant 2496 : i32
      %add3A_272 = arith.addi %add3A_271, %add3A : i32
      %mul3A_273 = arith.constant 128 : i32
      %mul3A_274 = arith.muli %add3A_272, %mul3A_273 : i32
      %dma_wait3A_275 = arith.constant 1 : i32
      %dma_wait3A_276 = arith.constant 78 : i32
      %dma_wait3A_277 = arith.constant 0 : i32
      %dma_wait3A_278 = tpu.memref_slice %arg7[%dma_wait3A_276, %dma_wait3A_277] : memref<79x128xi32, #tpu.memory_space<vmem>> -> memref<1x128xi32, #tpu.memory_space<vmem>>
      %dma_wait3A_279 = tpu.memref_squeeze %dma_wait3A_278 : memref<1x128xi32, #tpu.memory_space<vmem>> -> memref<128xi32, #tpu.memory_space<vmem>>
      %dma_wait3A_280 = tpu.memref_slice %arg3[%dma_wait3A_275, %mul3A_274] : memref<2x320000xi32, #tpu.memory_space<hbm>> -> memref<1x128xi32, #tpu.memory_space<hbm>>
      %dma_wait3A_281 = tpu.memref_squeeze %dma_wait3A_280 : memref<1x128xi32, #tpu.memory_space<hbm>> -> memref<128xi32, #tpu.memory_space<hbm>>
      %dma_wait3A_282 = arith.constant 0 : i32
      %dma_wait3A_283 = tpu.memref_slice %arg7[%dma_wait3A_276, %dma_wait3A_282] : memref<79x128xi32, #tpu.memory_space<vmem>> -> memref<1x128xi32, #tpu.memory_space<vmem>>
      %dma_wait3A_284 = tpu.memref_squeeze %dma_wait3A_283 : memref<1x128xi32, #tpu.memory_space<vmem>> -> memref<128xi32, #tpu.memory_space<vmem>>
      %dma_wait3A_285 = tpu.memref_slice %arg3[%dma_wait3A_275, %mul3A_274] : memref<2x320000xi32, #tpu.memory_space<hbm>> -> memref<1x128xi32, #tpu.memory_space<hbm>>
      %dma_wait3A_286 = tpu.memref_squeeze %dma_wait3A_285 : memref<1x128xi32, #tpu.memory_space<hbm>> -> memref<128xi32, #tpu.memory_space<hbm>>
      tpu.wait_dma2 semaphore(%arg9 : memref<!tpu.dma_semaphore, #tpu.memory_space<semaphore_mem>>) src(%dma_wait3A_286 : memref<128xi32, #tpu.memory_space<hbm>>) dst(%dma_wait3A_284 : memref<128xi32, #tpu.memory_space<vmem>>)
    } else {
    }
    %barrier3A = arith.constant 0 : index
    tpu.barrier barrier_id(%barrier3A)
    %dma_start3A = arith.constant 0 : i32
    %dma_start3A_51 = arith.constant 0 : i32
    %dma_start3A_52 = arith.constant 0 : i32
    %dma_start3A_53 = arith.constant 0 : i32
    %dma_start3A_54 = arith.constant 0 : i32
    %dma_start3A_55 = tpu.memref_slice %arg8[%dma_start3A_51, %dma_start3A_53, %dma_start3A_54] : memref<13x128x16xf32, #tpu.memory_space<vmem>> -> memref<1x128x16xf32, #tpu.memory_space<vmem>>
    %dma_start3A_56 = tpu.memref_squeeze %dma_start3A_55 : memref<1x128x16xf32, #tpu.memory_space<vmem>> -> memref<128x16xf32, #tpu.memory_space<vmem>>
    %dma_start3A_57 = arith.constant 0 : i32
    %dma_start3A_58 = tpu.memref_slice %arg6[%dma_start3A, %dma_start3A_57] : memref<79x128xi32, #tpu.memory_space<vmem>> -> memref<1x128xi32, #tpu.memory_space<vmem>>
    %dma_start3A_59 = tpu.memref_squeeze %dma_start3A_58 : memref<1x128xi32, #tpu.memory_space<vmem>> -> memref<128xi32, #tpu.memory_space<vmem>>
    %dma_start3A_60 = arith.constant 0 : i32
    %dma_start3A_61 = arith.constant 0 : i32
    %dma_start3A_62 = tpu.memref_slice %arg2[%dma_start3A_60, %dma_start3A_61] : memref<10240x16xf32, #tpu.memory_space<hbm>> -> memref<10240x16xf32, #tpu.memory_space<hbm>>
    %dma_start3A_63 = tpu.memref_slice %arg10[%dma_start3A_52] : memref<13x!tpu.dma_semaphore, #tpu.memory_space<semaphore_mem>> -> memref<1x!tpu.dma_semaphore, #tpu.memory_space<semaphore_mem>>
    %dma_start3A_64 = tpu.memref_squeeze %dma_start3A_63 : memref<1x!tpu.dma_semaphore, #tpu.memory_space<semaphore_mem>> -> memref<!tpu.dma_semaphore, #tpu.memory_space<semaphore_mem>>
    tpu.enqueue_indirect_dma source(%dma_start3A_62 : memref<10240x16xf32, #tpu.memory_space<hbm>>) target(%dma_start3A_56 : memref<128x16xf32, #tpu.memory_space<vmem>>) offsets(%dma_start3A_59 : memref<128xi32, #tpu.memory_space<vmem>>) semaphore(%dma_start3A_64 : memref<!tpu.dma_semaphore, #tpu.memory_space<semaphore_mem>>)
    %dma_start3A_65 = arith.constant 1 : i32
    %dma_start3A_66 = arith.constant 1 : i32
    %dma_start3A_67 = arith.constant 1 : i32
    %dma_start3A_68 = arith.constant 0 : i32
    %dma_start3A_69 = arith.constant 0 : i32
    %dma_start3A_70 = tpu.memref_slice %arg8[%dma_start3A_66, %dma_start3A_68, %dma_start3A_69] : memref<13x128x16xf32, #tpu.memory_space<vmem>> -> memref<1x128x16xf32, #tpu.memory_space<vmem>>
    %dma_start3A_71 = tpu.memref_squeeze %dma_start3A_70 : memref<1x128x16xf32, #tpu.memory_space<vmem>> -> memref<128x16xf32, #tpu.memory_space<vmem>>
    %dma_start3A_72 = arith.constant 0 : i32
    %dma_start3A_73 = tpu.memref_slice %arg6[%dma_start3A_65, %dma_start3A_72] : memref<79x128xi32, #tpu.memory_space<vmem>> -> memref<1x128xi32, #tpu.memory_space<vmem>>
    %dma_start3A_74 = tpu.memref_squeeze %dma_start3A_73 : memref<1x128xi32, #tpu.memory_space<vmem>> -> memref<128xi32, #tpu.memory_space<vmem>>
    %dma_start3A_75 = arith.constant 0 : i32
    %dma_start3A_76 = arith.constant 0 : i32
    %dma_start3A_77 = tpu.memref_slice %arg2[%dma_start3A_75, %dma_start3A_76] : memref<10240x16xf32, #tpu.memory_space<hbm>> -> memref<10240x16xf32, #tpu.memory_space<hbm>>
    %dma_start3A_78 = tpu.memref_slice %arg10[%dma_start3A_67] : memref<13x!tpu.dma_semaphore, #tpu.memory_space<semaphore_mem>> -> memref<1x!tpu.dma_semaphore, #tpu.memory_space<semaphore_mem>>
    %dma_start3A_79 = tpu.memref_squeeze %dma_start3A_78 : memref<1x!tpu.dma_semaphore, #tpu.memory_space<semaphore_mem>> -> memref<!tpu.dma_semaphore, #tpu.memory_space<semaphore_mem>>
    tpu.enqueue_indirect_dma source(%dma_start3A_77 : memref<10240x16xf32, #tpu.memory_space<hbm>>) target(%dma_start3A_71 : memref<128x16xf32, #tpu.memory_space<vmem>>) offsets(%dma_start3A_74 : memref<128xi32, #tpu.memory_space<vmem>>) semaphore(%dma_start3A_79 : memref<!tpu.dma_semaphore, #tpu.memory_space<semaphore_mem>>)
    %dma_start3A_80 = arith.constant 2 : i32
    %dma_start3A_81 = arith.constant 2 : i32
    %dma_start3A_82 = arith.constant 2 : i32
    %dma_start3A_83 = arith.constant 0 : i32
    %dma_start3A_84 = arith.constant 0 : i32
    %dma_start3A_85 = tpu.memref_slice %arg8[%dma_start3A_81, %dma_start3A_83, %dma_start3A_84] : memref<13x128x16xf32, #tpu.memory_space<vmem>> -> memref<1x128x16xf32, #tpu.memory_space<vmem>>
    %dma_start3A_86 = tpu.memref_squeeze %dma_start3A_85 : memref<1x128x16xf32, #tpu.memory_space<vmem>> -> memref<128x16xf32, #tpu.memory_space<vmem>>
    %dma_start3A_87 = arith.constant 0 : i32
    %dma_start3A_88 = tpu.memref_slice %arg6[%dma_start3A_80, %dma_start3A_87] : memref<79x128xi32, #tpu.memory_space<vmem>> -> memref<1x128xi32, #tpu.memory_space<vmem>>
    %dma_start3A_89 = tpu.memref_squeeze %dma_start3A_88 : memref<1x128xi32, #tpu.memory_space<vmem>> -> memref<128xi32, #tpu.memory_space<vmem>>
    %dma_start3A_90 = arith.constant 0 : i32
    %dma_start3A_91 = arith.constant 0 : i32
    %dma_start3A_92 = tpu.memref_slice %arg2[%dma_start3A_90, %dma_start3A_91] : memref<10240x16xf32, #tpu.memory_space<hbm>> -> memref<10240x16xf32, #tpu.memory_space<hbm>>
    %dma_start3A_93 = tpu.memref_slice %arg10[%dma_start3A_82] : memref<13x!tpu.dma_semaphore, #tpu.memory_space<semaphore_mem>> -> memref<1x!tpu.dma_semaphore, #tpu.memory_space<semaphore_mem>>
    %dma_start3A_94 = tpu.memref_squeeze %dma_start3A_93 : memref<1x!tpu.dma_semaphore, #tpu.memory_space<semaphore_mem>> -> memref<!tpu.dma_semaphore, #tpu.memory_space<semaphore_mem>>
    tpu.enqueue_indirect_dma source(%dma_start3A_92 : memref<10240x16xf32, #tpu.memory_space<hbm>>) target(%dma_start3A_86 : memref<128x16xf32, #tpu.memory_space<vmem>>) offsets(%dma_start3A_89 : memref<128xi32, #tpu.memory_space<vmem>>) semaphore(%dma_start3A_94 : memref<!tpu.dma_semaphore, #tpu.memory_space<semaphore_mem>>)
    %dma_start3A_95 = arith.constant 3 : i32
    %dma_start3A_96 = arith.constant 3 : i32
    %dma_start3A_97 = arith.constant 3 : i32
    %dma_start3A_98 = arith.constant 0 : i32
    %dma_start3A_99 = arith.constant 0 : i32
    %dma_start3A_100 = tpu.memref_slice %arg8[%dma_start3A_96, %dma_start3A_98, %dma_start3A_99] : memref<13x128x16xf32, #tpu.memory_space<vmem>> -> memref<1x128x16xf32, #tpu.memory_space<vmem>>
    %dma_start3A_101 = tpu.memref_squeeze %dma_start3A_100 : memref<1x128x16xf32, #tpu.memory_space<vmem>> -> memref<128x16xf32, #tpu.memory_space<vmem>>
    %dma_start3A_102 = arith.constant 0 : i32
    %dma_start3A_103 = tpu.memref_slice %arg6[%dma_start3A_95, %dma_start3A_102] : memref<79x128xi32, #tpu.memory_space<vmem>> -> memref<1x128xi32, #tpu.memory_space<vmem>>
    %dma_start3A_104 = tpu.memref_squeeze %dma_start3A_103 : memref<1x128xi32, #tpu.memory_space<vmem>> -> memref<128xi32, #tpu.memory_space<vmem>>
    %dma_start3A_105 = arith.constant 0 : i32
    %dma_start3A_106 = arith.constant 0 : i32
    %dma_start3A_107 = tpu.memref_slice %arg2[%dma_start3A_105, %dma_start3A_106] : memref<10240x16xf32, #tpu.memory_space<hbm>> -> memref<10240x16xf32, #tpu.memory_space<hbm>>
    %dma_start3A_108 = tpu.memref_slice %arg10[%dma_start3A_97] : memref<13x!tpu.dma_semaphore, #tpu.memory_space<semaphore_mem>> -> memref<1x!tpu.dma_semaphore, #tpu.memory_space<semaphore_mem>>
    %dma_start3A_109 = tpu.memref_squeeze %dma_start3A_108 : memref<1x!tpu.dma_semaphore, #tpu.memory_space<semaphore_mem>> -> memref<!tpu.dma_semaphore, #tpu.memory_space<semaphore_mem>>
    tpu.enqueue_indirect_dma source(%dma_start3A_107 : memref<10240x16xf32, #tpu.memory_space<hbm>>) target(%dma_start3A_101 : memref<128x16xf32, #tpu.memory_space<vmem>>) offsets(%dma_start3A_104 : memref<128xi32, #tpu.memory_space<vmem>>) semaphore(%dma_start3A_109 : memref<!tpu.dma_semaphore, #tpu.memory_space<semaphore_mem>>)
    %dma_start3A_110 = arith.constant 4 : i32
    %dma_start3A_111 = arith.constant 4 : i32
    %dma_start3A_112 = arith.constant 4 : i32
    %dma_start3A_113 = arith.constant 0 : i32
    %dma_start3A_114 = arith.constant 0 : i32
    %dma_start3A_115 = tpu.memref_slice %arg8[%dma_start3A_111, %dma_start3A_113, %dma_start3A_114] : memref<13x128x16xf32, #tpu.memory_space<vmem>> -> memref<1x128x16xf32, #tpu.memory_space<vmem>>
    %dma_start3A_116 = tpu.memref_squeeze %dma_start3A_115 : memref<1x128x16xf32, #tpu.memory_space<vmem>> -> memref<128x16xf32, #tpu.memory_space<vmem>>
    %dma_start3A_117 = arith.constant 0 : i32
    %dma_start3A_118 = tpu.memref_slice %arg6[%dma_start3A_110, %dma_start3A_117] : memref<79x128xi32, #tpu.memory_space<vmem>> -> memref<1x128xi32, #tpu.memory_space<vmem>>
    %dma_start3A_119 = tpu.memref_squeeze %dma_start3A_118 : memref<1x128xi32, #tpu.memory_space<vmem>> -> memref<128xi32, #tpu.memory_space<vmem>>
    %dma_start3A_120 = arith.constant 0 : i32
    %dma_start3A_121 = arith.constant 0 : i32
    %dma_start3A_122 = tpu.memref_slice %arg2[%dma_start3A_120, %dma_start3A_121] : memref<10240x16xf32, #tpu.memory_space<hbm>> -> memref<10240x16xf32, #tpu.memory_space<hbm>>
    %dma_start3A_123 = tpu.memref_slice %arg10[%dma_start3A_112] : memref<13x!tpu.dma_semaphore, #tpu.memory_space<semaphore_mem>> -> memref<1x!tpu.dma_semaphore, #tpu.memory_space<semaphore_mem>>
    %dma_start3A_124 = tpu.memref_squeeze %dma_start3A_123 : memref<1x!tpu.dma_semaphore, #tpu.memory_space<semaphore_mem>> -> memref<!tpu.dma_semaphore, #tpu.memory_space<semaphore_mem>>
    tpu.enqueue_indirect_dma source(%dma_start3A_122 : memref<10240x16xf32, #tpu.memory_space<hbm>>) target(%dma_start3A_116 : memref<128x16xf32, #tpu.memory_space<vmem>>) offsets(%dma_start3A_119 : memref<128xi32, #tpu.memory_space<vmem>>) semaphore(%dma_start3A_124 : memref<!tpu.dma_semaphore, #tpu.memory_space<semaphore_mem>>)
    %dma_start3A_125 = arith.constant 5 : i32
    %dma_start3A_126 = arith.constant 5 : i32
    %dma_start3A_127 = arith.constant 5 : i32
    %dma_start3A_128 = arith.constant 0 : i32
    %dma_start3A_129 = arith.constant 0 : i32
    %dma_start3A_130 = tpu.memref_slice %arg8[%dma_start3A_126, %dma_start3A_128, %dma_start3A_129] : memref<13x128x16xf32, #tpu.memory_space<vmem>> -> memref<1x128x16xf32, #tpu.memory_space<vmem>>
    %dma_start3A_131 = tpu.memref_squeeze %dma_start3A_130 : memref<1x128x16xf32, #tpu.memory_space<vmem>> -> memref<128x16xf32, #tpu.memory_space<vmem>>
    %dma_start3A_132 = arith.constant 0 : i32
    %dma_start3A_133 = tpu.memref_slice %arg6[%dma_start3A_125, %dma_start3A_132] : memref<79x128xi32, #tpu.memory_space<vmem>> -> memref<1x128xi32, #tpu.memory_space<vmem>>
    %dma_start3A_134 = tpu.memref_squeeze %dma_start3A_133 : memref<1x128xi32, #tpu.memory_space<vmem>> -> memref<128xi32, #tpu.memory_space<vmem>>
    %dma_start3A_135 = arith.constant 0 : i32
    %dma_start3A_136 = arith.constant 0 : i32
    %dma_start3A_137 = tpu.memref_slice %arg2[%dma_start3A_135, %dma_start3A_136] : memref<10240x16xf32, #tpu.memory_space<hbm>> -> memref<10240x16xf32, #tpu.memory_space<hbm>>
    %dma_start3A_138 = tpu.memref_slice %arg10[%dma_start3A_127] : memref<13x!tpu.dma_semaphore, #tpu.memory_space<semaphore_mem>> -> memref<1x!tpu.dma_semaphore, #tpu.memory_space<semaphore_mem>>
    %dma_start3A_139 = tpu.memref_squeeze %dma_start3A_138 : memref<1x!tpu.dma_semaphore, #tpu.memory_space<semaphore_mem>> -> memref<!tpu.dma_semaphore, #tpu.memory_space<semaphore_mem>>
    tpu.enqueue_indirect_dma source(%dma_start3A_137 : memref<10240x16xf32, #tpu.memory_space<hbm>>) target(%dma_start3A_131 : memref<128x16xf32, #tpu.memory_space<vmem>>) offsets(%dma_start3A_134 : memref<128xi32, #tpu.memory_space<vmem>>) semaphore(%dma_start3A_139 : memref<!tpu.dma_semaphore, #tpu.memory_space<semaphore_mem>>)
    %dma_start3A_140 = arith.constant 6 : i32
    %dma_start3A_141 = arith.constant 6 : i32
    %dma_start3A_142 = arith.constant 6 : i32
    %dma_start3A_143 = arith.constant 0 : i32
    %dma_start3A_144 = arith.constant 0 : i32
    %dma_start3A_145 = tpu.memref_slice %arg8[%dma_start3A_141, %dma_start3A_143, %dma_start3A_144] : memref<13x128x16xf32, #tpu.memory_space<vmem>> -> memref<1x128x16xf32, #tpu.memory_space<vmem>>
    %dma_start3A_146 = tpu.memref_squeeze %dma_start3A_145 : memref<1x128x16xf32, #tpu.memory_space<vmem>> -> memref<128x16xf32, #tpu.memory_space<vmem>>
    %dma_start3A_147 = arith.constant 0 : i32
    %dma_start3A_148 = tpu.memref_slice %arg6[%dma_start3A_140, %dma_start3A_147] : memref<79x128xi32, #tpu.memory_space<vmem>> -> memref<1x128xi32, #tpu.memory_space<vmem>>
    %dma_start3A_149 = tpu.memref_squeeze %dma_start3A_148 : memref<1x128xi32, #tpu.memory_space<vmem>> -> memref<128xi32, #tpu.memory_space<vmem>>
    %dma_start3A_150 = arith.constant 0 : i32
    %dma_start3A_151 = arith.constant 0 : i32
    %dma_start3A_152 = tpu.memref_slice %arg2[%dma_start3A_150, %dma_start3A_151] : memref<10240x16xf32, #tpu.memory_space<hbm>> -> memref<10240x16xf32, #tpu.memory_space<hbm>>
    %dma_start3A_153 = tpu.memref_slice %arg10[%dma_start3A_142] : memref<13x!tpu.dma_semaphore, #tpu.memory_space<semaphore_mem>> -> memref<1x!tpu.dma_semaphore, #tpu.memory_space<semaphore_mem>>
    %dma_start3A_154 = tpu.memref_squeeze %dma_start3A_153 : memref<1x!tpu.dma_semaphore, #tpu.memory_space<semaphore_mem>> -> memref<!tpu.dma_semaphore, #tpu.memory_space<semaphore_mem>>
    tpu.enqueue_indirect_dma source(%dma_start3A_152 : memref<10240x16xf32, #tpu.memory_space<hbm>>) target(%dma_start3A_146 : memref<128x16xf32, #tpu.memory_space<vmem>>) offsets(%dma_start3A_149 : memref<128xi32, #tpu.memory_space<vmem>>) semaphore(%dma_start3A_154 : memref<!tpu.dma_semaphore, #tpu.memory_space<semaphore_mem>>)
    %dma_start3A_155 = arith.constant 7 : i32
    %dma_start3A_156 = arith.constant 7 : i32
    %dma_start3A_157 = arith.constant 7 : i32
    %dma_start3A_158 = arith.constant 0 : i32
    %dma_start3A_159 = arith.constant 0 : i32
    %dma_start3A_160 = tpu.memref_slice %arg8[%dma_start3A_156, %dma_start3A_158, %dma_start3A_159] : memref<13x128x16xf32, #tpu.memory_space<vmem>> -> memref<1x128x16xf32, #tpu.memory_space<vmem>>
    %dma_start3A_161 = tpu.memref_squeeze %dma_start3A_160 : memref<1x128x16xf32, #tpu.memory_space<vmem>> -> memref<128x16xf32, #tpu.memory_space<vmem>>
    %dma_start3A_162 = arith.constant 0 : i32
    %dma_start3A_163 = tpu.memref_slice %arg6[%dma_start3A_155, %dma_start3A_162] : memref<79x128xi32, #tpu.memory_space<vmem>> -> memref<1x128xi32, #tpu.memory_space<vmem>>
    %dma_start3A_164 = tpu.memref_squeeze %dma_start3A_163 : memref<1x128xi32, #tpu.memory_space<vmem>> -> memref<128xi32, #tpu.memory_space<vmem>>
    %dma_start3A_165 = arith.constant 0 : i32
    %dma_start3A_166 = arith.constant 0 : i32
    %dma_start3A_167 = tpu.memref_slice %arg2[%dma_start3A_165, %dma_start3A_166] : memref<10240x16xf32, #tpu.memory_space<hbm>> -> memref<10240x16xf32, #tpu.memory_space<hbm>>
    %dma_start3A_168 = tpu.memref_slice %arg10[%dma_start3A_157] : memref<13x!tpu.dma_semaphore, #tpu.memory_space<semaphore_mem>> -> memref<1x!tpu.dma_semaphore, #tpu.memory_space<semaphore_mem>>
    %dma_start3A_169 = tpu.memref_squeeze %dma_start3A_168 : memref<1x!tpu.dma_semaphore, #tpu.memory_space<semaphore_mem>> -> memref<!tpu.dma_semaphore, #tpu.memory_space<semaphore_mem>>
    tpu.enqueue_indirect_dma source(%dma_start3A_167 : memref<10240x16xf32, #tpu.memory_space<hbm>>) target(%dma_start3A_161 : memref<128x16xf32, #tpu.memory_space<vmem>>) offsets(%dma_start3A_164 : memref<128xi32, #tpu.memory_space<vmem>>) semaphore(%dma_start3A_169 : memref<!tpu.dma_semaphore, #tpu.memory_space<semaphore_mem>>)
    %dma_start3A_170 = arith.constant 8 : i32
    %dma_start3A_171 = arith.constant 8 : i32
    %dma_start3A_172 = arith.constant 8 : i32
    %dma_start3A_173 = arith.constant 0 : i32
    %dma_start3A_174 = arith.constant 0 : i32
    %dma_start3A_175 = tpu.memref_slice %arg8[%dma_start3A_171, %dma_start3A_173, %dma_start3A_174] : memref<13x128x16xf32, #tpu.memory_space<vmem>> -> memref<1x128x16xf32, #tpu.memory_space<vmem>>
    %dma_start3A_176 = tpu.memref_squeeze %dma_start3A_175 : memref<1x128x16xf32, #tpu.memory_space<vmem>> -> memref<128x16xf32, #tpu.memory_space<vmem>>
    %dma_start3A_177 = arith.constant 0 : i32
    %dma_start3A_178 = tpu.memref_slice %arg6[%dma_start3A_170, %dma_start3A_177] : memref<79x128xi32, #tpu.memory_space<vmem>> -> memref<1x128xi32, #tpu.memory_space<vmem>>
    %dma_start3A_179 = tpu.memref_squeeze %dma_start3A_178 : memref<1x128xi32, #tpu.memory_space<vmem>> -> memref<128xi32, #tpu.memory_space<vmem>>
    %dma_start3A_180 = arith.constant 0 : i32
    %dma_start3A_181 = arith.constant 0 : i32
    %dma_start3A_182 = tpu.memref_slice %arg2[%dma_start3A_180, %dma_start3A_181] : memref<10240x16xf32, #tpu.memory_space<hbm>> -> memref<10240x16xf32, #tpu.memory_space<hbm>>
    %dma_start3A_183 = tpu.memref_slice %arg10[%dma_start3A_172] : memref<13x!tpu.dma_semaphore, #tpu.memory_space<semaphore_mem>> -> memref<1x!tpu.dma_semaphore, #tpu.memory_space<semaphore_mem>>
    %dma_start3A_184 = tpu.memref_squeeze %dma_start3A_183 : memref<1x!tpu.dma_semaphore, #tpu.memory_space<semaphore_mem>> -> memref<!tpu.dma_semaphore, #tpu.memory_space<semaphore_mem>>
    tpu.enqueue_indirect_dma source(%dma_start3A_182 : memref<10240x16xf32, #tpu.memory_space<hbm>>) target(%dma_start3A_176 : memref<128x16xf32, #tpu.memory_space<vmem>>) offsets(%dma_start3A_179 : memref<128xi32, #tpu.memory_space<vmem>>) semaphore(%dma_start3A_184 : memref<!tpu.dma_semaphore, #tpu.memory_space<semaphore_mem>>)
    %dma_start3A_185 = arith.constant 9 : i32
    %dma_start3A_186 = arith.constant 9 : i32
    %dma_start3A_187 = arith.constant 9 : i32
    %dma_start3A_188 = arith.constant 0 : i32
    %dma_start3A_189 = arith.constant 0 : i32
    %dma_start3A_190 = tpu.memref_slice %arg8[%dma_start3A_186, %dma_start3A_188, %dma_start3A_189] : memref<13x128x16xf32, #tpu.memory_space<vmem>> -> memref<1x128x16xf32, #tpu.memory_space<vmem>>
    %dma_start3A_191 = tpu.memref_squeeze %dma_start3A_190 : memref<1x128x16xf32, #tpu.memory_space<vmem>> -> memref<128x16xf32, #tpu.memory_space<vmem>>
    %dma_start3A_192 = arith.constant 0 : i32
    %dma_start3A_193 = tpu.memref_slice %arg6[%dma_start3A_185, %dma_start3A_192] : memref<79x128xi32, #tpu.memory_space<vmem>> -> memref<1x128xi32, #tpu.memory_space<vmem>>
    %dma_start3A_194 = tpu.memref_squeeze %dma_start3A_193 : memref<1x128xi32, #tpu.memory_space<vmem>> -> memref<128xi32, #tpu.memory_space<vmem>>
    %dma_start3A_195 = arith.constant 0 : i32
    %dma_start3A_196 = arith.constant 0 : i32
    %dma_start3A_197 = tpu.memref_slice %arg2[%dma_start3A_195, %dma_start3A_196] : memref<10240x16xf32, #tpu.memory_space<hbm>> -> memref<10240x16xf32, #tpu.memory_space<hbm>>
    %dma_start3A_198 = tpu.memref_slice %arg10[%dma_start3A_187] : memref<13x!tpu.dma_semaphore, #tpu.memory_space<semaphore_mem>> -> memref<1x!tpu.dma_semaphore, #tpu.memory_space<semaphore_mem>>
    %dma_start3A_199 = tpu.memref_squeeze %dma_start3A_198 : memref<1x!tpu.dma_semaphore, #tpu.memory_space<semaphore_mem>> -> memref<!tpu.dma_semaphore, #tpu.memory_space<semaphore_mem>>
    tpu.enqueue_indirect_dma source(%dma_start3A_197 : memref<10240x16xf32, #tpu.memory_space<hbm>>) target(%dma_start3A_191 : memref<128x16xf32, #tpu.memory_space<vmem>>) offsets(%dma_start3A_194 : memref<128xi32, #tpu.memory_space<vmem>>) semaphore(%dma_start3A_199 : memref<!tpu.dma_semaphore, #tpu.memory_space<semaphore_mem>>)
    %dma_start3A_200 = arith.constant 10 : i32
    %dma_start3A_201 = arith.constant 10 : i32
    %dma_start3A_202 = arith.constant 10 : i32
    %dma_start3A_203 = arith.constant 0 : i32
    %dma_start3A_204 = arith.constant 0 : i32
    %dma_start3A_205 = tpu.memref_slice %arg8[%dma_start3A_201, %dma_start3A_203, %dma_start3A_204] : memref<13x128x16xf32, #tpu.memory_space<vmem>> -> memref<1x128x16xf32, #tpu.memory_space<vmem>>
    %dma_start3A_206 = tpu.memref_squeeze %dma_start3A_205 : memref<1x128x16xf32, #tpu.memory_space<vmem>> -> memref<128x16xf32, #tpu.memory_space<vmem>>
    %dma_start3A_207 = arith.constant 0 : i32
    %dma_start3A_208 = tpu.memref_slice %arg6[%dma_start3A_200, %dma_start3A_207] : memref<79x128xi32, #tpu.memory_space<vmem>> -> memref<1x128xi32, #tpu.memory_space<vmem>>
    %dma_start3A_209 = tpu.memref_squeeze %dma_start3A_208 : memref<1x128xi32, #tpu.memory_space<vmem>> -> memref<128xi32, #tpu.memory_space<vmem>>
    %dma_start3A_210 = arith.constant 0 : i32
    %dma_start3A_211 = arith.constant 0 : i32
    %dma_start3A_212 = tpu.memref_slice %arg2[%dma_start3A_210, %dma_start3A_211] : memref<10240x16xf32, #tpu.memory_space<hbm>> -> memref<10240x16xf32, #tpu.memory_space<hbm>>
    %dma_start3A_213 = tpu.memref_slice %arg10[%dma_start3A_202] : memref<13x!tpu.dma_semaphore, #tpu.memory_space<semaphore_mem>> -> memref<1x!tpu.dma_semaphore, #tpu.memory_space<semaphore_mem>>
    %dma_start3A_214 = tpu.memref_squeeze %dma_start3A_213 : memref<1x!tpu.dma_semaphore, #tpu.memory_space<semaphore_mem>> -> memref<!tpu.dma_semaphore, #tpu.memory_space<semaphore_mem>>
    tpu.enqueue_indirect_dma source(%dma_start3A_212 : memref<10240x16xf32, #tpu.memory_space<hbm>>) target(%dma_start3A_206 : memref<128x16xf32, #tpu.memory_space<vmem>>) offsets(%dma_start3A_209 : memref<128xi32, #tpu.memory_space<vmem>>) semaphore(%dma_start3A_214 : memref<!tpu.dma_semaphore, #tpu.memory_space<semaphore_mem>>)
    %dma_start3A_215 = arith.constant 11 : i32
    %dma_start3A_216 = arith.constant 11 : i32
    %dma_start3A_217 = arith.constant 11 : i32
    %dma_start3A_218 = arith.constant 0 : i32
    %dma_start3A_219 = arith.constant 0 : i32
    %dma_start3A_220 = tpu.memref_slice %arg8[%dma_start3A_216, %dma_start3A_218, %dma_start3A_219] : memref<13x128x16xf32, #tpu.memory_space<vmem>> -> memref<1x128x16xf32, #tpu.memory_space<vmem>>
    %dma_start3A_221 = tpu.memref_squeeze %dma_start3A_220 : memref<1x128x16xf32, #tpu.memory_space<vmem>> -> memref<128x16xf32, #tpu.memory_space<vmem>>
    %dma_start3A_222 = arith.constant 0 : i32
    %dma_start3A_223 = tpu.memref_slice %arg6[%dma_start3A_215, %dma_start3A_222] : memref<79x128xi32, #tpu.memory_space<vmem>> -> memref<1x128xi32, #tpu.memory_space<vmem>>
    %dma_start3A_224 = tpu.memref_squeeze %dma_start3A_223 : memref<1x128xi32, #tpu.memory_space<vmem>> -> memref<128xi32, #tpu.memory_space<vmem>>
    %dma_start3A_225 = arith.constant 0 : i32
    %dma_start3A_226 = arith.constant 0 : i32
    %dma_start3A_227 = tpu.memref_slice %arg2[%dma_start3A_225, %dma_start3A_226] : memref<10240x16xf32, #tpu.memory_space<hbm>> -> memref<10240x16xf32, #tpu.memory_space<hbm>>
    %dma_start3A_228 = tpu.memref_slice %arg10[%dma_start3A_217] : memref<13x!tpu.dma_semaphore, #tpu.memory_space<semaphore_mem>> -> memref<1x!tpu.dma_semaphore, #tpu.memory_space<semaphore_mem>>
    %dma_start3A_229 = tpu.memref_squeeze %dma_start3A_228 : memref<1x!tpu.dma_semaphore, #tpu.memory_space<semaphore_mem>> -> memref<!tpu.dma_semaphore, #tpu.memory_space<semaphore_mem>>
    tpu.enqueue_indirect_dma source(%dma_start3A_227 : memref<10240x16xf32, #tpu.memory_space<hbm>>) target(%dma_start3A_221 : memref<128x16xf32, #tpu.memory_space<vmem>>) offsets(%dma_start3A_224 : memref<128xi32, #tpu.memory_space<vmem>>) semaphore(%dma_start3A_229 : memref<!tpu.dma_semaphore, #tpu.memory_space<semaphore_mem>>)
    %dma_start3A_230 = arith.constant 12 : i32
    %dma_start3A_231 = arith.constant 12 : i32
    %dma_start3A_232 = arith.constant 12 : i32
    %dma_start3A_233 = arith.constant 0 : i32
    %dma_start3A_234 = arith.constant 0 : i32
    %dma_start3A_235 = tpu.memref_slice %arg8[%dma_start3A_231, %dma_start3A_233, %dma_start3A_234] : memref<13x128x16xf32, #tpu.memory_space<vmem>> -> memref<1x128x16xf32, #tpu.memory_space<vmem>>
    %dma_start3A_236 = tpu.memref_squeeze %dma_start3A_235 : memref<1x128x16xf32, #tpu.memory_space<vmem>> -> memref<128x16xf32, #tpu.memory_space<vmem>>
    %dma_start3A_237 = arith.constant 0 : i32
    %dma_start3A_238 = tpu.memref_slice %arg6[%dma_start3A_230, %dma_start3A_237] : memref<79x128xi32, #tpu.memory_space<vmem>> -> memref<1x128xi32, #tpu.memory_space<vmem>>
    %dma_start3A_239 = tpu.memref_squeeze %dma_start3A_238 : memref<1x128xi32, #tpu.memory_space<vmem>> -> memref<128xi32, #tpu.memory_space<vmem>>
    %dma_start3A_240 = arith.constant 0 : i32
    %dma_start3A_241 = arith.constant 0 : i32
    %dma_start3A_242 = tpu.memref_slice %arg2[%dma_start3A_240, %dma_start3A_241] : memref<10240x16xf32, #tpu.memory_space<hbm>> -> memref<10240x16xf32, #tpu.memory_space<hbm>>
    %dma_start3A_243 = tpu.memref_slice %arg10[%dma_start3A_232] : memref<13x!tpu.dma_semaphore, #tpu.memory_space<semaphore_mem>> -> memref<1x!tpu.dma_semaphore, #tpu.memory_space<semaphore_mem>>
    %dma_start3A_244 = tpu.memref_squeeze %dma_start3A_243 : memref<1x!tpu.dma_semaphore, #tpu.memory_space<semaphore_mem>> -> memref<!tpu.dma_semaphore, #tpu.memory_space<semaphore_mem>>
    tpu.enqueue_indirect_dma source(%dma_start3A_242 : memref<10240x16xf32, #tpu.memory_space<hbm>>) target(%dma_start3A_236 : memref<128x16xf32, #tpu.memory_space<vmem>>) offsets(%dma_start3A_239 : memref<128xi32, #tpu.memory_space<vmem>>) semaphore(%dma_start3A_244 : memref<!tpu.dma_semaphore, #tpu.memory_space<semaphore_mem>>)
    %scan3A_245 = arith.constant 0 : i32
    %scan3A_246 = arith.constant 0 : i32
    %scan3A_247 = arith.constant 6 : i32
    %scan3A_248 = arith.addi %scan3A_246, %scan3A_247 : i32
    %scan3A_249 = arith.constant 1 : i32
    scf.for %scan3A_271 = %scan3A_246 to %scan3A_248 step %scan3A_249  : i32 {
      %mul3A_272 = arith.constant 13 : i32
      %mul3A_273 = arith.muli %scan3A_271, %mul3A_272 : i32
      %add3A_274 = arith.constant 0 : i32
      %add3A_275 = arith.addi %mul3A_273, %add3A_274 : i32
      %dma_wait3A_276 = arith.constant 0 : i32
      %dma_wait3A_277 = arith.constant 0 : i32
      %dma_wait3A_278 = arith.constant 0 : i32
      %dma_wait3A_279 = arith.constant 0 : i32
      %dma_wait3A_280 = tpu.memref_slice %arg8[%dma_wait3A_276, %dma_wait3A_278, %dma_wait3A_279] : memref<13x128x16xf32, #tpu.memory_space<vmem>> -> memref<1x128x16xf32, #tpu.memory_space<vmem>>
      %dma_wait3A_281 = tpu.memref_squeeze %dma_wait3A_280 : memref<1x128x16xf32, #tpu.memory_space<vmem>> -> memref<128x16xf32, #tpu.memory_space<vmem>>
      %dma_wait3A_282 = arith.constant 0 : i32
      %dma_wait3A_283 = tpu.memref_slice %arg6[%add3A_275, %dma_wait3A_282] : memref<79x128xi32, #tpu.memory_space<vmem>> -> memref<1x128xi32, #tpu.memory_space<vmem>>
      %dma_wait3A_284 = tpu.memref_squeeze %dma_wait3A_283 : memref<1x128xi32, #tpu.memory_space<vmem>> -> memref<128xi32, #tpu.memory_space<vmem>>
      %dma_wait3A_285 = arith.constant 0 : i32
      %dma_wait3A_286 = arith.constant 0 : i32
      %dma_wait3A_287 = tpu.memref_slice %arg2[%dma_wait3A_285, %dma_wait3A_286] : memref<10240x16xf32, #tpu.memory_space<hbm>> -> memref<10240x16xf32, #tpu.memory_space<hbm>>
      %dma_wait3A_288 = tpu.memref_slice %arg10[%dma_wait3A_277] : memref<13x!tpu.dma_semaphore, #tpu.memory_space<semaphore_mem>> -> memref<1x!tpu.dma_semaphore, #tpu.memory_space<semaphore_mem>>
      %dma_wait3A_289 = tpu.memref_squeeze %dma_wait3A_288 : memref<1x!tpu.dma_semaphore, #tpu.memory_space<semaphore_mem>> -> memref<!tpu.dma_semaphore, #tpu.memory_space<semaphore_mem>>
      tpu.wait_indirect_dma semaphore(%dma_wait3A_289 : memref<!tpu.dma_semaphore, #tpu.memory_space<semaphore_mem>>) src(%dma_wait3A_287 : memref<10240x16xf32, #tpu.memory_space<hbm>>) dst(%dma_wait3A_281 : memref<128x16xf32, #tpu.memory_space<vmem>>)
      %dma_start3A_290 = arith.constant 0 : i32
      %dma_start3A_291 = arith.constant 0 : i32
      %dma_start3A_292 = arith.constant 0 : i32
      %dma_start3A_293 = arith.constant 0 : i32
      %dma_start3A_294 = tpu.memref_slice %arg8[%dma_start3A_290, %dma_start3A_292, %dma_start3A_293] : memref<13x128x16xf32, #tpu.memory_space<vmem>> -> memref<1x128x16xf32, #tpu.memory_space<vmem>>
      %dma_start3A_295 = tpu.memref_squeeze %dma_start3A_294 : memref<1x128x16xf32, #tpu.memory_space<vmem>> -> memref<128x16xf32, #tpu.memory_space<vmem>>
      %dma_start3A_296 = arith.constant 0 : i32
      %dma_start3A_297 = tpu.memref_slice %arg7[%add3A_275, %dma_start3A_296] : memref<79x128xi32, #tpu.memory_space<vmem>> -> memref<1x128xi32, #tpu.memory_space<vmem>>
      %dma_start3A_298 = tpu.memref_squeeze %dma_start3A_297 : memref<1x128xi32, #tpu.memory_space<vmem>> -> memref<128xi32, #tpu.memory_space<vmem>>
      %dma_start3A_299 = arith.constant 0 : i32
      %dma_start3A_300 = arith.constant 0 : i32
      %dma_start3A_301 = tpu.memref_slice %arg12[%dma_start3A_299, %dma_start3A_300] : memref<10240x16xf32, #tpu.memory_space<vmem_shared>> -> memref<10240x16xf32, #tpu.memory_space<vmem_shared>>
      %dma_start3A_302 = tpu.memref_slice %arg11[%dma_start3A_291] : memref<13x!tpu.dma_semaphore, #tpu.memory_space<semaphore_mem>> -> memref<1x!tpu.dma_semaphore, #tpu.memory_space<semaphore_mem>>
      %dma_start3A_303 = tpu.memref_squeeze %dma_start3A_302 : memref<1x!tpu.dma_semaphore, #tpu.memory_space<semaphore_mem>> -> memref<!tpu.dma_semaphore, #tpu.memory_space<semaphore_mem>>
      tpu.enqueue_indirect_dma source(%dma_start3A_295 : memref<128x16xf32, #tpu.memory_space<vmem>>) target(%dma_start3A_301 : memref<10240x16xf32, #tpu.memory_space<vmem_shared>>) offsets(%dma_start3A_298 : memref<128xi32, #tpu.memory_space<vmem>>) semaphore(%dma_start3A_303 : memref<!tpu.dma_semaphore, #tpu.memory_space<semaphore_mem>>) {add = true}
      %sub3A = arith.constant 1 : i32
      %sub3A_304 = arith.subi %add3A_275, %sub3A : i32
      %ge3A = arith.constant 0 : i32
      %ge3A_305 = arith.cmpi sge, %sub3A_304, %ge3A : i32
      %convert_element_type3A_306 = arith.extui %ge3A_305 : i1 to i32
      %cond3A_307 = arith.constant 0 : i32
      %cond3A_308 = arith.cmpi ne, %convert_element_type3A_306, %cond3A_307 : i32
      scf.if %cond3A_308 {
        %dma_wait3A_777 = arith.constant 12 : i32
        %dma_wait3A_778 = arith.constant 12 : i32
        %dma_wait3A_779 = arith.constant 0 : i32
        %dma_wait3A_780 = arith.constant 0 : i32
        %dma_wait3A_781 = tpu.memref_slice %arg8[%dma_wait3A_777, %dma_wait3A_779, %dma_wait3A_780] : memref<13x128x16xf32, #tpu.memory_space<vmem>> -> memref<1x128x16xf32, #tpu.memory_space<vmem>>
        %dma_wait3A_782 = tpu.memref_squeeze %dma_wait3A_781 : memref<1x128x16xf32, #tpu.memory_space<vmem>> -> memref<128x16xf32, #tpu.memory_space<vmem>>
        %dma_wait3A_783 = arith.constant 0 : i32
        %dma_wait3A_784 = tpu.memref_slice %arg7[%sub3A_304, %dma_wait3A_783] : memref<79x128xi32, #tpu.memory_space<vmem>> -> memref<1x128xi32, #tpu.memory_space<vmem>>
        %dma_wait3A_785 = tpu.memref_squeeze %dma_wait3A_784 : memref<1x128xi32, #tpu.memory_space<vmem>> -> memref<128xi32, #tpu.memory_space<vmem>>
        %dma_wait3A_786 = arith.constant 0 : i32
        %dma_wait3A_787 = arith.constant 0 : i32
        %dma_wait3A_788 = tpu.memref_slice %arg12[%dma_wait3A_786, %dma_wait3A_787] : memref<10240x16xf32, #tpu.memory_space<vmem_shared>> -> memref<10240x16xf32, #tpu.memory_space<vmem_shared>>
        %dma_wait3A_789 = tpu.memref_slice %arg11[%dma_wait3A_778] : memref<13x!tpu.dma_semaphore, #tpu.memory_space<semaphore_mem>> -> memref<1x!tpu.dma_semaphore, #tpu.memory_space<semaphore_mem>>
        %dma_wait3A_790 = tpu.memref_squeeze %dma_wait3A_789 : memref<1x!tpu.dma_semaphore, #tpu.memory_space<semaphore_mem>> -> memref<!tpu.dma_semaphore, #tpu.memory_space<semaphore_mem>>
        tpu.wait_indirect_dma semaphore(%dma_wait3A_790 : memref<!tpu.dma_semaphore, #tpu.memory_space<semaphore_mem>>) src(%dma_wait3A_782 : memref<128x16xf32, #tpu.memory_space<vmem>>) dst(%dma_wait3A_788 : memref<10240x16xf32, #tpu.memory_space<vmem_shared>>)
        %add3A_791 = arith.constant 13 : i32
        %add3A_792 = arith.addi %sub3A_304, %add3A_791 : i32
        %lt3A_793 = arith.constant 78 : i32
        %lt3A_794 = arith.cmpi slt, %add3A_792, %lt3A_793 : i32
        %convert_element_type3A_795 = arith.extui %lt3A_794 : i1 to i32
        %cond3A_796 = arith.constant 0 : i32
        %cond3A_797 = arith.cmpi ne, %convert_element_type3A_795, %cond3A_796 : i32
        scf.if %cond3A_797 {
          %dma_start3A_798 = arith.constant 12 : i32
          %dma_start3A_799 = arith.constant 12 : i32
          %dma_start3A_800 = arith.constant 0 : i32
          %dma_start3A_801 = arith.constant 0 : i32
          %dma_start3A_802 = tpu.memref_slice %arg8[%dma_start3A_798, %dma_start3A_800, %dma_start3A_801] : memref<13x128x16xf32, #tpu.memory_space<vmem>> -> memref<1x128x16xf32, #tpu.memory_space<vmem>>
          %dma_start3A_803 = tpu.memref_squeeze %dma_start3A_802 : memref<1x128x16xf32, #tpu.memory_space<vmem>> -> memref<128x16xf32, #tpu.memory_space<vmem>>
          %dma_start3A_804 = arith.constant 0 : i32
          %dma_start3A_805 = tpu.memref_slice %arg6[%add3A_792, %dma_start3A_804] : memref<79x128xi32, #tpu.memory_space<vmem>> -> memref<1x128xi32, #tpu.memory_space<vmem>>
          %dma_start3A_806 = tpu.memref_squeeze %dma_start3A_805 : memref<1x128xi32, #tpu.memory_space<vmem>> -> memref<128xi32, #tpu.memory_space<vmem>>
          %dma_start3A_807 = arith.constant 0 : i32
          %dma_start3A_808 = arith.constant 0 : i32
          %dma_start3A_809 = tpu.memref_slice %arg2[%dma_start3A_807, %dma_start3A_808] : memref<10240x16xf32, #tpu.memory_space<hbm>> -> memref<10240x16xf32, #tpu.memory_space<hbm>>
          %dma_start3A_810 = tpu.memref_slice %arg10[%dma_start3A_799] : memref<13x!tpu.dma_semaphore, #tpu.memory_space<semaphore_mem>> -> memref<1x!tpu.dma_semaphore, #tpu.memory_space<semaphore_mem>>
          %dma_start3A_811 = tpu.memref_squeeze %dma_start3A_810 : memref<1x!tpu.dma_semaphore, #tpu.memory_space<semaphore_mem>> -> memref<!tpu.dma_semaphore, #tpu.memory_space<semaphore_mem>>
          tpu.enqueue_indirect_dma source(%dma_start3A_809 : memref<10240x16xf32, #tpu.memory_space<hbm>>) target(%dma_start3A_803 : memref<128x16xf32, #tpu.memory_space<vmem>>) offsets(%dma_start3A_806 : memref<128xi32, #tpu.memory_space<vmem>>) semaphore(%dma_start3A_811 : memref<!tpu.dma_semaphore, #tpu.memory_space<semaphore_mem>>)
        } else {
        }
      } else {
      }
      %mul3A_309 = arith.constant 13 : i32
      %mul3A_310 = arith.muli %scan3A_271, %mul3A_309 : i32
      %add3A_311 = arith.constant 1 : i32
      %add3A_312 = arith.addi %mul3A_310, %add3A_311 : i32
      %dma_wait3A_313 = arith.constant 1 : i32
      %dma_wait3A_314 = arith.constant 1 : i32
      %dma_wait3A_315 = arith.constant 0 : i32
      %dma_wait3A_316 = arith.constant 0 : i32
      %dma_wait3A_317 = tpu.memref_slice %arg8[%dma_wait3A_313, %dma_wait3A_315, %dma_wait3A_316] : memref<13x128x16xf32, #tpu.memory_space<vmem>> -> memref<1x128x16xf32, #tpu.memory_space<vmem>>
      %dma_wait3A_318 = tpu.memref_squeeze %dma_wait3A_317 : memref<1x128x16xf32, #tpu.memory_space<vmem>> -> memref<128x16xf32, #tpu.memory_space<vmem>>
      %dma_wait3A_319 = arith.constant 0 : i32
      %dma_wait3A_320 = tpu.memref_slice %arg6[%add3A_312, %dma_wait3A_319] : memref<79x128xi32, #tpu.memory_space<vmem>> -> memref<1x128xi32, #tpu.memory_space<vmem>>
      %dma_wait3A_321 = tpu.memref_squeeze %dma_wait3A_320 : memref<1x128xi32, #tpu.memory_space<vmem>> -> memref<128xi32, #tpu.memory_space<vmem>>
      %dma_wait3A_322 = arith.constant 0 : i32
      %dma_wait3A_323 = arith.constant 0 : i32
      %dma_wait3A_324 = tpu.memref_slice %arg2[%dma_wait3A_322, %dma_wait3A_323] : memref<10240x16xf32, #tpu.memory_space<hbm>> -> memref<10240x16xf32, #tpu.memory_space<hbm>>
      %dma_wait3A_325 = tpu.memref_slice %arg10[%dma_wait3A_314] : memref<13x!tpu.dma_semaphore, #tpu.memory_space<semaphore_mem>> -> memref<1x!tpu.dma_semaphore, #tpu.memory_space<semaphore_mem>>
      %dma_wait3A_326 = tpu.memref_squeeze %dma_wait3A_325 : memref<1x!tpu.dma_semaphore, #tpu.memory_space<semaphore_mem>> -> memref<!tpu.dma_semaphore, #tpu.memory_space<semaphore_mem>>
      tpu.wait_indirect_dma semaphore(%dma_wait3A_326 : memref<!tpu.dma_semaphore, #tpu.memory_space<semaphore_mem>>) src(%dma_wait3A_324 : memref<10240x16xf32, #tpu.memory_space<hbm>>) dst(%dma_wait3A_318 : memref<128x16xf32, #tpu.memory_space<vmem>>)
      %dma_start3A_327 = arith.constant 1 : i32
      %dma_start3A_328 = arith.constant 1 : i32
      %dma_start3A_329 = arith.constant 0 : i32
      %dma_start3A_330 = arith.constant 0 : i32
      %dma_start3A_331 = tpu.memref_slice %arg8[%dma_start3A_327, %dma_start3A_329, %dma_start3A_330] : memref<13x128x16xf32, #tpu.memory_space<vmem>> -> memref<1x128x16xf32, #tpu.memory_space<vmem>>
      %dma_start3A_332 = tpu.memref_squeeze %dma_start3A_331 : memref<1x128x16xf32, #tpu.memory_space<vmem>> -> memref<128x16xf32, #tpu.memory_space<vmem>>
      %dma_start3A_333 = arith.constant 0 : i32
      %dma_start3A_334 = tpu.memref_slice %arg7[%add3A_312, %dma_start3A_333] : memref<79x128xi32, #tpu.memory_space<vmem>> -> memref<1x128xi32, #tpu.memory_space<vmem>>
      %dma_start3A_335 = tpu.memref_squeeze %dma_start3A_334 : memref<1x128xi32, #tpu.memory_space<vmem>> -> memref<128xi32, #tpu.memory_space<vmem>>
      %dma_start3A_336 = arith.constant 0 : i32
      %dma_start3A_337 = arith.constant 0 : i32
      %dma_start3A_338 = tpu.memref_slice %arg12[%dma_start3A_336, %dma_start3A_337] : memref<10240x16xf32, #tpu.memory_space<vmem_shared>> -> memref<10240x16xf32, #tpu.memory_space<vmem_shared>>
      %dma_start3A_339 = tpu.memref_slice %arg11[%dma_start3A_328] : memref<13x!tpu.dma_semaphore, #tpu.memory_space<semaphore_mem>> -> memref<1x!tpu.dma_semaphore, #tpu.memory_space<semaphore_mem>>
      %dma_start3A_340 = tpu.memref_squeeze %dma_start3A_339 : memref<1x!tpu.dma_semaphore, #tpu.memory_space<semaphore_mem>> -> memref<!tpu.dma_semaphore, #tpu.memory_space<semaphore_mem>>
      tpu.enqueue_indirect_dma source(%dma_start3A_332 : memref<128x16xf32, #tpu.memory_space<vmem>>) target(%dma_start3A_338 : memref<10240x16xf32, #tpu.memory_space<vmem_shared>>) offsets(%dma_start3A_335 : memref<128xi32, #tpu.memory_space<vmem>>) semaphore(%dma_start3A_340 : memref<!tpu.dma_semaphore, #tpu.memory_space<semaphore_mem>>) {add = true}
      %sub3A_341 = arith.constant 1 : i32
      %sub3A_342 = arith.subi %add3A_312, %sub3A_341 : i32
      %ge3A_343 = arith.constant 0 : i32
      %ge3A_344 = arith.cmpi sge, %sub3A_342, %ge3A_343 : i32
      %convert_element_type3A_345 = arith.extui %ge3A_344 : i1 to i32
      %cond3A_346 = arith.constant 0 : i32
      %cond3A_347 = arith.cmpi ne, %convert_element_type3A_345, %cond3A_346 : i32
      scf.if %cond3A_347 {
        %dma_wait3A_777 = arith.constant 0 : i32
        %dma_wait3A_778 = arith.constant 0 : i32
        %dma_wait3A_779 = arith.constant 0 : i32
        %dma_wait3A_780 = arith.constant 0 : i32
        %dma_wait3A_781 = tpu.memref_slice %arg8[%dma_wait3A_777, %dma_wait3A_779, %dma_wait3A_780] : memref<13x128x16xf32, #tpu.memory_space<vmem>> -> memref<1x128x16xf32, #tpu.memory_space<vmem>>
        %dma_wait3A_782 = tpu.memref_squeeze %dma_wait3A_781 : memref<1x128x16xf32, #tpu.memory_space<vmem>> -> memref<128x16xf32, #tpu.memory_space<vmem>>
        %dma_wait3A_783 = arith.constant 0 : i32
        %dma_wait3A_784 = tpu.memref_slice %arg7[%sub3A_342, %dma_wait3A_783] : memref<79x128xi32, #tpu.memory_space<vmem>> -> memref<1x128xi32, #tpu.memory_space<vmem>>
        %dma_wait3A_785 = tpu.memref_squeeze %dma_wait3A_784 : memref<1x128xi32, #tpu.memory_space<vmem>> -> memref<128xi32, #tpu.memory_space<vmem>>
        %dma_wait3A_786 = arith.constant 0 : i32
        %dma_wait3A_787 = arith.constant 0 : i32
        %dma_wait3A_788 = tpu.memref_slice %arg12[%dma_wait3A_786, %dma_wait3A_787] : memref<10240x16xf32, #tpu.memory_space<vmem_shared>> -> memref<10240x16xf32, #tpu.memory_space<vmem_shared>>
        %dma_wait3A_789 = tpu.memref_slice %arg11[%dma_wait3A_778] : memref<13x!tpu.dma_semaphore, #tpu.memory_space<semaphore_mem>> -> memref<1x!tpu.dma_semaphore, #tpu.memory_space<semaphore_mem>>
        %dma_wait3A_790 = tpu.memref_squeeze %dma_wait3A_789 : memref<1x!tpu.dma_semaphore, #tpu.memory_space<semaphore_mem>> -> memref<!tpu.dma_semaphore, #tpu.memory_space<semaphore_mem>>
        tpu.wait_indirect_dma semaphore(%dma_wait3A_790 : memref<!tpu.dma_semaphore, #tpu.memory_space<semaphore_mem>>) src(%dma_wait3A_782 : memref<128x16xf32, #tpu.memory_space<vmem>>) dst(%dma_wait3A_788 : memref<10240x16xf32, #tpu.memory_space<vmem_shared>>)
        %add3A_791 = arith.constant 13 : i32
        %add3A_792 = arith.addi %sub3A_342, %add3A_791 : i32
        %lt3A_793 = arith.constant 78 : i32
        %lt3A_794 = arith.cmpi slt, %add3A_792, %lt3A_793 : i32
        %convert_element_type3A_795 = arith.extui %lt3A_794 : i1 to i32
        %cond3A_796 = arith.constant 0 : i32
        %cond3A_797 = arith.cmpi ne, %convert_element_type3A_795, %cond3A_796 : i32
        scf.if %cond3A_797 {
          %dma_start3A_798 = arith.constant 0 : i32
          %dma_start3A_799 = arith.constant 0 : i32
          %dma_start3A_800 = arith.constant 0 : i32
          %dma_start3A_801 = arith.constant 0 : i32
          %dma_start3A_802 = tpu.memref_slice %arg8[%dma_start3A_798, %dma_start3A_800, %dma_start3A_801] : memref<13x128x16xf32, #tpu.memory_space<vmem>> -> memref<1x128x16xf32, #tpu.memory_space<vmem>>
          %dma_start3A_803 = tpu.memref_squeeze %dma_start3A_802 : memref<1x128x16xf32, #tpu.memory_space<vmem>> -> memref<128x16xf32, #tpu.memory_space<vmem>>
          %dma_start3A_804 = arith.constant 0 : i32
          %dma_start3A_805 = tpu.memref_slice %arg6[%add3A_792, %dma_start3A_804] : memref<79x128xi32, #tpu.memory_space<vmem>> -> memref<1x128xi32, #tpu.memory_space<vmem>>
          %dma_start3A_806 = tpu.memref_squeeze %dma_start3A_805 : memref<1x128xi32, #tpu.memory_space<vmem>> -> memref<128xi32, #tpu.memory_space<vmem>>
          %dma_start3A_807 = arith.constant 0 : i32
          %dma_start3A_808 = arith.constant 0 : i32
          %dma_start3A_809 = tpu.memref_slice %arg2[%dma_start3A_807, %dma_start3A_808] : memref<10240x16xf32, #tpu.memory_space<hbm>> -> memref<10240x16xf32, #tpu.memory_space<hbm>>
          %dma_start3A_810 = tpu.memref_slice %arg10[%dma_start3A_799] : memref<13x!tpu.dma_semaphore, #tpu.memory_space<semaphore_mem>> -> memref<1x!tpu.dma_semaphore, #tpu.memory_space<semaphore_mem>>
          %dma_start3A_811 = tpu.memref_squeeze %dma_start3A_810 : memref<1x!tpu.dma_semaphore, #tpu.memory_space<semaphore_mem>> -> memref<!tpu.dma_semaphore, #tpu.memory_space<semaphore_mem>>
          tpu.enqueue_indirect_dma source(%dma_start3A_809 : memref<10240x16xf32, #tpu.memory_space<hbm>>) target(%dma_start3A_803 : memref<128x16xf32, #tpu.memory_space<vmem>>) offsets(%dma_start3A_806 : memref<128xi32, #tpu.memory_space<vmem>>) semaphore(%dma_start3A_811 : memref<!tpu.dma_semaphore, #tpu.memory_space<semaphore_mem>>)
        } else {
        }
      } else {
      }
      %mul3A_348 = arith.constant 13 : i32
      %mul3A_349 = arith.muli %scan3A_271, %mul3A_348 : i32
      %add3A_350 = arith.constant 2 : i32
      %add3A_351 = arith.addi %mul3A_349, %add3A_350 : i32
      %dma_wait3A_352 = arith.constant 2 : i32
      %dma_wait3A_353 = arith.constant 2 : i32
      %dma_wait3A_354 = arith.constant 0 : i32
      %dma_wait3A_355 = arith.constant 0 : i32
      %dma_wait3A_356 = tpu.memref_slice %arg8[%dma_wait3A_352, %dma_wait3A_354, %dma_wait3A_355] : memref<13x128x16xf32, #tpu.memory_space<vmem>> -> memref<1x128x16xf32, #tpu.memory_space<vmem>>
      %dma_wait3A_357 = tpu.memref_squeeze %dma_wait3A_356 : memref<1x128x16xf32, #tpu.memory_space<vmem>> -> memref<128x16xf32, #tpu.memory_space<vmem>>
      %dma_wait3A_358 = arith.constant 0 : i32
      %dma_wait3A_359 = tpu.memref_slice %arg6[%add3A_351, %dma_wait3A_358] : memref<79x128xi32, #tpu.memory_space<vmem>> -> memref<1x128xi32, #tpu.memory_space<vmem>>
      %dma_wait3A_360 = tpu.memref_squeeze %dma_wait3A_359 : memref<1x128xi32, #tpu.memory_space<vmem>> -> memref<128xi32, #tpu.memory_space<vmem>>
      %dma_wait3A_361 = arith.constant 0 : i32
      %dma_wait3A_362 = arith.constant 0 : i32
      %dma_wait3A_363 = tpu.memref_slice %arg2[%dma_wait3A_361, %dma_wait3A_362] : memref<10240x16xf32, #tpu.memory_space<hbm>> -> memref<10240x16xf32, #tpu.memory_space<hbm>>
      %dma_wait3A_364 = tpu.memref_slice %arg10[%dma_wait3A_353] : memref<13x!tpu.dma_semaphore, #tpu.memory_space<semaphore_mem>> -> memref<1x!tpu.dma_semaphore, #tpu.memory_space<semaphore_mem>>
      %dma_wait3A_365 = tpu.memref_squeeze %dma_wait3A_364 : memref<1x!tpu.dma_semaphore, #tpu.memory_space<semaphore_mem>> -> memref<!tpu.dma_semaphore, #tpu.memory_space<semaphore_mem>>
      tpu.wait_indirect_dma semaphore(%dma_wait3A_365 : memref<!tpu.dma_semaphore, #tpu.memory_space<semaphore_mem>>) src(%dma_wait3A_363 : memref<10240x16xf32, #tpu.memory_space<hbm>>) dst(%dma_wait3A_357 : memref<128x16xf32, #tpu.memory_space<vmem>>)
      %dma_start3A_366 = arith.constant 2 : i32
      %dma_start3A_367 = arith.constant 2 : i32
      %dma_start3A_368 = arith.constant 0 : i32
      %dma_start3A_369 = arith.constant 0 : i32
      %dma_start3A_370 = tpu.memref_slice %arg8[%dma_start3A_366, %dma_start3A_368, %dma_start3A_369] : memref<13x128x16xf32, #tpu.memory_space<vmem>> -> memref<1x128x16xf32, #tpu.memory_space<vmem>>
      %dma_start3A_371 = tpu.memref_squeeze %dma_start3A_370 : memref<1x128x16xf32, #tpu.memory_space<vmem>> -> memref<128x16xf32, #tpu.memory_space<vmem>>
      %dma_start3A_372 = arith.constant 0 : i32
      %dma_start3A_373 = tpu.memref_slice %arg7[%add3A_351, %dma_start3A_372] : memref<79x128xi32, #tpu.memory_space<vmem>> -> memref<1x128xi32, #tpu.memory_space<vmem>>
      %dma_start3A_374 = tpu.memref_squeeze %dma_start3A_373 : memref<1x128xi32, #tpu.memory_space<vmem>> -> memref<128xi32, #tpu.memory_space<vmem>>
      %dma_start3A_375 = arith.constant 0 : i32
      %dma_start3A_376 = arith.constant 0 : i32
      %dma_start3A_377 = tpu.memref_slice %arg12[%dma_start3A_375, %dma_start3A_376] : memref<10240x16xf32, #tpu.memory_space<vmem_shared>> -> memref<10240x16xf32, #tpu.memory_space<vmem_shared>>
      %dma_start3A_378 = tpu.memref_slice %arg11[%dma_start3A_367] : memref<13x!tpu.dma_semaphore, #tpu.memory_space<semaphore_mem>> -> memref<1x!tpu.dma_semaphore, #tpu.memory_space<semaphore_mem>>
      %dma_start3A_379 = tpu.memref_squeeze %dma_start3A_378 : memref<1x!tpu.dma_semaphore, #tpu.memory_space<semaphore_mem>> -> memref<!tpu.dma_semaphore, #tpu.memory_space<semaphore_mem>>
      tpu.enqueue_indirect_dma source(%dma_start3A_371 : memref<128x16xf32, #tpu.memory_space<vmem>>) target(%dma_start3A_377 : memref<10240x16xf32, #tpu.memory_space<vmem_shared>>) offsets(%dma_start3A_374 : memref<128xi32, #tpu.memory_space<vmem>>) semaphore(%dma_start3A_379 : memref<!tpu.dma_semaphore, #tpu.memory_space<semaphore_mem>>) {add = true}
      %sub3A_380 = arith.constant 1 : i32
      %sub3A_381 = arith.subi %add3A_351, %sub3A_380 : i32
      %ge3A_382 = arith.constant 0 : i32
      %ge3A_383 = arith.cmpi sge, %sub3A_381, %ge3A_382 : i32
      %convert_element_type3A_384 = arith.extui %ge3A_383 : i1 to i32
      %cond3A_385 = arith.constant 0 : i32
      %cond3A_386 = arith.cmpi ne, %convert_element_type3A_384, %cond3A_385 : i32
      scf.if %cond3A_386 {
        %dma_wait3A_777 = arith.constant 1 : i32
        %dma_wait3A_778 = arith.constant 1 : i32
        %dma_wait3A_779 = arith.constant 0 : i32
        %dma_wait3A_780 = arith.constant 0 : i32
        %dma_wait3A_781 = tpu.memref_slice %arg8[%dma_wait3A_777, %dma_wait3A_779, %dma_wait3A_780] : memref<13x128x16xf32, #tpu.memory_space<vmem>> -> memref<1x128x16xf32, #tpu.memory_space<vmem>>
        %dma_wait3A_782 = tpu.memref_squeeze %dma_wait3A_781 : memref<1x128x16xf32, #tpu.memory_space<vmem>> -> memref<128x16xf32, #tpu.memory_space<vmem>>
        %dma_wait3A_783 = arith.constant 0 : i32
        %dma_wait3A_784 = tpu.memref_slice %arg7[%sub3A_381, %dma_wait3A_783] : memref<79x128xi32, #tpu.memory_space<vmem>> -> memref<1x128xi32, #tpu.memory_space<vmem>>
        %dma_wait3A_785 = tpu.memref_squeeze %dma_wait3A_784 : memref<1x128xi32, #tpu.memory_space<vmem>> -> memref<128xi32, #tpu.memory_space<vmem>>
        %dma_wait3A_786 = arith.constant 0 : i32
        %dma_wait3A_787 = arith.constant 0 : i32
        %dma_wait3A_788 = tpu.memref_slice %arg12[%dma_wait3A_786, %dma_wait3A_787] : memref<10240x16xf32, #tpu.memory_space<vmem_shared>> -> memref<10240x16xf32, #tpu.memory_space<vmem_shared>>
        %dma_wait3A_789 = tpu.memref_slice %arg11[%dma_wait3A_778] : memref<13x!tpu.dma_semaphore, #tpu.memory_space<semaphore_mem>> -> memref<1x!tpu.dma_semaphore, #tpu.memory_space<semaphore_mem>>
        %dma_wait3A_790 = tpu.memref_squeeze %dma_wait3A_789 : memref<1x!tpu.dma_semaphore, #tpu.memory_space<semaphore_mem>> -> memref<!tpu.dma_semaphore, #tpu.memory_space<semaphore_mem>>
        tpu.wait_indirect_dma semaphore(%dma_wait3A_790 : memref<!tpu.dma_semaphore, #tpu.memory_space<semaphore_mem>>) src(%dma_wait3A_782 : memref<128x16xf32, #tpu.memory_space<vmem>>) dst(%dma_wait3A_788 : memref<10240x16xf32, #tpu.memory_space<vmem_shared>>)
        %add3A_791 = arith.constant 13 : i32
        %add3A_792 = arith.addi %sub3A_381, %add3A_791 : i32
        %lt3A_793 = arith.constant 78 : i32
        %lt3A_794 = arith.cmpi slt, %add3A_792, %lt3A_793 : i32
        %convert_element_type3A_795 = arith.extui %lt3A_794 : i1 to i32
        %cond3A_796 = arith.constant 0 : i32
        %cond3A_797 = arith.cmpi ne, %convert_element_type3A_795, %cond3A_796 : i32
        scf.if %cond3A_797 {
          %dma_start3A_798 = arith.constant 1 : i32
          %dma_start3A_799 = arith.constant 1 : i32
          %dma_start3A_800 = arith.constant 0 : i32
          %dma_start3A_801 = arith.constant 0 : i32
          %dma_start3A_802 = tpu.memref_slice %arg8[%dma_start3A_798, %dma_start3A_800, %dma_start3A_801] : memref<13x128x16xf32, #tpu.memory_space<vmem>> -> memref<1x128x16xf32, #tpu.memory_space<vmem>>
          %dma_start3A_803 = tpu.memref_squeeze %dma_start3A_802 : memref<1x128x16xf32, #tpu.memory_space<vmem>> -> memref<128x16xf32, #tpu.memory_space<vmem>>
          %dma_start3A_804 = arith.constant 0 : i32
          %dma_start3A_805 = tpu.memref_slice %arg6[%add3A_792, %dma_start3A_804] : memref<79x128xi32, #tpu.memory_space<vmem>> -> memref<1x128xi32, #tpu.memory_space<vmem>>
          %dma_start3A_806 = tpu.memref_squeeze %dma_start3A_805 : memref<1x128xi32, #tpu.memory_space<vmem>> -> memref<128xi32, #tpu.memory_space<vmem>>
          %dma_start3A_807 = arith.constant 0 : i32
          %dma_start3A_808 = arith.constant 0 : i32
          %dma_start3A_809 = tpu.memref_slice %arg2[%dma_start3A_807, %dma_start3A_808] : memref<10240x16xf32, #tpu.memory_space<hbm>> -> memref<10240x16xf32, #tpu.memory_space<hbm>>
          %dma_start3A_810 = tpu.memref_slice %arg10[%dma_start3A_799] : memref<13x!tpu.dma_semaphore, #tpu.memory_space<semaphore_mem>> -> memref<1x!tpu.dma_semaphore, #tpu.memory_space<semaphore_mem>>
          %dma_start3A_811 = tpu.memref_squeeze %dma_start3A_810 : memref<1x!tpu.dma_semaphore, #tpu.memory_space<semaphore_mem>> -> memref<!tpu.dma_semaphore, #tpu.memory_space<semaphore_mem>>
          tpu.enqueue_indirect_dma source(%dma_start3A_809 : memref<10240x16xf32, #tpu.memory_space<hbm>>) target(%dma_start3A_803 : memref<128x16xf32, #tpu.memory_space<vmem>>) offsets(%dma_start3A_806 : memref<128xi32, #tpu.memory_space<vmem>>) semaphore(%dma_start3A_811 : memref<!tpu.dma_semaphore, #tpu.memory_space<semaphore_mem>>)
        } else {
        }
      } else {
      }
      %mul3A_387 = arith.constant 13 : i32
      %mul3A_388 = arith.muli %scan3A_271, %mul3A_387 : i32
      %add3A_389 = arith.constant 3 : i32
      %add3A_390 = arith.addi %mul3A_388, %add3A_389 : i32
      %dma_wait3A_391 = arith.constant 3 : i32
      %dma_wait3A_392 = arith.constant 3 : i32
      %dma_wait3A_393 = arith.constant 0 : i32
      %dma_wait3A_394 = arith.constant 0 : i32
      %dma_wait3A_395 = tpu.memref_slice %arg8[%dma_wait3A_391, %dma_wait3A_393, %dma_wait3A_394] : memref<13x128x16xf32, #tpu.memory_space<vmem>> -> memref<1x128x16xf32, #tpu.memory_space<vmem>>
      %dma_wait3A_396 = tpu.memref_squeeze %dma_wait3A_395 : memref<1x128x16xf32, #tpu.memory_space<vmem>> -> memref<128x16xf32, #tpu.memory_space<vmem>>
      %dma_wait3A_397 = arith.constant 0 : i32
      %dma_wait3A_398 = tpu.memref_slice %arg6[%add3A_390, %dma_wait3A_397] : memref<79x128xi32, #tpu.memory_space<vmem>> -> memref<1x128xi32, #tpu.memory_space<vmem>>
      %dma_wait3A_399 = tpu.memref_squeeze %dma_wait3A_398 : memref<1x128xi32, #tpu.memory_space<vmem>> -> memref<128xi32, #tpu.memory_space<vmem>>
      %dma_wait3A_400 = arith.constant 0 : i32
      %dma_wait3A_401 = arith.constant 0 : i32
      %dma_wait3A_402 = tpu.memref_slice %arg2[%dma_wait3A_400, %dma_wait3A_401] : memref<10240x16xf32, #tpu.memory_space<hbm>> -> memref<10240x16xf32, #tpu.memory_space<hbm>>
      %dma_wait3A_403 = tpu.memref_slice %arg10[%dma_wait3A_392] : memref<13x!tpu.dma_semaphore, #tpu.memory_space<semaphore_mem>> -> memref<1x!tpu.dma_semaphore, #tpu.memory_space<semaphore_mem>>
      %dma_wait3A_404 = tpu.memref_squeeze %dma_wait3A_403 : memref<1x!tpu.dma_semaphore, #tpu.memory_space<semaphore_mem>> -> memref<!tpu.dma_semaphore, #tpu.memory_space<semaphore_mem>>
      tpu.wait_indirect_dma semaphore(%dma_wait3A_404 : memref<!tpu.dma_semaphore, #tpu.memory_space<semaphore_mem>>) src(%dma_wait3A_402 : memref<10240x16xf32, #tpu.memory_space<hbm>>) dst(%dma_wait3A_396 : memref<128x16xf32, #tpu.memory_space<vmem>>)
      %dma_start3A_405 = arith.constant 3 : i32
      %dma_start3A_406 = arith.constant 3 : i32
      %dma_start3A_407 = arith.constant 0 : i32
      %dma_start3A_408 = arith.constant 0 : i32
      %dma_start3A_409 = tpu.memref_slice %arg8[%dma_start3A_405, %dma_start3A_407, %dma_start3A_408] : memref<13x128x16xf32, #tpu.memory_space<vmem>> -> memref<1x128x16xf32, #tpu.memory_space<vmem>>
      %dma_start3A_410 = tpu.memref_squeeze %dma_start3A_409 : memref<1x128x16xf32, #tpu.memory_space<vmem>> -> memref<128x16xf32, #tpu.memory_space<vmem>>
      %dma_start3A_411 = arith.constant 0 : i32
      %dma_start3A_412 = tpu.memref_slice %arg7[%add3A_390, %dma_start3A_411] : memref<79x128xi32, #tpu.memory_space<vmem>> -> memref<1x128xi32, #tpu.memory_space<vmem>>
      %dma_start3A_413 = tpu.memref_squeeze %dma_start3A_412 : memref<1x128xi32, #tpu.memory_space<vmem>> -> memref<128xi32, #tpu.memory_space<vmem>>
      %dma_start3A_414 = arith.constant 0 : i32
      %dma_start3A_415 = arith.constant 0 : i32
      %dma_start3A_416 = tpu.memref_slice %arg12[%dma_start3A_414, %dma_start3A_415] : memref<10240x16xf32, #tpu.memory_space<vmem_shared>> -> memref<10240x16xf32, #tpu.memory_space<vmem_shared>>
      %dma_start3A_417 = tpu.memref_slice %arg11[%dma_start3A_406] : memref<13x!tpu.dma_semaphore, #tpu.memory_space<semaphore_mem>> -> memref<1x!tpu.dma_semaphore, #tpu.memory_space<semaphore_mem>>
      %dma_start3A_418 = tpu.memref_squeeze %dma_start3A_417 : memref<1x!tpu.dma_semaphore, #tpu.memory_space<semaphore_mem>> -> memref<!tpu.dma_semaphore, #tpu.memory_space<semaphore_mem>>
      tpu.enqueue_indirect_dma source(%dma_start3A_410 : memref<128x16xf32, #tpu.memory_space<vmem>>) target(%dma_start3A_416 : memref<10240x16xf32, #tpu.memory_space<vmem_shared>>) offsets(%dma_start3A_413 : memref<128xi32, #tpu.memory_space<vmem>>) semaphore(%dma_start3A_418 : memref<!tpu.dma_semaphore, #tpu.memory_space<semaphore_mem>>) {add = true}
      %sub3A_419 = arith.constant 1 : i32
      %sub3A_420 = arith.subi %add3A_390, %sub3A_419 : i32
      %ge3A_421 = arith.constant 0 : i32
      %ge3A_422 = arith.cmpi sge, %sub3A_420, %ge3A_421 : i32
      %convert_element_type3A_423 = arith.extui %ge3A_422 : i1 to i32
      %cond3A_424 = arith.constant 0 : i32
      %cond3A_425 = arith.cmpi ne, %convert_element_type3A_423, %cond3A_424 : i32
      scf.if %cond3A_425 {
        %dma_wait3A_777 = arith.constant 2 : i32
        %dma_wait3A_778 = arith.constant 2 : i32
        %dma_wait3A_779 = arith.constant 0 : i32
        %dma_wait3A_780 = arith.constant 0 : i32
        %dma_wait3A_781 = tpu.memref_slice %arg8[%dma_wait3A_777, %dma_wait3A_779, %dma_wait3A_780] : memref<13x128x16xf32, #tpu.memory_space<vmem>> -> memref<1x128x16xf32, #tpu.memory_space<vmem>>
        %dma_wait3A_782 = tpu.memref_squeeze %dma_wait3A_781 : memref<1x128x16xf32, #tpu.memory_space<vmem>> -> memref<128x16xf32, #tpu.memory_space<vmem>>
        %dma_wait3A_783 = arith.constant 0 : i32
        %dma_wait3A_784 = tpu.memref_slice %arg7[%sub3A_420, %dma_wait3A_783] : memref<79x128xi32, #tpu.memory_space<vmem>> -> memref<1x128xi32, #tpu.memory_space<vmem>>
        %dma_wait3A_785 = tpu.memref_squeeze %dma_wait3A_784 : memref<1x128xi32, #tpu.memory_space<vmem>> -> memref<128xi32, #tpu.memory_space<vmem>>
        %dma_wait3A_786 = arith.constant 0 : i32
        %dma_wait3A_787 = arith.constant 0 : i32
        %dma_wait3A_788 = tpu.memref_slice %arg12[%dma_wait3A_786, %dma_wait3A_787] : memref<10240x16xf32, #tpu.memory_space<vmem_shared>> -> memref<10240x16xf32, #tpu.memory_space<vmem_shared>>
        %dma_wait3A_789 = tpu.memref_slice %arg11[%dma_wait3A_778] : memref<13x!tpu.dma_semaphore, #tpu.memory_space<semaphore_mem>> -> memref<1x!tpu.dma_semaphore, #tpu.memory_space<semaphore_mem>>
        %dma_wait3A_790 = tpu.memref_squeeze %dma_wait3A_789 : memref<1x!tpu.dma_semaphore, #tpu.memory_space<semaphore_mem>> -> memref<!tpu.dma_semaphore, #tpu.memory_space<semaphore_mem>>
        tpu.wait_indirect_dma semaphore(%dma_wait3A_790 : memref<!tpu.dma_semaphore, #tpu.memory_space<semaphore_mem>>) src(%dma_wait3A_782 : memref<128x16xf32, #tpu.memory_space<vmem>>) dst(%dma_wait3A_788 : memref<10240x16xf32, #tpu.memory_space<vmem_shared>>)
        %add3A_791 = arith.constant 13 : i32
        %add3A_792 = arith.addi %sub3A_420, %add3A_791 : i32
        %lt3A_793 = arith.constant 78 : i32
        %lt3A_794 = arith.cmpi slt, %add3A_792, %lt3A_793 : i32
        %convert_element_type3A_795 = arith.extui %lt3A_794 : i1 to i32
        %cond3A_796 = arith.constant 0 : i32
        %cond3A_797 = arith.cmpi ne, %convert_element_type3A_795, %cond3A_796 : i32
        scf.if %cond3A_797 {
          %dma_start3A_798 = arith.constant 2 : i32
          %dma_start3A_799 = arith.constant 2 : i32
          %dma_start3A_800 = arith.constant 0 : i32
          %dma_start3A_801 = arith.constant 0 : i32
          %dma_start3A_802 = tpu.memref_slice %arg8[%dma_start3A_798, %dma_start3A_800, %dma_start3A_801] : memref<13x128x16xf32, #tpu.memory_space<vmem>> -> memref<1x128x16xf32, #tpu.memory_space<vmem>>
          %dma_start3A_803 = tpu.memref_squeeze %dma_start3A_802 : memref<1x128x16xf32, #tpu.memory_space<vmem>> -> memref<128x16xf32, #tpu.memory_space<vmem>>
          %dma_start3A_804 = arith.constant 0 : i32
          %dma_start3A_805 = tpu.memref_slice %arg6[%add3A_792, %dma_start3A_804] : memref<79x128xi32, #tpu.memory_space<vmem>> -> memref<1x128xi32, #tpu.memory_space<vmem>>
          %dma_start3A_806 = tpu.memref_squeeze %dma_start3A_805 : memref<1x128xi32, #tpu.memory_space<vmem>> -> memref<128xi32, #tpu.memory_space<vmem>>
          %dma_start3A_807 = arith.constant 0 : i32
          %dma_start3A_808 = arith.constant 0 : i32
          %dma_start3A_809 = tpu.memref_slice %arg2[%dma_start3A_807, %dma_start3A_808] : memref<10240x16xf32, #tpu.memory_space<hbm>> -> memref<10240x16xf32, #tpu.memory_space<hbm>>
          %dma_start3A_810 = tpu.memref_slice %arg10[%dma_start3A_799] : memref<13x!tpu.dma_semaphore, #tpu.memory_space<semaphore_mem>> -> memref<1x!tpu.dma_semaphore, #tpu.memory_space<semaphore_mem>>
          %dma_start3A_811 = tpu.memref_squeeze %dma_start3A_810 : memref<1x!tpu.dma_semaphore, #tpu.memory_space<semaphore_mem>> -> memref<!tpu.dma_semaphore, #tpu.memory_space<semaphore_mem>>
          tpu.enqueue_indirect_dma source(%dma_start3A_809 : memref<10240x16xf32, #tpu.memory_space<hbm>>) target(%dma_start3A_803 : memref<128x16xf32, #tpu.memory_space<vmem>>) offsets(%dma_start3A_806 : memref<128xi32, #tpu.memory_space<vmem>>) semaphore(%dma_start3A_811 : memref<!tpu.dma_semaphore, #tpu.memory_space<semaphore_mem>>)
        } else {
        }
      } else {
      }
      %mul3A_426 = arith.constant 13 : i32
      %mul3A_427 = arith.muli %scan3A_271, %mul3A_426 : i32
      %add3A_428 = arith.constant 4 : i32
      %add3A_429 = arith.addi %mul3A_427, %add3A_428 : i32
      %dma_wait3A_430 = arith.constant 4 : i32
      %dma_wait3A_431 = arith.constant 4 : i32
      %dma_wait3A_432 = arith.constant 0 : i32
      %dma_wait3A_433 = arith.constant 0 : i32
      %dma_wait3A_434 = tpu.memref_slice %arg8[%dma_wait3A_430, %dma_wait3A_432, %dma_wait3A_433] : memref<13x128x16xf32, #tpu.memory_space<vmem>> -> memref<1x128x16xf32, #tpu.memory_space<vmem>>
      %dma_wait3A_435 = tpu.memref_squeeze %dma_wait3A_434 : memref<1x128x16xf32, #tpu.memory_space<vmem>> -> memref<128x16xf32, #tpu.memory_space<vmem>>
      %dma_wait3A_436 = arith.constant 0 : i32
      %dma_wait3A_437 = tpu.memref_slice %arg6[%add3A_429, %dma_wait3A_436] : memref<79x128xi32, #tpu.memory_space<vmem>> -> memref<1x128xi32, #tpu.memory_space<vmem>>
      %dma_wait3A_438 = tpu.memref_squeeze %dma_wait3A_437 : memref<1x128xi32, #tpu.memory_space<vmem>> -> memref<128xi32, #tpu.memory_space<vmem>>
      %dma_wait3A_439 = arith.constant 0 : i32
      %dma_wait3A_440 = arith.constant 0 : i32
      %dma_wait3A_441 = tpu.memref_slice %arg2[%dma_wait3A_439, %dma_wait3A_440] : memref<10240x16xf32, #tpu.memory_space<hbm>> -> memref<10240x16xf32, #tpu.memory_space<hbm>>
      %dma_wait3A_442 = tpu.memref_slice %arg10[%dma_wait3A_431] : memref<13x!tpu.dma_semaphore, #tpu.memory_space<semaphore_mem>> -> memref<1x!tpu.dma_semaphore, #tpu.memory_space<semaphore_mem>>
      %dma_wait3A_443 = tpu.memref_squeeze %dma_wait3A_442 : memref<1x!tpu.dma_semaphore, #tpu.memory_space<semaphore_mem>> -> memref<!tpu.dma_semaphore, #tpu.memory_space<semaphore_mem>>
      tpu.wait_indirect_dma semaphore(%dma_wait3A_443 : memref<!tpu.dma_semaphore, #tpu.memory_space<semaphore_mem>>) src(%dma_wait3A_441 : memref<10240x16xf32, #tpu.memory_space<hbm>>) dst(%dma_wait3A_435 : memref<128x16xf32, #tpu.memory_space<vmem>>)
      %dma_start3A_444 = arith.constant 4 : i32
      %dma_start3A_445 = arith.constant 4 : i32
      %dma_start3A_446 = arith.constant 0 : i32
      %dma_start3A_447 = arith.constant 0 : i32
      %dma_start3A_448 = tpu.memref_slice %arg8[%dma_start3A_444, %dma_start3A_446, %dma_start3A_447] : memref<13x128x16xf32, #tpu.memory_space<vmem>> -> memref<1x128x16xf32, #tpu.memory_space<vmem>>
      %dma_start3A_449 = tpu.memref_squeeze %dma_start3A_448 : memref<1x128x16xf32, #tpu.memory_space<vmem>> -> memref<128x16xf32, #tpu.memory_space<vmem>>
      %dma_start3A_450 = arith.constant 0 : i32
      %dma_start3A_451 = tpu.memref_slice %arg7[%add3A_429, %dma_start3A_450] : memref<79x128xi32, #tpu.memory_space<vmem>> -> memref<1x128xi32, #tpu.memory_space<vmem>>
      %dma_start3A_452 = tpu.memref_squeeze %dma_start3A_451 : memref<1x128xi32, #tpu.memory_space<vmem>> -> memref<128xi32, #tpu.memory_space<vmem>>
      %dma_start3A_453 = arith.constant 0 : i32
      %dma_start3A_454 = arith.constant 0 : i32
      %dma_start3A_455 = tpu.memref_slice %arg12[%dma_start3A_453, %dma_start3A_454] : memref<10240x16xf32, #tpu.memory_space<vmem_shared>> -> memref<10240x16xf32, #tpu.memory_space<vmem_shared>>
      %dma_start3A_456 = tpu.memref_slice %arg11[%dma_start3A_445] : memref<13x!tpu.dma_semaphore, #tpu.memory_space<semaphore_mem>> -> memref<1x!tpu.dma_semaphore, #tpu.memory_space<semaphore_mem>>
      %dma_start3A_457 = tpu.memref_squeeze %dma_start3A_456 : memref<1x!tpu.dma_semaphore, #tpu.memory_space<semaphore_mem>> -> memref<!tpu.dma_semaphore, #tpu.memory_space<semaphore_mem>>
      tpu.enqueue_indirect_dma source(%dma_start3A_449 : memref<128x16xf32, #tpu.memory_space<vmem>>) target(%dma_start3A_455 : memref<10240x16xf32, #tpu.memory_space<vmem_shared>>) offsets(%dma_start3A_452 : memref<128xi32, #tpu.memory_space<vmem>>) semaphore(%dma_start3A_457 : memref<!tpu.dma_semaphore, #tpu.memory_space<semaphore_mem>>) {add = true}
      %sub3A_458 = arith.constant 1 : i32
      %sub3A_459 = arith.subi %add3A_429, %sub3A_458 : i32
      %ge3A_460 = arith.constant 0 : i32
      %ge3A_461 = arith.cmpi sge, %sub3A_459, %ge3A_460 : i32
      %convert_element_type3A_462 = arith.extui %ge3A_461 : i1 to i32
      %cond3A_463 = arith.constant 0 : i32
      %cond3A_464 = arith.cmpi ne, %convert_element_type3A_462, %cond3A_463 : i32
      scf.if %cond3A_464 {
        %dma_wait3A_777 = arith.constant 3 : i32
        %dma_wait3A_778 = arith.constant 3 : i32
        %dma_wait3A_779 = arith.constant 0 : i32
        %dma_wait3A_780 = arith.constant 0 : i32
        %dma_wait3A_781 = tpu.memref_slice %arg8[%dma_wait3A_777, %dma_wait3A_779, %dma_wait3A_780] : memref<13x128x16xf32, #tpu.memory_space<vmem>> -> memref<1x128x16xf32, #tpu.memory_space<vmem>>
        %dma_wait3A_782 = tpu.memref_squeeze %dma_wait3A_781 : memref<1x128x16xf32, #tpu.memory_space<vmem>> -> memref<128x16xf32, #tpu.memory_space<vmem>>
        %dma_wait3A_783 = arith.constant 0 : i32
        %dma_wait3A_784 = tpu.memref_slice %arg7[%sub3A_459, %dma_wait3A_783] : memref<79x128xi32, #tpu.memory_space<vmem>> -> memref<1x128xi32, #tpu.memory_space<vmem>>
        %dma_wait3A_785 = tpu.memref_squeeze %dma_wait3A_784 : memref<1x128xi32, #tpu.memory_space<vmem>> -> memref<128xi32, #tpu.memory_space<vmem>>
        %dma_wait3A_786 = arith.constant 0 : i32
        %dma_wait3A_787 = arith.constant 0 : i32
        %dma_wait3A_788 = tpu.memref_slice %arg12[%dma_wait3A_786, %dma_wait3A_787] : memref<10240x16xf32, #tpu.memory_space<vmem_shared>> -> memref<10240x16xf32, #tpu.memory_space<vmem_shared>>
        %dma_wait3A_789 = tpu.memref_slice %arg11[%dma_wait3A_778] : memref<13x!tpu.dma_semaphore, #tpu.memory_space<semaphore_mem>> -> memref<1x!tpu.dma_semaphore, #tpu.memory_space<semaphore_mem>>
        %dma_wait3A_790 = tpu.memref_squeeze %dma_wait3A_789 : memref<1x!tpu.dma_semaphore, #tpu.memory_space<semaphore_mem>> -> memref<!tpu.dma_semaphore, #tpu.memory_space<semaphore_mem>>
        tpu.wait_indirect_dma semaphore(%dma_wait3A_790 : memref<!tpu.dma_semaphore, #tpu.memory_space<semaphore_mem>>) src(%dma_wait3A_782 : memref<128x16xf32, #tpu.memory_space<vmem>>) dst(%dma_wait3A_788 : memref<10240x16xf32, #tpu.memory_space<vmem_shared>>)
        %add3A_791 = arith.constant 13 : i32
        %add3A_792 = arith.addi %sub3A_459, %add3A_791 : i32
        %lt3A_793 = arith.constant 78 : i32
        %lt3A_794 = arith.cmpi slt, %add3A_792, %lt3A_793 : i32
        %convert_element_type3A_795 = arith.extui %lt3A_794 : i1 to i32
        %cond3A_796 = arith.constant 0 : i32
        %cond3A_797 = arith.cmpi ne, %convert_element_type3A_795, %cond3A_796 : i32
        scf.if %cond3A_797 {
          %dma_start3A_798 = arith.constant 3 : i32
          %dma_start3A_799 = arith.constant 3 : i32
          %dma_start3A_800 = arith.constant 0 : i32
          %dma_start3A_801 = arith.constant 0 : i32
          %dma_start3A_802 = tpu.memref_slice %arg8[%dma_start3A_798, %dma_start3A_800, %dma_start3A_801] : memref<13x128x16xf32, #tpu.memory_space<vmem>> -> memref<1x128x16xf32, #tpu.memory_space<vmem>>
          %dma_start3A_803 = tpu.memref_squeeze %dma_start3A_802 : memref<1x128x16xf32, #tpu.memory_space<vmem>> -> memref<128x16xf32, #tpu.memory_space<vmem>>
          %dma_start3A_804 = arith.constant 0 : i32
          %dma_start3A_805 = tpu.memref_slice %arg6[%add3A_792, %dma_start3A_804] : memref<79x128xi32, #tpu.memory_space<vmem>> -> memref<1x128xi32, #tpu.memory_space<vmem>>
          %dma_start3A_806 = tpu.memref_squeeze %dma_start3A_805 : memref<1x128xi32, #tpu.memory_space<vmem>> -> memref<128xi32, #tpu.memory_space<vmem>>
          %dma_start3A_807 = arith.constant 0 : i32
          %dma_start3A_808 = arith.constant 0 : i32
          %dma_start3A_809 = tpu.memref_slice %arg2[%dma_start3A_807, %dma_start3A_808] : memref<10240x16xf32, #tpu.memory_space<hbm>> -> memref<10240x16xf32, #tpu.memory_space<hbm>>
          %dma_start3A_810 = tpu.memref_slice %arg10[%dma_start3A_799] : memref<13x!tpu.dma_semaphore, #tpu.memory_space<semaphore_mem>> -> memref<1x!tpu.dma_semaphore, #tpu.memory_space<semaphore_mem>>
          %dma_start3A_811 = tpu.memref_squeeze %dma_start3A_810 : memref<1x!tpu.dma_semaphore, #tpu.memory_space<semaphore_mem>> -> memref<!tpu.dma_semaphore, #tpu.memory_space<semaphore_mem>>
          tpu.enqueue_indirect_dma source(%dma_start3A_809 : memref<10240x16xf32, #tpu.memory_space<hbm>>) target(%dma_start3A_803 : memref<128x16xf32, #tpu.memory_space<vmem>>) offsets(%dma_start3A_806 : memref<128xi32, #tpu.memory_space<vmem>>) semaphore(%dma_start3A_811 : memref<!tpu.dma_semaphore, #tpu.memory_space<semaphore_mem>>)
        } else {
        }
      } else {
      }
      %mul3A_465 = arith.constant 13 : i32
      %mul3A_466 = arith.muli %scan3A_271, %mul3A_465 : i32
      %add3A_467 = arith.constant 5 : i32
      %add3A_468 = arith.addi %mul3A_466, %add3A_467 : i32
      %dma_wait3A_469 = arith.constant 5 : i32
      %dma_wait3A_470 = arith.constant 5 : i32
      %dma_wait3A_471 = arith.constant 0 : i32
      %dma_wait3A_472 = arith.constant 0 : i32
      %dma_wait3A_473 = tpu.memref_slice %arg8[%dma_wait3A_469, %dma_wait3A_471, %dma_wait3A_472] : memref<13x128x16xf32, #tpu.memory_space<vmem>> -> memref<1x128x16xf32, #tpu.memory_space<vmem>>
      %dma_wait3A_474 = tpu.memref_squeeze %dma_wait3A_473 : memref<1x128x16xf32, #tpu.memory_space<vmem>> -> memref<128x16xf32, #tpu.memory_space<vmem>>
      %dma_wait3A_475 = arith.constant 0 : i32
      %dma_wait3A_476 = tpu.memref_slice %arg6[%add3A_468, %dma_wait3A_475] : memref<79x128xi32, #tpu.memory_space<vmem>> -> memref<1x128xi32, #tpu.memory_space<vmem>>
      %dma_wait3A_477 = tpu.memref_squeeze %dma_wait3A_476 : memref<1x128xi32, #tpu.memory_space<vmem>> -> memref<128xi32, #tpu.memory_space<vmem>>
      %dma_wait3A_478 = arith.constant 0 : i32
      %dma_wait3A_479 = arith.constant 0 : i32
      %dma_wait3A_480 = tpu.memref_slice %arg2[%dma_wait3A_478, %dma_wait3A_479] : memref<10240x16xf32, #tpu.memory_space<hbm>> -> memref<10240x16xf32, #tpu.memory_space<hbm>>
      %dma_wait3A_481 = tpu.memref_slice %arg10[%dma_wait3A_470] : memref<13x!tpu.dma_semaphore, #tpu.memory_space<semaphore_mem>> -> memref<1x!tpu.dma_semaphore, #tpu.memory_space<semaphore_mem>>
      %dma_wait3A_482 = tpu.memref_squeeze %dma_wait3A_481 : memref<1x!tpu.dma_semaphore, #tpu.memory_space<semaphore_mem>> -> memref<!tpu.dma_semaphore, #tpu.memory_space<semaphore_mem>>
      tpu.wait_indirect_dma semaphore(%dma_wait3A_482 : memref<!tpu.dma_semaphore, #tpu.memory_space<semaphore_mem>>) src(%dma_wait3A_480 : memref<10240x16xf32, #tpu.memory_space<hbm>>) dst(%dma_wait3A_474 : memref<128x16xf32, #tpu.memory_space<vmem>>)
      %dma_start3A_483 = arith.constant 5 : i32
      %dma_start3A_484 = arith.constant 5 : i32
      %dma_start3A_485 = arith.constant 0 : i32
      %dma_start3A_486 = arith.constant 0 : i32
      %dma_start3A_487 = tpu.memref_slice %arg8[%dma_start3A_483, %dma_start3A_485, %dma_start3A_486] : memref<13x128x16xf32, #tpu.memory_space<vmem>> -> memref<1x128x16xf32, #tpu.memory_space<vmem>>
      %dma_start3A_488 = tpu.memref_squeeze %dma_start3A_487 : memref<1x128x16xf32, #tpu.memory_space<vmem>> -> memref<128x16xf32, #tpu.memory_space<vmem>>
      %dma_start3A_489 = arith.constant 0 : i32
      %dma_start3A_490 = tpu.memref_slice %arg7[%add3A_468, %dma_start3A_489] : memref<79x128xi32, #tpu.memory_space<vmem>> -> memref<1x128xi32, #tpu.memory_space<vmem>>
      %dma_start3A_491 = tpu.memref_squeeze %dma_start3A_490 : memref<1x128xi32, #tpu.memory_space<vmem>> -> memref<128xi32, #tpu.memory_space<vmem>>
      %dma_start3A_492 = arith.constant 0 : i32
      %dma_start3A_493 = arith.constant 0 : i32
      %dma_start3A_494 = tpu.memref_slice %arg12[%dma_start3A_492, %dma_start3A_493] : memref<10240x16xf32, #tpu.memory_space<vmem_shared>> -> memref<10240x16xf32, #tpu.memory_space<vmem_shared>>
      %dma_start3A_495 = tpu.memref_slice %arg11[%dma_start3A_484] : memref<13x!tpu.dma_semaphore, #tpu.memory_space<semaphore_mem>> -> memref<1x!tpu.dma_semaphore, #tpu.memory_space<semaphore_mem>>
      %dma_start3A_496 = tpu.memref_squeeze %dma_start3A_495 : memref<1x!tpu.dma_semaphore, #tpu.memory_space<semaphore_mem>> -> memref<!tpu.dma_semaphore, #tpu.memory_space<semaphore_mem>>
      tpu.enqueue_indirect_dma source(%dma_start3A_488 : memref<128x16xf32, #tpu.memory_space<vmem>>) target(%dma_start3A_494 : memref<10240x16xf32, #tpu.memory_space<vmem_shared>>) offsets(%dma_start3A_491 : memref<128xi32, #tpu.memory_space<vmem>>) semaphore(%dma_start3A_496 : memref<!tpu.dma_semaphore, #tpu.memory_space<semaphore_mem>>) {add = true}
      %sub3A_497 = arith.constant 1 : i32
      %sub3A_498 = arith.subi %add3A_468, %sub3A_497 : i32
      %ge3A_499 = arith.constant 0 : i32
      %ge3A_500 = arith.cmpi sge, %sub3A_498, %ge3A_499 : i32
      %convert_element_type3A_501 = arith.extui %ge3A_500 : i1 to i32
      %cond3A_502 = arith.constant 0 : i32
      %cond3A_503 = arith.cmpi ne, %convert_element_type3A_501, %cond3A_502 : i32
      scf.if %cond3A_503 {
        %dma_wait3A_777 = arith.constant 4 : i32
        %dma_wait3A_778 = arith.constant 4 : i32
        %dma_wait3A_779 = arith.constant 0 : i32
        %dma_wait3A_780 = arith.constant 0 : i32
        %dma_wait3A_781 = tpu.memref_slice %arg8[%dma_wait3A_777, %dma_wait3A_779, %dma_wait3A_780] : memref<13x128x16xf32, #tpu.memory_space<vmem>> -> memref<1x128x16xf32, #tpu.memory_space<vmem>>
        %dma_wait3A_782 = tpu.memref_squeeze %dma_wait3A_781 : memref<1x128x16xf32, #tpu.memory_space<vmem>> -> memref<128x16xf32, #tpu.memory_space<vmem>>
        %dma_wait3A_783 = arith.constant 0 : i32
        %dma_wait3A_784 = tpu.memref_slice %arg7[%sub3A_498, %dma_wait3A_783] : memref<79x128xi32, #tpu.memory_space<vmem>> -> memref<1x128xi32, #tpu.memory_space<vmem>>
        %dma_wait3A_785 = tpu.memref_squeeze %dma_wait3A_784 : memref<1x128xi32, #tpu.memory_space<vmem>> -> memref<128xi32, #tpu.memory_space<vmem>>
        %dma_wait3A_786 = arith.constant 0 : i32
        %dma_wait3A_787 = arith.constant 0 : i32
        %dma_wait3A_788 = tpu.memref_slice %arg12[%dma_wait3A_786, %dma_wait3A_787] : memref<10240x16xf32, #tpu.memory_space<vmem_shared>> -> memref<10240x16xf32, #tpu.memory_space<vmem_shared>>
        %dma_wait3A_789 = tpu.memref_slice %arg11[%dma_wait3A_778] : memref<13x!tpu.dma_semaphore, #tpu.memory_space<semaphore_mem>> -> memref<1x!tpu.dma_semaphore, #tpu.memory_space<semaphore_mem>>
        %dma_wait3A_790 = tpu.memref_squeeze %dma_wait3A_789 : memref<1x!tpu.dma_semaphore, #tpu.memory_space<semaphore_mem>> -> memref<!tpu.dma_semaphore, #tpu.memory_space<semaphore_mem>>
        tpu.wait_indirect_dma semaphore(%dma_wait3A_790 : memref<!tpu.dma_semaphore, #tpu.memory_space<semaphore_mem>>) src(%dma_wait3A_782 : memref<128x16xf32, #tpu.memory_space<vmem>>) dst(%dma_wait3A_788 : memref<10240x16xf32, #tpu.memory_space<vmem_shared>>)
        %add3A_791 = arith.constant 13 : i32
        %add3A_792 = arith.addi %sub3A_498, %add3A_791 : i32
        %lt3A_793 = arith.constant 78 : i32
        %lt3A_794 = arith.cmpi slt, %add3A_792, %lt3A_793 : i32
        %convert_element_type3A_795 = arith.extui %lt3A_794 : i1 to i32
        %cond3A_796 = arith.constant 0 : i32
        %cond3A_797 = arith.cmpi ne, %convert_element_type3A_795, %cond3A_796 : i32
        scf.if %cond3A_797 {
          %dma_start3A_798 = arith.constant 4 : i32
          %dma_start3A_799 = arith.constant 4 : i32
          %dma_start3A_800 = arith.constant 0 : i32
          %dma_start3A_801 = arith.constant 0 : i32
          %dma_start3A_802 = tpu.memref_slice %arg8[%dma_start3A_798, %dma_start3A_800, %dma_start3A_801] : memref<13x128x16xf32, #tpu.memory_space<vmem>> -> memref<1x128x16xf32, #tpu.memory_space<vmem>>
          %dma_start3A_803 = tpu.memref_squeeze %dma_start3A_802 : memref<1x128x16xf32, #tpu.memory_space<vmem>> -> memref<128x16xf32, #tpu.memory_space<vmem>>
          %dma_start3A_804 = arith.constant 0 : i32
          %dma_start3A_805 = tpu.memref_slice %arg6[%add3A_792, %dma_start3A_804] : memref<79x128xi32, #tpu.memory_space<vmem>> -> memref<1x128xi32, #tpu.memory_space<vmem>>
          %dma_start3A_806 = tpu.memref_squeeze %dma_start3A_805 : memref<1x128xi32, #tpu.memory_space<vmem>> -> memref<128xi32, #tpu.memory_space<vmem>>
          %dma_start3A_807 = arith.constant 0 : i32
          %dma_start3A_808 = arith.constant 0 : i32
          %dma_start3A_809 = tpu.memref_slice %arg2[%dma_start3A_807, %dma_start3A_808] : memref<10240x16xf32, #tpu.memory_space<hbm>> -> memref<10240x16xf32, #tpu.memory_space<hbm>>
          %dma_start3A_810 = tpu.memref_slice %arg10[%dma_start3A_799] : memref<13x!tpu.dma_semaphore, #tpu.memory_space<semaphore_mem>> -> memref<1x!tpu.dma_semaphore, #tpu.memory_space<semaphore_mem>>
          %dma_start3A_811 = tpu.memref_squeeze %dma_start3A_810 : memref<1x!tpu.dma_semaphore, #tpu.memory_space<semaphore_mem>> -> memref<!tpu.dma_semaphore, #tpu.memory_space<semaphore_mem>>
          tpu.enqueue_indirect_dma source(%dma_start3A_809 : memref<10240x16xf32, #tpu.memory_space<hbm>>) target(%dma_start3A_803 : memref<128x16xf32, #tpu.memory_space<vmem>>) offsets(%dma_start3A_806 : memref<128xi32, #tpu.memory_space<vmem>>) semaphore(%dma_start3A_811 : memref<!tpu.dma_semaphore, #tpu.memory_space<semaphore_mem>>)
        } else {
        }
      } else {
      }
      %mul3A_504 = arith.constant 13 : i32
      %mul3A_505 = arith.muli %scan3A_271, %mul3A_504 : i32
      %add3A_506 = arith.constant 6 : i32
      %add3A_507 = arith.addi %mul3A_505, %add3A_506 : i32
      %dma_wait3A_508 = arith.constant 6 : i32
      %dma_wait3A_509 = arith.constant 6 : i32
      %dma_wait3A_510 = arith.constant 0 : i32
      %dma_wait3A_511 = arith.constant 0 : i32
      %dma_wait3A_512 = tpu.memref_slice %arg8[%dma_wait3A_508, %dma_wait3A_510, %dma_wait3A_511] : memref<13x128x16xf32, #tpu.memory_space<vmem>> -> memref<1x128x16xf32, #tpu.memory_space<vmem>>
      %dma_wait3A_513 = tpu.memref_squeeze %dma_wait3A_512 : memref<1x128x16xf32, #tpu.memory_space<vmem>> -> memref<128x16xf32, #tpu.memory_space<vmem>>
      %dma_wait3A_514 = arith.constant 0 : i32
      %dma_wait3A_515 = tpu.memref_slice %arg6[%add3A_507, %dma_wait3A_514] : memref<79x128xi32, #tpu.memory_space<vmem>> -> memref<1x128xi32, #tpu.memory_space<vmem>>
      %dma_wait3A_516 = tpu.memref_squeeze %dma_wait3A_515 : memref<1x128xi32, #tpu.memory_space<vmem>> -> memref<128xi32, #tpu.memory_space<vmem>>
      %dma_wait3A_517 = arith.constant 0 : i32
      %dma_wait3A_518 = arith.constant 0 : i32
      %dma_wait3A_519 = tpu.memref_slice %arg2[%dma_wait3A_517, %dma_wait3A_518] : memref<10240x16xf32, #tpu.memory_space<hbm>> -> memref<10240x16xf32, #tpu.memory_space<hbm>>
      %dma_wait3A_520 = tpu.memref_slice %arg10[%dma_wait3A_509] : memref<13x!tpu.dma_semaphore, #tpu.memory_space<semaphore_mem>> -> memref<1x!tpu.dma_semaphore, #tpu.memory_space<semaphore_mem>>
      %dma_wait3A_521 = tpu.memref_squeeze %dma_wait3A_520 : memref<1x!tpu.dma_semaphore, #tpu.memory_space<semaphore_mem>> -> memref<!tpu.dma_semaphore, #tpu.memory_space<semaphore_mem>>
      tpu.wait_indirect_dma semaphore(%dma_wait3A_521 : memref<!tpu.dma_semaphore, #tpu.memory_space<semaphore_mem>>) src(%dma_wait3A_519 : memref<10240x16xf32, #tpu.memory_space<hbm>>) dst(%dma_wait3A_513 : memref<128x16xf32, #tpu.memory_space<vmem>>)
      %dma_start3A_522 = arith.constant 6 : i32
      %dma_start3A_523 = arith.constant 6 : i32
      %dma_start3A_524 = arith.constant 0 : i32
      %dma_start3A_525 = arith.constant 0 : i32
      %dma_start3A_526 = tpu.memref_slice %arg8[%dma_start3A_522, %dma_start3A_524, %dma_start3A_525] : memref<13x128x16xf32, #tpu.memory_space<vmem>> -> memref<1x128x16xf32, #tpu.memory_space<vmem>>
      %dma_start3A_527 = tpu.memref_squeeze %dma_start3A_526 : memref<1x128x16xf32, #tpu.memory_space<vmem>> -> memref<128x16xf32, #tpu.memory_space<vmem>>
      %dma_start3A_528 = arith.constant 0 : i32
      %dma_start3A_529 = tpu.memref_slice %arg7[%add3A_507, %dma_start3A_528] : memref<79x128xi32, #tpu.memory_space<vmem>> -> memref<1x128xi32, #tpu.memory_space<vmem>>
      %dma_start3A_530 = tpu.memref_squeeze %dma_start3A_529 : memref<1x128xi32, #tpu.memory_space<vmem>> -> memref<128xi32, #tpu.memory_space<vmem>>
      %dma_start3A_531 = arith.constant 0 : i32
      %dma_start3A_532 = arith.constant 0 : i32
      %dma_start3A_533 = tpu.memref_slice %arg12[%dma_start3A_531, %dma_start3A_532] : memref<10240x16xf32, #tpu.memory_space<vmem_shared>> -> memref<10240x16xf32, #tpu.memory_space<vmem_shared>>
      %dma_start3A_534 = tpu.memref_slice %arg11[%dma_start3A_523] : memref<13x!tpu.dma_semaphore, #tpu.memory_space<semaphore_mem>> -> memref<1x!tpu.dma_semaphore, #tpu.memory_space<semaphore_mem>>
      %dma_start3A_535 = tpu.memref_squeeze %dma_start3A_534 : memref<1x!tpu.dma_semaphore, #tpu.memory_space<semaphore_mem>> -> memref<!tpu.dma_semaphore, #tpu.memory_space<semaphore_mem>>
      tpu.enqueue_indirect_dma source(%dma_start3A_527 : memref<128x16xf32, #tpu.memory_space<vmem>>) target(%dma_start3A_533 : memref<10240x16xf32, #tpu.memory_space<vmem_shared>>) offsets(%dma_start3A_530 : memref<128xi32, #tpu.memory_space<vmem>>) semaphore(%dma_start3A_535 : memref<!tpu.dma_semaphore, #tpu.memory_space<semaphore_mem>>) {add = true}
      %sub3A_536 = arith.constant 1 : i32
      %sub3A_537 = arith.subi %add3A_507, %sub3A_536 : i32
      %ge3A_538 = arith.constant 0 : i32
      %ge3A_539 = arith.cmpi sge, %sub3A_537, %ge3A_538 : i32
      %convert_element_type3A_540 = arith.extui %ge3A_539 : i1 to i32
      %cond3A_541 = arith.constant 0 : i32
      %cond3A_542 = arith.cmpi ne, %convert_element_type3A_540, %cond3A_541 : i32
      scf.if %cond3A_542 {
        %dma_wait3A_777 = arith.constant 5 : i32
        %dma_wait3A_778 = arith.constant 5 : i32
        %dma_wait3A_779 = arith.constant 0 : i32
        %dma_wait3A_780 = arith.constant 0 : i32
        %dma_wait3A_781 = tpu.memref_slice %arg8[%dma_wait3A_777, %dma_wait3A_779, %dma_wait3A_780] : memref<13x128x16xf32, #tpu.memory_space<vmem>> -> memref<1x128x16xf32, #tpu.memory_space<vmem>>
        %dma_wait3A_782 = tpu.memref_squeeze %dma_wait3A_781 : memref<1x128x16xf32, #tpu.memory_space<vmem>> -> memref<128x16xf32, #tpu.memory_space<vmem>>
        %dma_wait3A_783 = arith.constant 0 : i32
        %dma_wait3A_784 = tpu.memref_slice %arg7[%sub3A_537, %dma_wait3A_783] : memref<79x128xi32, #tpu.memory_space<vmem>> -> memref<1x128xi32, #tpu.memory_space<vmem>>
        %dma_wait3A_785 = tpu.memref_squeeze %dma_wait3A_784 : memref<1x128xi32, #tpu.memory_space<vmem>> -> memref<128xi32, #tpu.memory_space<vmem>>
        %dma_wait3A_786 = arith.constant 0 : i32
        %dma_wait3A_787 = arith.constant 0 : i32
        %dma_wait3A_788 = tpu.memref_slice %arg12[%dma_wait3A_786, %dma_wait3A_787] : memref<10240x16xf32, #tpu.memory_space<vmem_shared>> -> memref<10240x16xf32, #tpu.memory_space<vmem_shared>>
        %dma_wait3A_789 = tpu.memref_slice %arg11[%dma_wait3A_778] : memref<13x!tpu.dma_semaphore, #tpu.memory_space<semaphore_mem>> -> memref<1x!tpu.dma_semaphore, #tpu.memory_space<semaphore_mem>>
        %dma_wait3A_790 = tpu.memref_squeeze %dma_wait3A_789 : memref<1x!tpu.dma_semaphore, #tpu.memory_space<semaphore_mem>> -> memref<!tpu.dma_semaphore, #tpu.memory_space<semaphore_mem>>
        tpu.wait_indirect_dma semaphore(%dma_wait3A_790 : memref<!tpu.dma_semaphore, #tpu.memory_space<semaphore_mem>>) src(%dma_wait3A_782 : memref<128x16xf32, #tpu.memory_space<vmem>>) dst(%dma_wait3A_788 : memref<10240x16xf32, #tpu.memory_space<vmem_shared>>)
        %add3A_791 = arith.constant 13 : i32
        %add3A_792 = arith.addi %sub3A_537, %add3A_791 : i32
        %lt3A_793 = arith.constant 78 : i32
        %lt3A_794 = arith.cmpi slt, %add3A_792, %lt3A_793 : i32
        %convert_element_type3A_795 = arith.extui %lt3A_794 : i1 to i32
        %cond3A_796 = arith.constant 0 : i32
        %cond3A_797 = arith.cmpi ne, %convert_element_type3A_795, %cond3A_796 : i32
        scf.if %cond3A_797 {
          %dma_start3A_798 = arith.constant 5 : i32
          %dma_start3A_799 = arith.constant 5 : i32
          %dma_start3A_800 = arith.constant 0 : i32
          %dma_start3A_801 = arith.constant 0 : i32
          %dma_start3A_802 = tpu.memref_slice %arg8[%dma_start3A_798, %dma_start3A_800, %dma_start3A_801] : memref<13x128x16xf32, #tpu.memory_space<vmem>> -> memref<1x128x16xf32, #tpu.memory_space<vmem>>
          %dma_start3A_803 = tpu.memref_squeeze %dma_start3A_802 : memref<1x128x16xf32, #tpu.memory_space<vmem>> -> memref<128x16xf32, #tpu.memory_space<vmem>>
          %dma_start3A_804 = arith.constant 0 : i32
          %dma_start3A_805 = tpu.memref_slice %arg6[%add3A_792, %dma_start3A_804] : memref<79x128xi32, #tpu.memory_space<vmem>> -> memref<1x128xi32, #tpu.memory_space<vmem>>
          %dma_start3A_806 = tpu.memref_squeeze %dma_start3A_805 : memref<1x128xi32, #tpu.memory_space<vmem>> -> memref<128xi32, #tpu.memory_space<vmem>>
          %dma_start3A_807 = arith.constant 0 : i32
          %dma_start3A_808 = arith.constant 0 : i32
          %dma_start3A_809 = tpu.memref_slice %arg2[%dma_start3A_807, %dma_start3A_808] : memref<10240x16xf32, #tpu.memory_space<hbm>> -> memref<10240x16xf32, #tpu.memory_space<hbm>>
          %dma_start3A_810 = tpu.memref_slice %arg10[%dma_start3A_799] : memref<13x!tpu.dma_semaphore, #tpu.memory_space<semaphore_mem>> -> memref<1x!tpu.dma_semaphore, #tpu.memory_space<semaphore_mem>>
          %dma_start3A_811 = tpu.memref_squeeze %dma_start3A_810 : memref<1x!tpu.dma_semaphore, #tpu.memory_space<semaphore_mem>> -> memref<!tpu.dma_semaphore, #tpu.memory_space<semaphore_mem>>
          tpu.enqueue_indirect_dma source(%dma_start3A_809 : memref<10240x16xf32, #tpu.memory_space<hbm>>) target(%dma_start3A_803 : memref<128x16xf32, #tpu.memory_space<vmem>>) offsets(%dma_start3A_806 : memref<128xi32, #tpu.memory_space<vmem>>) semaphore(%dma_start3A_811 : memref<!tpu.dma_semaphore, #tpu.memory_space<semaphore_mem>>)
        } else {
        }
      } else {
      }
      %mul3A_543 = arith.constant 13 : i32
      %mul3A_544 = arith.muli %scan3A_271, %mul3A_543 : i32
      %add3A_545 = arith.constant 7 : i32
      %add3A_546 = arith.addi %mul3A_544, %add3A_545 : i32
      %dma_wait3A_547 = arith.constant 7 : i32
      %dma_wait3A_548 = arith.constant 7 : i32
      %dma_wait3A_549 = arith.constant 0 : i32
      %dma_wait3A_550 = arith.constant 0 : i32
      %dma_wait3A_551 = tpu.memref_slice %arg8[%dma_wait3A_547, %dma_wait3A_549, %dma_wait3A_550] : memref<13x128x16xf32, #tpu.memory_space<vmem>> -> memref<1x128x16xf32, #tpu.memory_space<vmem>>
      %dma_wait3A_552 = tpu.memref_squeeze %dma_wait3A_551 : memref<1x128x16xf32, #tpu.memory_space<vmem>> -> memref<128x16xf32, #tpu.memory_space<vmem>>
      %dma_wait3A_553 = arith.constant 0 : i32
      %dma_wait3A_554 = tpu.memref_slice %arg6[%add3A_546, %dma_wait3A_553] : memref<79x128xi32, #tpu.memory_space<vmem>> -> memref<1x128xi32, #tpu.memory_space<vmem>>
      %dma_wait3A_555 = tpu.memref_squeeze %dma_wait3A_554 : memref<1x128xi32, #tpu.memory_space<vmem>> -> memref<128xi32, #tpu.memory_space<vmem>>
      %dma_wait3A_556 = arith.constant 0 : i32
      %dma_wait3A_557 = arith.constant 0 : i32
      %dma_wait3A_558 = tpu.memref_slice %arg2[%dma_wait3A_556, %dma_wait3A_557] : memref<10240x16xf32, #tpu.memory_space<hbm>> -> memref<10240x16xf32, #tpu.memory_space<hbm>>
      %dma_wait3A_559 = tpu.memref_slice %arg10[%dma_wait3A_548] : memref<13x!tpu.dma_semaphore, #tpu.memory_space<semaphore_mem>> -> memref<1x!tpu.dma_semaphore, #tpu.memory_space<semaphore_mem>>
      %dma_wait3A_560 = tpu.memref_squeeze %dma_wait3A_559 : memref<1x!tpu.dma_semaphore, #tpu.memory_space<semaphore_mem>> -> memref<!tpu.dma_semaphore, #tpu.memory_space<semaphore_mem>>
      tpu.wait_indirect_dma semaphore(%dma_wait3A_560 : memref<!tpu.dma_semaphore, #tpu.memory_space<semaphore_mem>>) src(%dma_wait3A_558 : memref<10240x16xf32, #tpu.memory_space<hbm>>) dst(%dma_wait3A_552 : memref<128x16xf32, #tpu.memory_space<vmem>>)
      %dma_start3A_561 = arith.constant 7 : i32
      %dma_start3A_562 = arith.constant 7 : i32
      %dma_start3A_563 = arith.constant 0 : i32
      %dma_start3A_564 = arith.constant 0 : i32
      %dma_start3A_565 = tpu.memref_slice %arg8[%dma_start3A_561, %dma_start3A_563, %dma_start3A_564] : memref<13x128x16xf32, #tpu.memory_space<vmem>> -> memref<1x128x16xf32, #tpu.memory_space<vmem>>
      %dma_start3A_566 = tpu.memref_squeeze %dma_start3A_565 : memref<1x128x16xf32, #tpu.memory_space<vmem>> -> memref<128x16xf32, #tpu.memory_space<vmem>>
      %dma_start3A_567 = arith.constant 0 : i32
      %dma_start3A_568 = tpu.memref_slice %arg7[%add3A_546, %dma_start3A_567] : memref<79x128xi32, #tpu.memory_space<vmem>> -> memref<1x128xi32, #tpu.memory_space<vmem>>
      %dma_start3A_569 = tpu.memref_squeeze %dma_start3A_568 : memref<1x128xi32, #tpu.memory_space<vmem>> -> memref<128xi32, #tpu.memory_space<vmem>>
      %dma_start3A_570 = arith.constant 0 : i32
      %dma_start3A_571 = arith.constant 0 : i32
      %dma_start3A_572 = tpu.memref_slice %arg12[%dma_start3A_570, %dma_start3A_571] : memref<10240x16xf32, #tpu.memory_space<vmem_shared>> -> memref<10240x16xf32, #tpu.memory_space<vmem_shared>>
      %dma_start3A_573 = tpu.memref_slice %arg11[%dma_start3A_562] : memref<13x!tpu.dma_semaphore, #tpu.memory_space<semaphore_mem>> -> memref<1x!tpu.dma_semaphore, #tpu.memory_space<semaphore_mem>>
      %dma_start3A_574 = tpu.memref_squeeze %dma_start3A_573 : memref<1x!tpu.dma_semaphore, #tpu.memory_space<semaphore_mem>> -> memref<!tpu.dma_semaphore, #tpu.memory_space<semaphore_mem>>
      tpu.enqueue_indirect_dma source(%dma_start3A_566 : memref<128x16xf32, #tpu.memory_space<vmem>>) target(%dma_start3A_572 : memref<10240x16xf32, #tpu.memory_space<vmem_shared>>) offsets(%dma_start3A_569 : memref<128xi32, #tpu.memory_space<vmem>>) semaphore(%dma_start3A_574 : memref<!tpu.dma_semaphore, #tpu.memory_space<semaphore_mem>>) {add = true}
      %sub3A_575 = arith.constant 1 : i32
      %sub3A_576 = arith.subi %add3A_546, %sub3A_575 : i32
      %ge3A_577 = arith.constant 0 : i32
      %ge3A_578 = arith.cmpi sge, %sub3A_576, %ge3A_577 : i32
      %convert_element_type3A_579 = arith.extui %ge3A_578 : i1 to i32
      %cond3A_580 = arith.constant 0 : i32
      %cond3A_581 = arith.cmpi ne, %convert_element_type3A_579, %cond3A_580 : i32
      scf.if %cond3A_581 {
        %dma_wait3A_777 = arith.constant 6 : i32
        %dma_wait3A_778 = arith.constant 6 : i32
        %dma_wait3A_779 = arith.constant 0 : i32
        %dma_wait3A_780 = arith.constant 0 : i32
        %dma_wait3A_781 = tpu.memref_slice %arg8[%dma_wait3A_777, %dma_wait3A_779, %dma_wait3A_780] : memref<13x128x16xf32, #tpu.memory_space<vmem>> -> memref<1x128x16xf32, #tpu.memory_space<vmem>>
        %dma_wait3A_782 = tpu.memref_squeeze %dma_wait3A_781 : memref<1x128x16xf32, #tpu.memory_space<vmem>> -> memref<128x16xf32, #tpu.memory_space<vmem>>
        %dma_wait3A_783 = arith.constant 0 : i32
        %dma_wait3A_784 = tpu.memref_slice %arg7[%sub3A_576, %dma_wait3A_783] : memref<79x128xi32, #tpu.memory_space<vmem>> -> memref<1x128xi32, #tpu.memory_space<vmem>>
        %dma_wait3A_785 = tpu.memref_squeeze %dma_wait3A_784 : memref<1x128xi32, #tpu.memory_space<vmem>> -> memref<128xi32, #tpu.memory_space<vmem>>
        %dma_wait3A_786 = arith.constant 0 : i32
        %dma_wait3A_787 = arith.constant 0 : i32
        %dma_wait3A_788 = tpu.memref_slice %arg12[%dma_wait3A_786, %dma_wait3A_787] : memref<10240x16xf32, #tpu.memory_space<vmem_shared>> -> memref<10240x16xf32, #tpu.memory_space<vmem_shared>>
        %dma_wait3A_789 = tpu.memref_slice %arg11[%dma_wait3A_778] : memref<13x!tpu.dma_semaphore, #tpu.memory_space<semaphore_mem>> -> memref<1x!tpu.dma_semaphore, #tpu.memory_space<semaphore_mem>>
        %dma_wait3A_790 = tpu.memref_squeeze %dma_wait3A_789 : memref<1x!tpu.dma_semaphore, #tpu.memory_space<semaphore_mem>> -> memref<!tpu.dma_semaphore, #tpu.memory_space<semaphore_mem>>
        tpu.wait_indirect_dma semaphore(%dma_wait3A_790 : memref<!tpu.dma_semaphore, #tpu.memory_space<semaphore_mem>>) src(%dma_wait3A_782 : memref<128x16xf32, #tpu.memory_space<vmem>>) dst(%dma_wait3A_788 : memref<10240x16xf32, #tpu.memory_space<vmem_shared>>)
        %add3A_791 = arith.constant 13 : i32
        %add3A_792 = arith.addi %sub3A_576, %add3A_791 : i32
        %lt3A_793 = arith.constant 78 : i32
        %lt3A_794 = arith.cmpi slt, %add3A_792, %lt3A_793 : i32
        %convert_element_type3A_795 = arith.extui %lt3A_794 : i1 to i32
        %cond3A_796 = arith.constant 0 : i32
        %cond3A_797 = arith.cmpi ne, %convert_element_type3A_795, %cond3A_796 : i32
        scf.if %cond3A_797 {
          %dma_start3A_798 = arith.constant 6 : i32
          %dma_start3A_799 = arith.constant 6 : i32
          %dma_start3A_800 = arith.constant 0 : i32
          %dma_start3A_801 = arith.constant 0 : i32
          %dma_start3A_802 = tpu.memref_slice %arg8[%dma_start3A_798, %dma_start3A_800, %dma_start3A_801] : memref<13x128x16xf32, #tpu.memory_space<vmem>> -> memref<1x128x16xf32, #tpu.memory_space<vmem>>
          %dma_start3A_803 = tpu.memref_squeeze %dma_start3A_802 : memref<1x128x16xf32, #tpu.memory_space<vmem>> -> memref<128x16xf32, #tpu.memory_space<vmem>>
          %dma_start3A_804 = arith.constant 0 : i32
          %dma_start3A_805 = tpu.memref_slice %arg6[%add3A_792, %dma_start3A_804] : memref<79x128xi32, #tpu.memory_space<vmem>> -> memref<1x128xi32, #tpu.memory_space<vmem>>
          %dma_start3A_806 = tpu.memref_squeeze %dma_start3A_805 : memref<1x128xi32, #tpu.memory_space<vmem>> -> memref<128xi32, #tpu.memory_space<vmem>>
          %dma_start3A_807 = arith.constant 0 : i32
          %dma_start3A_808 = arith.constant 0 : i32
          %dma_start3A_809 = tpu.memref_slice %arg2[%dma_start3A_807, %dma_start3A_808] : memref<10240x16xf32, #tpu.memory_space<hbm>> -> memref<10240x16xf32, #tpu.memory_space<hbm>>
          %dma_start3A_810 = tpu.memref_slice %arg10[%dma_start3A_799] : memref<13x!tpu.dma_semaphore, #tpu.memory_space<semaphore_mem>> -> memref<1x!tpu.dma_semaphore, #tpu.memory_space<semaphore_mem>>
          %dma_start3A_811 = tpu.memref_squeeze %dma_start3A_810 : memref<1x!tpu.dma_semaphore, #tpu.memory_space<semaphore_mem>> -> memref<!tpu.dma_semaphore, #tpu.memory_space<semaphore_mem>>
          tpu.enqueue_indirect_dma source(%dma_start3A_809 : memref<10240x16xf32, #tpu.memory_space<hbm>>) target(%dma_start3A_803 : memref<128x16xf32, #tpu.memory_space<vmem>>) offsets(%dma_start3A_806 : memref<128xi32, #tpu.memory_space<vmem>>) semaphore(%dma_start3A_811 : memref<!tpu.dma_semaphore, #tpu.memory_space<semaphore_mem>>)
        } else {
        }
      } else {
      }
      %mul3A_582 = arith.constant 13 : i32
      %mul3A_583 = arith.muli %scan3A_271, %mul3A_582 : i32
      %add3A_584 = arith.constant 8 : i32
      %add3A_585 = arith.addi %mul3A_583, %add3A_584 : i32
      %dma_wait3A_586 = arith.constant 8 : i32
      %dma_wait3A_587 = arith.constant 8 : i32
      %dma_wait3A_588 = arith.constant 0 : i32
      %dma_wait3A_589 = arith.constant 0 : i32
      %dma_wait3A_590 = tpu.memref_slice %arg8[%dma_wait3A_586, %dma_wait3A_588, %dma_wait3A_589] : memref<13x128x16xf32, #tpu.memory_space<vmem>> -> memref<1x128x16xf32, #tpu.memory_space<vmem>>
      %dma_wait3A_591 = tpu.memref_squeeze %dma_wait3A_590 : memref<1x128x16xf32, #tpu.memory_space<vmem>> -> memref<128x16xf32, #tpu.memory_space<vmem>>
      %dma_wait3A_592 = arith.constant 0 : i32
      %dma_wait3A_593 = tpu.memref_slice %arg6[%add3A_585, %dma_wait3A_592] : memref<79x128xi32, #tpu.memory_space<vmem>> -> memref<1x128xi32, #tpu.memory_space<vmem>>
      %dma_wait3A_594 = tpu.memref_squeeze %dma_wait3A_593 : memref<1x128xi32, #tpu.memory_space<vmem>> -> memref<128xi32, #tpu.memory_space<vmem>>
      %dma_wait3A_595 = arith.constant 0 : i32
      %dma_wait3A_596 = arith.constant 0 : i32
      %dma_wait3A_597 = tpu.memref_slice %arg2[%dma_wait3A_595, %dma_wait3A_596] : memref<10240x16xf32, #tpu.memory_space<hbm>> -> memref<10240x16xf32, #tpu.memory_space<hbm>>
      %dma_wait3A_598 = tpu.memref_slice %arg10[%dma_wait3A_587] : memref<13x!tpu.dma_semaphore, #tpu.memory_space<semaphore_mem>> -> memref<1x!tpu.dma_semaphore, #tpu.memory_space<semaphore_mem>>
      %dma_wait3A_599 = tpu.memref_squeeze %dma_wait3A_598 : memref<1x!tpu.dma_semaphore, #tpu.memory_space<semaphore_mem>> -> memref<!tpu.dma_semaphore, #tpu.memory_space<semaphore_mem>>
      tpu.wait_indirect_dma semaphore(%dma_wait3A_599 : memref<!tpu.dma_semaphore, #tpu.memory_space<semaphore_mem>>) src(%dma_wait3A_597 : memref<10240x16xf32, #tpu.memory_space<hbm>>) dst(%dma_wait3A_591 : memref<128x16xf32, #tpu.memory_space<vmem>>)
      %dma_start3A_600 = arith.constant 8 : i32
      %dma_start3A_601 = arith.constant 8 : i32
      %dma_start3A_602 = arith.constant 0 : i32
      %dma_start3A_603 = arith.constant 0 : i32
      %dma_start3A_604 = tpu.memref_slice %arg8[%dma_start3A_600, %dma_start3A_602, %dma_start3A_603] : memref<13x128x16xf32, #tpu.memory_space<vmem>> -> memref<1x128x16xf32, #tpu.memory_space<vmem>>
      %dma_start3A_605 = tpu.memref_squeeze %dma_start3A_604 : memref<1x128x16xf32, #tpu.memory_space<vmem>> -> memref<128x16xf32, #tpu.memory_space<vmem>>
      %dma_start3A_606 = arith.constant 0 : i32
      %dma_start3A_607 = tpu.memref_slice %arg7[%add3A_585, %dma_start3A_606] : memref<79x128xi32, #tpu.memory_space<vmem>> -> memref<1x128xi32, #tpu.memory_space<vmem>>
      %dma_start3A_608 = tpu.memref_squeeze %dma_start3A_607 : memref<1x128xi32, #tpu.memory_space<vmem>> -> memref<128xi32, #tpu.memory_space<vmem>>
      %dma_start3A_609 = arith.constant 0 : i32
      %dma_start3A_610 = arith.constant 0 : i32
      %dma_start3A_611 = tpu.memref_slice %arg12[%dma_start3A_609, %dma_start3A_610] : memref<10240x16xf32, #tpu.memory_space<vmem_shared>> -> memref<10240x16xf32, #tpu.memory_space<vmem_shared>>
      %dma_start3A_612 = tpu.memref_slice %arg11[%dma_start3A_601] : memref<13x!tpu.dma_semaphore, #tpu.memory_space<semaphore_mem>> -> memref<1x!tpu.dma_semaphore, #tpu.memory_space<semaphore_mem>>
      %dma_start3A_613 = tpu.memref_squeeze %dma_start3A_612 : memref<1x!tpu.dma_semaphore, #tpu.memory_space<semaphore_mem>> -> memref<!tpu.dma_semaphore, #tpu.memory_space<semaphore_mem>>
      tpu.enqueue_indirect_dma source(%dma_start3A_605 : memref<128x16xf32, #tpu.memory_space<vmem>>) target(%dma_start3A_611 : memref<10240x16xf32, #tpu.memory_space<vmem_shared>>) offsets(%dma_start3A_608 : memref<128xi32, #tpu.memory_space<vmem>>) semaphore(%dma_start3A_613 : memref<!tpu.dma_semaphore, #tpu.memory_space<semaphore_mem>>) {add = true}
      %sub3A_614 = arith.constant 1 : i32
      %sub3A_615 = arith.subi %add3A_585, %sub3A_614 : i32
      %ge3A_616 = arith.constant 0 : i32
      %ge3A_617 = arith.cmpi sge, %sub3A_615, %ge3A_616 : i32
      %convert_element_type3A_618 = arith.extui %ge3A_617 : i1 to i32
      %cond3A_619 = arith.constant 0 : i32
      %cond3A_620 = arith.cmpi ne, %convert_element_type3A_618, %cond3A_619 : i32
      scf.if %cond3A_620 {
        %dma_wait3A_777 = arith.constant 7 : i32
        %dma_wait3A_778 = arith.constant 7 : i32
        %dma_wait3A_779 = arith.constant 0 : i32
        %dma_wait3A_780 = arith.constant 0 : i32
        %dma_wait3A_781 = tpu.memref_slice %arg8[%dma_wait3A_777, %dma_wait3A_779, %dma_wait3A_780] : memref<13x128x16xf32, #tpu.memory_space<vmem>> -> memref<1x128x16xf32, #tpu.memory_space<vmem>>
        %dma_wait3A_782 = tpu.memref_squeeze %dma_wait3A_781 : memref<1x128x16xf32, #tpu.memory_space<vmem>> -> memref<128x16xf32, #tpu.memory_space<vmem>>
        %dma_wait3A_783 = arith.constant 0 : i32
        %dma_wait3A_784 = tpu.memref_slice %arg7[%sub3A_615, %dma_wait3A_783] : memref<79x128xi32, #tpu.memory_space<vmem>> -> memref<1x128xi32, #tpu.memory_space<vmem>>
        %dma_wait3A_785 = tpu.memref_squeeze %dma_wait3A_784 : memref<1x128xi32, #tpu.memory_space<vmem>> -> memref<128xi32, #tpu.memory_space<vmem>>
        %dma_wait3A_786 = arith.constant 0 : i32
        %dma_wait3A_787 = arith.constant 0 : i32
        %dma_wait3A_788 = tpu.memref_slice %arg12[%dma_wait3A_786, %dma_wait3A_787] : memref<10240x16xf32, #tpu.memory_space<vmem_shared>> -> memref<10240x16xf32, #tpu.memory_space<vmem_shared>>
        %dma_wait3A_789 = tpu.memref_slice %arg11[%dma_wait3A_778] : memref<13x!tpu.dma_semaphore, #tpu.memory_space<semaphore_mem>> -> memref<1x!tpu.dma_semaphore, #tpu.memory_space<semaphore_mem>>
        %dma_wait3A_790 = tpu.memref_squeeze %dma_wait3A_789 : memref<1x!tpu.dma_semaphore, #tpu.memory_space<semaphore_mem>> -> memref<!tpu.dma_semaphore, #tpu.memory_space<semaphore_mem>>
        tpu.wait_indirect_dma semaphore(%dma_wait3A_790 : memref<!tpu.dma_semaphore, #tpu.memory_space<semaphore_mem>>) src(%dma_wait3A_782 : memref<128x16xf32, #tpu.memory_space<vmem>>) dst(%dma_wait3A_788 : memref<10240x16xf32, #tpu.memory_space<vmem_shared>>)
        %add3A_791 = arith.constant 13 : i32
        %add3A_792 = arith.addi %sub3A_615, %add3A_791 : i32
        %lt3A_793 = arith.constant 78 : i32
        %lt3A_794 = arith.cmpi slt, %add3A_792, %lt3A_793 : i32
        %convert_element_type3A_795 = arith.extui %lt3A_794 : i1 to i32
        %cond3A_796 = arith.constant 0 : i32
        %cond3A_797 = arith.cmpi ne, %convert_element_type3A_795, %cond3A_796 : i32
        scf.if %cond3A_797 {
          %dma_start3A_798 = arith.constant 7 : i32
          %dma_start3A_799 = arith.constant 7 : i32
          %dma_start3A_800 = arith.constant 0 : i32
          %dma_start3A_801 = arith.constant 0 : i32
          %dma_start3A_802 = tpu.memref_slice %arg8[%dma_start3A_798, %dma_start3A_800, %dma_start3A_801] : memref<13x128x16xf32, #tpu.memory_space<vmem>> -> memref<1x128x16xf32, #tpu.memory_space<vmem>>
          %dma_start3A_803 = tpu.memref_squeeze %dma_start3A_802 : memref<1x128x16xf32, #tpu.memory_space<vmem>> -> memref<128x16xf32, #tpu.memory_space<vmem>>
          %dma_start3A_804 = arith.constant 0 : i32
          %dma_start3A_805 = tpu.memref_slice %arg6[%add3A_792, %dma_start3A_804] : memref<79x128xi32, #tpu.memory_space<vmem>> -> memref<1x128xi32, #tpu.memory_space<vmem>>
          %dma_start3A_806 = tpu.memref_squeeze %dma_start3A_805 : memref<1x128xi32, #tpu.memory_space<vmem>> -> memref<128xi32, #tpu.memory_space<vmem>>
          %dma_start3A_807 = arith.constant 0 : i32
          %dma_start3A_808 = arith.constant 0 : i32
          %dma_start3A_809 = tpu.memref_slice %arg2[%dma_start3A_807, %dma_start3A_808] : memref<10240x16xf32, #tpu.memory_space<hbm>> -> memref<10240x16xf32, #tpu.memory_space<hbm>>
          %dma_start3A_810 = tpu.memref_slice %arg10[%dma_start3A_799] : memref<13x!tpu.dma_semaphore, #tpu.memory_space<semaphore_mem>> -> memref<1x!tpu.dma_semaphore, #tpu.memory_space<semaphore_mem>>
          %dma_start3A_811 = tpu.memref_squeeze %dma_start3A_810 : memref<1x!tpu.dma_semaphore, #tpu.memory_space<semaphore_mem>> -> memref<!tpu.dma_semaphore, #tpu.memory_space<semaphore_mem>>
          tpu.enqueue_indirect_dma source(%dma_start3A_809 : memref<10240x16xf32, #tpu.memory_space<hbm>>) target(%dma_start3A_803 : memref<128x16xf32, #tpu.memory_space<vmem>>) offsets(%dma_start3A_806 : memref<128xi32, #tpu.memory_space<vmem>>) semaphore(%dma_start3A_811 : memref<!tpu.dma_semaphore, #tpu.memory_space<semaphore_mem>>)
        } else {
        }
      } else {
      }
      %mul3A_621 = arith.constant 13 : i32
      %mul3A_622 = arith.muli %scan3A_271, %mul3A_621 : i32
      %add3A_623 = arith.constant 9 : i32
      %add3A_624 = arith.addi %mul3A_622, %add3A_623 : i32
      %dma_wait3A_625 = arith.constant 9 : i32
      %dma_wait3A_626 = arith.constant 9 : i32
      %dma_wait3A_627 = arith.constant 0 : i32
      %dma_wait3A_628 = arith.constant 0 : i32
      %dma_wait3A_629 = tpu.memref_slice %arg8[%dma_wait3A_625, %dma_wait3A_627, %dma_wait3A_628] : memref<13x128x16xf32, #tpu.memory_space<vmem>> -> memref<1x128x16xf32, #tpu.memory_space<vmem>>
      %dma_wait3A_630 = tpu.memref_squeeze %dma_wait3A_629 : memref<1x128x16xf32, #tpu.memory_space<vmem>> -> memref<128x16xf32, #tpu.memory_space<vmem>>
      %dma_wait3A_631 = arith.constant 0 : i32
      %dma_wait3A_632 = tpu.memref_slice %arg6[%add3A_624, %dma_wait3A_631] : memref<79x128xi32, #tpu.memory_space<vmem>> -> memref<1x128xi32, #tpu.memory_space<vmem>>
      %dma_wait3A_633 = tpu.memref_squeeze %dma_wait3A_632 : memref<1x128xi32, #tpu.memory_space<vmem>> -> memref<128xi32, #tpu.memory_space<vmem>>
      %dma_wait3A_634 = arith.constant 0 : i32
      %dma_wait3A_635 = arith.constant 0 : i32
      %dma_wait3A_636 = tpu.memref_slice %arg2[%dma_wait3A_634, %dma_wait3A_635] : memref<10240x16xf32, #tpu.memory_space<hbm>> -> memref<10240x16xf32, #tpu.memory_space<hbm>>
      %dma_wait3A_637 = tpu.memref_slice %arg10[%dma_wait3A_626] : memref<13x!tpu.dma_semaphore, #tpu.memory_space<semaphore_mem>> -> memref<1x!tpu.dma_semaphore, #tpu.memory_space<semaphore_mem>>
      %dma_wait3A_638 = tpu.memref_squeeze %dma_wait3A_637 : memref<1x!tpu.dma_semaphore, #tpu.memory_space<semaphore_mem>> -> memref<!tpu.dma_semaphore, #tpu.memory_space<semaphore_mem>>
      tpu.wait_indirect_dma semaphore(%dma_wait3A_638 : memref<!tpu.dma_semaphore, #tpu.memory_space<semaphore_mem>>) src(%dma_wait3A_636 : memref<10240x16xf32, #tpu.memory_space<hbm>>) dst(%dma_wait3A_630 : memref<128x16xf32, #tpu.memory_space<vmem>>)
      %dma_start3A_639 = arith.constant 9 : i32
      %dma_start3A_640 = arith.constant 9 : i32
      %dma_start3A_641 = arith.constant 0 : i32
      %dma_start3A_642 = arith.constant 0 : i32
      %dma_start3A_643 = tpu.memref_slice %arg8[%dma_start3A_639, %dma_start3A_641, %dma_start3A_642] : memref<13x128x16xf32, #tpu.memory_space<vmem>> -> memref<1x128x16xf32, #tpu.memory_space<vmem>>
      %dma_start3A_644 = tpu.memref_squeeze %dma_start3A_643 : memref<1x128x16xf32, #tpu.memory_space<vmem>> -> memref<128x16xf32, #tpu.memory_space<vmem>>
      %dma_start3A_645 = arith.constant 0 : i32
      %dma_start3A_646 = tpu.memref_slice %arg7[%add3A_624, %dma_start3A_645] : memref<79x128xi32, #tpu.memory_space<vmem>> -> memref<1x128xi32, #tpu.memory_space<vmem>>
      %dma_start3A_647 = tpu.memref_squeeze %dma_start3A_646 : memref<1x128xi32, #tpu.memory_space<vmem>> -> memref<128xi32, #tpu.memory_space<vmem>>
      %dma_start3A_648 = arith.constant 0 : i32
      %dma_start3A_649 = arith.constant 0 : i32
      %dma_start3A_650 = tpu.memref_slice %arg12[%dma_start3A_648, %dma_start3A_649] : memref<10240x16xf32, #tpu.memory_space<vmem_shared>> -> memref<10240x16xf32, #tpu.memory_space<vmem_shared>>
      %dma_start3A_651 = tpu.memref_slice %arg11[%dma_start3A_640] : memref<13x!tpu.dma_semaphore, #tpu.memory_space<semaphore_mem>> -> memref<1x!tpu.dma_semaphore, #tpu.memory_space<semaphore_mem>>
      %dma_start3A_652 = tpu.memref_squeeze %dma_start3A_651 : memref<1x!tpu.dma_semaphore, #tpu.memory_space<semaphore_mem>> -> memref<!tpu.dma_semaphore, #tpu.memory_space<semaphore_mem>>
      tpu.enqueue_indirect_dma source(%dma_start3A_644 : memref<128x16xf32, #tpu.memory_space<vmem>>) target(%dma_start3A_650 : memref<10240x16xf32, #tpu.memory_space<vmem_shared>>) offsets(%dma_start3A_647 : memref<128xi32, #tpu.memory_space<vmem>>) semaphore(%dma_start3A_652 : memref<!tpu.dma_semaphore, #tpu.memory_space<semaphore_mem>>) {add = true}
      %sub3A_653 = arith.constant 1 : i32
      %sub3A_654 = arith.subi %add3A_624, %sub3A_653 : i32
      %ge3A_655 = arith.constant 0 : i32
      %ge3A_656 = arith.cmpi sge, %sub3A_654, %ge3A_655 : i32
      %convert_element_type3A_657 = arith.extui %ge3A_656 : i1 to i32
      %cond3A_658 = arith.constant 0 : i32
      %cond3A_659 = arith.cmpi ne, %convert_element_type3A_657, %cond3A_658 : i32
      scf.if %cond3A_659 {
        %dma_wait3A_777 = arith.constant 8 : i32
        %dma_wait3A_778 = arith.constant 8 : i32
        %dma_wait3A_779 = arith.constant 0 : i32
        %dma_wait3A_780 = arith.constant 0 : i32
        %dma_wait3A_781 = tpu.memref_slice %arg8[%dma_wait3A_777, %dma_wait3A_779, %dma_wait3A_780] : memref<13x128x16xf32, #tpu.memory_space<vmem>> -> memref<1x128x16xf32, #tpu.memory_space<vmem>>
        %dma_wait3A_782 = tpu.memref_squeeze %dma_wait3A_781 : memref<1x128x16xf32, #tpu.memory_space<vmem>> -> memref<128x16xf32, #tpu.memory_space<vmem>>
        %dma_wait3A_783 = arith.constant 0 : i32
        %dma_wait3A_784 = tpu.memref_slice %arg7[%sub3A_654, %dma_wait3A_783] : memref<79x128xi32, #tpu.memory_space<vmem>> -> memref<1x128xi32, #tpu.memory_space<vmem>>
        %dma_wait3A_785 = tpu.memref_squeeze %dma_wait3A_784 : memref<1x128xi32, #tpu.memory_space<vmem>> -> memref<128xi32, #tpu.memory_space<vmem>>
        %dma_wait3A_786 = arith.constant 0 : i32
        %dma_wait3A_787 = arith.constant 0 : i32
        %dma_wait3A_788 = tpu.memref_slice %arg12[%dma_wait3A_786, %dma_wait3A_787] : memref<10240x16xf32, #tpu.memory_space<vmem_shared>> -> memref<10240x16xf32, #tpu.memory_space<vmem_shared>>
        %dma_wait3A_789 = tpu.memref_slice %arg11[%dma_wait3A_778] : memref<13x!tpu.dma_semaphore, #tpu.memory_space<semaphore_mem>> -> memref<1x!tpu.dma_semaphore, #tpu.memory_space<semaphore_mem>>
        %dma_wait3A_790 = tpu.memref_squeeze %dma_wait3A_789 : memref<1x!tpu.dma_semaphore, #tpu.memory_space<semaphore_mem>> -> memref<!tpu.dma_semaphore, #tpu.memory_space<semaphore_mem>>
        tpu.wait_indirect_dma semaphore(%dma_wait3A_790 : memref<!tpu.dma_semaphore, #tpu.memory_space<semaphore_mem>>) src(%dma_wait3A_782 : memref<128x16xf32, #tpu.memory_space<vmem>>) dst(%dma_wait3A_788 : memref<10240x16xf32, #tpu.memory_space<vmem_shared>>)
        %add3A_791 = arith.constant 13 : i32
        %add3A_792 = arith.addi %sub3A_654, %add3A_791 : i32
        %lt3A_793 = arith.constant 78 : i32
        %lt3A_794 = arith.cmpi slt, %add3A_792, %lt3A_793 : i32
        %convert_element_type3A_795 = arith.extui %lt3A_794 : i1 to i32
        %cond3A_796 = arith.constant 0 : i32
        %cond3A_797 = arith.cmpi ne, %convert_element_type3A_795, %cond3A_796 : i32
        scf.if %cond3A_797 {
          %dma_start3A_798 = arith.constant 8 : i32
          %dma_start3A_799 = arith.constant 8 : i32
          %dma_start3A_800 = arith.constant 0 : i32
          %dma_start3A_801 = arith.constant 0 : i32
          %dma_start3A_802 = tpu.memref_slice %arg8[%dma_start3A_798, %dma_start3A_800, %dma_start3A_801] : memref<13x128x16xf32, #tpu.memory_space<vmem>> -> memref<1x128x16xf32, #tpu.memory_space<vmem>>
          %dma_start3A_803 = tpu.memref_squeeze %dma_start3A_802 : memref<1x128x16xf32, #tpu.memory_space<vmem>> -> memref<128x16xf32, #tpu.memory_space<vmem>>
          %dma_start3A_804 = arith.constant 0 : i32
          %dma_start3A_805 = tpu.memref_slice %arg6[%add3A_792, %dma_start3A_804] : memref<79x128xi32, #tpu.memory_space<vmem>> -> memref<1x128xi32, #tpu.memory_space<vmem>>
          %dma_start3A_806 = tpu.memref_squeeze %dma_start3A_805 : memref<1x128xi32, #tpu.memory_space<vmem>> -> memref<128xi32, #tpu.memory_space<vmem>>
          %dma_start3A_807 = arith.constant 0 : i32
          %dma_start3A_808 = arith.constant 0 : i32
          %dma_start3A_809 = tpu.memref_slice %arg2[%dma_start3A_807, %dma_start3A_808] : memref<10240x16xf32, #tpu.memory_space<hbm>> -> memref<10240x16xf32, #tpu.memory_space<hbm>>
          %dma_start3A_810 = tpu.memref_slice %arg10[%dma_start3A_799] : memref<13x!tpu.dma_semaphore, #tpu.memory_space<semaphore_mem>> -> memref<1x!tpu.dma_semaphore, #tpu.memory_space<semaphore_mem>>
          %dma_start3A_811 = tpu.memref_squeeze %dma_start3A_810 : memref<1x!tpu.dma_semaphore, #tpu.memory_space<semaphore_mem>> -> memref<!tpu.dma_semaphore, #tpu.memory_space<semaphore_mem>>
          tpu.enqueue_indirect_dma source(%dma_start3A_809 : memref<10240x16xf32, #tpu.memory_space<hbm>>) target(%dma_start3A_803 : memref<128x16xf32, #tpu.memory_space<vmem>>) offsets(%dma_start3A_806 : memref<128xi32, #tpu.memory_space<vmem>>) semaphore(%dma_start3A_811 : memref<!tpu.dma_semaphore, #tpu.memory_space<semaphore_mem>>)
        } else {
        }
      } else {
      }
      %mul3A_660 = arith.constant 13 : i32
      %mul3A_661 = arith.muli %scan3A_271, %mul3A_660 : i32
      %add3A_662 = arith.constant 10 : i32
      %add3A_663 = arith.addi %mul3A_661, %add3A_662 : i32
      %dma_wait3A_664 = arith.constant 10 : i32
      %dma_wait3A_665 = arith.constant 10 : i32
      %dma_wait3A_666 = arith.constant 0 : i32
      %dma_wait3A_667 = arith.constant 0 : i32
      %dma_wait3A_668 = tpu.memref_slice %arg8[%dma_wait3A_664, %dma_wait3A_666, %dma_wait3A_667] : memref<13x128x16xf32, #tpu.memory_space<vmem>> -> memref<1x128x16xf32, #tpu.memory_space<vmem>>
      %dma_wait3A_669 = tpu.memref_squeeze %dma_wait3A_668 : memref<1x128x16xf32, #tpu.memory_space<vmem>> -> memref<128x16xf32, #tpu.memory_space<vmem>>
      %dma_wait3A_670 = arith.constant 0 : i32
      %dma_wait3A_671 = tpu.memref_slice %arg6[%add3A_663, %dma_wait3A_670] : memref<79x128xi32, #tpu.memory_space<vmem>> -> memref<1x128xi32, #tpu.memory_space<vmem>>
      %dma_wait3A_672 = tpu.memref_squeeze %dma_wait3A_671 : memref<1x128xi32, #tpu.memory_space<vmem>> -> memref<128xi32, #tpu.memory_space<vmem>>
      %dma_wait3A_673 = arith.constant 0 : i32
      %dma_wait3A_674 = arith.constant 0 : i32
      %dma_wait3A_675 = tpu.memref_slice %arg2[%dma_wait3A_673, %dma_wait3A_674] : memref<10240x16xf32, #tpu.memory_space<hbm>> -> memref<10240x16xf32, #tpu.memory_space<hbm>>
      %dma_wait3A_676 = tpu.memref_slice %arg10[%dma_wait3A_665] : memref<13x!tpu.dma_semaphore, #tpu.memory_space<semaphore_mem>> -> memref<1x!tpu.dma_semaphore, #tpu.memory_space<semaphore_mem>>
      %dma_wait3A_677 = tpu.memref_squeeze %dma_wait3A_676 : memref<1x!tpu.dma_semaphore, #tpu.memory_space<semaphore_mem>> -> memref<!tpu.dma_semaphore, #tpu.memory_space<semaphore_mem>>
      tpu.wait_indirect_dma semaphore(%dma_wait3A_677 : memref<!tpu.dma_semaphore, #tpu.memory_space<semaphore_mem>>) src(%dma_wait3A_675 : memref<10240x16xf32, #tpu.memory_space<hbm>>) dst(%dma_wait3A_669 : memref<128x16xf32, #tpu.memory_space<vmem>>)
      %dma_start3A_678 = arith.constant 10 : i32
      %dma_start3A_679 = arith.constant 10 : i32
      %dma_start3A_680 = arith.constant 0 : i32
      %dma_start3A_681 = arith.constant 0 : i32
      %dma_start3A_682 = tpu.memref_slice %arg8[%dma_start3A_678, %dma_start3A_680, %dma_start3A_681] : memref<13x128x16xf32, #tpu.memory_space<vmem>> -> memref<1x128x16xf32, #tpu.memory_space<vmem>>
      %dma_start3A_683 = tpu.memref_squeeze %dma_start3A_682 : memref<1x128x16xf32, #tpu.memory_space<vmem>> -> memref<128x16xf32, #tpu.memory_space<vmem>>
      %dma_start3A_684 = arith.constant 0 : i32
      %dma_start3A_685 = tpu.memref_slice %arg7[%add3A_663, %dma_start3A_684] : memref<79x128xi32, #tpu.memory_space<vmem>> -> memref<1x128xi32, #tpu.memory_space<vmem>>
      %dma_start3A_686 = tpu.memref_squeeze %dma_start3A_685 : memref<1x128xi32, #tpu.memory_space<vmem>> -> memref<128xi32, #tpu.memory_space<vmem>>
      %dma_start3A_687 = arith.constant 0 : i32
      %dma_start3A_688 = arith.constant 0 : i32
      %dma_start3A_689 = tpu.memref_slice %arg12[%dma_start3A_687, %dma_start3A_688] : memref<10240x16xf32, #tpu.memory_space<vmem_shared>> -> memref<10240x16xf32, #tpu.memory_space<vmem_shared>>
      %dma_start3A_690 = tpu.memref_slice %arg11[%dma_start3A_679] : memref<13x!tpu.dma_semaphore, #tpu.memory_space<semaphore_mem>> -> memref<1x!tpu.dma_semaphore, #tpu.memory_space<semaphore_mem>>
      %dma_start3A_691 = tpu.memref_squeeze %dma_start3A_690 : memref<1x!tpu.dma_semaphore, #tpu.memory_space<semaphore_mem>> -> memref<!tpu.dma_semaphore, #tpu.memory_space<semaphore_mem>>
      tpu.enqueue_indirect_dma source(%dma_start3A_683 : memref<128x16xf32, #tpu.memory_space<vmem>>) target(%dma_start3A_689 : memref<10240x16xf32, #tpu.memory_space<vmem_shared>>) offsets(%dma_start3A_686 : memref<128xi32, #tpu.memory_space<vmem>>) semaphore(%dma_start3A_691 : memref<!tpu.dma_semaphore, #tpu.memory_space<semaphore_mem>>) {add = true}
      %sub3A_692 = arith.constant 1 : i32
      %sub3A_693 = arith.subi %add3A_663, %sub3A_692 : i32
      %ge3A_694 = arith.constant 0 : i32
      %ge3A_695 = arith.cmpi sge, %sub3A_693, %ge3A_694 : i32
      %convert_element_type3A_696 = arith.extui %ge3A_695 : i1 to i32
      %cond3A_697 = arith.constant 0 : i32
      %cond3A_698 = arith.cmpi ne, %convert_element_type3A_696, %cond3A_697 : i32
      scf.if %cond3A_698 {
        %dma_wait3A_777 = arith.constant 9 : i32
        %dma_wait3A_778 = arith.constant 9 : i32
        %dma_wait3A_779 = arith.constant 0 : i32
        %dma_wait3A_780 = arith.constant 0 : i32
        %dma_wait3A_781 = tpu.memref_slice %arg8[%dma_wait3A_777, %dma_wait3A_779, %dma_wait3A_780] : memref<13x128x16xf32, #tpu.memory_space<vmem>> -> memref<1x128x16xf32, #tpu.memory_space<vmem>>
        %dma_wait3A_782 = tpu.memref_squeeze %dma_wait3A_781 : memref<1x128x16xf32, #tpu.memory_space<vmem>> -> memref<128x16xf32, #tpu.memory_space<vmem>>
        %dma_wait3A_783 = arith.constant 0 : i32
        %dma_wait3A_784 = tpu.memref_slice %arg7[%sub3A_693, %dma_wait3A_783] : memref<79x128xi32, #tpu.memory_space<vmem>> -> memref<1x128xi32, #tpu.memory_space<vmem>>
        %dma_wait3A_785 = tpu.memref_squeeze %dma_wait3A_784 : memref<1x128xi32, #tpu.memory_space<vmem>> -> memref<128xi32, #tpu.memory_space<vmem>>
        %dma_wait3A_786 = arith.constant 0 : i32
        %dma_wait3A_787 = arith.constant 0 : i32
        %dma_wait3A_788 = tpu.memref_slice %arg12[%dma_wait3A_786, %dma_wait3A_787] : memref<10240x16xf32, #tpu.memory_space<vmem_shared>> -> memref<10240x16xf32, #tpu.memory_space<vmem_shared>>
        %dma_wait3A_789 = tpu.memref_slice %arg11[%dma_wait3A_778] : memref<13x!tpu.dma_semaphore, #tpu.memory_space<semaphore_mem>> -> memref<1x!tpu.dma_semaphore, #tpu.memory_space<semaphore_mem>>
        %dma_wait3A_790 = tpu.memref_squeeze %dma_wait3A_789 : memref<1x!tpu.dma_semaphore, #tpu.memory_space<semaphore_mem>> -> memref<!tpu.dma_semaphore, #tpu.memory_space<semaphore_mem>>
        tpu.wait_indirect_dma semaphore(%dma_wait3A_790 : memref<!tpu.dma_semaphore, #tpu.memory_space<semaphore_mem>>) src(%dma_wait3A_782 : memref<128x16xf32, #tpu.memory_space<vmem>>) dst(%dma_wait3A_788 : memref<10240x16xf32, #tpu.memory_space<vmem_shared>>)
        %add3A_791 = arith.constant 13 : i32
        %add3A_792 = arith.addi %sub3A_693, %add3A_791 : i32
        %lt3A_793 = arith.constant 78 : i32
        %lt3A_794 = arith.cmpi slt, %add3A_792, %lt3A_793 : i32
        %convert_element_type3A_795 = arith.extui %lt3A_794 : i1 to i32
        %cond3A_796 = arith.constant 0 : i32
        %cond3A_797 = arith.cmpi ne, %convert_element_type3A_795, %cond3A_796 : i32
        scf.if %cond3A_797 {
          %dma_start3A_798 = arith.constant 9 : i32
          %dma_start3A_799 = arith.constant 9 : i32
          %dma_start3A_800 = arith.constant 0 : i32
          %dma_start3A_801 = arith.constant 0 : i32
          %dma_start3A_802 = tpu.memref_slice %arg8[%dma_start3A_798, %dma_start3A_800, %dma_start3A_801] : memref<13x128x16xf32, #tpu.memory_space<vmem>> -> memref<1x128x16xf32, #tpu.memory_space<vmem>>
          %dma_start3A_803 = tpu.memref_squeeze %dma_start3A_802 : memref<1x128x16xf32, #tpu.memory_space<vmem>> -> memref<128x16xf32, #tpu.memory_space<vmem>>
          %dma_start3A_804 = arith.constant 0 : i32
          %dma_start3A_805 = tpu.memref_slice %arg6[%add3A_792, %dma_start3A_804] : memref<79x128xi32, #tpu.memory_space<vmem>> -> memref<1x128xi32, #tpu.memory_space<vmem>>
          %dma_start3A_806 = tpu.memref_squeeze %dma_start3A_805 : memref<1x128xi32, #tpu.memory_space<vmem>> -> memref<128xi32, #tpu.memory_space<vmem>>
          %dma_start3A_807 = arith.constant 0 : i32
          %dma_start3A_808 = arith.constant 0 : i32
          %dma_start3A_809 = tpu.memref_slice %arg2[%dma_start3A_807, %dma_start3A_808] : memref<10240x16xf32, #tpu.memory_space<hbm>> -> memref<10240x16xf32, #tpu.memory_space<hbm>>
          %dma_start3A_810 = tpu.memref_slice %arg10[%dma_start3A_799] : memref<13x!tpu.dma_semaphore, #tpu.memory_space<semaphore_mem>> -> memref<1x!tpu.dma_semaphore, #tpu.memory_space<semaphore_mem>>
          %dma_start3A_811 = tpu.memref_squeeze %dma_start3A_810 : memref<1x!tpu.dma_semaphore, #tpu.memory_space<semaphore_mem>> -> memref<!tpu.dma_semaphore, #tpu.memory_space<semaphore_mem>>
          tpu.enqueue_indirect_dma source(%dma_start3A_809 : memref<10240x16xf32, #tpu.memory_space<hbm>>) target(%dma_start3A_803 : memref<128x16xf32, #tpu.memory_space<vmem>>) offsets(%dma_start3A_806 : memref<128xi32, #tpu.memory_space<vmem>>) semaphore(%dma_start3A_811 : memref<!tpu.dma_semaphore, #tpu.memory_space<semaphore_mem>>)
        } else {
        }
      } else {
      }
      %mul3A_699 = arith.constant 13 : i32
      %mul3A_700 = arith.muli %scan3A_271, %mul3A_699 : i32
      %add3A_701 = arith.constant 11 : i32
      %add3A_702 = arith.addi %mul3A_700, %add3A_701 : i32
      %dma_wait3A_703 = arith.constant 11 : i32
      %dma_wait3A_704 = arith.constant 11 : i32
      %dma_wait3A_705 = arith.constant 0 : i32
      %dma_wait3A_706 = arith.constant 0 : i32
      %dma_wait3A_707 = tpu.memref_slice %arg8[%dma_wait3A_703, %dma_wait3A_705, %dma_wait3A_706] : memref<13x128x16xf32, #tpu.memory_space<vmem>> -> memref<1x128x16xf32, #tpu.memory_space<vmem>>
      %dma_wait3A_708 = tpu.memref_squeeze %dma_wait3A_707 : memref<1x128x16xf32, #tpu.memory_space<vmem>> -> memref<128x16xf32, #tpu.memory_space<vmem>>
      %dma_wait3A_709 = arith.constant 0 : i32
      %dma_wait3A_710 = tpu.memref_slice %arg6[%add3A_702, %dma_wait3A_709] : memref<79x128xi32, #tpu.memory_space<vmem>> -> memref<1x128xi32, #tpu.memory_space<vmem>>
      %dma_wait3A_711 = tpu.memref_squeeze %dma_wait3A_710 : memref<1x128xi32, #tpu.memory_space<vmem>> -> memref<128xi32, #tpu.memory_space<vmem>>
      %dma_wait3A_712 = arith.constant 0 : i32
      %dma_wait3A_713 = arith.constant 0 : i32
      %dma_wait3A_714 = tpu.memref_slice %arg2[%dma_wait3A_712, %dma_wait3A_713] : memref<10240x16xf32, #tpu.memory_space<hbm>> -> memref<10240x16xf32, #tpu.memory_space<hbm>>
      %dma_wait3A_715 = tpu.memref_slice %arg10[%dma_wait3A_704] : memref<13x!tpu.dma_semaphore, #tpu.memory_space<semaphore_mem>> -> memref<1x!tpu.dma_semaphore, #tpu.memory_space<semaphore_mem>>
      %dma_wait3A_716 = tpu.memref_squeeze %dma_wait3A_715 : memref<1x!tpu.dma_semaphore, #tpu.memory_space<semaphore_mem>> -> memref<!tpu.dma_semaphore, #tpu.memory_space<semaphore_mem>>
      tpu.wait_indirect_dma semaphore(%dma_wait3A_716 : memref<!tpu.dma_semaphore, #tpu.memory_space<semaphore_mem>>) src(%dma_wait3A_714 : memref<10240x16xf32, #tpu.memory_space<hbm>>) dst(%dma_wait3A_708 : memref<128x16xf32, #tpu.memory_space<vmem>>)
      %dma_start3A_717 = arith.constant 11 : i32
      %dma_start3A_718 = arith.constant 11 : i32
      %dma_start3A_719 = arith.constant 0 : i32
      %dma_start3A_720 = arith.constant 0 : i32
      %dma_start3A_721 = tpu.memref_slice %arg8[%dma_start3A_717, %dma_start3A_719, %dma_start3A_720] : memref<13x128x16xf32, #tpu.memory_space<vmem>> -> memref<1x128x16xf32, #tpu.memory_space<vmem>>
      %dma_start3A_722 = tpu.memref_squeeze %dma_start3A_721 : memref<1x128x16xf32, #tpu.memory_space<vmem>> -> memref<128x16xf32, #tpu.memory_space<vmem>>
      %dma_start3A_723 = arith.constant 0 : i32
      %dma_start3A_724 = tpu.memref_slice %arg7[%add3A_702, %dma_start3A_723] : memref<79x128xi32, #tpu.memory_space<vmem>> -> memref<1x128xi32, #tpu.memory_space<vmem>>
      %dma_start3A_725 = tpu.memref_squeeze %dma_start3A_724 : memref<1x128xi32, #tpu.memory_space<vmem>> -> memref<128xi32, #tpu.memory_space<vmem>>
      %dma_start3A_726 = arith.constant 0 : i32
      %dma_start3A_727 = arith.constant 0 : i32
      %dma_start3A_728 = tpu.memref_slice %arg12[%dma_start3A_726, %dma_start3A_727] : memref<10240x16xf32, #tpu.memory_space<vmem_shared>> -> memref<10240x16xf32, #tpu.memory_space<vmem_shared>>
      %dma_start3A_729 = tpu.memref_slice %arg11[%dma_start3A_718] : memref<13x!tpu.dma_semaphore, #tpu.memory_space<semaphore_mem>> -> memref<1x!tpu.dma_semaphore, #tpu.memory_space<semaphore_mem>>
      %dma_start3A_730 = tpu.memref_squeeze %dma_start3A_729 : memref<1x!tpu.dma_semaphore, #tpu.memory_space<semaphore_mem>> -> memref<!tpu.dma_semaphore, #tpu.memory_space<semaphore_mem>>
      tpu.enqueue_indirect_dma source(%dma_start3A_722 : memref<128x16xf32, #tpu.memory_space<vmem>>) target(%dma_start3A_728 : memref<10240x16xf32, #tpu.memory_space<vmem_shared>>) offsets(%dma_start3A_725 : memref<128xi32, #tpu.memory_space<vmem>>) semaphore(%dma_start3A_730 : memref<!tpu.dma_semaphore, #tpu.memory_space<semaphore_mem>>) {add = true}
      %sub3A_731 = arith.constant 1 : i32
      %sub3A_732 = arith.subi %add3A_702, %sub3A_731 : i32
      %ge3A_733 = arith.constant 0 : i32
      %ge3A_734 = arith.cmpi sge, %sub3A_732, %ge3A_733 : i32
      %convert_element_type3A_735 = arith.extui %ge3A_734 : i1 to i32
      %cond3A_736 = arith.constant 0 : i32
      %cond3A_737 = arith.cmpi ne, %convert_element_type3A_735, %cond3A_736 : i32
      scf.if %cond3A_737 {
        %dma_wait3A_777 = arith.constant 10 : i32
        %dma_wait3A_778 = arith.constant 10 : i32
        %dma_wait3A_779 = arith.constant 0 : i32
        %dma_wait3A_780 = arith.constant 0 : i32
        %dma_wait3A_781 = tpu.memref_slice %arg8[%dma_wait3A_777, %dma_wait3A_779, %dma_wait3A_780] : memref<13x128x16xf32, #tpu.memory_space<vmem>> -> memref<1x128x16xf32, #tpu.memory_space<vmem>>
        %dma_wait3A_782 = tpu.memref_squeeze %dma_wait3A_781 : memref<1x128x16xf32, #tpu.memory_space<vmem>> -> memref<128x16xf32, #tpu.memory_space<vmem>>
        %dma_wait3A_783 = arith.constant 0 : i32
        %dma_wait3A_784 = tpu.memref_slice %arg7[%sub3A_732, %dma_wait3A_783] : memref<79x128xi32, #tpu.memory_space<vmem>> -> memref<1x128xi32, #tpu.memory_space<vmem>>
        %dma_wait3A_785 = tpu.memref_squeeze %dma_wait3A_784 : memref<1x128xi32, #tpu.memory_space<vmem>> -> memref<128xi32, #tpu.memory_space<vmem>>
        %dma_wait3A_786 = arith.constant 0 : i32
        %dma_wait3A_787 = arith.constant 0 : i32
        %dma_wait3A_788 = tpu.memref_slice %arg12[%dma_wait3A_786, %dma_wait3A_787] : memref<10240x16xf32, #tpu.memory_space<vmem_shared>> -> memref<10240x16xf32, #tpu.memory_space<vmem_shared>>
        %dma_wait3A_789 = tpu.memref_slice %arg11[%dma_wait3A_778] : memref<13x!tpu.dma_semaphore, #tpu.memory_space<semaphore_mem>> -> memref<1x!tpu.dma_semaphore, #tpu.memory_space<semaphore_mem>>
        %dma_wait3A_790 = tpu.memref_squeeze %dma_wait3A_789 : memref<1x!tpu.dma_semaphore, #tpu.memory_space<semaphore_mem>> -> memref<!tpu.dma_semaphore, #tpu.memory_space<semaphore_mem>>
        tpu.wait_indirect_dma semaphore(%dma_wait3A_790 : memref<!tpu.dma_semaphore, #tpu.memory_space<semaphore_mem>>) src(%dma_wait3A_782 : memref<128x16xf32, #tpu.memory_space<vmem>>) dst(%dma_wait3A_788 : memref<10240x16xf32, #tpu.memory_space<vmem_shared>>)
        %add3A_791 = arith.constant 13 : i32
        %add3A_792 = arith.addi %sub3A_732, %add3A_791 : i32
        %lt3A_793 = arith.constant 78 : i32
        %lt3A_794 = arith.cmpi slt, %add3A_792, %lt3A_793 : i32
        %convert_element_type3A_795 = arith.extui %lt3A_794 : i1 to i32
        %cond3A_796 = arith.constant 0 : i32
        %cond3A_797 = arith.cmpi ne, %convert_element_type3A_795, %cond3A_796 : i32
        scf.if %cond3A_797 {
          %dma_start3A_798 = arith.constant 10 : i32
          %dma_start3A_799 = arith.constant 10 : i32
          %dma_start3A_800 = arith.constant 0 : i32
          %dma_start3A_801 = arith.constant 0 : i32
          %dma_start3A_802 = tpu.memref_slice %arg8[%dma_start3A_798, %dma_start3A_800, %dma_start3A_801] : memref<13x128x16xf32, #tpu.memory_space<vmem>> -> memref<1x128x16xf32, #tpu.memory_space<vmem>>
          %dma_start3A_803 = tpu.memref_squeeze %dma_start3A_802 : memref<1x128x16xf32, #tpu.memory_space<vmem>> -> memref<128x16xf32, #tpu.memory_space<vmem>>
          %dma_start3A_804 = arith.constant 0 : i32
          %dma_start3A_805 = tpu.memref_slice %arg6[%add3A_792, %dma_start3A_804] : memref<79x128xi32, #tpu.memory_space<vmem>> -> memref<1x128xi32, #tpu.memory_space<vmem>>
          %dma_start3A_806 = tpu.memref_squeeze %dma_start3A_805 : memref<1x128xi32, #tpu.memory_space<vmem>> -> memref<128xi32, #tpu.memory_space<vmem>>
          %dma_start3A_807 = arith.constant 0 : i32
          %dma_start3A_808 = arith.constant 0 : i32
          %dma_start3A_809 = tpu.memref_slice %arg2[%dma_start3A_807, %dma_start3A_808] : memref<10240x16xf32, #tpu.memory_space<hbm>> -> memref<10240x16xf32, #tpu.memory_space<hbm>>
          %dma_start3A_810 = tpu.memref_slice %arg10[%dma_start3A_799] : memref<13x!tpu.dma_semaphore, #tpu.memory_space<semaphore_mem>> -> memref<1x!tpu.dma_semaphore, #tpu.memory_space<semaphore_mem>>
          %dma_start3A_811 = tpu.memref_squeeze %dma_start3A_810 : memref<1x!tpu.dma_semaphore, #tpu.memory_space<semaphore_mem>> -> memref<!tpu.dma_semaphore, #tpu.memory_space<semaphore_mem>>
          tpu.enqueue_indirect_dma source(%dma_start3A_809 : memref<10240x16xf32, #tpu.memory_space<hbm>>) target(%dma_start3A_803 : memref<128x16xf32, #tpu.memory_space<vmem>>) offsets(%dma_start3A_806 : memref<128xi32, #tpu.memory_space<vmem>>) semaphore(%dma_start3A_811 : memref<!tpu.dma_semaphore, #tpu.memory_space<semaphore_mem>>)
        } else {
        }
      } else {
      }
      %mul3A_738 = arith.constant 13 : i32
      %mul3A_739 = arith.muli %scan3A_271, %mul3A_738 : i32
      %add3A_740 = arith.constant 12 : i32
      %add3A_741 = arith.addi %mul3A_739, %add3A_740 : i32
      %dma_wait3A_742 = arith.constant 12 : i32
      %dma_wait3A_743 = arith.constant 12 : i32
      %dma_wait3A_744 = arith.constant 0 : i32
      %dma_wait3A_745 = arith.constant 0 : i32
      %dma_wait3A_746 = tpu.memref_slice %arg8[%dma_wait3A_742, %dma_wait3A_744, %dma_wait3A_745] : memref<13x128x16xf32, #tpu.memory_space<vmem>> -> memref<1x128x16xf32, #tpu.memory_space<vmem>>
      %dma_wait3A_747 = tpu.memref_squeeze %dma_wait3A_746 : memref<1x128x16xf32, #tpu.memory_space<vmem>> -> memref<128x16xf32, #tpu.memory_space<vmem>>
      %dma_wait3A_748 = arith.constant 0 : i32
      %dma_wait3A_749 = tpu.memref_slice %arg6[%add3A_741, %dma_wait3A_748] : memref<79x128xi32, #tpu.memory_space<vmem>> -> memref<1x128xi32, #tpu.memory_space<vmem>>
      %dma_wait3A_750 = tpu.memref_squeeze %dma_wait3A_749 : memref<1x128xi32, #tpu.memory_space<vmem>> -> memref<128xi32, #tpu.memory_space<vmem>>
      %dma_wait3A_751 = arith.constant 0 : i32
      %dma_wait3A_752 = arith.constant 0 : i32
      %dma_wait3A_753 = tpu.memref_slice %arg2[%dma_wait3A_751, %dma_wait3A_752] : memref<10240x16xf32, #tpu.memory_space<hbm>> -> memref<10240x16xf32, #tpu.memory_space<hbm>>
      %dma_wait3A_754 = tpu.memref_slice %arg10[%dma_wait3A_743] : memref<13x!tpu.dma_semaphore, #tpu.memory_space<semaphore_mem>> -> memref<1x!tpu.dma_semaphore, #tpu.memory_space<semaphore_mem>>
      %dma_wait3A_755 = tpu.memref_squeeze %dma_wait3A_754 : memref<1x!tpu.dma_semaphore, #tpu.memory_space<semaphore_mem>> -> memref<!tpu.dma_semaphore, #tpu.memory_space<semaphore_mem>>
      tpu.wait_indirect_dma semaphore(%dma_wait3A_755 : memref<!tpu.dma_semaphore, #tpu.memory_space<semaphore_mem>>) src(%dma_wait3A_753 : memref<10240x16xf32, #tpu.memory_space<hbm>>) dst(%dma_wait3A_747 : memref<128x16xf32, #tpu.memory_space<vmem>>)
      %dma_start3A_756 = arith.constant 12 : i32
      %dma_start3A_757 = arith.constant 12 : i32
      %dma_start3A_758 = arith.constant 0 : i32
      %dma_start3A_759 = arith.constant 0 : i32
      %dma_start3A_760 = tpu.memref_slice %arg8[%dma_start3A_756, %dma_start3A_758, %dma_start3A_759] : memref<13x128x16xf32, #tpu.memory_space<vmem>> -> memref<1x128x16xf32, #tpu.memory_space<vmem>>
      %dma_start3A_761 = tpu.memref_squeeze %dma_start3A_760 : memref<1x128x16xf32, #tpu.memory_space<vmem>> -> memref<128x16xf32, #tpu.memory_space<vmem>>
      %dma_start3A_762 = arith.constant 0 : i32
      %dma_start3A_763 = tpu.memref_slice %arg7[%add3A_741, %dma_start3A_762] : memref<79x128xi32, #tpu.memory_space<vmem>> -> memref<1x128xi32, #tpu.memory_space<vmem>>
      %dma_start3A_764 = tpu.memref_squeeze %dma_start3A_763 : memref<1x128xi32, #tpu.memory_space<vmem>> -> memref<128xi32, #tpu.memory_space<vmem>>
      %dma_start3A_765 = arith.constant 0 : i32
      %dma_start3A_766 = arith.constant 0 : i32
      %dma_start3A_767 = tpu.memref_slice %arg12[%dma_start3A_765, %dma_start3A_766] : memref<10240x16xf32, #tpu.memory_space<vmem_shared>> -> memref<10240x16xf32, #tpu.memory_space<vmem_shared>>
      %dma_start3A_768 = tpu.memref_slice %arg11[%dma_start3A_757] : memref<13x!tpu.dma_semaphore, #tpu.memory_space<semaphore_mem>> -> memref<1x!tpu.dma_semaphore, #tpu.memory_space<semaphore_mem>>
      %dma_start3A_769 = tpu.memref_squeeze %dma_start3A_768 : memref<1x!tpu.dma_semaphore, #tpu.memory_space<semaphore_mem>> -> memref<!tpu.dma_semaphore, #tpu.memory_space<semaphore_mem>>
      tpu.enqueue_indirect_dma source(%dma_start3A_761 : memref<128x16xf32, #tpu.memory_space<vmem>>) target(%dma_start3A_767 : memref<10240x16xf32, #tpu.memory_space<vmem_shared>>) offsets(%dma_start3A_764 : memref<128xi32, #tpu.memory_space<vmem>>) semaphore(%dma_start3A_769 : memref<!tpu.dma_semaphore, #tpu.memory_space<semaphore_mem>>) {add = true}
      %sub3A_770 = arith.constant 1 : i32
      %sub3A_771 = arith.subi %add3A_741, %sub3A_770 : i32
      %ge3A_772 = arith.constant 0 : i32
      %ge3A_773 = arith.cmpi sge, %sub3A_771, %ge3A_772 : i32
      %convert_element_type3A_774 = arith.extui %ge3A_773 : i1 to i32
      %cond3A_775 = arith.constant 0 : i32
      %cond3A_776 = arith.cmpi ne, %convert_element_type3A_774, %cond3A_775 : i32
      scf.if %cond3A_776 {
        %dma_wait3A_777 = arith.constant 11 : i32
        %dma_wait3A_778 = arith.constant 11 : i32
        %dma_wait3A_779 = arith.constant 0 : i32
        %dma_wait3A_780 = arith.constant 0 : i32
        %dma_wait3A_781 = tpu.memref_slice %arg8[%dma_wait3A_777, %dma_wait3A_779, %dma_wait3A_780] : memref<13x128x16xf32, #tpu.memory_space<vmem>> -> memref<1x128x16xf32, #tpu.memory_space<vmem>>
        %dma_wait3A_782 = tpu.memref_squeeze %dma_wait3A_781 : memref<1x128x16xf32, #tpu.memory_space<vmem>> -> memref<128x16xf32, #tpu.memory_space<vmem>>
        %dma_wait3A_783 = arith.constant 0 : i32
        %dma_wait3A_784 = tpu.memref_slice %arg7[%sub3A_771, %dma_wait3A_783] : memref<79x128xi32, #tpu.memory_space<vmem>> -> memref<1x128xi32, #tpu.memory_space<vmem>>
        %dma_wait3A_785 = tpu.memref_squeeze %dma_wait3A_784 : memref<1x128xi32, #tpu.memory_space<vmem>> -> memref<128xi32, #tpu.memory_space<vmem>>
        %dma_wait3A_786 = arith.constant 0 : i32
        %dma_wait3A_787 = arith.constant 0 : i32
        %dma_wait3A_788 = tpu.memref_slice %arg12[%dma_wait3A_786, %dma_wait3A_787] : memref<10240x16xf32, #tpu.memory_space<vmem_shared>> -> memref<10240x16xf32, #tpu.memory_space<vmem_shared>>
        %dma_wait3A_789 = tpu.memref_slice %arg11[%dma_wait3A_778] : memref<13x!tpu.dma_semaphore, #tpu.memory_space<semaphore_mem>> -> memref<1x!tpu.dma_semaphore, #tpu.memory_space<semaphore_mem>>
        %dma_wait3A_790 = tpu.memref_squeeze %dma_wait3A_789 : memref<1x!tpu.dma_semaphore, #tpu.memory_space<semaphore_mem>> -> memref<!tpu.dma_semaphore, #tpu.memory_space<semaphore_mem>>
        tpu.wait_indirect_dma semaphore(%dma_wait3A_790 : memref<!tpu.dma_semaphore, #tpu.memory_space<semaphore_mem>>) src(%dma_wait3A_782 : memref<128x16xf32, #tpu.memory_space<vmem>>) dst(%dma_wait3A_788 : memref<10240x16xf32, #tpu.memory_space<vmem_shared>>)
        %add3A_791 = arith.constant 13 : i32
        %add3A_792 = arith.addi %sub3A_771, %add3A_791 : i32
        %lt3A_793 = arith.constant 78 : i32
        %lt3A_794 = arith.cmpi slt, %add3A_792, %lt3A_793 : i32
        %convert_element_type3A_795 = arith.extui %lt3A_794 : i1 to i32
        %cond3A_796 = arith.constant 0 : i32
        %cond3A_797 = arith.cmpi ne, %convert_element_type3A_795, %cond3A_796 : i32
        scf.if %cond3A_797 {
          %dma_start3A_798 = arith.constant 11 : i32
          %dma_start3A_799 = arith.constant 11 : i32
          %dma_start3A_800 = arith.constant 0 : i32
          %dma_start3A_801 = arith.constant 0 : i32
          %dma_start3A_802 = tpu.memref_slice %arg8[%dma_start3A_798, %dma_start3A_800, %dma_start3A_801] : memref<13x128x16xf32, #tpu.memory_space<vmem>> -> memref<1x128x16xf32, #tpu.memory_space<vmem>>
          %dma_start3A_803 = tpu.memref_squeeze %dma_start3A_802 : memref<1x128x16xf32, #tpu.memory_space<vmem>> -> memref<128x16xf32, #tpu.memory_space<vmem>>
          %dma_start3A_804 = arith.constant 0 : i32
          %dma_start3A_805 = tpu.memref_slice %arg6[%add3A_792, %dma_start3A_804] : memref<79x128xi32, #tpu.memory_space<vmem>> -> memref<1x128xi32, #tpu.memory_space<vmem>>
          %dma_start3A_806 = tpu.memref_squeeze %dma_start3A_805 : memref<1x128xi32, #tpu.memory_space<vmem>> -> memref<128xi32, #tpu.memory_space<vmem>>
          %dma_start3A_807 = arith.constant 0 : i32
          %dma_start3A_808 = arith.constant 0 : i32
          %dma_start3A_809 = tpu.memref_slice %arg2[%dma_start3A_807, %dma_start3A_808] : memref<10240x16xf32, #tpu.memory_space<hbm>> -> memref<10240x16xf32, #tpu.memory_space<hbm>>
          %dma_start3A_810 = tpu.memref_slice %arg10[%dma_start3A_799] : memref<13x!tpu.dma_semaphore, #tpu.memory_space<semaphore_mem>> -> memref<1x!tpu.dma_semaphore, #tpu.memory_space<semaphore_mem>>
          %dma_start3A_811 = tpu.memref_squeeze %dma_start3A_810 : memref<1x!tpu.dma_semaphore, #tpu.memory_space<semaphore_mem>> -> memref<!tpu.dma_semaphore, #tpu.memory_space<semaphore_mem>>
          tpu.enqueue_indirect_dma source(%dma_start3A_809 : memref<10240x16xf32, #tpu.memory_space<hbm>>) target(%dma_start3A_803 : memref<128x16xf32, #tpu.memory_space<vmem>>) offsets(%dma_start3A_806 : memref<128xi32, #tpu.memory_space<vmem>>) semaphore(%dma_start3A_811 : memref<!tpu.dma_semaphore, #tpu.memory_space<semaphore_mem>>)
        } else {
        }
      } else {
      }
    }
    %scan3A_250 = arith.constant 6 : i32
    %dma_wait3A = arith.constant 12 : i32
    %dma_wait3A_251 = arith.constant 77 : i32
    %dma_wait3A_252 = arith.constant 12 : i32
    %dma_wait3A_253 = arith.constant 0 : i32
    %dma_wait3A_254 = arith.constant 0 : i32
    %dma_wait3A_255 = tpu.memref_slice %arg8[%dma_wait3A, %dma_wait3A_253, %dma_wait3A_254] : memref<13x128x16xf32, #tpu.memory_space<vmem>> -> memref<1x128x16xf32, #tpu.memory_space<vmem>>
    %dma_wait3A_256 = tpu.memref_squeeze %dma_wait3A_255 : memref<1x128x16xf32, #tpu.memory_space<vmem>> -> memref<128x16xf32, #tpu.memory_space<vmem>>
    %dma_wait3A_257 = arith.constant 0 : i32
    %dma_wait3A_258 = tpu.memref_slice %arg7[%dma_wait3A_251, %dma_wait3A_257] : memref<79x128xi32, #tpu.memory_space<vmem>> -> memref<1x128xi32, #tpu.memory_space<vmem>>
    %dma_wait3A_259 = tpu.memref_squeeze %dma_wait3A_258 : memref<1x128xi32, #tpu.memory_space<vmem>> -> memref<128xi32, #tpu.memory_space<vmem>>
    %dma_wait3A_260 = arith.constant 0 : i32
    %dma_wait3A_261 = arith.constant 0 : i32
    %dma_wait3A_262 = tpu.memref_slice %arg12[%dma_wait3A_260, %dma_wait3A_261] : memref<10240x16xf32, #tpu.memory_space<vmem_shared>> -> memref<10240x16xf32, #tpu.memory_space<vmem_shared>>
    %dma_wait3A_263 = tpu.memref_slice %arg11[%dma_wait3A_252] : memref<13x!tpu.dma_semaphore, #tpu.memory_space<semaphore_mem>> -> memref<1x!tpu.dma_semaphore, #tpu.memory_space<semaphore_mem>>
    %dma_wait3A_264 = tpu.memref_squeeze %dma_wait3A_263 : memref<1x!tpu.dma_semaphore, #tpu.memory_space<semaphore_mem>> -> memref<!tpu.dma_semaphore, #tpu.memory_space<semaphore_mem>>
    tpu.wait_indirect_dma semaphore(%dma_wait3A_264 : memref<!tpu.dma_semaphore, #tpu.memory_space<semaphore_mem>>) src(%dma_wait3A_256 : memref<128x16xf32, #tpu.memory_space<vmem>>) dst(%dma_wait3A_262 : memref<10240x16xf32, #tpu.memory_space<vmem_shared>>)
    %lt3A_265 = arith.constant 4 : i32
    %lt3A_266 = arith.cmpi slt, %add3A, %lt3A_265 : i32
    %convert_element_type3A_267 = arith.extui %lt3A_266 : i1 to i32
    %cond3A_268 = arith.constant 0 : i32
    %cond3A_269 = arith.cmpi ne, %convert_element_type3A_267, %cond3A_268 : i32
    scf.if %cond3A_269 {
      %dma_start3A_271 = arith.constant 78 : i32
      %dma_start3A_272 = arith.constant 0 : i32
      %dma_start3A_273 = arith.constant 0 : i32
      %dma_start3A_274 = arith.constant 0 : i32
      %dma_start3A_275 = arith.constant 0 : i32
      %dma_start3A_276 = tpu.memref_slice %arg8[%dma_start3A_272, %dma_start3A_274, %dma_start3A_275] : memref<13x128x16xf32, #tpu.memory_space<vmem>> -> memref<1x128x16xf32, #tpu.memory_space<vmem>>
      %dma_start3A_277 = tpu.memref_squeeze %dma_start3A_276 : memref<1x128x16xf32, #tpu.memory_space<vmem>> -> memref<128x16xf32, #tpu.memory_space<vmem>>
      %dma_start3A_278 = arith.constant 0 : i32
      %dma_start3A_279 = tpu.memref_slice %arg6[%dma_start3A_271, %dma_start3A_278] : memref<79x128xi32, #tpu.memory_space<vmem>> -> memref<1x128xi32, #tpu.memory_space<vmem>>
      %dma_start3A_280 = tpu.memref_squeeze %dma_start3A_279 : memref<1x128xi32, #tpu.memory_space<vmem>> -> memref<128xi32, #tpu.memory_space<vmem>>
      %dma_start3A_281 = arith.constant 0 : i32
      %dma_start3A_282 = arith.constant 0 : i32
      %dma_start3A_283 = tpu.memref_slice %arg2[%dma_start3A_281, %dma_start3A_282] : memref<10240x16xf32, #tpu.memory_space<hbm>> -> memref<10240x16xf32, #tpu.memory_space<hbm>>
      %dma_start3A_284 = tpu.memref_slice %arg10[%dma_start3A_273] : memref<13x!tpu.dma_semaphore, #tpu.memory_space<semaphore_mem>> -> memref<1x!tpu.dma_semaphore, #tpu.memory_space<semaphore_mem>>
      %dma_start3A_285 = tpu.memref_squeeze %dma_start3A_284 : memref<1x!tpu.dma_semaphore, #tpu.memory_space<semaphore_mem>> -> memref<!tpu.dma_semaphore, #tpu.memory_space<semaphore_mem>>
      tpu.enqueue_indirect_dma source(%dma_start3A_283 : memref<10240x16xf32, #tpu.memory_space<hbm>>) target(%dma_start3A_277 : memref<128x16xf32, #tpu.memory_space<vmem>>) offsets(%dma_start3A_280 : memref<128xi32, #tpu.memory_space<vmem>>) semaphore(%dma_start3A_285 : memref<!tpu.dma_semaphore, #tpu.memory_space<semaphore_mem>>)
      %dma_wait3A_286 = arith.constant 78 : i32
      %dma_wait3A_287 = arith.constant 0 : i32
      %dma_wait3A_288 = arith.constant 0 : i32
      %dma_wait3A_289 = arith.constant 0 : i32
      %dma_wait3A_290 = arith.constant 0 : i32
      %dma_wait3A_291 = tpu.memref_slice %arg8[%dma_wait3A_287, %dma_wait3A_289, %dma_wait3A_290] : memref<13x128x16xf32, #tpu.memory_space<vmem>> -> memref<1x128x16xf32, #tpu.memory_space<vmem>>
      %dma_wait3A_292 = tpu.memref_squeeze %dma_wait3A_291 : memref<1x128x16xf32, #tpu.memory_space<vmem>> -> memref<128x16xf32, #tpu.memory_space<vmem>>
      %dma_wait3A_293 = arith.constant 0 : i32
      %dma_wait3A_294 = tpu.memref_slice %arg6[%dma_wait3A_286, %dma_wait3A_293] : memref<79x128xi32, #tpu.memory_space<vmem>> -> memref<1x128xi32, #tpu.memory_space<vmem>>
      %dma_wait3A_295 = tpu.memref_squeeze %dma_wait3A_294 : memref<1x128xi32, #tpu.memory_space<vmem>> -> memref<128xi32, #tpu.memory_space<vmem>>
      %dma_wait3A_296 = arith.constant 0 : i32
      %dma_wait3A_297 = arith.constant 0 : i32
      %dma_wait3A_298 = tpu.memref_slice %arg2[%dma_wait3A_296, %dma_wait3A_297] : memref<10240x16xf32, #tpu.memory_space<hbm>> -> memref<10240x16xf32, #tpu.memory_space<hbm>>
      %dma_wait3A_299 = tpu.memref_slice %arg10[%dma_wait3A_288] : memref<13x!tpu.dma_semaphore, #tpu.memory_space<semaphore_mem>> -> memref<1x!tpu.dma_semaphore, #tpu.memory_space<semaphore_mem>>
      %dma_wait3A_300 = tpu.memref_squeeze %dma_wait3A_299 : memref<1x!tpu.dma_semaphore, #tpu.memory_space<semaphore_mem>> -> memref<!tpu.dma_semaphore, #tpu.memory_space<semaphore_mem>>
      tpu.wait_indirect_dma semaphore(%dma_wait3A_300 : memref<!tpu.dma_semaphore, #tpu.memory_space<semaphore_mem>>) src(%dma_wait3A_298 : memref<10240x16xf32, #tpu.memory_space<hbm>>) dst(%dma_wait3A_292 : memref<128x16xf32, #tpu.memory_space<vmem>>)
      %run_scoped3A = arith.constant 0 : i32
      %run_scoped3A_301 = arith.constant 78 : i32
      "tpu.region"() ({
        %run_scoped3A_302 = tpu.sem_alloc : memref<!tpu.dma_semaphore, #tpu.memory_space<semaphore_mem>>
        %dma_start3A_303 = arith.constant 0 : i32
        %dma_start3A_304 = arith.constant 0 : i32
        %dma_start3A_305 = tpu.memref_slice %arg8[%run_scoped3A, %dma_start3A_303, %dma_start3A_304] : memref<13x128x16xf32, #tpu.memory_space<vmem>> -> memref<1x128x16xf32, #tpu.memory_space<vmem>>
        %dma_start3A_306 = tpu.memref_squeeze %dma_start3A_305 : memref<1x128x16xf32, #tpu.memory_space<vmem>> -> memref<128x16xf32, #tpu.memory_space<vmem>>
        %dma_start3A_307 = arith.constant 0 : i32
        %dma_start3A_308 = tpu.memref_slice %arg7[%run_scoped3A_301, %dma_start3A_307] : memref<79x128xi32, #tpu.memory_space<vmem>> -> memref<1x128xi32, #tpu.memory_space<vmem>>
        %dma_start3A_309 = tpu.memref_squeeze %dma_start3A_308 : memref<1x128xi32, #tpu.memory_space<vmem>> -> memref<128xi32, #tpu.memory_space<vmem>>
        %dma_start3A_310 = arith.constant 0 : i32
        %dma_start3A_311 = arith.constant 0 : i32
        %dma_start3A_312 = tpu.memref_slice %arg12[%dma_start3A_310, %dma_start3A_311] : memref<10240x16xf32, #tpu.memory_space<vmem_shared>> -> memref<10240x16xf32, #tpu.memory_space<vmem_shared>>
        tpu.enqueue_indirect_dma source(%dma_start3A_306 : memref<128x16xf32, #tpu.memory_space<vmem>>) target(%dma_start3A_312 : memref<10240x16xf32, #tpu.memory_space<vmem_shared>>) offsets(%dma_start3A_309 : memref<128xi32, #tpu.memory_space<vmem>>) semaphore(%run_scoped3A_302 : memref<!tpu.dma_semaphore, #tpu.memory_space<semaphore_mem>>) {add = true}
        %dma_wait3A_313 = arith.constant 0 : i32
        %dma_wait3A_314 = arith.constant 0 : i32
        %dma_wait3A_315 = tpu.memref_slice %arg8[%run_scoped3A, %dma_wait3A_313, %dma_wait3A_314] : memref<13x128x16xf32, #tpu.memory_space<vmem>> -> memref<1x128x16xf32, #tpu.memory_space<vmem>>
        %dma_wait3A_316 = tpu.memref_squeeze %dma_wait3A_315 : memref<1x128x16xf32, #tpu.memory_space<vmem>> -> memref<128x16xf32, #tpu.memory_space<vmem>>
        %dma_wait3A_317 = arith.constant 0 : i32
        %dma_wait3A_318 = tpu.memref_slice %arg7[%run_scoped3A_301, %dma_wait3A_317] : memref<79x128xi32, #tpu.memory_space<vmem>> -> memref<1x128xi32, #tpu.memory_space<vmem>>
        %dma_wait3A_319 = tpu.memref_squeeze %dma_wait3A_318 : memref<1x128xi32, #tpu.memory_space<vmem>> -> memref<128xi32, #tpu.memory_space<vmem>>
        %dma_wait3A_320 = arith.constant 0 : i32
        %dma_wait3A_321 = arith.constant 0 : i32
        %dma_wait3A_322 = tpu.memref_slice %arg12[%dma_wait3A_320, %dma_wait3A_321] : memref<10240x16xf32, #tpu.memory_space<vmem_shared>> -> memref<10240x16xf32, #tpu.memory_space<vmem_shared>>
        tpu.wait_indirect_dma semaphore(%run_scoped3A_302 : memref<!tpu.dma_semaphore, #tpu.memory_space<semaphore_mem>>) src(%dma_wait3A_316 : memref<128x16xf32, #tpu.memory_space<vmem>>) dst(%dma_wait3A_322 : memref<10240x16xf32, #tpu.memory_space<vmem_shared>>)
        tpu.yield
      }) : () -> ()
    } else {
    }
    %barrier3A_270 = arith.constant 0 : index
    tpu.barrier barrier_id(%barrier3A_270)
    "tpu.region"() ({
      %run_scoped3A = tpu.sem_alloc : memref<!tpu.dma_semaphore, #tpu.memory_space<semaphore_mem>>
      %dma_start3A_271 = arith.constant 0 : i32
      %dma_start3A_272 = tpu.memref_slice %arg5[%arg0, %mul3A_2, %dma_start3A_271] : memref<2x10240x16xf32, #tpu.memory_space<hbm>> -> memref<1x640x16xf32, #tpu.memory_space<hbm>>
      %dma_start3A_273 = tpu.memref_squeeze %dma_start3A_272 : memref<1x640x16xf32, #tpu.memory_space<hbm>> -> memref<640x16xf32, #tpu.memory_space<hbm>>
      %dma_start3A_274 = arith.constant 0 : i32
      %dma_start3A_275 = tpu.memref_slice %arg12[%mul3A_2, %dma_start3A_274] : memref<10240x16xf32, #tpu.memory_space<vmem_shared>> -> memref<640x16xf32, #tpu.memory_space<vmem_shared>>
      tpu.enqueue_dma source(%dma_start3A_275 : memref<640x16xf32, #tpu.memory_space<vmem_shared>>) target(%dma_start3A_273 : memref<640x16xf32, #tpu.memory_space<hbm>>) target_semaphore(%run_scoped3A : memref<!tpu.dma_semaphore, #tpu.memory_space<semaphore_mem>>)
      %dma_wait3A_276 = arith.constant 0 : i32
      %dma_wait3A_277 = tpu.memref_slice %arg5[%arg0, %mul3A_2, %dma_wait3A_276] : memref<2x10240x16xf32, #tpu.memory_space<hbm>> -> memref<1x640x16xf32, #tpu.memory_space<hbm>>
      %dma_wait3A_278 = tpu.memref_squeeze %dma_wait3A_277 : memref<1x640x16xf32, #tpu.memory_space<hbm>> -> memref<640x16xf32, #tpu.memory_space<hbm>>
      %dma_wait3A_279 = arith.constant 0 : i32
      %dma_wait3A_280 = tpu.memref_slice %arg12[%mul3A_2, %dma_wait3A_279] : memref<10240x16xf32, #tpu.memory_space<vmem_shared>> -> memref<640x16xf32, #tpu.memory_space<vmem_shared>>
      tpu.wait_dma2 semaphore(%run_scoped3A : memref<!tpu.dma_semaphore, #tpu.memory_space<semaphore_mem>>) src(%dma_wait3A_280 : memref<640x16xf32, #tpu.memory_space<vmem_shared>>) dst(%dma_wait3A_278 : memref<640x16xf32, #tpu.memory_space<hbm>>)
      tpu.yield
    }) : () -> ()
    return
  }
}

#map = affine_map<(d0, d1) -> (0, 0)>
#map1 = affine_map<(d0, d1) -> (0, 0, 0)>
module attributes {stable_mosaic.version = 14 : i64} {
  func.func @_agg(%arg0: i32, %arg1: i32, %arg2: memref<10240x16xf32, #tpu.memory_space<hbm>>, %arg3: memref<2x320000xi32, #tpu.memory_space<hbm>>, %arg4: memref<10240x16xf32, #tpu.memory_space<hbm>>, %arg5: memref<2x10240x16xf32, #tpu.memory_space<hbm>>, %arg6: memref<79x128xi32, #tpu.memory_space<vmem>>, %arg7: memref<79x128xi32, #tpu.memory_space<vmem>>, %arg8: memref<13x128x16xf32, #tpu.memory_space<vmem>>, %arg9: memref<!tpu.dma_semaphore, #tpu.memory_space<semaphore_mem>>, %arg10: memref<13x!tpu.dma_semaphore, #tpu.memory_space<semaphore_mem>>, %arg11: memref<13x!tpu.dma_semaphore, #tpu.memory_space<semaphore_mem>>, %arg12: memref<10240x16xf32, #tpu.memory_space<vmem_shared>>) attributes {dimension_semantics = [#tpu.dimension_semantics<core_parallel>, #tpu.dimension_semantics<subcore_parallel>], iteration_bounds = array<i64: 2, 16>, scalar_prefetch = 0 : i64, scratch_operands = 7 : i64, tpu.core_type = #tpu.core_type<sc_vector_subcore>, window_params = [{transform_indices = #map}, {transform_indices = #map}, {transform_indices = #map}, {transform_indices = #map1}]} {
    %mul3A = arith.constant 2 : i32
    %mul3A_0 = arith.muli %arg1, %mul3A : i32
    %add3A = arith.addi %mul3A_0, %arg0 : i32
    %mul3A_1 = arith.constant 640 : i32
    %mul3A_2 = arith.muli %arg1, %mul3A_1 : i32
    "tpu.region"() ({
      %run_scoped3A = tpu.sem_alloc : memref<!tpu.dma_semaphore, #tpu.memory_space<semaphore_mem>>
      %dma_start3A_271 = arith.constant 0 : i32
      %dma_start3A_272 = tpu.memref_slice %arg12[%mul3A_2, %dma_start3A_271] : memref<10240x16xf32, #tpu.memory_space<vmem_shared>> -> memref<640x16xf32, #tpu.memory_space<vmem_shared>>
      %dma_start3A_273 = arith.constant 0 : i32
      %dma_start3A_274 = tpu.memref_slice %arg4[%mul3A_2, %dma_start3A_273] : memref<10240x16xf32, #tpu.memory_space<hbm>> -> memref<640x16xf32, #tpu.memory_space<hbm>>
      tpu.enqueue_dma source(%dma_start3A_274 : memref<640x16xf32, #tpu.memory_space<hbm>>) target(%dma_start3A_272 : memref<640x16xf32, #tpu.memory_space<vmem_shared>>) target_semaphore(%run_scoped3A : memref<!tpu.dma_semaphore, #tpu.memory_space<semaphore_mem>>)
      %dma_wait3A_275 = arith.constant 0 : i32
      %dma_wait3A_276 = tpu.memref_slice %arg12[%mul3A_2, %dma_wait3A_275] : memref<10240x16xf32, #tpu.memory_space<vmem_shared>> -> memref<640x16xf32, #tpu.memory_space<vmem_shared>>
      %dma_wait3A_277 = arith.constant 0 : i32
      %dma_wait3A_278 = tpu.memref_slice %arg4[%mul3A_2, %dma_wait3A_277] : memref<10240x16xf32, #tpu.memory_space<hbm>> -> memref<640x16xf32, #tpu.memory_space<hbm>>
      tpu.wait_dma2 semaphore(%run_scoped3A : memref<!tpu.dma_semaphore, #tpu.memory_space<semaphore_mem>>) src(%dma_wait3A_278 : memref<640x16xf32, #tpu.memory_space<hbm>>) dst(%dma_wait3A_276 : memref<640x16xf32, #tpu.memory_space<vmem_shared>>)
      tpu.yield
    }) : () -> ()
    %mul3A_3 = arith.constant 78 : i32
    %mul3A_4 = arith.muli %add3A, %mul3A_3 : i32
    %mul3A_5 = arith.constant 128 : i32
    %mul3A_6 = arith.muli %mul3A_4, %mul3A_5 : i32
    %scan3A = arith.constant 0 : i32
    %scan3A_7 = arith.constant 0 : i32
    %scan3A_8 = arith.constant 78 : i32
    %scan3A_9 = arith.addi %scan3A_7, %scan3A_8 : i32
    %scan3A_10 = arith.constant 1 : i32
    scf.for %scan3A_271 = %scan3A_7 to %scan3A_9 step %scan3A_10  : i32 {
      %mul3A_272 = arith.constant 128 : i32
      %mul3A_273 = arith.muli %scan3A_271, %mul3A_272 : i32
      %add3A_274 = arith.addi %mul3A_6, %mul3A_273 : i32
      %dma_start3A_275 = arith.constant 0 : i32
      %dma_start3A_276 = arith.constant 0 : i32
      %dma_start3A_277 = tpu.memref_slice %arg6[%scan3A_271, %dma_start3A_276] : memref<79x128xi32, #tpu.memory_space<vmem>> -> memref<1x128xi32, #tpu.memory_space<vmem>>
      %dma_start3A_278 = tpu.memref_squeeze %dma_start3A_277 : memref<1x128xi32, #tpu.memory_space<vmem>> -> memref<128xi32, #tpu.memory_space<vmem>>
      %dma_start3A_279 = tpu.memref_slice %arg3[%dma_start3A_275, %add3A_274] : memref<2x320000xi32, #tpu.memory_space<hbm>> -> memref<1x128xi32, #tpu.memory_space<hbm>>
      %dma_start3A_280 = tpu.memref_squeeze %dma_start3A_279 : memref<1x128xi32, #tpu.memory_space<hbm>> -> memref<128xi32, #tpu.memory_space<hbm>>
      %dma_start3A_281 = arith.constant 0 : i32
      %dma_start3A_282 = tpu.memref_slice %arg6[%scan3A_271, %dma_start3A_281] : memref<79x128xi32, #tpu.memory_space<vmem>> -> memref<1x128xi32, #tpu.memory_space<vmem>>
      %dma_start3A_283 = tpu.memref_squeeze %dma_start3A_282 : memref<1x128xi32, #tpu.memory_space<vmem>> -> memref<128xi32, #tpu.memory_space<vmem>>
      %dma_start3A_284 = tpu.memref_slice %arg3[%dma_start3A_275, %add3A_274] : memref<2x320000xi32, #tpu.memory_space<hbm>> -> memref<1x128xi32, #tpu.memory_space<hbm>>
      %dma_start3A_285 = tpu.memref_squeeze %dma_start3A_284 : memref<1x128xi32, #tpu.memory_space<hbm>> -> memref<128xi32, #tpu.memory_space<hbm>>
      tpu.enqueue_dma source(%dma_start3A_285 : memref<128xi32, #tpu.memory_space<hbm>>) target(%dma_start3A_283 : memref<128xi32, #tpu.memory_space<vmem>>) target_semaphore(%arg9 : memref<!tpu.dma_semaphore, #tpu.memory_space<semaphore_mem>>)
    }
    %scan3A_11 = arith.constant 78 : i32
    %lt3A = arith.constant 4 : i32
    %lt3A_12 = arith.cmpi slt, %add3A, %lt3A : i32
    %convert_element_type3A = arith.extui %lt3A_12 : i1 to i32
    %cond3A = arith.constant 0 : i32
    %cond3A_13 = arith.cmpi ne, %convert_element_type3A, %cond3A : i32
    scf.if %cond3A_13 {
      %add3A_271 = arith.constant 2496 : i32
      %add3A_272 = arith.addi %add3A_271, %add3A : i32
      %mul3A_273 = arith.constant 128 : i32
      %mul3A_274 = arith.muli %add3A_272, %mul3A_273 : i32
      %dma_start3A_275 = arith.constant 0 : i32
      %dma_start3A_276 = arith.constant 78 : i32
      %dma_start3A_277 = arith.constant 0 : i32
      %dma_start3A_278 = tpu.memref_slice %arg6[%dma_start3A_276, %dma_start3A_277] : memref<79x128xi32, #tpu.memory_space<vmem>> -> memref<1x128xi32, #tpu.memory_space<vmem>>
      %dma_start3A_279 = tpu.memref_squeeze %dma_start3A_278 : memref<1x128xi32, #tpu.memory_space<vmem>> -> memref<128xi32, #tpu.memory_space<vmem>>
      %dma_start3A_280 = tpu.memref_slice %arg3[%dma_start3A_275, %mul3A_274] : memref<2x320000xi32, #tpu.memory_space<hbm>> -> memref<1x128xi32, #tpu.memory_space<hbm>>
      %dma_start3A_281 = tpu.memref_squeeze %dma_start3A_280 : memref<1x128xi32, #tpu.memory_space<hbm>> -> memref<128xi32, #tpu.memory_space<hbm>>
      %dma_start3A_282 = arith.constant 0 : i32
      %dma_start3A_283 = tpu.memref_slice %arg6[%dma_start3A_276, %dma_start3A_282] : memref<79x128xi32, #tpu.memory_space<vmem>> -> memref<1x128xi32, #tpu.memory_space<vmem>>
      %dma_start3A_284 = tpu.memref_squeeze %dma_start3A_283 : memref<1x128xi32, #tpu.memory_space<vmem>> -> memref<128xi32, #tpu.memory_space<vmem>>
      %dma_start3A_285 = tpu.memref_slice %arg3[%dma_start3A_275, %mul3A_274] : memref<2x320000xi32, #tpu.memory_space<hbm>> -> memref<1x128xi32, #tpu.memory_space<hbm>>
      %dma_start3A_286 = tpu.memref_squeeze %dma_start3A_285 : memref<1x128xi32, #tpu.memory_space<hbm>> -> memref<128xi32, #tpu.memory_space<hbm>>
      tpu.enqueue_dma source(%dma_start3A_286 : memref<128xi32, #tpu.memory_space<hbm>>) target(%dma_start3A_284 : memref<128xi32, #tpu.memory_space<vmem>>) target_semaphore(%arg9 : memref<!tpu.dma_semaphore, #tpu.memory_space<semaphore_mem>>)
    } else {
    }
    %scan3A_14 = arith.constant 0 : i32
    %scan3A_15 = arith.constant 0 : i32
    %scan3A_16 = arith.constant 78 : i32
    %scan3A_17 = arith.addi %scan3A_15, %scan3A_16 : i32
    %scan3A_18 = arith.constant 1 : i32
    scf.for %scan3A_271 = %scan3A_15 to %scan3A_17 step %scan3A_18  : i32 {
      %mul3A_272 = arith.constant 128 : i32
      %mul3A_273 = arith.muli %scan3A_271, %mul3A_272 : i32
      %add3A_274 = arith.addi %mul3A_6, %mul3A_273 : i32
      %dma_wait3A_275 = arith.constant 0 : i32
      %dma_wait3A_276 = arith.constant 0 : i32
      %dma_wait3A_277 = tpu.memref_slice %arg6[%scan3A_271, %dma_wait3A_276] : memref<79x128xi32, #tpu.memory_space<vmem>> -> memref<1x128xi32, #tpu.memory_space<vmem>>
      %dma_wait3A_278 = tpu.memref_squeeze %dma_wait3A_277 : memref<1x128xi32, #tpu.memory_space<vmem>> -> memref<128xi32, #tpu.memory_space<vmem>>
      %dma_wait3A_279 = tpu.memref_slice %arg3[%dma_wait3A_275, %add3A_274] : memref<2x320000xi32, #tpu.memory_space<hbm>> -> memref<1x128xi32, #tpu.memory_space<hbm>>
      %dma_wait3A_280 = tpu.memref_squeeze %dma_wait3A_279 : memref<1x128xi32, #tpu.memory_space<hbm>> -> memref<128xi32, #tpu.memory_space<hbm>>
      %dma_wait3A_281 = arith.constant 0 : i32
      %dma_wait3A_282 = tpu.memref_slice %arg6[%scan3A_271, %dma_wait3A_281] : memref<79x128xi32, #tpu.memory_space<vmem>> -> memref<1x128xi32, #tpu.memory_space<vmem>>
      %dma_wait3A_283 = tpu.memref_squeeze %dma_wait3A_282 : memref<1x128xi32, #tpu.memory_space<vmem>> -> memref<128xi32, #tpu.memory_space<vmem>>
      %dma_wait3A_284 = tpu.memref_slice %arg3[%dma_wait3A_275, %add3A_274] : memref<2x320000xi32, #tpu.memory_space<hbm>> -> memref<1x128xi32, #tpu.memory_space<hbm>>
      %dma_wait3A_285 = tpu.memref_squeeze %dma_wait3A_284 : memref<1x128xi32, #tpu.memory_space<hbm>> -> memref<128xi32, #tpu.memory_space<hbm>>
      tpu.wait_dma2 semaphore(%arg9 : memref<!tpu.dma_semaphore, #tpu.memory_space<semaphore_mem>>) src(%dma_wait3A_285 : memref<128xi32, #tpu.memory_space<hbm>>) dst(%dma_wait3A_283 : memref<128xi32, #tpu.memory_space<vmem>>)
    }
    %scan3A_19 = arith.constant 78 : i32
    %lt3A_20 = arith.constant 4 : i32
    %lt3A_21 = arith.cmpi slt, %add3A, %lt3A_20 : i32
    %convert_element_type3A_22 = arith.extui %lt3A_21 : i1 to i32
    %cond3A_23 = arith.constant 0 : i32
    %cond3A_24 = arith.cmpi ne, %convert_element_type3A_22, %cond3A_23 : i32
    scf.if %cond3A_24 {
      %add3A_271 = arith.constant 2496 : i32
      %add3A_272 = arith.addi %add3A_271, %add3A : i32
      %mul3A_273 = arith.constant 128 : i32
      %mul3A_274 = arith.muli %add3A_272, %mul3A_273 : i32
      %dma_wait3A_275 = arith.constant 0 : i32
      %dma_wait3A_276 = arith.constant 78 : i32
      %dma_wait3A_277 = arith.constant 0 : i32
      %dma_wait3A_278 = tpu.memref_slice %arg6[%dma_wait3A_276, %dma_wait3A_277] : memref<79x128xi32, #tpu.memory_space<vmem>> -> memref<1x128xi32, #tpu.memory_space<vmem>>
      %dma_wait3A_279 = tpu.memref_squeeze %dma_wait3A_278 : memref<1x128xi32, #tpu.memory_space<vmem>> -> memref<128xi32, #tpu.memory_space<vmem>>
      %dma_wait3A_280 = tpu.memref_slice %arg3[%dma_wait3A_275, %mul3A_274] : memref<2x320000xi32, #tpu.memory_space<hbm>> -> memref<1x128xi32, #tpu.memory_space<hbm>>
      %dma_wait3A_281 = tpu.memref_squeeze %dma_wait3A_280 : memref<1x128xi32, #tpu.memory_space<hbm>> -> memref<128xi32, #tpu.memory_space<hbm>>
      %dma_wait3A_282 = arith.constant 0 : i32
      %dma_wait3A_283 = tpu.memref_slice %arg6[%dma_wait3A_276, %dma_wait3A_282] : memref<79x128xi32, #tpu.memory_space<vmem>> -> memref<1x128xi32, #tpu.memory_space<vmem>>
      %dma_wait3A_284 = tpu.memref_squeeze %dma_wait3A_283 : memref<1x128xi32, #tpu.memory_space<vmem>> -> memref<128xi32, #tpu.memory_space<vmem>>
      %dma_wait3A_285 = tpu.memref_slice %arg3[%dma_wait3A_275, %mul3A_274] : memref<2x320000xi32, #tpu.memory_space<hbm>> -> memref<1x128xi32, #tpu.memory_space<hbm>>
      %dma_wait3A_286 = tpu.memref_squeeze %dma_wait3A_285 : memref<1x128xi32, #tpu.memory_space<hbm>> -> memref<128xi32, #tpu.memory_space<hbm>>
      tpu.wait_dma2 semaphore(%arg9 : memref<!tpu.dma_semaphore, #tpu.memory_space<semaphore_mem>>) src(%dma_wait3A_286 : memref<128xi32, #tpu.memory_space<hbm>>) dst(%dma_wait3A_284 : memref<128xi32, #tpu.memory_space<vmem>>)
    } else {
    }
    %mul3A_25 = arith.constant 78 : i32
    %mul3A_26 = arith.muli %add3A, %mul3A_25 : i32
    %mul3A_27 = arith.constant 128 : i32
    %mul3A_28 = arith.muli %mul3A_26, %mul3A_27 : i32
    %scan3A_29 = arith.constant 0 : i32
    %scan3A_30 = arith.constant 0 : i32
    %scan3A_31 = arith.constant 78 : i32
    %scan3A_32 = arith.addi %scan3A_30, %scan3A_31 : i32
    %scan3A_33 = arith.constant 1 : i32
    scf.for %scan3A_271 = %scan3A_30 to %scan3A_32 step %scan3A_33  : i32 {
      %mul3A_272 = arith.constant 128 : i32
      %mul3A_273 = arith.muli %scan3A_271, %mul3A_272 : i32
      %add3A_274 = arith.addi %mul3A_28, %mul3A_273 : i32
      %dma_start3A_275 = arith.constant 1 : i32
      %dma_start3A_276 = arith.constant 0 : i32
      %dma_start3A_277 = tpu.memref_slice %arg7[%scan3A_271, %dma_start3A_276] : memref<79x128xi32, #tpu.memory_space<vmem>> -> memref<1x128xi32, #tpu.memory_space<vmem>>
      %dma_start3A_278 = tpu.memref_squeeze %dma_start3A_277 : memref<1x128xi32, #tpu.memory_space<vmem>> -> memref<128xi32, #tpu.memory_space<vmem>>
      %dma_start3A_279 = tpu.memref_slice %arg3[%dma_start3A_275, %add3A_274] : memref<2x320000xi32, #tpu.memory_space<hbm>> -> memref<1x128xi32, #tpu.memory_space<hbm>>
      %dma_start3A_280 = tpu.memref_squeeze %dma_start3A_279 : memref<1x128xi32, #tpu.memory_space<hbm>> -> memref<128xi32, #tpu.memory_space<hbm>>
      %dma_start3A_281 = arith.constant 0 : i32
      %dma_start3A_282 = tpu.memref_slice %arg7[%scan3A_271, %dma_start3A_281] : memref<79x128xi32, #tpu.memory_space<vmem>> -> memref<1x128xi32, #tpu.memory_space<vmem>>
      %dma_start3A_283 = tpu.memref_squeeze %dma_start3A_282 : memref<1x128xi32, #tpu.memory_space<vmem>> -> memref<128xi32, #tpu.memory_space<vmem>>
      %dma_start3A_284 = tpu.memref_slice %arg3[%dma_start3A_275, %add3A_274] : memref<2x320000xi32, #tpu.memory_space<hbm>> -> memref<1x128xi32, #tpu.memory_space<hbm>>
      %dma_start3A_285 = tpu.memref_squeeze %dma_start3A_284 : memref<1x128xi32, #tpu.memory_space<hbm>> -> memref<128xi32, #tpu.memory_space<hbm>>
      tpu.enqueue_dma source(%dma_start3A_285 : memref<128xi32, #tpu.memory_space<hbm>>) target(%dma_start3A_283 : memref<128xi32, #tpu.memory_space<vmem>>) target_semaphore(%arg9 : memref<!tpu.dma_semaphore, #tpu.memory_space<semaphore_mem>>)
    }
    %scan3A_34 = arith.constant 78 : i32
    %lt3A_35 = arith.constant 4 : i32
    %lt3A_36 = arith.cmpi slt, %add3A, %lt3A_35 : i32
    %convert_element_type3A_37 = arith.extui %lt3A_36 : i1 to i32
    %cond3A_38 = arith.constant 0 : i32
    %cond3A_39 = arith.cmpi ne, %convert_element_type3A_37, %cond3A_38 : i32
    scf.if %cond3A_39 {
      %add3A_271 = arith.constant 2496 : i32
      %add3A_272 = arith.addi %add3A_271, %add3A : i32
      %mul3A_273 = arith.constant 128 : i32
      %mul3A_274 = arith.muli %add3A_272, %mul3A_273 : i32
      %dma_start3A_275 = arith.constant 1 : i32
      %dma_start3A_276 = arith.constant 78 : i32
      %dma_start3A_277 = arith.constant 0 : i32
      %dma_start3A_278 = tpu.memref_slice %arg7[%dma_start3A_276, %dma_start3A_277] : memref<79x128xi32, #tpu.memory_space<vmem>> -> memref<1x128xi32, #tpu.memory_space<vmem>>
      %dma_start3A_279 = tpu.memref_squeeze %dma_start3A_278 : memref<1x128xi32, #tpu.memory_space<vmem>> -> memref<128xi32, #tpu.memory_space<vmem>>
      %dma_start3A_280 = tpu.memref_slice %arg3[%dma_start3A_275, %mul3A_274] : memref<2x320000xi32, #tpu.memory_space<hbm>> -> memref<1x128xi32, #tpu.memory_space<hbm>>
      %dma_start3A_281 = tpu.memref_squeeze %dma_start3A_280 : memref<1x128xi32, #tpu.memory_space<hbm>> -> memref<128xi32, #tpu.memory_space<hbm>>
      %dma_start3A_282 = arith.constant 0 : i32
      %dma_start3A_283 = tpu.memref_slice %arg7[%dma_start3A_276, %dma_start3A_282] : memref<79x128xi32, #tpu.memory_space<vmem>> -> memref<1x128xi32, #tpu.memory_space<vmem>>
      %dma_start3A_284 = tpu.memref_squeeze %dma_start3A_283 : memref<1x128xi32, #tpu.memory_space<vmem>> -> memref<128xi32, #tpu.memory_space<vmem>>
      %dma_start3A_285 = tpu.memref_slice %arg3[%dma_start3A_275, %mul3A_274] : memref<2x320000xi32, #tpu.memory_space<hbm>> -> memref<1x128xi32, #tpu.memory_space<hbm>>
      %dma_start3A_286 = tpu.memref_squeeze %dma_start3A_285 : memref<1x128xi32, #tpu.memory_space<hbm>> -> memref<128xi32, #tpu.memory_space<hbm>>
      tpu.enqueue_dma source(%dma_start3A_286 : memref<128xi32, #tpu.memory_space<hbm>>) target(%dma_start3A_284 : memref<128xi32, #tpu.memory_space<vmem>>) target_semaphore(%arg9 : memref<!tpu.dma_semaphore, #tpu.memory_space<semaphore_mem>>)
    } else {
    }
    %scan3A_40 = arith.constant 0 : i32
    %scan3A_41 = arith.constant 0 : i32
    %scan3A_42 = arith.constant 78 : i32
    %scan3A_43 = arith.addi %scan3A_41, %scan3A_42 : i32
    %scan3A_44 = arith.constant 1 : i32
    scf.for %scan3A_271 = %scan3A_41 to %scan3A_43 step %scan3A_44  : i32 {
      %mul3A_272 = arith.constant 128 : i32
      %mul3A_273 = arith.muli %scan3A_271, %mul3A_272 : i32
      %add3A_274 = arith.addi %mul3A_28, %mul3A_273 : i32
      %dma_wait3A_275 = arith.constant 1 : i32
      %dma_wait3A_276 = arith.constant 0 : i32
      %dma_wait3A_277 = tpu.memref_slice %arg7[%scan3A_271, %dma_wait3A_276] : memref<79x128xi32, #tpu.memory_space<vmem>> -> memref<1x128xi32, #tpu.memory_space<vmem>>
      %dma_wait3A_278 = tpu.memref_squeeze %dma_wait3A_277 : memref<1x128xi32, #tpu.memory_space<vmem>> -> memref<128xi32, #tpu.memory_space<vmem>>
      %dma_wait3A_279 = tpu.memref_slice %arg3[%dma_wait3A_275, %add3A_274] : memref<2x320000xi32, #tpu.memory_space<hbm>> -> memref<1x128xi32, #tpu.memory_space<hbm>>
      %dma_wait3A_280 = tpu.memref_squeeze %dma_wait3A_279 : memref<1x128xi32, #tpu.memory_space<hbm>> -> memref<128xi32, #tpu.memory_space<hbm>>
      %dma_wait3A_281 = arith.constant 0 : i32
      %dma_wait3A_282 = tpu.memref_slice %arg7[%scan3A_271, %dma_wait3A_281] : memref<79x128xi32, #tpu.memory_space<vmem>> -> memref<1x128xi32, #tpu.memory_space<vmem>>
      %dma_wait3A_283 = tpu.memref_squeeze %dma_wait3A_282 : memref<1x128xi32, #tpu.memory_space<vmem>> -> memref<128xi32, #tpu.memory_space<vmem>>
      %dma_wait3A_284 = tpu.memref_slice %arg3[%dma_wait3A_275, %add3A_274] : memref<2x320000xi32, #tpu.memory_space<hbm>> -> memref<1x128xi32, #tpu.memory_space<hbm>>
      %dma_wait3A_285 = tpu.memref_squeeze %dma_wait3A_284 : memref<1x128xi32, #tpu.memory_space<hbm>> -> memref<128xi32, #tpu.memory_space<hbm>>
      tpu.wait_dma2 semaphore(%arg9 : memref<!tpu.dma_semaphore, #tpu.memory_space<semaphore_mem>>) src(%dma_wait3A_285 : memref<128xi32, #tpu.memory_space<hbm>>) dst(%dma_wait3A_283 : memref<128xi32, #tpu.memory_space<vmem>>)
    }
    %scan3A_45 = arith.constant 78 : i32
    %lt3A_46 = arith.constant 4 : i32
    %lt3A_47 = arith.cmpi slt, %add3A, %lt3A_46 : i32
    %convert_element_type3A_48 = arith.extui %lt3A_47 : i1 to i32
    %cond3A_49 = arith.constant 0 : i32
    %cond3A_50 = arith.cmpi ne, %convert_element_type3A_48, %cond3A_49 : i32
    scf.if %cond3A_50 {
      %add3A_271 = arith.constant 2496 : i32
      %add3A_272 = arith.addi %add3A_271, %add3A : i32
      %mul3A_273 = arith.constant 128 : i32
      %mul3A_274 = arith.muli %add3A_272, %mul3A_273 : i32
      %dma_wait3A_275 = arith.constant 1 : i32
      %dma_wait3A_276 = arith.constant 78 : i32
      %dma_wait3A_277 = arith.constant 0 : i32
      %dma_wait3A_278 = tpu.memref_slice %arg7[%dma_wait3A_276, %dma_wait3A_277] : memref<79x128xi32, #tpu.memory_space<vmem>> -> memref<1x128xi32, #tpu.memory_space<vmem>>
      %dma_wait3A_279 = tpu.memref_squeeze %dma_wait3A_278 : memref<1x128xi32, #tpu.memory_space<vmem>> -> memref<128xi32, #tpu.memory_space<vmem>>
      %dma_wait3A_280 = tpu.memref_slice %arg3[%dma_wait3A_275, %mul3A_274] : memref<2x320000xi32, #tpu.memory_space<hbm>> -> memref<1x128xi32, #tpu.memory_space<hbm>>
      %dma_wait3A_281 = tpu.memref_squeeze %dma_wait3A_280 : memref<1x128xi32, #tpu.memory_space<hbm>> -> memref<128xi32, #tpu.memory_space<hbm>>
      %dma_wait3A_282 = arith.constant 0 : i32
      %dma_wait3A_283 = tpu.memref_slice %arg7[%dma_wait3A_276, %dma_wait3A_282] : memref<79x128xi32, #tpu.memory_space<vmem>> -> memref<1x128xi32, #tpu.memory_space<vmem>>
      %dma_wait3A_284 = tpu.memref_squeeze %dma_wait3A_283 : memref<1x128xi32, #tpu.memory_space<vmem>> -> memref<128xi32, #tpu.memory_space<vmem>>
      %dma_wait3A_285 = tpu.memref_slice %arg3[%dma_wait3A_275, %mul3A_274] : memref<2x320000xi32, #tpu.memory_space<hbm>> -> memref<1x128xi32, #tpu.memory_space<hbm>>
      %dma_wait3A_286 = tpu.memref_squeeze %dma_wait3A_285 : memref<1x128xi32, #tpu.memory_space<hbm>> -> memref<128xi32, #tpu.memory_space<hbm>>
      tpu.wait_dma2 semaphore(%arg9 : memref<!tpu.dma_semaphore, #tpu.memory_space<semaphore_mem>>) src(%dma_wait3A_286 : memref<128xi32, #tpu.memory_space<hbm>>) dst(%dma_wait3A_284 : memref<128xi32, #tpu.memory_space<vmem>>)
    } else {
    }
    %barrier3A = arith.constant 0 : index
    tpu.barrier barrier_id(%barrier3A)
    %dma_start3A = arith.constant 0 : i32
    %dma_start3A_51 = arith.constant 0 : i32
    %dma_start3A_52 = arith.constant 0 : i32
    %dma_start3A_53 = arith.constant 0 : i32
    %dma_start3A_54 = arith.constant 0 : i32
    %dma_start3A_55 = tpu.memref_slice %arg8[%dma_start3A_51, %dma_start3A_53, %dma_start3A_54] : memref<13x128x16xf32, #tpu.memory_space<vmem>> -> memref<1x128x16xf32, #tpu.memory_space<vmem>>
    %dma_start3A_56 = tpu.memref_squeeze %dma_start3A_55 : memref<1x128x16xf32, #tpu.memory_space<vmem>> -> memref<128x16xf32, #tpu.memory_space<vmem>>
    %dma_start3A_57 = arith.constant 0 : i32
    %dma_start3A_58 = tpu.memref_slice %arg6[%dma_start3A, %dma_start3A_57] : memref<79x128xi32, #tpu.memory_space<vmem>> -> memref<1x128xi32, #tpu.memory_space<vmem>>
    %dma_start3A_59 = tpu.memref_squeeze %dma_start3A_58 : memref<1x128xi32, #tpu.memory_space<vmem>> -> memref<128xi32, #tpu.memory_space<vmem>>
    %dma_start3A_60 = arith.constant 0 : i32
    %dma_start3A_61 = arith.constant 0 : i32
    %dma_start3A_62 = tpu.memref_slice %arg2[%dma_start3A_60, %dma_start3A_61] : memref<10240x16xf32, #tpu.memory_space<hbm>> -> memref<10240x16xf32, #tpu.memory_space<hbm>>
    %dma_start3A_63 = tpu.memref_slice %arg10[%dma_start3A_52] : memref<13x!tpu.dma_semaphore, #tpu.memory_space<semaphore_mem>> -> memref<1x!tpu.dma_semaphore, #tpu.memory_space<semaphore_mem>>
    %dma_start3A_64 = tpu.memref_squeeze %dma_start3A_63 : memref<1x!tpu.dma_semaphore, #tpu.memory_space<semaphore_mem>> -> memref<!tpu.dma_semaphore, #tpu.memory_space<semaphore_mem>>
    tpu.enqueue_indirect_dma source(%dma_start3A_62 : memref<10240x16xf32, #tpu.memory_space<hbm>>) target(%dma_start3A_56 : memref<128x16xf32, #tpu.memory_space<vmem>>) offsets(%dma_start3A_59 : memref<128xi32, #tpu.memory_space<vmem>>) semaphore(%dma_start3A_64 : memref<!tpu.dma_semaphore, #tpu.memory_space<semaphore_mem>>)
    %dma_start3A_65 = arith.constant 1 : i32
    %dma_start3A_66 = arith.constant 1 : i32
    %dma_start3A_67 = arith.constant 1 : i32
    %dma_start3A_68 = arith.constant 0 : i32
    %dma_start3A_69 = arith.constant 0 : i32
    %dma_start3A_70 = tpu.memref_slice %arg8[%dma_start3A_66, %dma_start3A_68, %dma_start3A_69] : memref<13x128x16xf32, #tpu.memory_space<vmem>> -> memref<1x128x16xf32, #tpu.memory_space<vmem>>
    %dma_start3A_71 = tpu.memref_squeeze %dma_start3A_70 : memref<1x128x16xf32, #tpu.memory_space<vmem>> -> memref<128x16xf32, #tpu.memory_space<vmem>>
    %dma_start3A_72 = arith.constant 0 : i32
    %dma_start3A_73 = tpu.memref_slice %arg6[%dma_start3A_65, %dma_start3A_72] : memref<79x128xi32, #tpu.memory_space<vmem>> -> memref<1x128xi32, #tpu.memory_space<vmem>>
    %dma_start3A_74 = tpu.memref_squeeze %dma_start3A_73 : memref<1x128xi32, #tpu.memory_space<vmem>> -> memref<128xi32, #tpu.memory_space<vmem>>
    %dma_start3A_75 = arith.constant 0 : i32
    %dma_start3A_76 = arith.constant 0 : i32
    %dma_start3A_77 = tpu.memref_slice %arg2[%dma_start3A_75, %dma_start3A_76] : memref<10240x16xf32, #tpu.memory_space<hbm>> -> memref<10240x16xf32, #tpu.memory_space<hbm>>
    %dma_start3A_78 = tpu.memref_slice %arg10[%dma_start3A_67] : memref<13x!tpu.dma_semaphore, #tpu.memory_space<semaphore_mem>> -> memref<1x!tpu.dma_semaphore, #tpu.memory_space<semaphore_mem>>
    %dma_start3A_79 = tpu.memref_squeeze %dma_start3A_78 : memref<1x!tpu.dma_semaphore, #tpu.memory_space<semaphore_mem>> -> memref<!tpu.dma_semaphore, #tpu.memory_space<semaphore_mem>>
    tpu.enqueue_indirect_dma source(%dma_start3A_77 : memref<10240x16xf32, #tpu.memory_space<hbm>>) target(%dma_start3A_71 : memref<128x16xf32, #tpu.memory_space<vmem>>) offsets(%dma_start3A_74 : memref<128xi32, #tpu.memory_space<vmem>>) semaphore(%dma_start3A_79 : memref<!tpu.dma_semaphore, #tpu.memory_space<semaphore_mem>>)
    %dma_start3A_80 = arith.constant 2 : i32
    %dma_start3A_81 = arith.constant 2 : i32
    %dma_start3A_82 = arith.constant 2 : i32
    %dma_start3A_83 = arith.constant 0 : i32
    %dma_start3A_84 = arith.constant 0 : i32
    %dma_start3A_85 = tpu.memref_slice %arg8[%dma_start3A_81, %dma_start3A_83, %dma_start3A_84] : memref<13x128x16xf32, #tpu.memory_space<vmem>> -> memref<1x128x16xf32, #tpu.memory_space<vmem>>
    %dma_start3A_86 = tpu.memref_squeeze %dma_start3A_85 : memref<1x128x16xf32, #tpu.memory_space<vmem>> -> memref<128x16xf32, #tpu.memory_space<vmem>>
    %dma_start3A_87 = arith.constant 0 : i32
    %dma_start3A_88 = tpu.memref_slice %arg6[%dma_start3A_80, %dma_start3A_87] : memref<79x128xi32, #tpu.memory_space<vmem>> -> memref<1x128xi32, #tpu.memory_space<vmem>>
    %dma_start3A_89 = tpu.memref_squeeze %dma_start3A_88 : memref<1x128xi32, #tpu.memory_space<vmem>> -> memref<128xi32, #tpu.memory_space<vmem>>
    %dma_start3A_90 = arith.constant 0 : i32
    %dma_start3A_91 = arith.constant 0 : i32
    %dma_start3A_92 = tpu.memref_slice %arg2[%dma_start3A_90, %dma_start3A_91] : memref<10240x16xf32, #tpu.memory_space<hbm>> -> memref<10240x16xf32, #tpu.memory_space<hbm>>
    %dma_start3A_93 = tpu.memref_slice %arg10[%dma_start3A_82] : memref<13x!tpu.dma_semaphore, #tpu.memory_space<semaphore_mem>> -> memref<1x!tpu.dma_semaphore, #tpu.memory_space<semaphore_mem>>
    %dma_start3A_94 = tpu.memref_squeeze %dma_start3A_93 : memref<1x!tpu.dma_semaphore, #tpu.memory_space<semaphore_mem>> -> memref<!tpu.dma_semaphore, #tpu.memory_space<semaphore_mem>>
    tpu.enqueue_indirect_dma source(%dma_start3A_92 : memref<10240x16xf32, #tpu.memory_space<hbm>>) target(%dma_start3A_86 : memref<128x16xf32, #tpu.memory_space<vmem>>) offsets(%dma_start3A_89 : memref<128xi32, #tpu.memory_space<vmem>>) semaphore(%dma_start3A_94 : memref<!tpu.dma_semaphore, #tpu.memory_space<semaphore_mem>>)
    %dma_start3A_95 = arith.constant 3 : i32
    %dma_start3A_96 = arith.constant 3 : i32
    %dma_start3A_97 = arith.constant 3 : i32
    %dma_start3A_98 = arith.constant 0 : i32
    %dma_start3A_99 = arith.constant 0 : i32
    %dma_start3A_100 = tpu.memref_slice %arg8[%dma_start3A_96, %dma_start3A_98, %dma_start3A_99] : memref<13x128x16xf32, #tpu.memory_space<vmem>> -> memref<1x128x16xf32, #tpu.memory_space<vmem>>
    %dma_start3A_101 = tpu.memref_squeeze %dma_start3A_100 : memref<1x128x16xf32, #tpu.memory_space<vmem>> -> memref<128x16xf32, #tpu.memory_space<vmem>>
    %dma_start3A_102 = arith.constant 0 : i32
    %dma_start3A_103 = tpu.memref_slice %arg6[%dma_start3A_95, %dma_start3A_102] : memref<79x128xi32, #tpu.memory_space<vmem>> -> memref<1x128xi32, #tpu.memory_space<vmem>>
    %dma_start3A_104 = tpu.memref_squeeze %dma_start3A_103 : memref<1x128xi32, #tpu.memory_space<vmem>> -> memref<128xi32, #tpu.memory_space<vmem>>
    %dma_start3A_105 = arith.constant 0 : i32
    %dma_start3A_106 = arith.constant 0 : i32
    %dma_start3A_107 = tpu.memref_slice %arg2[%dma_start3A_105, %dma_start3A_106] : memref<10240x16xf32, #tpu.memory_space<hbm>> -> memref<10240x16xf32, #tpu.memory_space<hbm>>
    %dma_start3A_108 = tpu.memref_slice %arg10[%dma_start3A_97] : memref<13x!tpu.dma_semaphore, #tpu.memory_space<semaphore_mem>> -> memref<1x!tpu.dma_semaphore, #tpu.memory_space<semaphore_mem>>
    %dma_start3A_109 = tpu.memref_squeeze %dma_start3A_108 : memref<1x!tpu.dma_semaphore, #tpu.memory_space<semaphore_mem>> -> memref<!tpu.dma_semaphore, #tpu.memory_space<semaphore_mem>>
    tpu.enqueue_indirect_dma source(%dma_start3A_107 : memref<10240x16xf32, #tpu.memory_space<hbm>>) target(%dma_start3A_101 : memref<128x16xf32, #tpu.memory_space<vmem>>) offsets(%dma_start3A_104 : memref<128xi32, #tpu.memory_space<vmem>>) semaphore(%dma_start3A_109 : memref<!tpu.dma_semaphore, #tpu.memory_space<semaphore_mem>>)
    %dma_start3A_110 = arith.constant 4 : i32
    %dma_start3A_111 = arith.constant 4 : i32
    %dma_start3A_112 = arith.constant 4 : i32
    %dma_start3A_113 = arith.constant 0 : i32
    %dma_start3A_114 = arith.constant 0 : i32
    %dma_start3A_115 = tpu.memref_slice %arg8[%dma_start3A_111, %dma_start3A_113, %dma_start3A_114] : memref<13x128x16xf32, #tpu.memory_space<vmem>> -> memref<1x128x16xf32, #tpu.memory_space<vmem>>
    %dma_start3A_116 = tpu.memref_squeeze %dma_start3A_115 : memref<1x128x16xf32, #tpu.memory_space<vmem>> -> memref<128x16xf32, #tpu.memory_space<vmem>>
    %dma_start3A_117 = arith.constant 0 : i32
    %dma_start3A_118 = tpu.memref_slice %arg6[%dma_start3A_110, %dma_start3A_117] : memref<79x128xi32, #tpu.memory_space<vmem>> -> memref<1x128xi32, #tpu.memory_space<vmem>>
    %dma_start3A_119 = tpu.memref_squeeze %dma_start3A_118 : memref<1x128xi32, #tpu.memory_space<vmem>> -> memref<128xi32, #tpu.memory_space<vmem>>
    %dma_start3A_120 = arith.constant 0 : i32
    %dma_start3A_121 = arith.constant 0 : i32
    %dma_start3A_122 = tpu.memref_slice %arg2[%dma_start3A_120, %dma_start3A_121] : memref<10240x16xf32, #tpu.memory_space<hbm>> -> memref<10240x16xf32, #tpu.memory_space<hbm>>
    %dma_start3A_123 = tpu.memref_slice %arg10[%dma_start3A_112] : memref<13x!tpu.dma_semaphore, #tpu.memory_space<semaphore_mem>> -> memref<1x!tpu.dma_semaphore, #tpu.memory_space<semaphore_mem>>
    %dma_start3A_124 = tpu.memref_squeeze %dma_start3A_123 : memref<1x!tpu.dma_semaphore, #tpu.memory_space<semaphore_mem>> -> memref<!tpu.dma_semaphore, #tpu.memory_space<semaphore_mem>>
    tpu.enqueue_indirect_dma source(%dma_start3A_122 : memref<10240x16xf32, #tpu.memory_space<hbm>>) target(%dma_start3A_116 : memref<128x16xf32, #tpu.memory_space<vmem>>) offsets(%dma_start3A_119 : memref<128xi32, #tpu.memory_space<vmem>>) semaphore(%dma_start3A_124 : memref<!tpu.dma_semaphore, #tpu.memory_space<semaphore_mem>>)
    %dma_start3A_125 = arith.constant 5 : i32
    %dma_start3A_126 = arith.constant 5 : i32
    %dma_start3A_127 = arith.constant 5 : i32
    %dma_start3A_128 = arith.constant 0 : i32
    %dma_start3A_129 = arith.constant 0 : i32
    %dma_start3A_130 = tpu.memref_slice %arg8[%dma_start3A_126, %dma_start3A_128, %dma_start3A_129] : memref<13x128x16xf32, #tpu.memory_space<vmem>> -> memref<1x128x16xf32, #tpu.memory_space<vmem>>
    %dma_start3A_131 = tpu.memref_squeeze %dma_start3A_130 : memref<1x128x16xf32, #tpu.memory_space<vmem>> -> memref<128x16xf32, #tpu.memory_space<vmem>>
    %dma_start3A_132 = arith.constant 0 : i32
    %dma_start3A_133 = tpu.memref_slice %arg6[%dma_start3A_125, %dma_start3A_132] : memref<79x128xi32, #tpu.memory_space<vmem>> -> memref<1x128xi32, #tpu.memory_space<vmem>>
    %dma_start3A_134 = tpu.memref_squeeze %dma_start3A_133 : memref<1x128xi32, #tpu.memory_space<vmem>> -> memref<128xi32, #tpu.memory_space<vmem>>
    %dma_start3A_135 = arith.constant 0 : i32
    %dma_start3A_136 = arith.constant 0 : i32
    %dma_start3A_137 = tpu.memref_slice %arg2[%dma_start3A_135, %dma_start3A_136] : memref<10240x16xf32, #tpu.memory_space<hbm>> -> memref<10240x16xf32, #tpu.memory_space<hbm>>
    %dma_start3A_138 = tpu.memref_slice %arg10[%dma_start3A_127] : memref<13x!tpu.dma_semaphore, #tpu.memory_space<semaphore_mem>> -> memref<1x!tpu.dma_semaphore, #tpu.memory_space<semaphore_mem>>
    %dma_start3A_139 = tpu.memref_squeeze %dma_start3A_138 : memref<1x!tpu.dma_semaphore, #tpu.memory_space<semaphore_mem>> -> memref<!tpu.dma_semaphore, #tpu.memory_space<semaphore_mem>>
    tpu.enqueue_indirect_dma source(%dma_start3A_137 : memref<10240x16xf32, #tpu.memory_space<hbm>>) target(%dma_start3A_131 : memref<128x16xf32, #tpu.memory_space<vmem>>) offsets(%dma_start3A_134 : memref<128xi32, #tpu.memory_space<vmem>>) semaphore(%dma_start3A_139 : memref<!tpu.dma_semaphore, #tpu.memory_space<semaphore_mem>>)
    %dma_start3A_140 = arith.constant 6 : i32
    %dma_start3A_141 = arith.constant 6 : i32
    %dma_start3A_142 = arith.constant 6 : i32
    %dma_start3A_143 = arith.constant 0 : i32
    %dma_start3A_144 = arith.constant 0 : i32
    %dma_start3A_145 = tpu.memref_slice %arg8[%dma_start3A_141, %dma_start3A_143, %dma_start3A_144] : memref<13x128x16xf32, #tpu.memory_space<vmem>> -> memref<1x128x16xf32, #tpu.memory_space<vmem>>
    %dma_start3A_146 = tpu.memref_squeeze %dma_start3A_145 : memref<1x128x16xf32, #tpu.memory_space<vmem>> -> memref<128x16xf32, #tpu.memory_space<vmem>>
    %dma_start3A_147 = arith.constant 0 : i32
    %dma_start3A_148 = tpu.memref_slice %arg6[%dma_start3A_140, %dma_start3A_147] : memref<79x128xi32, #tpu.memory_space<vmem>> -> memref<1x128xi32, #tpu.memory_space<vmem>>
    %dma_start3A_149 = tpu.memref_squeeze %dma_start3A_148 : memref<1x128xi32, #tpu.memory_space<vmem>> -> memref<128xi32, #tpu.memory_space<vmem>>
    %dma_start3A_150 = arith.constant 0 : i32
    %dma_start3A_151 = arith.constant 0 : i32
    %dma_start3A_152 = tpu.memref_slice %arg2[%dma_start3A_150, %dma_start3A_151] : memref<10240x16xf32, #tpu.memory_space<hbm>> -> memref<10240x16xf32, #tpu.memory_space<hbm>>
    %dma_start3A_153 = tpu.memref_slice %arg10[%dma_start3A_142] : memref<13x!tpu.dma_semaphore, #tpu.memory_space<semaphore_mem>> -> memref<1x!tpu.dma_semaphore, #tpu.memory_space<semaphore_mem>>
    %dma_start3A_154 = tpu.memref_squeeze %dma_start3A_153 : memref<1x!tpu.dma_semaphore, #tpu.memory_space<semaphore_mem>> -> memref<!tpu.dma_semaphore, #tpu.memory_space<semaphore_mem>>
    tpu.enqueue_indirect_dma source(%dma_start3A_152 : memref<10240x16xf32, #tpu.memory_space<hbm>>) target(%dma_start3A_146 : memref<128x16xf32, #tpu.memory_space<vmem>>) offsets(%dma_start3A_149 : memref<128xi32, #tpu.memory_space<vmem>>) semaphore(%dma_start3A_154 : memref<!tpu.dma_semaphore, #tpu.memory_space<semaphore_mem>>)
    %dma_start3A_155 = arith.constant 7 : i32
    %dma_start3A_156 = arith.constant 7 : i32
    %dma_start3A_157 = arith.constant 7 : i32
    %dma_start3A_158 = arith.constant 0 : i32
    %dma_start3A_159 = arith.constant 0 : i32
    %dma_start3A_160 = tpu.memref_slice %arg8[%dma_start3A_156, %dma_start3A_158, %dma_start3A_159] : memref<13x128x16xf32, #tpu.memory_space<vmem>> -> memref<1x128x16xf32, #tpu.memory_space<vmem>>
    %dma_start3A_161 = tpu.memref_squeeze %dma_start3A_160 : memref<1x128x16xf32, #tpu.memory_space<vmem>> -> memref<128x16xf32, #tpu.memory_space<vmem>>
    %dma_start3A_162 = arith.constant 0 : i32
    %dma_start3A_163 = tpu.memref_slice %arg6[%dma_start3A_155, %dma_start3A_162] : memref<79x128xi32, #tpu.memory_space<vmem>> -> memref<1x128xi32, #tpu.memory_space<vmem>>
    %dma_start3A_164 = tpu.memref_squeeze %dma_start3A_163 : memref<1x128xi32, #tpu.memory_space<vmem>> -> memref<128xi32, #tpu.memory_space<vmem>>
    %dma_start3A_165 = arith.constant 0 : i32
    %dma_start3A_166 = arith.constant 0 : i32
    %dma_start3A_167 = tpu.memref_slice %arg2[%dma_start3A_165, %dma_start3A_166] : memref<10240x16xf32, #tpu.memory_space<hbm>> -> memref<10240x16xf32, #tpu.memory_space<hbm>>
    %dma_start3A_168 = tpu.memref_slice %arg10[%dma_start3A_157] : memref<13x!tpu.dma_semaphore, #tpu.memory_space<semaphore_mem>> -> memref<1x!tpu.dma_semaphore, #tpu.memory_space<semaphore_mem>>
    %dma_start3A_169 = tpu.memref_squeeze %dma_start3A_168 : memref<1x!tpu.dma_semaphore, #tpu.memory_space<semaphore_mem>> -> memref<!tpu.dma_semaphore, #tpu.memory_space<semaphore_mem>>
    tpu.enqueue_indirect_dma source(%dma_start3A_167 : memref<10240x16xf32, #tpu.memory_space<hbm>>) target(%dma_start3A_161 : memref<128x16xf32, #tpu.memory_space<vmem>>) offsets(%dma_start3A_164 : memref<128xi32, #tpu.memory_space<vmem>>) semaphore(%dma_start3A_169 : memref<!tpu.dma_semaphore, #tpu.memory_space<semaphore_mem>>)
    %dma_start3A_170 = arith.constant 8 : i32
    %dma_start3A_171 = arith.constant 8 : i32
    %dma_start3A_172 = arith.constant 8 : i32
    %dma_start3A_173 = arith.constant 0 : i32
    %dma_start3A_174 = arith.constant 0 : i32
    %dma_start3A_175 = tpu.memref_slice %arg8[%dma_start3A_171, %dma_start3A_173, %dma_start3A_174] : memref<13x128x16xf32, #tpu.memory_space<vmem>> -> memref<1x128x16xf32, #tpu.memory_space<vmem>>
    %dma_start3A_176 = tpu.memref_squeeze %dma_start3A_175 : memref<1x128x16xf32, #tpu.memory_space<vmem>> -> memref<128x16xf32, #tpu.memory_space<vmem>>
    %dma_start3A_177 = arith.constant 0 : i32
    %dma_start3A_178 = tpu.memref_slice %arg6[%dma_start3A_170, %dma_start3A_177] : memref<79x128xi32, #tpu.memory_space<vmem>> -> memref<1x128xi32, #tpu.memory_space<vmem>>
    %dma_start3A_179 = tpu.memref_squeeze %dma_start3A_178 : memref<1x128xi32, #tpu.memory_space<vmem>> -> memref<128xi32, #tpu.memory_space<vmem>>
    %dma_start3A_180 = arith.constant 0 : i32
    %dma_start3A_181 = arith.constant 0 : i32
    %dma_start3A_182 = tpu.memref_slice %arg2[%dma_start3A_180, %dma_start3A_181] : memref<10240x16xf32, #tpu.memory_space<hbm>> -> memref<10240x16xf32, #tpu.memory_space<hbm>>
    %dma_start3A_183 = tpu.memref_slice %arg10[%dma_start3A_172] : memref<13x!tpu.dma_semaphore, #tpu.memory_space<semaphore_mem>> -> memref<1x!tpu.dma_semaphore, #tpu.memory_space<semaphore_mem>>
    %dma_start3A_184 = tpu.memref_squeeze %dma_start3A_183 : memref<1x!tpu.dma_semaphore, #tpu.memory_space<semaphore_mem>> -> memref<!tpu.dma_semaphore, #tpu.memory_space<semaphore_mem>>
    tpu.enqueue_indirect_dma source(%dma_start3A_182 : memref<10240x16xf32, #tpu.memory_space<hbm>>) target(%dma_start3A_176 : memref<128x16xf32, #tpu.memory_space<vmem>>) offsets(%dma_start3A_179 : memref<128xi32, #tpu.memory_space<vmem>>) semaphore(%dma_start3A_184 : memref<!tpu.dma_semaphore, #tpu.memory_space<semaphore_mem>>)
    %dma_start3A_185 = arith.constant 9 : i32
    %dma_start3A_186 = arith.constant 9 : i32
    %dma_start3A_187 = arith.constant 9 : i32
    %dma_start3A_188 = arith.constant 0 : i32
    %dma_start3A_189 = arith.constant 0 : i32
    %dma_start3A_190 = tpu.memref_slice %arg8[%dma_start3A_186, %dma_start3A_188, %dma_start3A_189] : memref<13x128x16xf32, #tpu.memory_space<vmem>> -> memref<1x128x16xf32, #tpu.memory_space<vmem>>
    %dma_start3A_191 = tpu.memref_squeeze %dma_start3A_190 : memref<1x128x16xf32, #tpu.memory_space<vmem>> -> memref<128x16xf32, #tpu.memory_space<vmem>>
    %dma_start3A_192 = arith.constant 0 : i32
    %dma_start3A_193 = tpu.memref_slice %arg6[%dma_start3A_185, %dma_start3A_192] : memref<79x128xi32, #tpu.memory_space<vmem>> -> memref<1x128xi32, #tpu.memory_space<vmem>>
    %dma_start3A_194 = tpu.memref_squeeze %dma_start3A_193 : memref<1x128xi32, #tpu.memory_space<vmem>> -> memref<128xi32, #tpu.memory_space<vmem>>
    %dma_start3A_195 = arith.constant 0 : i32
    %dma_start3A_196 = arith.constant 0 : i32
    %dma_start3A_197 = tpu.memref_slice %arg2[%dma_start3A_195, %dma_start3A_196] : memref<10240x16xf32, #tpu.memory_space<hbm>> -> memref<10240x16xf32, #tpu.memory_space<hbm>>
    %dma_start3A_198 = tpu.memref_slice %arg10[%dma_start3A_187] : memref<13x!tpu.dma_semaphore, #tpu.memory_space<semaphore_mem>> -> memref<1x!tpu.dma_semaphore, #tpu.memory_space<semaphore_mem>>
    %dma_start3A_199 = tpu.memref_squeeze %dma_start3A_198 : memref<1x!tpu.dma_semaphore, #tpu.memory_space<semaphore_mem>> -> memref<!tpu.dma_semaphore, #tpu.memory_space<semaphore_mem>>
    tpu.enqueue_indirect_dma source(%dma_start3A_197 : memref<10240x16xf32, #tpu.memory_space<hbm>>) target(%dma_start3A_191 : memref<128x16xf32, #tpu.memory_space<vmem>>) offsets(%dma_start3A_194 : memref<128xi32, #tpu.memory_space<vmem>>) semaphore(%dma_start3A_199 : memref<!tpu.dma_semaphore, #tpu.memory_space<semaphore_mem>>)
    %dma_start3A_200 = arith.constant 10 : i32
    %dma_start3A_201 = arith.constant 10 : i32
    %dma_start3A_202 = arith.constant 10 : i32
    %dma_start3A_203 = arith.constant 0 : i32
    %dma_start3A_204 = arith.constant 0 : i32
    %dma_start3A_205 = tpu.memref_slice %arg8[%dma_start3A_201, %dma_start3A_203, %dma_start3A_204] : memref<13x128x16xf32, #tpu.memory_space<vmem>> -> memref<1x128x16xf32, #tpu.memory_space<vmem>>
    %dma_start3A_206 = tpu.memref_squeeze %dma_start3A_205 : memref<1x128x16xf32, #tpu.memory_space<vmem>> -> memref<128x16xf32, #tpu.memory_space<vmem>>
    %dma_start3A_207 = arith.constant 0 : i32
    %dma_start3A_208 = tpu.memref_slice %arg6[%dma_start3A_200, %dma_start3A_207] : memref<79x128xi32, #tpu.memory_space<vmem>> -> memref<1x128xi32, #tpu.memory_space<vmem>>
    %dma_start3A_209 = tpu.memref_squeeze %dma_start3A_208 : memref<1x128xi32, #tpu.memory_space<vmem>> -> memref<128xi32, #tpu.memory_space<vmem>>
    %dma_start3A_210 = arith.constant 0 : i32
    %dma_start3A_211 = arith.constant 0 : i32
    %dma_start3A_212 = tpu.memref_slice %arg2[%dma_start3A_210, %dma_start3A_211] : memref<10240x16xf32, #tpu.memory_space<hbm>> -> memref<10240x16xf32, #tpu.memory_space<hbm>>
    %dma_start3A_213 = tpu.memref_slice %arg10[%dma_start3A_202] : memref<13x!tpu.dma_semaphore, #tpu.memory_space<semaphore_mem>> -> memref<1x!tpu.dma_semaphore, #tpu.memory_space<semaphore_mem>>
    %dma_start3A_214 = tpu.memref_squeeze %dma_start3A_213 : memref<1x!tpu.dma_semaphore, #tpu.memory_space<semaphore_mem>> -> memref<!tpu.dma_semaphore, #tpu.memory_space<semaphore_mem>>
    tpu.enqueue_indirect_dma source(%dma_start3A_212 : memref<10240x16xf32, #tpu.memory_space<hbm>>) target(%dma_start3A_206 : memref<128x16xf32, #tpu.memory_space<vmem>>) offsets(%dma_start3A_209 : memref<128xi32, #tpu.memory_space<vmem>>) semaphore(%dma_start3A_214 : memref<!tpu.dma_semaphore, #tpu.memory_space<semaphore_mem>>)
    %dma_start3A_215 = arith.constant 11 : i32
    %dma_start3A_216 = arith.constant 11 : i32
    %dma_start3A_217 = arith.constant 11 : i32
    %dma_start3A_218 = arith.constant 0 : i32
    %dma_start3A_219 = arith.constant 0 : i32
    %dma_start3A_220 = tpu.memref_slice %arg8[%dma_start3A_216, %dma_start3A_218, %dma_start3A_219] : memref<13x128x16xf32, #tpu.memory_space<vmem>> -> memref<1x128x16xf32, #tpu.memory_space<vmem>>
    %dma_start3A_221 = tpu.memref_squeeze %dma_start3A_220 : memref<1x128x16xf32, #tpu.memory_space<vmem>> -> memref<128x16xf32, #tpu.memory_space<vmem>>
    %dma_start3A_222 = arith.constant 0 : i32
    %dma_start3A_223 = tpu.memref_slice %arg6[%dma_start3A_215, %dma_start3A_222] : memref<79x128xi32, #tpu.memory_space<vmem>> -> memref<1x128xi32, #tpu.memory_space<vmem>>
    %dma_start3A_224 = tpu.memref_squeeze %dma_start3A_223 : memref<1x128xi32, #tpu.memory_space<vmem>> -> memref<128xi32, #tpu.memory_space<vmem>>
    %dma_start3A_225 = arith.constant 0 : i32
    %dma_start3A_226 = arith.constant 0 : i32
    %dma_start3A_227 = tpu.memref_slice %arg2[%dma_start3A_225, %dma_start3A_226] : memref<10240x16xf32, #tpu.memory_space<hbm>> -> memref<10240x16xf32, #tpu.memory_space<hbm>>
    %dma_start3A_228 = tpu.memref_slice %arg10[%dma_start3A_217] : memref<13x!tpu.dma_semaphore, #tpu.memory_space<semaphore_mem>> -> memref<1x!tpu.dma_semaphore, #tpu.memory_space<semaphore_mem>>
    %dma_start3A_229 = tpu.memref_squeeze %dma_start3A_228 : memref<1x!tpu.dma_semaphore, #tpu.memory_space<semaphore_mem>> -> memref<!tpu.dma_semaphore, #tpu.memory_space<semaphore_mem>>
    tpu.enqueue_indirect_dma source(%dma_start3A_227 : memref<10240x16xf32, #tpu.memory_space<hbm>>) target(%dma_start3A_221 : memref<128x16xf32, #tpu.memory_space<vmem>>) offsets(%dma_start3A_224 : memref<128xi32, #tpu.memory_space<vmem>>) semaphore(%dma_start3A_229 : memref<!tpu.dma_semaphore, #tpu.memory_space<semaphore_mem>>)
    %dma_start3A_230 = arith.constant 12 : i32
    %dma_start3A_231 = arith.constant 12 : i32
    %dma_start3A_232 = arith.constant 12 : i32
    %dma_start3A_233 = arith.constant 0 : i32
    %dma_start3A_234 = arith.constant 0 : i32
    %dma_start3A_235 = tpu.memref_slice %arg8[%dma_start3A_231, %dma_start3A_233, %dma_start3A_234] : memref<13x128x16xf32, #tpu.memory_space<vmem>> -> memref<1x128x16xf32, #tpu.memory_space<vmem>>
    %dma_start3A_236 = tpu.memref_squeeze %dma_start3A_235 : memref<1x128x16xf32, #tpu.memory_space<vmem>> -> memref<128x16xf32, #tpu.memory_space<vmem>>
    %dma_start3A_237 = arith.constant 0 : i32
    %dma_start3A_238 = tpu.memref_slice %arg6[%dma_start3A_230, %dma_start3A_237] : memref<79x128xi32, #tpu.memory_space<vmem>> -> memref<1x128xi32, #tpu.memory_space<vmem>>
    %dma_start3A_239 = tpu.memref_squeeze %dma_start3A_238 : memref<1x128xi32, #tpu.memory_space<vmem>> -> memref<128xi32, #tpu.memory_space<vmem>>
    %dma_start3A_240 = arith.constant 0 : i32
    %dma_start3A_241 = arith.constant 0 : i32
    %dma_start3A_242 = tpu.memref_slice %arg2[%dma_start3A_240, %dma_start3A_241] : memref<10240x16xf32, #tpu.memory_space<hbm>> -> memref<10240x16xf32, #tpu.memory_space<hbm>>
    %dma_start3A_243 = tpu.memref_slice %arg10[%dma_start3A_232] : memref<13x!tpu.dma_semaphore, #tpu.memory_space<semaphore_mem>> -> memref<1x!tpu.dma_semaphore, #tpu.memory_space<semaphore_mem>>
    %dma_start3A_244 = tpu.memref_squeeze %dma_start3A_243 : memref<1x!tpu.dma_semaphore, #tpu.memory_space<semaphore_mem>> -> memref<!tpu.dma_semaphore, #tpu.memory_space<semaphore_mem>>
    tpu.enqueue_indirect_dma source(%dma_start3A_242 : memref<10240x16xf32, #tpu.memory_space<hbm>>) target(%dma_start3A_236 : memref<128x16xf32, #tpu.memory_space<vmem>>) offsets(%dma_start3A_239 : memref<128xi32, #tpu.memory_space<vmem>>) semaphore(%dma_start3A_244 : memref<!tpu.dma_semaphore, #tpu.memory_space<semaphore_mem>>)
    %scan3A_245 = arith.constant 0 : i32
    %scan3A_246 = arith.constant 0 : i32
    %scan3A_247 = arith.constant 6 : i32
    %scan3A_248 = arith.addi %scan3A_246, %scan3A_247 : i32
    %scan3A_249 = arith.constant 1 : i32
    scf.for %scan3A_271 = %scan3A_246 to %scan3A_248 step %scan3A_249  : i32 {
      %mul3A_272 = arith.constant 13 : i32
      %mul3A_273 = arith.muli %scan3A_271, %mul3A_272 : i32
      %add3A_274 = arith.constant 0 : i32
      %add3A_275 = arith.addi %mul3A_273, %add3A_274 : i32
      %dma_wait3A_276 = arith.constant 0 : i32
      %dma_wait3A_277 = arith.constant 0 : i32
      %dma_wait3A_278 = arith.constant 0 : i32
      %dma_wait3A_279 = arith.constant 0 : i32
      %dma_wait3A_280 = tpu.memref_slice %arg8[%dma_wait3A_276, %dma_wait3A_278, %dma_wait3A_279] : memref<13x128x16xf32, #tpu.memory_space<vmem>> -> memref<1x128x16xf32, #tpu.memory_space<vmem>>
      %dma_wait3A_281 = tpu.memref_squeeze %dma_wait3A_280 : memref<1x128x16xf32, #tpu.memory_space<vmem>> -> memref<128x16xf32, #tpu.memory_space<vmem>>
      %dma_wait3A_282 = arith.constant 0 : i32
      %dma_wait3A_283 = tpu.memref_slice %arg6[%add3A_275, %dma_wait3A_282] : memref<79x128xi32, #tpu.memory_space<vmem>> -> memref<1x128xi32, #tpu.memory_space<vmem>>
      %dma_wait3A_284 = tpu.memref_squeeze %dma_wait3A_283 : memref<1x128xi32, #tpu.memory_space<vmem>> -> memref<128xi32, #tpu.memory_space<vmem>>
      %dma_wait3A_285 = arith.constant 0 : i32
      %dma_wait3A_286 = arith.constant 0 : i32
      %dma_wait3A_287 = tpu.memref_slice %arg2[%dma_wait3A_285, %dma_wait3A_286] : memref<10240x16xf32, #tpu.memory_space<hbm>> -> memref<10240x16xf32, #tpu.memory_space<hbm>>
      %dma_wait3A_288 = tpu.memref_slice %arg10[%dma_wait3A_277] : memref<13x!tpu.dma_semaphore, #tpu.memory_space<semaphore_mem>> -> memref<1x!tpu.dma_semaphore, #tpu.memory_space<semaphore_mem>>
      %dma_wait3A_289 = tpu.memref_squeeze %dma_wait3A_288 : memref<1x!tpu.dma_semaphore, #tpu.memory_space<semaphore_mem>> -> memref<!tpu.dma_semaphore, #tpu.memory_space<semaphore_mem>>
      tpu.wait_indirect_dma semaphore(%dma_wait3A_289 : memref<!tpu.dma_semaphore, #tpu.memory_space<semaphore_mem>>) src(%dma_wait3A_287 : memref<10240x16xf32, #tpu.memory_space<hbm>>) dst(%dma_wait3A_281 : memref<128x16xf32, #tpu.memory_space<vmem>>)
      %dma_start3A_290 = arith.constant 0 : i32
      %dma_start3A_291 = arith.constant 0 : i32
      %dma_start3A_292 = arith.constant 0 : i32
      %dma_start3A_293 = arith.constant 0 : i32
      %dma_start3A_294 = tpu.memref_slice %arg8[%dma_start3A_290, %dma_start3A_292, %dma_start3A_293] : memref<13x128x16xf32, #tpu.memory_space<vmem>> -> memref<1x128x16xf32, #tpu.memory_space<vmem>>
      %dma_start3A_295 = tpu.memref_squeeze %dma_start3A_294 : memref<1x128x16xf32, #tpu.memory_space<vmem>> -> memref<128x16xf32, #tpu.memory_space<vmem>>
      %dma_start3A_296 = arith.constant 0 : i32
      %dma_start3A_297 = tpu.memref_slice %arg7[%add3A_275, %dma_start3A_296] : memref<79x128xi32, #tpu.memory_space<vmem>> -> memref<1x128xi32, #tpu.memory_space<vmem>>
      %dma_start3A_298 = tpu.memref_squeeze %dma_start3A_297 : memref<1x128xi32, #tpu.memory_space<vmem>> -> memref<128xi32, #tpu.memory_space<vmem>>
      %dma_start3A_299 = arith.constant 0 : i32
      %dma_start3A_300 = arith.constant 0 : i32
      %dma_start3A_301 = tpu.memref_slice %arg12[%dma_start3A_299, %dma_start3A_300] : memref<10240x16xf32, #tpu.memory_space<vmem_shared>> -> memref<10240x16xf32, #tpu.memory_space<vmem_shared>>
      %dma_start3A_302 = tpu.memref_slice %arg11[%dma_start3A_291] : memref<13x!tpu.dma_semaphore, #tpu.memory_space<semaphore_mem>> -> memref<1x!tpu.dma_semaphore, #tpu.memory_space<semaphore_mem>>
      %dma_start3A_303 = tpu.memref_squeeze %dma_start3A_302 : memref<1x!tpu.dma_semaphore, #tpu.memory_space<semaphore_mem>> -> memref<!tpu.dma_semaphore, #tpu.memory_space<semaphore_mem>>
      tpu.enqueue_indirect_dma source(%dma_start3A_295 : memref<128x16xf32, #tpu.memory_space<vmem>>) target(%dma_start3A_301 : memref<10240x16xf32, #tpu.memory_space<vmem_shared>>) offsets(%dma_start3A_298 : memref<128xi32, #tpu.memory_space<vmem>>) semaphore(%dma_start3A_303 : memref<!tpu.dma_semaphore, #tpu.memory_space<semaphore_mem>>) {add = true}
      %sub3A = arith.constant 1 : i32
      %sub3A_304 = arith.subi %add3A_275, %sub3A : i32
      %ge3A = arith.constant 0 : i32
      %ge3A_305 = arith.cmpi sge, %sub3A_304, %ge3A : i32
      %convert_element_type3A_306 = arith.extui %ge3A_305 : i1 to i32
      %cond3A_307 = arith.constant 0 : i32
      %cond3A_308 = arith.cmpi ne, %convert_element_type3A_306, %cond3A_307 : i32
      scf.if %cond3A_308 {
        %dma_wait3A_777 = arith.constant 12 : i32
        %dma_wait3A_778 = arith.constant 12 : i32
        %dma_wait3A_779 = arith.constant 0 : i32
        %dma_wait3A_780 = arith.constant 0 : i32
        %dma_wait3A_781 = tpu.memref_slice %arg8[%dma_wait3A_777, %dma_wait3A_779, %dma_wait3A_780] : memref<13x128x16xf32, #tpu.memory_space<vmem>> -> memref<1x128x16xf32, #tpu.memory_space<vmem>>
        %dma_wait3A_782 = tpu.memref_squeeze %dma_wait3A_781 : memref<1x128x16xf32, #tpu.memory_space<vmem>> -> memref<128x16xf32, #tpu.memory_space<vmem>>
        %dma_wait3A_783 = arith.constant 0 : i32
        %dma_wait3A_784 = tpu.memref_slice %arg7[%sub3A_304, %dma_wait3A_783] : memref<79x128xi32, #tpu.memory_space<vmem>> -> memref<1x128xi32, #tpu.memory_space<vmem>>
        %dma_wait3A_785 = tpu.memref_squeeze %dma_wait3A_784 : memref<1x128xi32, #tpu.memory_space<vmem>> -> memref<128xi32, #tpu.memory_space<vmem>>
        %dma_wait3A_786 = arith.constant 0 : i32
        %dma_wait3A_787 = arith.constant 0 : i32
        %dma_wait3A_788 = tpu.memref_slice %arg12[%dma_wait3A_786, %dma_wait3A_787] : memref<10240x16xf32, #tpu.memory_space<vmem_shared>> -> memref<10240x16xf32, #tpu.memory_space<vmem_shared>>
        %dma_wait3A_789 = tpu.memref_slice %arg11[%dma_wait3A_778] : memref<13x!tpu.dma_semaphore, #tpu.memory_space<semaphore_mem>> -> memref<1x!tpu.dma_semaphore, #tpu.memory_space<semaphore_mem>>
        %dma_wait3A_790 = tpu.memref_squeeze %dma_wait3A_789 : memref<1x!tpu.dma_semaphore, #tpu.memory_space<semaphore_mem>> -> memref<!tpu.dma_semaphore, #tpu.memory_space<semaphore_mem>>
        tpu.wait_indirect_dma semaphore(%dma_wait3A_790 : memref<!tpu.dma_semaphore, #tpu.memory_space<semaphore_mem>>) src(%dma_wait3A_782 : memref<128x16xf32, #tpu.memory_space<vmem>>) dst(%dma_wait3A_788 : memref<10240x16xf32, #tpu.memory_space<vmem_shared>>)
        %add3A_791 = arith.constant 13 : i32
        %add3A_792 = arith.addi %sub3A_304, %add3A_791 : i32
        %lt3A_793 = arith.constant 78 : i32
        %lt3A_794 = arith.cmpi slt, %add3A_792, %lt3A_793 : i32
        %convert_element_type3A_795 = arith.extui %lt3A_794 : i1 to i32
        %cond3A_796 = arith.constant 0 : i32
        %cond3A_797 = arith.cmpi ne, %convert_element_type3A_795, %cond3A_796 : i32
        scf.if %cond3A_797 {
          %dma_start3A_798 = arith.constant 12 : i32
          %dma_start3A_799 = arith.constant 12 : i32
          %dma_start3A_800 = arith.constant 0 : i32
          %dma_start3A_801 = arith.constant 0 : i32
          %dma_start3A_802 = tpu.memref_slice %arg8[%dma_start3A_798, %dma_start3A_800, %dma_start3A_801] : memref<13x128x16xf32, #tpu.memory_space<vmem>> -> memref<1x128x16xf32, #tpu.memory_space<vmem>>
          %dma_start3A_803 = tpu.memref_squeeze %dma_start3A_802 : memref<1x128x16xf32, #tpu.memory_space<vmem>> -> memref<128x16xf32, #tpu.memory_space<vmem>>
          %dma_start3A_804 = arith.constant 0 : i32
          %dma_start3A_805 = tpu.memref_slice %arg6[%add3A_792, %dma_start3A_804] : memref<79x128xi32, #tpu.memory_space<vmem>> -> memref<1x128xi32, #tpu.memory_space<vmem>>
          %dma_start3A_806 = tpu.memref_squeeze %dma_start3A_805 : memref<1x128xi32, #tpu.memory_space<vmem>> -> memref<128xi32, #tpu.memory_space<vmem>>
          %dma_start3A_807 = arith.constant 0 : i32
          %dma_start3A_808 = arith.constant 0 : i32
          %dma_start3A_809 = tpu.memref_slice %arg2[%dma_start3A_807, %dma_start3A_808] : memref<10240x16xf32, #tpu.memory_space<hbm>> -> memref<10240x16xf32, #tpu.memory_space<hbm>>
          %dma_start3A_810 = tpu.memref_slice %arg10[%dma_start3A_799] : memref<13x!tpu.dma_semaphore, #tpu.memory_space<semaphore_mem>> -> memref<1x!tpu.dma_semaphore, #tpu.memory_space<semaphore_mem>>
          %dma_start3A_811 = tpu.memref_squeeze %dma_start3A_810 : memref<1x!tpu.dma_semaphore, #tpu.memory_space<semaphore_mem>> -> memref<!tpu.dma_semaphore, #tpu.memory_space<semaphore_mem>>
          tpu.enqueue_indirect_dma source(%dma_start3A_809 : memref<10240x16xf32, #tpu.memory_space<hbm>>) target(%dma_start3A_803 : memref<128x16xf32, #tpu.memory_space<vmem>>) offsets(%dma_start3A_806 : memref<128xi32, #tpu.memory_space<vmem>>) semaphore(%dma_start3A_811 : memref<!tpu.dma_semaphore, #tpu.memory_space<semaphore_mem>>)
        } else {
        }
      } else {
      }
      %mul3A_309 = arith.constant 13 : i32
      %mul3A_310 = arith.muli %scan3A_271, %mul3A_309 : i32
      %add3A_311 = arith.constant 1 : i32
      %add3A_312 = arith.addi %mul3A_310, %add3A_311 : i32
      %dma_wait3A_313 = arith.constant 1 : i32
      %dma_wait3A_314 = arith.constant 1 : i32
      %dma_wait3A_315 = arith.constant 0 : i32
      %dma_wait3A_316 = arith.constant 0 : i32
      %dma_wait3A_317 = tpu.memref_slice %arg8[%dma_wait3A_313, %dma_wait3A_315, %dma_wait3A_316] : memref<13x128x16xf32, #tpu.memory_space<vmem>> -> memref<1x128x16xf32, #tpu.memory_space<vmem>>
      %dma_wait3A_318 = tpu.memref_squeeze %dma_wait3A_317 : memref<1x128x16xf32, #tpu.memory_space<vmem>> -> memref<128x16xf32, #tpu.memory_space<vmem>>
      %dma_wait3A_319 = arith.constant 0 : i32
      %dma_wait3A_320 = tpu.memref_slice %arg6[%add3A_312, %dma_wait3A_319] : memref<79x128xi32, #tpu.memory_space<vmem>> -> memref<1x128xi32, #tpu.memory_space<vmem>>
      %dma_wait3A_321 = tpu.memref_squeeze %dma_wait3A_320 : memref<1x128xi32, #tpu.memory_space<vmem>> -> memref<128xi32, #tpu.memory_space<vmem>>
      %dma_wait3A_322 = arith.constant 0 : i32
      %dma_wait3A_323 = arith.constant 0 : i32
      %dma_wait3A_324 = tpu.memref_slice %arg2[%dma_wait3A_322, %dma_wait3A_323] : memref<10240x16xf32, #tpu.memory_space<hbm>> -> memref<10240x16xf32, #tpu.memory_space<hbm>>
      %dma_wait3A_325 = tpu.memref_slice %arg10[%dma_wait3A_314] : memref<13x!tpu.dma_semaphore, #tpu.memory_space<semaphore_mem>> -> memref<1x!tpu.dma_semaphore, #tpu.memory_space<semaphore_mem>>
      %dma_wait3A_326 = tpu.memref_squeeze %dma_wait3A_325 : memref<1x!tpu.dma_semaphore, #tpu.memory_space<semaphore_mem>> -> memref<!tpu.dma_semaphore, #tpu.memory_space<semaphore_mem>>
      tpu.wait_indirect_dma semaphore(%dma_wait3A_326 : memref<!tpu.dma_semaphore, #tpu.memory_space<semaphore_mem>>) src(%dma_wait3A_324 : memref<10240x16xf32, #tpu.memory_space<hbm>>) dst(%dma_wait3A_318 : memref<128x16xf32, #tpu.memory_space<vmem>>)
      %dma_start3A_327 = arith.constant 1 : i32
      %dma_start3A_328 = arith.constant 1 : i32
      %dma_start3A_329 = arith.constant 0 : i32
      %dma_start3A_330 = arith.constant 0 : i32
      %dma_start3A_331 = tpu.memref_slice %arg8[%dma_start3A_327, %dma_start3A_329, %dma_start3A_330] : memref<13x128x16xf32, #tpu.memory_space<vmem>> -> memref<1x128x16xf32, #tpu.memory_space<vmem>>
      %dma_start3A_332 = tpu.memref_squeeze %dma_start3A_331 : memref<1x128x16xf32, #tpu.memory_space<vmem>> -> memref<128x16xf32, #tpu.memory_space<vmem>>
      %dma_start3A_333 = arith.constant 0 : i32
      %dma_start3A_334 = tpu.memref_slice %arg7[%add3A_312, %dma_start3A_333] : memref<79x128xi32, #tpu.memory_space<vmem>> -> memref<1x128xi32, #tpu.memory_space<vmem>>
      %dma_start3A_335 = tpu.memref_squeeze %dma_start3A_334 : memref<1x128xi32, #tpu.memory_space<vmem>> -> memref<128xi32, #tpu.memory_space<vmem>>
      %dma_start3A_336 = arith.constant 0 : i32
      %dma_start3A_337 = arith.constant 0 : i32
      %dma_start3A_338 = tpu.memref_slice %arg12[%dma_start3A_336, %dma_start3A_337] : memref<10240x16xf32, #tpu.memory_space<vmem_shared>> -> memref<10240x16xf32, #tpu.memory_space<vmem_shared>>
      %dma_start3A_339 = tpu.memref_slice %arg11[%dma_start3A_328] : memref<13x!tpu.dma_semaphore, #tpu.memory_space<semaphore_mem>> -> memref<1x!tpu.dma_semaphore, #tpu.memory_space<semaphore_mem>>
      %dma_start3A_340 = tpu.memref_squeeze %dma_start3A_339 : memref<1x!tpu.dma_semaphore, #tpu.memory_space<semaphore_mem>> -> memref<!tpu.dma_semaphore, #tpu.memory_space<semaphore_mem>>
      tpu.enqueue_indirect_dma source(%dma_start3A_332 : memref<128x16xf32, #tpu.memory_space<vmem>>) target(%dma_start3A_338 : memref<10240x16xf32, #tpu.memory_space<vmem_shared>>) offsets(%dma_start3A_335 : memref<128xi32, #tpu.memory_space<vmem>>) semaphore(%dma_start3A_340 : memref<!tpu.dma_semaphore, #tpu.memory_space<semaphore_mem>>) {add = true}
      %sub3A_341 = arith.constant 1 : i32
      %sub3A_342 = arith.subi %add3A_312, %sub3A_341 : i32
      %ge3A_343 = arith.constant 0 : i32
      %ge3A_344 = arith.cmpi sge, %sub3A_342, %ge3A_343 : i32
      %convert_element_type3A_345 = arith.extui %ge3A_344 : i1 to i32
      %cond3A_346 = arith.constant 0 : i32
      %cond3A_347 = arith.cmpi ne, %convert_element_type3A_345, %cond3A_346 : i32
      scf.if %cond3A_347 {
        %dma_wait3A_777 = arith.constant 0 : i32
        %dma_wait3A_778 = arith.constant 0 : i32
        %dma_wait3A_779 = arith.constant 0 : i32
        %dma_wait3A_780 = arith.constant 0 : i32
        %dma_wait3A_781 = tpu.memref_slice %arg8[%dma_wait3A_777, %dma_wait3A_779, %dma_wait3A_780] : memref<13x128x16xf32, #tpu.memory_space<vmem>> -> memref<1x128x16xf32, #tpu.memory_space<vmem>>
        %dma_wait3A_782 = tpu.memref_squeeze %dma_wait3A_781 : memref<1x128x16xf32, #tpu.memory_space<vmem>> -> memref<128x16xf32, #tpu.memory_space<vmem>>
        %dma_wait3A_783 = arith.constant 0 : i32
        %dma_wait3A_784 = tpu.memref_slice %arg7[%sub3A_342, %dma_wait3A_783] : memref<79x128xi32, #tpu.memory_space<vmem>> -> memref<1x128xi32, #tpu.memory_space<vmem>>
        %dma_wait3A_785 = tpu.memref_squeeze %dma_wait3A_784 : memref<1x128xi32, #tpu.memory_space<vmem>> -> memref<128xi32, #tpu.memory_space<vmem>>
        %dma_wait3A_786 = arith.constant 0 : i32
        %dma_wait3A_787 = arith.constant 0 : i32
        %dma_wait3A_788 = tpu.memref_slice %arg12[%dma_wait3A_786, %dma_wait3A_787] : memref<10240x16xf32, #tpu.memory_space<vmem_shared>> -> memref<10240x16xf32, #tpu.memory_space<vmem_shared>>
        %dma_wait3A_789 = tpu.memref_slice %arg11[%dma_wait3A_778] : memref<13x!tpu.dma_semaphore, #tpu.memory_space<semaphore_mem>> -> memref<1x!tpu.dma_semaphore, #tpu.memory_space<semaphore_mem>>
        %dma_wait3A_790 = tpu.memref_squeeze %dma_wait3A_789 : memref<1x!tpu.dma_semaphore, #tpu.memory_space<semaphore_mem>> -> memref<!tpu.dma_semaphore, #tpu.memory_space<semaphore_mem>>
        tpu.wait_indirect_dma semaphore(%dma_wait3A_790 : memref<!tpu.dma_semaphore, #tpu.memory_space<semaphore_mem>>) src(%dma_wait3A_782 : memref<128x16xf32, #tpu.memory_space<vmem>>) dst(%dma_wait3A_788 : memref<10240x16xf32, #tpu.memory_space<vmem_shared>>)
        %add3A_791 = arith.constant 13 : i32
        %add3A_792 = arith.addi %sub3A_342, %add3A_791 : i32
        %lt3A_793 = arith.constant 78 : i32
        %lt3A_794 = arith.cmpi slt, %add3A_792, %lt3A_793 : i32
        %convert_element_type3A_795 = arith.extui %lt3A_794 : i1 to i32
        %cond3A_796 = arith.constant 0 : i32
        %cond3A_797 = arith.cmpi ne, %convert_element_type3A_795, %cond3A_796 : i32
        scf.if %cond3A_797 {
          %dma_start3A_798 = arith.constant 0 : i32
          %dma_start3A_799 = arith.constant 0 : i32
          %dma_start3A_800 = arith.constant 0 : i32
          %dma_start3A_801 = arith.constant 0 : i32
          %dma_start3A_802 = tpu.memref_slice %arg8[%dma_start3A_798, %dma_start3A_800, %dma_start3A_801] : memref<13x128x16xf32, #tpu.memory_space<vmem>> -> memref<1x128x16xf32, #tpu.memory_space<vmem>>
          %dma_start3A_803 = tpu.memref_squeeze %dma_start3A_802 : memref<1x128x16xf32, #tpu.memory_space<vmem>> -> memref<128x16xf32, #tpu.memory_space<vmem>>
          %dma_start3A_804 = arith.constant 0 : i32
          %dma_start3A_805 = tpu.memref_slice %arg6[%add3A_792, %dma_start3A_804] : memref<79x128xi32, #tpu.memory_space<vmem>> -> memref<1x128xi32, #tpu.memory_space<vmem>>
          %dma_start3A_806 = tpu.memref_squeeze %dma_start3A_805 : memref<1x128xi32, #tpu.memory_space<vmem>> -> memref<128xi32, #tpu.memory_space<vmem>>
          %dma_start3A_807 = arith.constant 0 : i32
          %dma_start3A_808 = arith.constant 0 : i32
          %dma_start3A_809 = tpu.memref_slice %arg2[%dma_start3A_807, %dma_start3A_808] : memref<10240x16xf32, #tpu.memory_space<hbm>> -> memref<10240x16xf32, #tpu.memory_space<hbm>>
          %dma_start3A_810 = tpu.memref_slice %arg10[%dma_start3A_799] : memref<13x!tpu.dma_semaphore, #tpu.memory_space<semaphore_mem>> -> memref<1x!tpu.dma_semaphore, #tpu.memory_space<semaphore_mem>>
          %dma_start3A_811 = tpu.memref_squeeze %dma_start3A_810 : memref<1x!tpu.dma_semaphore, #tpu.memory_space<semaphore_mem>> -> memref<!tpu.dma_semaphore, #tpu.memory_space<semaphore_mem>>
          tpu.enqueue_indirect_dma source(%dma_start3A_809 : memref<10240x16xf32, #tpu.memory_space<hbm>>) target(%dma_start3A_803 : memref<128x16xf32, #tpu.memory_space<vmem>>) offsets(%dma_start3A_806 : memref<128xi32, #tpu.memory_space<vmem>>) semaphore(%dma_start3A_811 : memref<!tpu.dma_semaphore, #tpu.memory_space<semaphore_mem>>)
        } else {
        }
      } else {
      }
      %mul3A_348 = arith.constant 13 : i32
      %mul3A_349 = arith.muli %scan3A_271, %mul3A_348 : i32
      %add3A_350 = arith.constant 2 : i32
      %add3A_351 = arith.addi %mul3A_349, %add3A_350 : i32
      %dma_wait3A_352 = arith.constant 2 : i32
      %dma_wait3A_353 = arith.constant 2 : i32
      %dma_wait3A_354 = arith.constant 0 : i32
      %dma_wait3A_355 = arith.constant 0 : i32
      %dma_wait3A_356 = tpu.memref_slice %arg8[%dma_wait3A_352, %dma_wait3A_354, %dma_wait3A_355] : memref<13x128x16xf32, #tpu.memory_space<vmem>> -> memref<1x128x16xf32, #tpu.memory_space<vmem>>
      %dma_wait3A_357 = tpu.memref_squeeze %dma_wait3A_356 : memref<1x128x16xf32, #tpu.memory_space<vmem>> -> memref<128x16xf32, #tpu.memory_space<vmem>>
      %dma_wait3A_358 = arith.constant 0 : i32
      %dma_wait3A_359 = tpu.memref_slice %arg6[%add3A_351, %dma_wait3A_358] : memref<79x128xi32, #tpu.memory_space<vmem>> -> memref<1x128xi32, #tpu.memory_space<vmem>>
      %dma_wait3A_360 = tpu.memref_squeeze %dma_wait3A_359 : memref<1x128xi32, #tpu.memory_space<vmem>> -> memref<128xi32, #tpu.memory_space<vmem>>
      %dma_wait3A_361 = arith.constant 0 : i32
      %dma_wait3A_362 = arith.constant 0 : i32
      %dma_wait3A_363 = tpu.memref_slice %arg2[%dma_wait3A_361, %dma_wait3A_362] : memref<10240x16xf32, #tpu.memory_space<hbm>> -> memref<10240x16xf32, #tpu.memory_space<hbm>>
      %dma_wait3A_364 = tpu.memref_slice %arg10[%dma_wait3A_353] : memref<13x!tpu.dma_semaphore, #tpu.memory_space<semaphore_mem>> -> memref<1x!tpu.dma_semaphore, #tpu.memory_space<semaphore_mem>>
      %dma_wait3A_365 = tpu.memref_squeeze %dma_wait3A_364 : memref<1x!tpu.dma_semaphore, #tpu.memory_space<semaphore_mem>> -> memref<!tpu.dma_semaphore, #tpu.memory_space<semaphore_mem>>
      tpu.wait_indirect_dma semaphore(%dma_wait3A_365 : memref<!tpu.dma_semaphore, #tpu.memory_space<semaphore_mem>>) src(%dma_wait3A_363 : memref<10240x16xf32, #tpu.memory_space<hbm>>) dst(%dma_wait3A_357 : memref<128x16xf32, #tpu.memory_space<vmem>>)
      %dma_start3A_366 = arith.constant 2 : i32
      %dma_start3A_367 = arith.constant 2 : i32
      %dma_start3A_368 = arith.constant 0 : i32
      %dma_start3A_369 = arith.constant 0 : i32
      %dma_start3A_370 = tpu.memref_slice %arg8[%dma_start3A_366, %dma_start3A_368, %dma_start3A_369] : memref<13x128x16xf32, #tpu.memory_space<vmem>> -> memref<1x128x16xf32, #tpu.memory_space<vmem>>
      %dma_start3A_371 = tpu.memref_squeeze %dma_start3A_370 : memref<1x128x16xf32, #tpu.memory_space<vmem>> -> memref<128x16xf32, #tpu.memory_space<vmem>>
      %dma_start3A_372 = arith.constant 0 : i32
      %dma_start3A_373 = tpu.memref_slice %arg7[%add3A_351, %dma_start3A_372] : memref<79x128xi32, #tpu.memory_space<vmem>> -> memref<1x128xi32, #tpu.memory_space<vmem>>
      %dma_start3A_374 = tpu.memref_squeeze %dma_start3A_373 : memref<1x128xi32, #tpu.memory_space<vmem>> -> memref<128xi32, #tpu.memory_space<vmem>>
      %dma_start3A_375 = arith.constant 0 : i32
      %dma_start3A_376 = arith.constant 0 : i32
      %dma_start3A_377 = tpu.memref_slice %arg12[%dma_start3A_375, %dma_start3A_376] : memref<10240x16xf32, #tpu.memory_space<vmem_shared>> -> memref<10240x16xf32, #tpu.memory_space<vmem_shared>>
      %dma_start3A_378 = tpu.memref_slice %arg11[%dma_start3A_367] : memref<13x!tpu.dma_semaphore, #tpu.memory_space<semaphore_mem>> -> memref<1x!tpu.dma_semaphore, #tpu.memory_space<semaphore_mem>>
      %dma_start3A_379 = tpu.memref_squeeze %dma_start3A_378 : memref<1x!tpu.dma_semaphore, #tpu.memory_space<semaphore_mem>> -> memref<!tpu.dma_semaphore, #tpu.memory_space<semaphore_mem>>
      tpu.enqueue_indirect_dma source(%dma_start3A_371 : memref<128x16xf32, #tpu.memory_space<vmem>>) target(%dma_start3A_377 : memref<10240x16xf32, #tpu.memory_space<vmem_shared>>) offsets(%dma_start3A_374 : memref<128xi32, #tpu.memory_space<vmem>>) semaphore(%dma_start3A_379 : memref<!tpu.dma_semaphore, #tpu.memory_space<semaphore_mem>>) {add = true}
      %sub3A_380 = arith.constant 1 : i32
      %sub3A_381 = arith.subi %add3A_351, %sub3A_380 : i32
      %ge3A_382 = arith.constant 0 : i32
      %ge3A_383 = arith.cmpi sge, %sub3A_381, %ge3A_382 : i32
      %convert_element_type3A_384 = arith.extui %ge3A_383 : i1 to i32
      %cond3A_385 = arith.constant 0 : i32
      %cond3A_386 = arith.cmpi ne, %convert_element_type3A_384, %cond3A_385 : i32
      scf.if %cond3A_386 {
        %dma_wait3A_777 = arith.constant 1 : i32
        %dma_wait3A_778 = arith.constant 1 : i32
        %dma_wait3A_779 = arith.constant 0 : i32
        %dma_wait3A_780 = arith.constant 0 : i32
        %dma_wait3A_781 = tpu.memref_slice %arg8[%dma_wait3A_777, %dma_wait3A_779, %dma_wait3A_780] : memref<13x128x16xf32, #tpu.memory_space<vmem>> -> memref<1x128x16xf32, #tpu.memory_space<vmem>>
        %dma_wait3A_782 = tpu.memref_squeeze %dma_wait3A_781 : memref<1x128x16xf32, #tpu.memory_space<vmem>> -> memref<128x16xf32, #tpu.memory_space<vmem>>
        %dma_wait3A_783 = arith.constant 0 : i32
        %dma_wait3A_784 = tpu.memref_slice %arg7[%sub3A_381, %dma_wait3A_783] : memref<79x128xi32, #tpu.memory_space<vmem>> -> memref<1x128xi32, #tpu.memory_space<vmem>>
        %dma_wait3A_785 = tpu.memref_squeeze %dma_wait3A_784 : memref<1x128xi32, #tpu.memory_space<vmem>> -> memref<128xi32, #tpu.memory_space<vmem>>
        %dma_wait3A_786 = arith.constant 0 : i32
        %dma_wait3A_787 = arith.constant 0 : i32
        %dma_wait3A_788 = tpu.memref_slice %arg12[%dma_wait3A_786, %dma_wait3A_787] : memref<10240x16xf32, #tpu.memory_space<vmem_shared>> -> memref<10240x16xf32, #tpu.memory_space<vmem_shared>>
        %dma_wait3A_789 = tpu.memref_slice %arg11[%dma_wait3A_778] : memref<13x!tpu.dma_semaphore, #tpu.memory_space<semaphore_mem>> -> memref<1x!tpu.dma_semaphore, #tpu.memory_space<semaphore_mem>>
        %dma_wait3A_790 = tpu.memref_squeeze %dma_wait3A_789 : memref<1x!tpu.dma_semaphore, #tpu.memory_space<semaphore_mem>> -> memref<!tpu.dma_semaphore, #tpu.memory_space<semaphore_mem>>
        tpu.wait_indirect_dma semaphore(%dma_wait3A_790 : memref<!tpu.dma_semaphore, #tpu.memory_space<semaphore_mem>>) src(%dma_wait3A_782 : memref<128x16xf32, #tpu.memory_space<vmem>>) dst(%dma_wait3A_788 : memref<10240x16xf32, #tpu.memory_space<vmem_shared>>)
        %add3A_791 = arith.constant 13 : i32
        %add3A_792 = arith.addi %sub3A_381, %add3A_791 : i32
        %lt3A_793 = arith.constant 78 : i32
        %lt3A_794 = arith.cmpi slt, %add3A_792, %lt3A_793 : i32
        %convert_element_type3A_795 = arith.extui %lt3A_794 : i1 to i32
        %cond3A_796 = arith.constant 0 : i32
        %cond3A_797 = arith.cmpi ne, %convert_element_type3A_795, %cond3A_796 : i32
        scf.if %cond3A_797 {
          %dma_start3A_798 = arith.constant 1 : i32
          %dma_start3A_799 = arith.constant 1 : i32
          %dma_start3A_800 = arith.constant 0 : i32
          %dma_start3A_801 = arith.constant 0 : i32
          %dma_start3A_802 = tpu.memref_slice %arg8[%dma_start3A_798, %dma_start3A_800, %dma_start3A_801] : memref<13x128x16xf32, #tpu.memory_space<vmem>> -> memref<1x128x16xf32, #tpu.memory_space<vmem>>
          %dma_start3A_803 = tpu.memref_squeeze %dma_start3A_802 : memref<1x128x16xf32, #tpu.memory_space<vmem>> -> memref<128x16xf32, #tpu.memory_space<vmem>>
          %dma_start3A_804 = arith.constant 0 : i32
          %dma_start3A_805 = tpu.memref_slice %arg6[%add3A_792, %dma_start3A_804] : memref<79x128xi32, #tpu.memory_space<vmem>> -> memref<1x128xi32, #tpu.memory_space<vmem>>
          %dma_start3A_806 = tpu.memref_squeeze %dma_start3A_805 : memref<1x128xi32, #tpu.memory_space<vmem>> -> memref<128xi32, #tpu.memory_space<vmem>>
          %dma_start3A_807 = arith.constant 0 : i32
          %dma_start3A_808 = arith.constant 0 : i32
          %dma_start3A_809 = tpu.memref_slice %arg2[%dma_start3A_807, %dma_start3A_808] : memref<10240x16xf32, #tpu.memory_space<hbm>> -> memref<10240x16xf32, #tpu.memory_space<hbm>>
          %dma_start3A_810 = tpu.memref_slice %arg10[%dma_start3A_799] : memref<13x!tpu.dma_semaphore, #tpu.memory_space<semaphore_mem>> -> memref<1x!tpu.dma_semaphore, #tpu.memory_space<semaphore_mem>>
          %dma_start3A_811 = tpu.memref_squeeze %dma_start3A_810 : memref<1x!tpu.dma_semaphore, #tpu.memory_space<semaphore_mem>> -> memref<!tpu.dma_semaphore, #tpu.memory_space<semaphore_mem>>
          tpu.enqueue_indirect_dma source(%dma_start3A_809 : memref<10240x16xf32, #tpu.memory_space<hbm>>) target(%dma_start3A_803 : memref<128x16xf32, #tpu.memory_space<vmem>>) offsets(%dma_start3A_806 : memref<128xi32, #tpu.memory_space<vmem>>) semaphore(%dma_start3A_811 : memref<!tpu.dma_semaphore, #tpu.memory_space<semaphore_mem>>)
        } else {
        }
      } else {
      }
      %mul3A_387 = arith.constant 13 : i32
      %mul3A_388 = arith.muli %scan3A_271, %mul3A_387 : i32
      %add3A_389 = arith.constant 3 : i32
      %add3A_390 = arith.addi %mul3A_388, %add3A_389 : i32
      %dma_wait3A_391 = arith.constant 3 : i32
      %dma_wait3A_392 = arith.constant 3 : i32
      %dma_wait3A_393 = arith.constant 0 : i32
      %dma_wait3A_394 = arith.constant 0 : i32
      %dma_wait3A_395 = tpu.memref_slice %arg8[%dma_wait3A_391, %dma_wait3A_393, %dma_wait3A_394] : memref<13x128x16xf32, #tpu.memory_space<vmem>> -> memref<1x128x16xf32, #tpu.memory_space<vmem>>
      %dma_wait3A_396 = tpu.memref_squeeze %dma_wait3A_395 : memref<1x128x16xf32, #tpu.memory_space<vmem>> -> memref<128x16xf32, #tpu.memory_space<vmem>>
      %dma_wait3A_397 = arith.constant 0 : i32
      %dma_wait3A_398 = tpu.memref_slice %arg6[%add3A_390, %dma_wait3A_397] : memref<79x128xi32, #tpu.memory_space<vmem>> -> memref<1x128xi32, #tpu.memory_space<vmem>>
      %dma_wait3A_399 = tpu.memref_squeeze %dma_wait3A_398 : memref<1x128xi32, #tpu.memory_space<vmem>> -> memref<128xi32, #tpu.memory_space<vmem>>
      %dma_wait3A_400 = arith.constant 0 : i32
      %dma_wait3A_401 = arith.constant 0 : i32
      %dma_wait3A_402 = tpu.memref_slice %arg2[%dma_wait3A_400, %dma_wait3A_401] : memref<10240x16xf32, #tpu.memory_space<hbm>> -> memref<10240x16xf32, #tpu.memory_space<hbm>>
      %dma_wait3A_403 = tpu.memref_slice %arg10[%dma_wait3A_392] : memref<13x!tpu.dma_semaphore, #tpu.memory_space<semaphore_mem>> -> memref<1x!tpu.dma_semaphore, #tpu.memory_space<semaphore_mem>>
      %dma_wait3A_404 = tpu.memref_squeeze %dma_wait3A_403 : memref<1x!tpu.dma_semaphore, #tpu.memory_space<semaphore_mem>> -> memref<!tpu.dma_semaphore, #tpu.memory_space<semaphore_mem>>
      tpu.wait_indirect_dma semaphore(%dma_wait3A_404 : memref<!tpu.dma_semaphore, #tpu.memory_space<semaphore_mem>>) src(%dma_wait3A_402 : memref<10240x16xf32, #tpu.memory_space<hbm>>) dst(%dma_wait3A_396 : memref<128x16xf32, #tpu.memory_space<vmem>>)
      %dma_start3A_405 = arith.constant 3 : i32
      %dma_start3A_406 = arith.constant 3 : i32
      %dma_start3A_407 = arith.constant 0 : i32
      %dma_start3A_408 = arith.constant 0 : i32
      %dma_start3A_409 = tpu.memref_slice %arg8[%dma_start3A_405, %dma_start3A_407, %dma_start3A_408] : memref<13x128x16xf32, #tpu.memory_space<vmem>> -> memref<1x128x16xf32, #tpu.memory_space<vmem>>
      %dma_start3A_410 = tpu.memref_squeeze %dma_start3A_409 : memref<1x128x16xf32, #tpu.memory_space<vmem>> -> memref<128x16xf32, #tpu.memory_space<vmem>>
      %dma_start3A_411 = arith.constant 0 : i32
      %dma_start3A_412 = tpu.memref_slice %arg7[%add3A_390, %dma_start3A_411] : memref<79x128xi32, #tpu.memory_space<vmem>> -> memref<1x128xi32, #tpu.memory_space<vmem>>
      %dma_start3A_413 = tpu.memref_squeeze %dma_start3A_412 : memref<1x128xi32, #tpu.memory_space<vmem>> -> memref<128xi32, #tpu.memory_space<vmem>>
      %dma_start3A_414 = arith.constant 0 : i32
      %dma_start3A_415 = arith.constant 0 : i32
      %dma_start3A_416 = tpu.memref_slice %arg12[%dma_start3A_414, %dma_start3A_415] : memref<10240x16xf32, #tpu.memory_space<vmem_shared>> -> memref<10240x16xf32, #tpu.memory_space<vmem_shared>>
      %dma_start3A_417 = tpu.memref_slice %arg11[%dma_start3A_406] : memref<13x!tpu.dma_semaphore, #tpu.memory_space<semaphore_mem>> -> memref<1x!tpu.dma_semaphore, #tpu.memory_space<semaphore_mem>>
      %dma_start3A_418 = tpu.memref_squeeze %dma_start3A_417 : memref<1x!tpu.dma_semaphore, #tpu.memory_space<semaphore_mem>> -> memref<!tpu.dma_semaphore, #tpu.memory_space<semaphore_mem>>
      tpu.enqueue_indirect_dma source(%dma_start3A_410 : memref<128x16xf32, #tpu.memory_space<vmem>>) target(%dma_start3A_416 : memref<10240x16xf32, #tpu.memory_space<vmem_shared>>) offsets(%dma_start3A_413 : memref<128xi32, #tpu.memory_space<vmem>>) semaphore(%dma_start3A_418 : memref<!tpu.dma_semaphore, #tpu.memory_space<semaphore_mem>>) {add = true}
      %sub3A_419 = arith.constant 1 : i32
      %sub3A_420 = arith.subi %add3A_390, %sub3A_419 : i32
      %ge3A_421 = arith.constant 0 : i32
      %ge3A_422 = arith.cmpi sge, %sub3A_420, %ge3A_421 : i32
      %convert_element_type3A_423 = arith.extui %ge3A_422 : i1 to i32
      %cond3A_424 = arith.constant 0 : i32
      %cond3A_425 = arith.cmpi ne, %convert_element_type3A_423, %cond3A_424 : i32
      scf.if %cond3A_425 {
        %dma_wait3A_777 = arith.constant 2 : i32
        %dma_wait3A_778 = arith.constant 2 : i32
        %dma_wait3A_779 = arith.constant 0 : i32
        %dma_wait3A_780 = arith.constant 0 : i32
        %dma_wait3A_781 = tpu.memref_slice %arg8[%dma_wait3A_777, %dma_wait3A_779, %dma_wait3A_780] : memref<13x128x16xf32, #tpu.memory_space<vmem>> -> memref<1x128x16xf32, #tpu.memory_space<vmem>>
        %dma_wait3A_782 = tpu.memref_squeeze %dma_wait3A_781 : memref<1x128x16xf32, #tpu.memory_space<vmem>> -> memref<128x16xf32, #tpu.memory_space<vmem>>
        %dma_wait3A_783 = arith.constant 0 : i32
        %dma_wait3A_784 = tpu.memref_slice %arg7[%sub3A_420, %dma_wait3A_783] : memref<79x128xi32, #tpu.memory_space<vmem>> -> memref<1x128xi32, #tpu.memory_space<vmem>>
        %dma_wait3A_785 = tpu.memref_squeeze %dma_wait3A_784 : memref<1x128xi32, #tpu.memory_space<vmem>> -> memref<128xi32, #tpu.memory_space<vmem>>
        %dma_wait3A_786 = arith.constant 0 : i32
        %dma_wait3A_787 = arith.constant 0 : i32
        %dma_wait3A_788 = tpu.memref_slice %arg12[%dma_wait3A_786, %dma_wait3A_787] : memref<10240x16xf32, #tpu.memory_space<vmem_shared>> -> memref<10240x16xf32, #tpu.memory_space<vmem_shared>>
        %dma_wait3A_789 = tpu.memref_slice %arg11[%dma_wait3A_778] : memref<13x!tpu.dma_semaphore, #tpu.memory_space<semaphore_mem>> -> memref<1x!tpu.dma_semaphore, #tpu.memory_space<semaphore_mem>>
        %dma_wait3A_790 = tpu.memref_squeeze %dma_wait3A_789 : memref<1x!tpu.dma_semaphore, #tpu.memory_space<semaphore_mem>> -> memref<!tpu.dma_semaphore, #tpu.memory_space<semaphore_mem>>
        tpu.wait_indirect_dma semaphore(%dma_wait3A_790 : memref<!tpu.dma_semaphore, #tpu.memory_space<semaphore_mem>>) src(%dma_wait3A_782 : memref<128x16xf32, #tpu.memory_space<vmem>>) dst(%dma_wait3A_788 : memref<10240x16xf32, #tpu.memory_space<vmem_shared>>)
        %add3A_791 = arith.constant 13 : i32
        %add3A_792 = arith.addi %sub3A_420, %add3A_791 : i32
        %lt3A_793 = arith.constant 78 : i32
        %lt3A_794 = arith.cmpi slt, %add3A_792, %lt3A_793 : i32
        %convert_element_type3A_795 = arith.extui %lt3A_794 : i1 to i32
        %cond3A_796 = arith.constant 0 : i32
        %cond3A_797 = arith.cmpi ne, %convert_element_type3A_795, %cond3A_796 : i32
        scf.if %cond3A_797 {
          %dma_start3A_798 = arith.constant 2 : i32
          %dma_start3A_799 = arith.constant 2 : i32
          %dma_start3A_800 = arith.constant 0 : i32
          %dma_start3A_801 = arith.constant 0 : i32
          %dma_start3A_802 = tpu.memref_slice %arg8[%dma_start3A_798, %dma_start3A_800, %dma_start3A_801] : memref<13x128x16xf32, #tpu.memory_space<vmem>> -> memref<1x128x16xf32, #tpu.memory_space<vmem>>
          %dma_start3A_803 = tpu.memref_squeeze %dma_start3A_802 : memref<1x128x16xf32, #tpu.memory_space<vmem>> -> memref<128x16xf32, #tpu.memory_space<vmem>>
          %dma_start3A_804 = arith.constant 0 : i32
          %dma_start3A_805 = tpu.memref_slice %arg6[%add3A_792, %dma_start3A_804] : memref<79x128xi32, #tpu.memory_space<vmem>> -> memref<1x128xi32, #tpu.memory_space<vmem>>
          %dma_start3A_806 = tpu.memref_squeeze %dma_start3A_805 : memref<1x128xi32, #tpu.memory_space<vmem>> -> memref<128xi32, #tpu.memory_space<vmem>>
          %dma_start3A_807 = arith.constant 0 : i32
          %dma_start3A_808 = arith.constant 0 : i32
          %dma_start3A_809 = tpu.memref_slice %arg2[%dma_start3A_807, %dma_start3A_808] : memref<10240x16xf32, #tpu.memory_space<hbm>> -> memref<10240x16xf32, #tpu.memory_space<hbm>>
          %dma_start3A_810 = tpu.memref_slice %arg10[%dma_start3A_799] : memref<13x!tpu.dma_semaphore, #tpu.memory_space<semaphore_mem>> -> memref<1x!tpu.dma_semaphore, #tpu.memory_space<semaphore_mem>>
          %dma_start3A_811 = tpu.memref_squeeze %dma_start3A_810 : memref<1x!tpu.dma_semaphore, #tpu.memory_space<semaphore_mem>> -> memref<!tpu.dma_semaphore, #tpu.memory_space<semaphore_mem>>
          tpu.enqueue_indirect_dma source(%dma_start3A_809 : memref<10240x16xf32, #tpu.memory_space<hbm>>) target(%dma_start3A_803 : memref<128x16xf32, #tpu.memory_space<vmem>>) offsets(%dma_start3A_806 : memref<128xi32, #tpu.memory_space<vmem>>) semaphore(%dma_start3A_811 : memref<!tpu.dma_semaphore, #tpu.memory_space<semaphore_mem>>)
        } else {
        }
      } else {
      }
      %mul3A_426 = arith.constant 13 : i32
      %mul3A_427 = arith.muli %scan3A_271, %mul3A_426 : i32
      %add3A_428 = arith.constant 4 : i32
      %add3A_429 = arith.addi %mul3A_427, %add3A_428 : i32
      %dma_wait3A_430 = arith.constant 4 : i32
      %dma_wait3A_431 = arith.constant 4 : i32
      %dma_wait3A_432 = arith.constant 0 : i32
      %dma_wait3A_433 = arith.constant 0 : i32
      %dma_wait3A_434 = tpu.memref_slice %arg8[%dma_wait3A_430, %dma_wait3A_432, %dma_wait3A_433] : memref<13x128x16xf32, #tpu.memory_space<vmem>> -> memref<1x128x16xf32, #tpu.memory_space<vmem>>
      %dma_wait3A_435 = tpu.memref_squeeze %dma_wait3A_434 : memref<1x128x16xf32, #tpu.memory_space<vmem>> -> memref<128x16xf32, #tpu.memory_space<vmem>>
      %dma_wait3A_436 = arith.constant 0 : i32
      %dma_wait3A_437 = tpu.memref_slice %arg6[%add3A_429, %dma_wait3A_436] : memref<79x128xi32, #tpu.memory_space<vmem>> -> memref<1x128xi32, #tpu.memory_space<vmem>>
      %dma_wait3A_438 = tpu.memref_squeeze %dma_wait3A_437 : memref<1x128xi32, #tpu.memory_space<vmem>> -> memref<128xi32, #tpu.memory_space<vmem>>
      %dma_wait3A_439 = arith.constant 0 : i32
      %dma_wait3A_440 = arith.constant 0 : i32
      %dma_wait3A_441 = tpu.memref_slice %arg2[%dma_wait3A_439, %dma_wait3A_440] : memref<10240x16xf32, #tpu.memory_space<hbm>> -> memref<10240x16xf32, #tpu.memory_space<hbm>>
      %dma_wait3A_442 = tpu.memref_slice %arg10[%dma_wait3A_431] : memref<13x!tpu.dma_semaphore, #tpu.memory_space<semaphore_mem>> -> memref<1x!tpu.dma_semaphore, #tpu.memory_space<semaphore_mem>>
      %dma_wait3A_443 = tpu.memref_squeeze %dma_wait3A_442 : memref<1x!tpu.dma_semaphore, #tpu.memory_space<semaphore_mem>> -> memref<!tpu.dma_semaphore, #tpu.memory_space<semaphore_mem>>
      tpu.wait_indirect_dma semaphore(%dma_wait3A_443 : memref<!tpu.dma_semaphore, #tpu.memory_space<semaphore_mem>>) src(%dma_wait3A_441 : memref<10240x16xf32, #tpu.memory_space<hbm>>) dst(%dma_wait3A_435 : memref<128x16xf32, #tpu.memory_space<vmem>>)
      %dma_start3A_444 = arith.constant 4 : i32
      %dma_start3A_445 = arith.constant 4 : i32
      %dma_start3A_446 = arith.constant 0 : i32
      %dma_start3A_447 = arith.constant 0 : i32
      %dma_start3A_448 = tpu.memref_slice %arg8[%dma_start3A_444, %dma_start3A_446, %dma_start3A_447] : memref<13x128x16xf32, #tpu.memory_space<vmem>> -> memref<1x128x16xf32, #tpu.memory_space<vmem>>
      %dma_start3A_449 = tpu.memref_squeeze %dma_start3A_448 : memref<1x128x16xf32, #tpu.memory_space<vmem>> -> memref<128x16xf32, #tpu.memory_space<vmem>>
      %dma_start3A_450 = arith.constant 0 : i32
      %dma_start3A_451 = tpu.memref_slice %arg7[%add3A_429, %dma_start3A_450] : memref<79x128xi32, #tpu.memory_space<vmem>> -> memref<1x128xi32, #tpu.memory_space<vmem>>
      %dma_start3A_452 = tpu.memref_squeeze %dma_start3A_451 : memref<1x128xi32, #tpu.memory_space<vmem>> -> memref<128xi32, #tpu.memory_space<vmem>>
      %dma_start3A_453 = arith.constant 0 : i32
      %dma_start3A_454 = arith.constant 0 : i32
      %dma_start3A_455 = tpu.memref_slice %arg12[%dma_start3A_453, %dma_start3A_454] : memref<10240x16xf32, #tpu.memory_space<vmem_shared>> -> memref<10240x16xf32, #tpu.memory_space<vmem_shared>>
      %dma_start3A_456 = tpu.memref_slice %arg11[%dma_start3A_445] : memref<13x!tpu.dma_semaphore, #tpu.memory_space<semaphore_mem>> -> memref<1x!tpu.dma_semaphore, #tpu.memory_space<semaphore_mem>>
      %dma_start3A_457 = tpu.memref_squeeze %dma_start3A_456 : memref<1x!tpu.dma_semaphore, #tpu.memory_space<semaphore_mem>> -> memref<!tpu.dma_semaphore, #tpu.memory_space<semaphore_mem>>
      tpu.enqueue_indirect_dma source(%dma_start3A_449 : memref<128x16xf32, #tpu.memory_space<vmem>>) target(%dma_start3A_455 : memref<10240x16xf32, #tpu.memory_space<vmem_shared>>) offsets(%dma_start3A_452 : memref<128xi32, #tpu.memory_space<vmem>>) semaphore(%dma_start3A_457 : memref<!tpu.dma_semaphore, #tpu.memory_space<semaphore_mem>>) {add = true}
      %sub3A_458 = arith.constant 1 : i32
      %sub3A_459 = arith.subi %add3A_429, %sub3A_458 : i32
      %ge3A_460 = arith.constant 0 : i32
      %ge3A_461 = arith.cmpi sge, %sub3A_459, %ge3A_460 : i32
      %convert_element_type3A_462 = arith.extui %ge3A_461 : i1 to i32
      %cond3A_463 = arith.constant 0 : i32
      %cond3A_464 = arith.cmpi ne, %convert_element_type3A_462, %cond3A_463 : i32
      scf.if %cond3A_464 {
        %dma_wait3A_777 = arith.constant 3 : i32
        %dma_wait3A_778 = arith.constant 3 : i32
        %dma_wait3A_779 = arith.constant 0 : i32
        %dma_wait3A_780 = arith.constant 0 : i32
        %dma_wait3A_781 = tpu.memref_slice %arg8[%dma_wait3A_777, %dma_wait3A_779, %dma_wait3A_780] : memref<13x128x16xf32, #tpu.memory_space<vmem>> -> memref<1x128x16xf32, #tpu.memory_space<vmem>>
        %dma_wait3A_782 = tpu.memref_squeeze %dma_wait3A_781 : memref<1x128x16xf32, #tpu.memory_space<vmem>> -> memref<128x16xf32, #tpu.memory_space<vmem>>
        %dma_wait3A_783 = arith.constant 0 : i32
        %dma_wait3A_784 = tpu.memref_slice %arg7[%sub3A_459, %dma_wait3A_783] : memref<79x128xi32, #tpu.memory_space<vmem>> -> memref<1x128xi32, #tpu.memory_space<vmem>>
        %dma_wait3A_785 = tpu.memref_squeeze %dma_wait3A_784 : memref<1x128xi32, #tpu.memory_space<vmem>> -> memref<128xi32, #tpu.memory_space<vmem>>
        %dma_wait3A_786 = arith.constant 0 : i32
        %dma_wait3A_787 = arith.constant 0 : i32
        %dma_wait3A_788 = tpu.memref_slice %arg12[%dma_wait3A_786, %dma_wait3A_787] : memref<10240x16xf32, #tpu.memory_space<vmem_shared>> -> memref<10240x16xf32, #tpu.memory_space<vmem_shared>>
        %dma_wait3A_789 = tpu.memref_slice %arg11[%dma_wait3A_778] : memref<13x!tpu.dma_semaphore, #tpu.memory_space<semaphore_mem>> -> memref<1x!tpu.dma_semaphore, #tpu.memory_space<semaphore_mem>>
        %dma_wait3A_790 = tpu.memref_squeeze %dma_wait3A_789 : memref<1x!tpu.dma_semaphore, #tpu.memory_space<semaphore_mem>> -> memref<!tpu.dma_semaphore, #tpu.memory_space<semaphore_mem>>
        tpu.wait_indirect_dma semaphore(%dma_wait3A_790 : memref<!tpu.dma_semaphore, #tpu.memory_space<semaphore_mem>>) src(%dma_wait3A_782 : memref<128x16xf32, #tpu.memory_space<vmem>>) dst(%dma_wait3A_788 : memref<10240x16xf32, #tpu.memory_space<vmem_shared>>)
        %add3A_791 = arith.constant 13 : i32
        %add3A_792 = arith.addi %sub3A_459, %add3A_791 : i32
        %lt3A_793 = arith.constant 78 : i32
        %lt3A_794 = arith.cmpi slt, %add3A_792, %lt3A_793 : i32
        %convert_element_type3A_795 = arith.extui %lt3A_794 : i1 to i32
        %cond3A_796 = arith.constant 0 : i32
        %cond3A_797 = arith.cmpi ne, %convert_element_type3A_795, %cond3A_796 : i32
        scf.if %cond3A_797 {
          %dma_start3A_798 = arith.constant 3 : i32
          %dma_start3A_799 = arith.constant 3 : i32
          %dma_start3A_800 = arith.constant 0 : i32
          %dma_start3A_801 = arith.constant 0 : i32
          %dma_start3A_802 = tpu.memref_slice %arg8[%dma_start3A_798, %dma_start3A_800, %dma_start3A_801] : memref<13x128x16xf32, #tpu.memory_space<vmem>> -> memref<1x128x16xf32, #tpu.memory_space<vmem>>
          %dma_start3A_803 = tpu.memref_squeeze %dma_start3A_802 : memref<1x128x16xf32, #tpu.memory_space<vmem>> -> memref<128x16xf32, #tpu.memory_space<vmem>>
          %dma_start3A_804 = arith.constant 0 : i32
          %dma_start3A_805 = tpu.memref_slice %arg6[%add3A_792, %dma_start3A_804] : memref<79x128xi32, #tpu.memory_space<vmem>> -> memref<1x128xi32, #tpu.memory_space<vmem>>
          %dma_start3A_806 = tpu.memref_squeeze %dma_start3A_805 : memref<1x128xi32, #tpu.memory_space<vmem>> -> memref<128xi32, #tpu.memory_space<vmem>>
          %dma_start3A_807 = arith.constant 0 : i32
          %dma_start3A_808 = arith.constant 0 : i32
          %dma_start3A_809 = tpu.memref_slice %arg2[%dma_start3A_807, %dma_start3A_808] : memref<10240x16xf32, #tpu.memory_space<hbm>> -> memref<10240x16xf32, #tpu.memory_space<hbm>>
          %dma_start3A_810 = tpu.memref_slice %arg10[%dma_start3A_799] : memref<13x!tpu.dma_semaphore, #tpu.memory_space<semaphore_mem>> -> memref<1x!tpu.dma_semaphore, #tpu.memory_space<semaphore_mem>>
          %dma_start3A_811 = tpu.memref_squeeze %dma_start3A_810 : memref<1x!tpu.dma_semaphore, #tpu.memory_space<semaphore_mem>> -> memref<!tpu.dma_semaphore, #tpu.memory_space<semaphore_mem>>
          tpu.enqueue_indirect_dma source(%dma_start3A_809 : memref<10240x16xf32, #tpu.memory_space<hbm>>) target(%dma_start3A_803 : memref<128x16xf32, #tpu.memory_space<vmem>>) offsets(%dma_start3A_806 : memref<128xi32, #tpu.memory_space<vmem>>) semaphore(%dma_start3A_811 : memref<!tpu.dma_semaphore, #tpu.memory_space<semaphore_mem>>)
        } else {
        }
      } else {
      }
      %mul3A_465 = arith.constant 13 : i32
      %mul3A_466 = arith.muli %scan3A_271, %mul3A_465 : i32
      %add3A_467 = arith.constant 5 : i32
      %add3A_468 = arith.addi %mul3A_466, %add3A_467 : i32
      %dma_wait3A_469 = arith.constant 5 : i32
      %dma_wait3A_470 = arith.constant 5 : i32
      %dma_wait3A_471 = arith.constant 0 : i32
      %dma_wait3A_472 = arith.constant 0 : i32
      %dma_wait3A_473 = tpu.memref_slice %arg8[%dma_wait3A_469, %dma_wait3A_471, %dma_wait3A_472] : memref<13x128x16xf32, #tpu.memory_space<vmem>> -> memref<1x128x16xf32, #tpu.memory_space<vmem>>
      %dma_wait3A_474 = tpu.memref_squeeze %dma_wait3A_473 : memref<1x128x16xf32, #tpu.memory_space<vmem>> -> memref<128x16xf32, #tpu.memory_space<vmem>>
      %dma_wait3A_475 = arith.constant 0 : i32
      %dma_wait3A_476 = tpu.memref_slice %arg6[%add3A_468, %dma_wait3A_475] : memref<79x128xi32, #tpu.memory_space<vmem>> -> memref<1x128xi32, #tpu.memory_space<vmem>>
      %dma_wait3A_477 = tpu.memref_squeeze %dma_wait3A_476 : memref<1x128xi32, #tpu.memory_space<vmem>> -> memref<128xi32, #tpu.memory_space<vmem>>
      %dma_wait3A_478 = arith.constant 0 : i32
      %dma_wait3A_479 = arith.constant 0 : i32
      %dma_wait3A_480 = tpu.memref_slice %arg2[%dma_wait3A_478, %dma_wait3A_479] : memref<10240x16xf32, #tpu.memory_space<hbm>> -> memref<10240x16xf32, #tpu.memory_space<hbm>>
      %dma_wait3A_481 = tpu.memref_slice %arg10[%dma_wait3A_470] : memref<13x!tpu.dma_semaphore, #tpu.memory_space<semaphore_mem>> -> memref<1x!tpu.dma_semaphore, #tpu.memory_space<semaphore_mem>>
      %dma_wait3A_482 = tpu.memref_squeeze %dma_wait3A_481 : memref<1x!tpu.dma_semaphore, #tpu.memory_space<semaphore_mem>> -> memref<!tpu.dma_semaphore, #tpu.memory_space<semaphore_mem>>
      tpu.wait_indirect_dma semaphore(%dma_wait3A_482 : memref<!tpu.dma_semaphore, #tpu.memory_space<semaphore_mem>>) src(%dma_wait3A_480 : memref<10240x16xf32, #tpu.memory_space<hbm>>) dst(%dma_wait3A_474 : memref<128x16xf32, #tpu.memory_space<vmem>>)
      %dma_start3A_483 = arith.constant 5 : i32
      %dma_start3A_484 = arith.constant 5 : i32
      %dma_start3A_485 = arith.constant 0 : i32
      %dma_start3A_486 = arith.constant 0 : i32
      %dma_start3A_487 = tpu.memref_slice %arg8[%dma_start3A_483, %dma_start3A_485, %dma_start3A_486] : memref<13x128x16xf32, #tpu.memory_space<vmem>> -> memref<1x128x16xf32, #tpu.memory_space<vmem>>
      %dma_start3A_488 = tpu.memref_squeeze %dma_start3A_487 : memref<1x128x16xf32, #tpu.memory_space<vmem>> -> memref<128x16xf32, #tpu.memory_space<vmem>>
      %dma_start3A_489 = arith.constant 0 : i32
      %dma_start3A_490 = tpu.memref_slice %arg7[%add3A_468, %dma_start3A_489] : memref<79x128xi32, #tpu.memory_space<vmem>> -> memref<1x128xi32, #tpu.memory_space<vmem>>
      %dma_start3A_491 = tpu.memref_squeeze %dma_start3A_490 : memref<1x128xi32, #tpu.memory_space<vmem>> -> memref<128xi32, #tpu.memory_space<vmem>>
      %dma_start3A_492 = arith.constant 0 : i32
      %dma_start3A_493 = arith.constant 0 : i32
      %dma_start3A_494 = tpu.memref_slice %arg12[%dma_start3A_492, %dma_start3A_493] : memref<10240x16xf32, #tpu.memory_space<vmem_shared>> -> memref<10240x16xf32, #tpu.memory_space<vmem_shared>>
      %dma_start3A_495 = tpu.memref_slice %arg11[%dma_start3A_484] : memref<13x!tpu.dma_semaphore, #tpu.memory_space<semaphore_mem>> -> memref<1x!tpu.dma_semaphore, #tpu.memory_space<semaphore_mem>>
      %dma_start3A_496 = tpu.memref_squeeze %dma_start3A_495 : memref<1x!tpu.dma_semaphore, #tpu.memory_space<semaphore_mem>> -> memref<!tpu.dma_semaphore, #tpu.memory_space<semaphore_mem>>
      tpu.enqueue_indirect_dma source(%dma_start3A_488 : memref<128x16xf32, #tpu.memory_space<vmem>>) target(%dma_start3A_494 : memref<10240x16xf32, #tpu.memory_space<vmem_shared>>) offsets(%dma_start3A_491 : memref<128xi32, #tpu.memory_space<vmem>>) semaphore(%dma_start3A_496 : memref<!tpu.dma_semaphore, #tpu.memory_space<semaphore_mem>>) {add = true}
      %sub3A_497 = arith.constant 1 : i32
      %sub3A_498 = arith.subi %add3A_468, %sub3A_497 : i32
      %ge3A_499 = arith.constant 0 : i32
      %ge3A_500 = arith.cmpi sge, %sub3A_498, %ge3A_499 : i32
      %convert_element_type3A_501 = arith.extui %ge3A_500 : i1 to i32
      %cond3A_502 = arith.constant 0 : i32
      %cond3A_503 = arith.cmpi ne, %convert_element_type3A_501, %cond3A_502 : i32
      scf.if %cond3A_503 {
        %dma_wait3A_777 = arith.constant 4 : i32
        %dma_wait3A_778 = arith.constant 4 : i32
        %dma_wait3A_779 = arith.constant 0 : i32
        %dma_wait3A_780 = arith.constant 0 : i32
        %dma_wait3A_781 = tpu.memref_slice %arg8[%dma_wait3A_777, %dma_wait3A_779, %dma_wait3A_780] : memref<13x128x16xf32, #tpu.memory_space<vmem>> -> memref<1x128x16xf32, #tpu.memory_space<vmem>>
        %dma_wait3A_782 = tpu.memref_squeeze %dma_wait3A_781 : memref<1x128x16xf32, #tpu.memory_space<vmem>> -> memref<128x16xf32, #tpu.memory_space<vmem>>
        %dma_wait3A_783 = arith.constant 0 : i32
        %dma_wait3A_784 = tpu.memref_slice %arg7[%sub3A_498, %dma_wait3A_783] : memref<79x128xi32, #tpu.memory_space<vmem>> -> memref<1x128xi32, #tpu.memory_space<vmem>>
        %dma_wait3A_785 = tpu.memref_squeeze %dma_wait3A_784 : memref<1x128xi32, #tpu.memory_space<vmem>> -> memref<128xi32, #tpu.memory_space<vmem>>
        %dma_wait3A_786 = arith.constant 0 : i32
        %dma_wait3A_787 = arith.constant 0 : i32
        %dma_wait3A_788 = tpu.memref_slice %arg12[%dma_wait3A_786, %dma_wait3A_787] : memref<10240x16xf32, #tpu.memory_space<vmem_shared>> -> memref<10240x16xf32, #tpu.memory_space<vmem_shared>>
        %dma_wait3A_789 = tpu.memref_slice %arg11[%dma_wait3A_778] : memref<13x!tpu.dma_semaphore, #tpu.memory_space<semaphore_mem>> -> memref<1x!tpu.dma_semaphore, #tpu.memory_space<semaphore_mem>>
        %dma_wait3A_790 = tpu.memref_squeeze %dma_wait3A_789 : memref<1x!tpu.dma_semaphore, #tpu.memory_space<semaphore_mem>> -> memref<!tpu.dma_semaphore, #tpu.memory_space<semaphore_mem>>
        tpu.wait_indirect_dma semaphore(%dma_wait3A_790 : memref<!tpu.dma_semaphore, #tpu.memory_space<semaphore_mem>>) src(%dma_wait3A_782 : memref<128x16xf32, #tpu.memory_space<vmem>>) dst(%dma_wait3A_788 : memref<10240x16xf32, #tpu.memory_space<vmem_shared>>)
        %add3A_791 = arith.constant 13 : i32
        %add3A_792 = arith.addi %sub3A_498, %add3A_791 : i32
        %lt3A_793 = arith.constant 78 : i32
        %lt3A_794 = arith.cmpi slt, %add3A_792, %lt3A_793 : i32
        %convert_element_type3A_795 = arith.extui %lt3A_794 : i1 to i32
        %cond3A_796 = arith.constant 0 : i32
        %cond3A_797 = arith.cmpi ne, %convert_element_type3A_795, %cond3A_796 : i32
        scf.if %cond3A_797 {
          %dma_start3A_798 = arith.constant 4 : i32
          %dma_start3A_799 = arith.constant 4 : i32
          %dma_start3A_800 = arith.constant 0 : i32
          %dma_start3A_801 = arith.constant 0 : i32
          %dma_start3A_802 = tpu.memref_slice %arg8[%dma_start3A_798, %dma_start3A_800, %dma_start3A_801] : memref<13x128x16xf32, #tpu.memory_space<vmem>> -> memref<1x128x16xf32, #tpu.memory_space<vmem>>
          %dma_start3A_803 = tpu.memref_squeeze %dma_start3A_802 : memref<1x128x16xf32, #tpu.memory_space<vmem>> -> memref<128x16xf32, #tpu.memory_space<vmem>>
          %dma_start3A_804 = arith.constant 0 : i32
          %dma_start3A_805 = tpu.memref_slice %arg6[%add3A_792, %dma_start3A_804] : memref<79x128xi32, #tpu.memory_space<vmem>> -> memref<1x128xi32, #tpu.memory_space<vmem>>
          %dma_start3A_806 = tpu.memref_squeeze %dma_start3A_805 : memref<1x128xi32, #tpu.memory_space<vmem>> -> memref<128xi32, #tpu.memory_space<vmem>>
          %dma_start3A_807 = arith.constant 0 : i32
          %dma_start3A_808 = arith.constant 0 : i32
          %dma_start3A_809 = tpu.memref_slice %arg2[%dma_start3A_807, %dma_start3A_808] : memref<10240x16xf32, #tpu.memory_space<hbm>> -> memref<10240x16xf32, #tpu.memory_space<hbm>>
          %dma_start3A_810 = tpu.memref_slice %arg10[%dma_start3A_799] : memref<13x!tpu.dma_semaphore, #tpu.memory_space<semaphore_mem>> -> memref<1x!tpu.dma_semaphore, #tpu.memory_space<semaphore_mem>>
          %dma_start3A_811 = tpu.memref_squeeze %dma_start3A_810 : memref<1x!tpu.dma_semaphore, #tpu.memory_space<semaphore_mem>> -> memref<!tpu.dma_semaphore, #tpu.memory_space<semaphore_mem>>
          tpu.enqueue_indirect_dma source(%dma_start3A_809 : memref<10240x16xf32, #tpu.memory_space<hbm>>) target(%dma_start3A_803 : memref<128x16xf32, #tpu.memory_space<vmem>>) offsets(%dma_start3A_806 : memref<128xi32, #tpu.memory_space<vmem>>) semaphore(%dma_start3A_811 : memref<!tpu.dma_semaphore, #tpu.memory_space<semaphore_mem>>)
        } else {
        }
      } else {
      }
      %mul3A_504 = arith.constant 13 : i32
      %mul3A_505 = arith.muli %scan3A_271, %mul3A_504 : i32
      %add3A_506 = arith.constant 6 : i32
      %add3A_507 = arith.addi %mul3A_505, %add3A_506 : i32
      %dma_wait3A_508 = arith.constant 6 : i32
      %dma_wait3A_509 = arith.constant 6 : i32
      %dma_wait3A_510 = arith.constant 0 : i32
      %dma_wait3A_511 = arith.constant 0 : i32
      %dma_wait3A_512 = tpu.memref_slice %arg8[%dma_wait3A_508, %dma_wait3A_510, %dma_wait3A_511] : memref<13x128x16xf32, #tpu.memory_space<vmem>> -> memref<1x128x16xf32, #tpu.memory_space<vmem>>
      %dma_wait3A_513 = tpu.memref_squeeze %dma_wait3A_512 : memref<1x128x16xf32, #tpu.memory_space<vmem>> -> memref<128x16xf32, #tpu.memory_space<vmem>>
      %dma_wait3A_514 = arith.constant 0 : i32
      %dma_wait3A_515 = tpu.memref_slice %arg6[%add3A_507, %dma_wait3A_514] : memref<79x128xi32, #tpu.memory_space<vmem>> -> memref<1x128xi32, #tpu.memory_space<vmem>>
      %dma_wait3A_516 = tpu.memref_squeeze %dma_wait3A_515 : memref<1x128xi32, #tpu.memory_space<vmem>> -> memref<128xi32, #tpu.memory_space<vmem>>
      %dma_wait3A_517 = arith.constant 0 : i32
      %dma_wait3A_518 = arith.constant 0 : i32
      %dma_wait3A_519 = tpu.memref_slice %arg2[%dma_wait3A_517, %dma_wait3A_518] : memref<10240x16xf32, #tpu.memory_space<hbm>> -> memref<10240x16xf32, #tpu.memory_space<hbm>>
      %dma_wait3A_520 = tpu.memref_slice %arg10[%dma_wait3A_509] : memref<13x!tpu.dma_semaphore, #tpu.memory_space<semaphore_mem>> -> memref<1x!tpu.dma_semaphore, #tpu.memory_space<semaphore_mem>>
      %dma_wait3A_521 = tpu.memref_squeeze %dma_wait3A_520 : memref<1x!tpu.dma_semaphore, #tpu.memory_space<semaphore_mem>> -> memref<!tpu.dma_semaphore, #tpu.memory_space<semaphore_mem>>
      tpu.wait_indirect_dma semaphore(%dma_wait3A_521 : memref<!tpu.dma_semaphore, #tpu.memory_space<semaphore_mem>>) src(%dma_wait3A_519 : memref<10240x16xf32, #tpu.memory_space<hbm>>) dst(%dma_wait3A_513 : memref<128x16xf32, #tpu.memory_space<vmem>>)
      %dma_start3A_522 = arith.constant 6 : i32
      %dma_start3A_523 = arith.constant 6 : i32
      %dma_start3A_524 = arith.constant 0 : i32
      %dma_start3A_525 = arith.constant 0 : i32
      %dma_start3A_526 = tpu.memref_slice %arg8[%dma_start3A_522, %dma_start3A_524, %dma_start3A_525] : memref<13x128x16xf32, #tpu.memory_space<vmem>> -> memref<1x128x16xf32, #tpu.memory_space<vmem>>
      %dma_start3A_527 = tpu.memref_squeeze %dma_start3A_526 : memref<1x128x16xf32, #tpu.memory_space<vmem>> -> memref<128x16xf32, #tpu.memory_space<vmem>>
      %dma_start3A_528 = arith.constant 0 : i32
      %dma_start3A_529 = tpu.memref_slice %arg7[%add3A_507, %dma_start3A_528] : memref<79x128xi32, #tpu.memory_space<vmem>> -> memref<1x128xi32, #tpu.memory_space<vmem>>
      %dma_start3A_530 = tpu.memref_squeeze %dma_start3A_529 : memref<1x128xi32, #tpu.memory_space<vmem>> -> memref<128xi32, #tpu.memory_space<vmem>>
      %dma_start3A_531 = arith.constant 0 : i32
      %dma_start3A_532 = arith.constant 0 : i32
      %dma_start3A_533 = tpu.memref_slice %arg12[%dma_start3A_531, %dma_start3A_532] : memref<10240x16xf32, #tpu.memory_space<vmem_shared>> -> memref<10240x16xf32, #tpu.memory_space<vmem_shared>>
      %dma_start3A_534 = tpu.memref_slice %arg11[%dma_start3A_523] : memref<13x!tpu.dma_semaphore, #tpu.memory_space<semaphore_mem>> -> memref<1x!tpu.dma_semaphore, #tpu.memory_space<semaphore_mem>>
      %dma_start3A_535 = tpu.memref_squeeze %dma_start3A_534 : memref<1x!tpu.dma_semaphore, #tpu.memory_space<semaphore_mem>> -> memref<!tpu.dma_semaphore, #tpu.memory_space<semaphore_mem>>
      tpu.enqueue_indirect_dma source(%dma_start3A_527 : memref<128x16xf32, #tpu.memory_space<vmem>>) target(%dma_start3A_533 : memref<10240x16xf32, #tpu.memory_space<vmem_shared>>) offsets(%dma_start3A_530 : memref<128xi32, #tpu.memory_space<vmem>>) semaphore(%dma_start3A_535 : memref<!tpu.dma_semaphore, #tpu.memory_space<semaphore_mem>>) {add = true}
      %sub3A_536 = arith.constant 1 : i32
      %sub3A_537 = arith.subi %add3A_507, %sub3A_536 : i32
      %ge3A_538 = arith.constant 0 : i32
      %ge3A_539 = arith.cmpi sge, %sub3A_537, %ge3A_538 : i32
      %convert_element_type3A_540 = arith.extui %ge3A_539 : i1 to i32
      %cond3A_541 = arith.constant 0 : i32
      %cond3A_542 = arith.cmpi ne, %convert_element_type3A_540, %cond3A_541 : i32
      scf.if %cond3A_542 {
        %dma_wait3A_777 = arith.constant 5 : i32
        %dma_wait3A_778 = arith.constant 5 : i32
        %dma_wait3A_779 = arith.constant 0 : i32
        %dma_wait3A_780 = arith.constant 0 : i32
        %dma_wait3A_781 = tpu.memref_slice %arg8[%dma_wait3A_777, %dma_wait3A_779, %dma_wait3A_780] : memref<13x128x16xf32, #tpu.memory_space<vmem>> -> memref<1x128x16xf32, #tpu.memory_space<vmem>>
        %dma_wait3A_782 = tpu.memref_squeeze %dma_wait3A_781 : memref<1x128x16xf32, #tpu.memory_space<vmem>> -> memref<128x16xf32, #tpu.memory_space<vmem>>
        %dma_wait3A_783 = arith.constant 0 : i32
        %dma_wait3A_784 = tpu.memref_slice %arg7[%sub3A_537, %dma_wait3A_783] : memref<79x128xi32, #tpu.memory_space<vmem>> -> memref<1x128xi32, #tpu.memory_space<vmem>>
        %dma_wait3A_785 = tpu.memref_squeeze %dma_wait3A_784 : memref<1x128xi32, #tpu.memory_space<vmem>> -> memref<128xi32, #tpu.memory_space<vmem>>
        %dma_wait3A_786 = arith.constant 0 : i32
        %dma_wait3A_787 = arith.constant 0 : i32
        %dma_wait3A_788 = tpu.memref_slice %arg12[%dma_wait3A_786, %dma_wait3A_787] : memref<10240x16xf32, #tpu.memory_space<vmem_shared>> -> memref<10240x16xf32, #tpu.memory_space<vmem_shared>>
        %dma_wait3A_789 = tpu.memref_slice %arg11[%dma_wait3A_778] : memref<13x!tpu.dma_semaphore, #tpu.memory_space<semaphore_mem>> -> memref<1x!tpu.dma_semaphore, #tpu.memory_space<semaphore_mem>>
        %dma_wait3A_790 = tpu.memref_squeeze %dma_wait3A_789 : memref<1x!tpu.dma_semaphore, #tpu.memory_space<semaphore_mem>> -> memref<!tpu.dma_semaphore, #tpu.memory_space<semaphore_mem>>
        tpu.wait_indirect_dma semaphore(%dma_wait3A_790 : memref<!tpu.dma_semaphore, #tpu.memory_space<semaphore_mem>>) src(%dma_wait3A_782 : memref<128x16xf32, #tpu.memory_space<vmem>>) dst(%dma_wait3A_788 : memref<10240x16xf32, #tpu.memory_space<vmem_shared>>)
        %add3A_791 = arith.constant 13 : i32
        %add3A_792 = arith.addi %sub3A_537, %add3A_791 : i32
        %lt3A_793 = arith.constant 78 : i32
        %lt3A_794 = arith.cmpi slt, %add3A_792, %lt3A_793 : i32
        %convert_element_type3A_795 = arith.extui %lt3A_794 : i1 to i32
        %cond3A_796 = arith.constant 0 : i32
        %cond3A_797 = arith.cmpi ne, %convert_element_type3A_795, %cond3A_796 : i32
        scf.if %cond3A_797 {
          %dma_start3A_798 = arith.constant 5 : i32
          %dma_start3A_799 = arith.constant 5 : i32
          %dma_start3A_800 = arith.constant 0 : i32
          %dma_start3A_801 = arith.constant 0 : i32
          %dma_start3A_802 = tpu.memref_slice %arg8[%dma_start3A_798, %dma_start3A_800, %dma_start3A_801] : memref<13x128x16xf32, #tpu.memory_space<vmem>> -> memref<1x128x16xf32, #tpu.memory_space<vmem>>
          %dma_start3A_803 = tpu.memref_squeeze %dma_start3A_802 : memref<1x128x16xf32, #tpu.memory_space<vmem>> -> memref<128x16xf32, #tpu.memory_space<vmem>>
          %dma_start3A_804 = arith.constant 0 : i32
          %dma_start3A_805 = tpu.memref_slice %arg6[%add3A_792, %dma_start3A_804] : memref<79x128xi32, #tpu.memory_space<vmem>> -> memref<1x128xi32, #tpu.memory_space<vmem>>
          %dma_start3A_806 = tpu.memref_squeeze %dma_start3A_805 : memref<1x128xi32, #tpu.memory_space<vmem>> -> memref<128xi32, #tpu.memory_space<vmem>>
          %dma_start3A_807 = arith.constant 0 : i32
          %dma_start3A_808 = arith.constant 0 : i32
          %dma_start3A_809 = tpu.memref_slice %arg2[%dma_start3A_807, %dma_start3A_808] : memref<10240x16xf32, #tpu.memory_space<hbm>> -> memref<10240x16xf32, #tpu.memory_space<hbm>>
          %dma_start3A_810 = tpu.memref_slice %arg10[%dma_start3A_799] : memref<13x!tpu.dma_semaphore, #tpu.memory_space<semaphore_mem>> -> memref<1x!tpu.dma_semaphore, #tpu.memory_space<semaphore_mem>>
          %dma_start3A_811 = tpu.memref_squeeze %dma_start3A_810 : memref<1x!tpu.dma_semaphore, #tpu.memory_space<semaphore_mem>> -> memref<!tpu.dma_semaphore, #tpu.memory_space<semaphore_mem>>
          tpu.enqueue_indirect_dma source(%dma_start3A_809 : memref<10240x16xf32, #tpu.memory_space<hbm>>) target(%dma_start3A_803 : memref<128x16xf32, #tpu.memory_space<vmem>>) offsets(%dma_start3A_806 : memref<128xi32, #tpu.memory_space<vmem>>) semaphore(%dma_start3A_811 : memref<!tpu.dma_semaphore, #tpu.memory_space<semaphore_mem>>)
        } else {
        }
      } else {
      }
      %mul3A_543 = arith.constant 13 : i32
      %mul3A_544 = arith.muli %scan3A_271, %mul3A_543 : i32
      %add3A_545 = arith.constant 7 : i32
      %add3A_546 = arith.addi %mul3A_544, %add3A_545 : i32
      %dma_wait3A_547 = arith.constant 7 : i32
      %dma_wait3A_548 = arith.constant 7 : i32
      %dma_wait3A_549 = arith.constant 0 : i32
      %dma_wait3A_550 = arith.constant 0 : i32
      %dma_wait3A_551 = tpu.memref_slice %arg8[%dma_wait3A_547, %dma_wait3A_549, %dma_wait3A_550] : memref<13x128x16xf32, #tpu.memory_space<vmem>> -> memref<1x128x16xf32, #tpu.memory_space<vmem>>
      %dma_wait3A_552 = tpu.memref_squeeze %dma_wait3A_551 : memref<1x128x16xf32, #tpu.memory_space<vmem>> -> memref<128x16xf32, #tpu.memory_space<vmem>>
      %dma_wait3A_553 = arith.constant 0 : i32
      %dma_wait3A_554 = tpu.memref_slice %arg6[%add3A_546, %dma_wait3A_553] : memref<79x128xi32, #tpu.memory_space<vmem>> -> memref<1x128xi32, #tpu.memory_space<vmem>>
      %dma_wait3A_555 = tpu.memref_squeeze %dma_wait3A_554 : memref<1x128xi32, #tpu.memory_space<vmem>> -> memref<128xi32, #tpu.memory_space<vmem>>
      %dma_wait3A_556 = arith.constant 0 : i32
      %dma_wait3A_557 = arith.constant 0 : i32
      %dma_wait3A_558 = tpu.memref_slice %arg2[%dma_wait3A_556, %dma_wait3A_557] : memref<10240x16xf32, #tpu.memory_space<hbm>> -> memref<10240x16xf32, #tpu.memory_space<hbm>>
      %dma_wait3A_559 = tpu.memref_slice %arg10[%dma_wait3A_548] : memref<13x!tpu.dma_semaphore, #tpu.memory_space<semaphore_mem>> -> memref<1x!tpu.dma_semaphore, #tpu.memory_space<semaphore_mem>>
      %dma_wait3A_560 = tpu.memref_squeeze %dma_wait3A_559 : memref<1x!tpu.dma_semaphore, #tpu.memory_space<semaphore_mem>> -> memref<!tpu.dma_semaphore, #tpu.memory_space<semaphore_mem>>
      tpu.wait_indirect_dma semaphore(%dma_wait3A_560 : memref<!tpu.dma_semaphore, #tpu.memory_space<semaphore_mem>>) src(%dma_wait3A_558 : memref<10240x16xf32, #tpu.memory_space<hbm>>) dst(%dma_wait3A_552 : memref<128x16xf32, #tpu.memory_space<vmem>>)
      %dma_start3A_561 = arith.constant 7 : i32
      %dma_start3A_562 = arith.constant 7 : i32
      %dma_start3A_563 = arith.constant 0 : i32
      %dma_start3A_564 = arith.constant 0 : i32
      %dma_start3A_565 = tpu.memref_slice %arg8[%dma_start3A_561, %dma_start3A_563, %dma_start3A_564] : memref<13x128x16xf32, #tpu.memory_space<vmem>> -> memref<1x128x16xf32, #tpu.memory_space<vmem>>
      %dma_start3A_566 = tpu.memref_squeeze %dma_start3A_565 : memref<1x128x16xf32, #tpu.memory_space<vmem>> -> memref<128x16xf32, #tpu.memory_space<vmem>>
      %dma_start3A_567 = arith.constant 0 : i32
      %dma_start3A_568 = tpu.memref_slice %arg7[%add3A_546, %dma_start3A_567] : memref<79x128xi32, #tpu.memory_space<vmem>> -> memref<1x128xi32, #tpu.memory_space<vmem>>
      %dma_start3A_569 = tpu.memref_squeeze %dma_start3A_568 : memref<1x128xi32, #tpu.memory_space<vmem>> -> memref<128xi32, #tpu.memory_space<vmem>>
      %dma_start3A_570 = arith.constant 0 : i32
      %dma_start3A_571 = arith.constant 0 : i32
      %dma_start3A_572 = tpu.memref_slice %arg12[%dma_start3A_570, %dma_start3A_571] : memref<10240x16xf32, #tpu.memory_space<vmem_shared>> -> memref<10240x16xf32, #tpu.memory_space<vmem_shared>>
      %dma_start3A_573 = tpu.memref_slice %arg11[%dma_start3A_562] : memref<13x!tpu.dma_semaphore, #tpu.memory_space<semaphore_mem>> -> memref<1x!tpu.dma_semaphore, #tpu.memory_space<semaphore_mem>>
      %dma_start3A_574 = tpu.memref_squeeze %dma_start3A_573 : memref<1x!tpu.dma_semaphore, #tpu.memory_space<semaphore_mem>> -> memref<!tpu.dma_semaphore, #tpu.memory_space<semaphore_mem>>
      tpu.enqueue_indirect_dma source(%dma_start3A_566 : memref<128x16xf32, #tpu.memory_space<vmem>>) target(%dma_start3A_572 : memref<10240x16xf32, #tpu.memory_space<vmem_shared>>) offsets(%dma_start3A_569 : memref<128xi32, #tpu.memory_space<vmem>>) semaphore(%dma_start3A_574 : memref<!tpu.dma_semaphore, #tpu.memory_space<semaphore_mem>>) {add = true}
      %sub3A_575 = arith.constant 1 : i32
      %sub3A_576 = arith.subi %add3A_546, %sub3A_575 : i32
      %ge3A_577 = arith.constant 0 : i32
      %ge3A_578 = arith.cmpi sge, %sub3A_576, %ge3A_577 : i32
      %convert_element_type3A_579 = arith.extui %ge3A_578 : i1 to i32
      %cond3A_580 = arith.constant 0 : i32
      %cond3A_581 = arith.cmpi ne, %convert_element_type3A_579, %cond3A_580 : i32
      scf.if %cond3A_581 {
        %dma_wait3A_777 = arith.constant 6 : i32
        %dma_wait3A_778 = arith.constant 6 : i32
        %dma_wait3A_779 = arith.constant 0 : i32
        %dma_wait3A_780 = arith.constant 0 : i32
        %dma_wait3A_781 = tpu.memref_slice %arg8[%dma_wait3A_777, %dma_wait3A_779, %dma_wait3A_780] : memref<13x128x16xf32, #tpu.memory_space<vmem>> -> memref<1x128x16xf32, #tpu.memory_space<vmem>>
        %dma_wait3A_782 = tpu.memref_squeeze %dma_wait3A_781 : memref<1x128x16xf32, #tpu.memory_space<vmem>> -> memref<128x16xf32, #tpu.memory_space<vmem>>
        %dma_wait3A_783 = arith.constant 0 : i32
        %dma_wait3A_784 = tpu.memref_slice %arg7[%sub3A_576, %dma_wait3A_783] : memref<79x128xi32, #tpu.memory_space<vmem>> -> memref<1x128xi32, #tpu.memory_space<vmem>>
        %dma_wait3A_785 = tpu.memref_squeeze %dma_wait3A_784 : memref<1x128xi32, #tpu.memory_space<vmem>> -> memref<128xi32, #tpu.memory_space<vmem>>
        %dma_wait3A_786 = arith.constant 0 : i32
        %dma_wait3A_787 = arith.constant 0 : i32
        %dma_wait3A_788 = tpu.memref_slice %arg12[%dma_wait3A_786, %dma_wait3A_787] : memref<10240x16xf32, #tpu.memory_space<vmem_shared>> -> memref<10240x16xf32, #tpu.memory_space<vmem_shared>>
        %dma_wait3A_789 = tpu.memref_slice %arg11[%dma_wait3A_778] : memref<13x!tpu.dma_semaphore, #tpu.memory_space<semaphore_mem>> -> memref<1x!tpu.dma_semaphore, #tpu.memory_space<semaphore_mem>>
        %dma_wait3A_790 = tpu.memref_squeeze %dma_wait3A_789 : memref<1x!tpu.dma_semaphore, #tpu.memory_space<semaphore_mem>> -> memref<!tpu.dma_semaphore, #tpu.memory_space<semaphore_mem>>
        tpu.wait_indirect_dma semaphore(%dma_wait3A_790 : memref<!tpu.dma_semaphore, #tpu.memory_space<semaphore_mem>>) src(%dma_wait3A_782 : memref<128x16xf32, #tpu.memory_space<vmem>>) dst(%dma_wait3A_788 : memref<10240x16xf32, #tpu.memory_space<vmem_shared>>)
        %add3A_791 = arith.constant 13 : i32
        %add3A_792 = arith.addi %sub3A_576, %add3A_791 : i32
        %lt3A_793 = arith.constant 78 : i32
        %lt3A_794 = arith.cmpi slt, %add3A_792, %lt3A_793 : i32
        %convert_element_type3A_795 = arith.extui %lt3A_794 : i1 to i32
        %cond3A_796 = arith.constant 0 : i32
        %cond3A_797 = arith.cmpi ne, %convert_element_type3A_795, %cond3A_796 : i32
        scf.if %cond3A_797 {
          %dma_start3A_798 = arith.constant 6 : i32
          %dma_start3A_799 = arith.constant 6 : i32
          %dma_start3A_800 = arith.constant 0 : i32
          %dma_start3A_801 = arith.constant 0 : i32
          %dma_start3A_802 = tpu.memref_slice %arg8[%dma_start3A_798, %dma_start3A_800, %dma_start3A_801] : memref<13x128x16xf32, #tpu.memory_space<vmem>> -> memref<1x128x16xf32, #tpu.memory_space<vmem>>
          %dma_start3A_803 = tpu.memref_squeeze %dma_start3A_802 : memref<1x128x16xf32, #tpu.memory_space<vmem>> -> memref<128x16xf32, #tpu.memory_space<vmem>>
          %dma_start3A_804 = arith.constant 0 : i32
          %dma_start3A_805 = tpu.memref_slice %arg6[%add3A_792, %dma_start3A_804] : memref<79x128xi32, #tpu.memory_space<vmem>> -> memref<1x128xi32, #tpu.memory_space<vmem>>
          %dma_start3A_806 = tpu.memref_squeeze %dma_start3A_805 : memref<1x128xi32, #tpu.memory_space<vmem>> -> memref<128xi32, #tpu.memory_space<vmem>>
          %dma_start3A_807 = arith.constant 0 : i32
          %dma_start3A_808 = arith.constant 0 : i32
          %dma_start3A_809 = tpu.memref_slice %arg2[%dma_start3A_807, %dma_start3A_808] : memref<10240x16xf32, #tpu.memory_space<hbm>> -> memref<10240x16xf32, #tpu.memory_space<hbm>>
          %dma_start3A_810 = tpu.memref_slice %arg10[%dma_start3A_799] : memref<13x!tpu.dma_semaphore, #tpu.memory_space<semaphore_mem>> -> memref<1x!tpu.dma_semaphore, #tpu.memory_space<semaphore_mem>>
          %dma_start3A_811 = tpu.memref_squeeze %dma_start3A_810 : memref<1x!tpu.dma_semaphore, #tpu.memory_space<semaphore_mem>> -> memref<!tpu.dma_semaphore, #tpu.memory_space<semaphore_mem>>
          tpu.enqueue_indirect_dma source(%dma_start3A_809 : memref<10240x16xf32, #tpu.memory_space<hbm>>) target(%dma_start3A_803 : memref<128x16xf32, #tpu.memory_space<vmem>>) offsets(%dma_start3A_806 : memref<128xi32, #tpu.memory_space<vmem>>) semaphore(%dma_start3A_811 : memref<!tpu.dma_semaphore, #tpu.memory_space<semaphore_mem>>)
        } else {
        }
      } else {
      }
      %mul3A_582 = arith.constant 13 : i32
      %mul3A_583 = arith.muli %scan3A_271, %mul3A_582 : i32
      %add3A_584 = arith.constant 8 : i32
      %add3A_585 = arith.addi %mul3A_583, %add3A_584 : i32
      %dma_wait3A_586 = arith.constant 8 : i32
      %dma_wait3A_587 = arith.constant 8 : i32
      %dma_wait3A_588 = arith.constant 0 : i32
      %dma_wait3A_589 = arith.constant 0 : i32
      %dma_wait3A_590 = tpu.memref_slice %arg8[%dma_wait3A_586, %dma_wait3A_588, %dma_wait3A_589] : memref<13x128x16xf32, #tpu.memory_space<vmem>> -> memref<1x128x16xf32, #tpu.memory_space<vmem>>
      %dma_wait3A_591 = tpu.memref_squeeze %dma_wait3A_590 : memref<1x128x16xf32, #tpu.memory_space<vmem>> -> memref<128x16xf32, #tpu.memory_space<vmem>>
      %dma_wait3A_592 = arith.constant 0 : i32
      %dma_wait3A_593 = tpu.memref_slice %arg6[%add3A_585, %dma_wait3A_592] : memref<79x128xi32, #tpu.memory_space<vmem>> -> memref<1x128xi32, #tpu.memory_space<vmem>>
      %dma_wait3A_594 = tpu.memref_squeeze %dma_wait3A_593 : memref<1x128xi32, #tpu.memory_space<vmem>> -> memref<128xi32, #tpu.memory_space<vmem>>
      %dma_wait3A_595 = arith.constant 0 : i32
      %dma_wait3A_596 = arith.constant 0 : i32
      %dma_wait3A_597 = tpu.memref_slice %arg2[%dma_wait3A_595, %dma_wait3A_596] : memref<10240x16xf32, #tpu.memory_space<hbm>> -> memref<10240x16xf32, #tpu.memory_space<hbm>>
      %dma_wait3A_598 = tpu.memref_slice %arg10[%dma_wait3A_587] : memref<13x!tpu.dma_semaphore, #tpu.memory_space<semaphore_mem>> -> memref<1x!tpu.dma_semaphore, #tpu.memory_space<semaphore_mem>>
      %dma_wait3A_599 = tpu.memref_squeeze %dma_wait3A_598 : memref<1x!tpu.dma_semaphore, #tpu.memory_space<semaphore_mem>> -> memref<!tpu.dma_semaphore, #tpu.memory_space<semaphore_mem>>
      tpu.wait_indirect_dma semaphore(%dma_wait3A_599 : memref<!tpu.dma_semaphore, #tpu.memory_space<semaphore_mem>>) src(%dma_wait3A_597 : memref<10240x16xf32, #tpu.memory_space<hbm>>) dst(%dma_wait3A_591 : memref<128x16xf32, #tpu.memory_space<vmem>>)
      %dma_start3A_600 = arith.constant 8 : i32
      %dma_start3A_601 = arith.constant 8 : i32
      %dma_start3A_602 = arith.constant 0 : i32
      %dma_start3A_603 = arith.constant 0 : i32
      %dma_start3A_604 = tpu.memref_slice %arg8[%dma_start3A_600, %dma_start3A_602, %dma_start3A_603] : memref<13x128x16xf32, #tpu.memory_space<vmem>> -> memref<1x128x16xf32, #tpu.memory_space<vmem>>
      %dma_start3A_605 = tpu.memref_squeeze %dma_start3A_604 : memref<1x128x16xf32, #tpu.memory_space<vmem>> -> memref<128x16xf32, #tpu.memory_space<vmem>>
      %dma_start3A_606 = arith.constant 0 : i32
      %dma_start3A_607 = tpu.memref_slice %arg7[%add3A_585, %dma_start3A_606] : memref<79x128xi32, #tpu.memory_space<vmem>> -> memref<1x128xi32, #tpu.memory_space<vmem>>
      %dma_start3A_608 = tpu.memref_squeeze %dma_start3A_607 : memref<1x128xi32, #tpu.memory_space<vmem>> -> memref<128xi32, #tpu.memory_space<vmem>>
      %dma_start3A_609 = arith.constant 0 : i32
      %dma_start3A_610 = arith.constant 0 : i32
      %dma_start3A_611 = tpu.memref_slice %arg12[%dma_start3A_609, %dma_start3A_610] : memref<10240x16xf32, #tpu.memory_space<vmem_shared>> -> memref<10240x16xf32, #tpu.memory_space<vmem_shared>>
      %dma_start3A_612 = tpu.memref_slice %arg11[%dma_start3A_601] : memref<13x!tpu.dma_semaphore, #tpu.memory_space<semaphore_mem>> -> memref<1x!tpu.dma_semaphore, #tpu.memory_space<semaphore_mem>>
      %dma_start3A_613 = tpu.memref_squeeze %dma_start3A_612 : memref<1x!tpu.dma_semaphore, #tpu.memory_space<semaphore_mem>> -> memref<!tpu.dma_semaphore, #tpu.memory_space<semaphore_mem>>
      tpu.enqueue_indirect_dma source(%dma_start3A_605 : memref<128x16xf32, #tpu.memory_space<vmem>>) target(%dma_start3A_611 : memref<10240x16xf32, #tpu.memory_space<vmem_shared>>) offsets(%dma_start3A_608 : memref<128xi32, #tpu.memory_space<vmem>>) semaphore(%dma_start3A_613 : memref<!tpu.dma_semaphore, #tpu.memory_space<semaphore_mem>>) {add = true}
      %sub3A_614 = arith.constant 1 : i32
      %sub3A_615 = arith.subi %add3A_585, %sub3A_614 : i32
      %ge3A_616 = arith.constant 0 : i32
      %ge3A_617 = arith.cmpi sge, %sub3A_615, %ge3A_616 : i32
      %convert_element_type3A_618 = arith.extui %ge3A_617 : i1 to i32
      %cond3A_619 = arith.constant 0 : i32
      %cond3A_620 = arith.cmpi ne, %convert_element_type3A_618, %cond3A_619 : i32
      scf.if %cond3A_620 {
        %dma_wait3A_777 = arith.constant 7 : i32
        %dma_wait3A_778 = arith.constant 7 : i32
        %dma_wait3A_779 = arith.constant 0 : i32
        %dma_wait3A_780 = arith.constant 0 : i32
        %dma_wait3A_781 = tpu.memref_slice %arg8[%dma_wait3A_777, %dma_wait3A_779, %dma_wait3A_780] : memref<13x128x16xf32, #tpu.memory_space<vmem>> -> memref<1x128x16xf32, #tpu.memory_space<vmem>>
        %dma_wait3A_782 = tpu.memref_squeeze %dma_wait3A_781 : memref<1x128x16xf32, #tpu.memory_space<vmem>> -> memref<128x16xf32, #tpu.memory_space<vmem>>
        %dma_wait3A_783 = arith.constant 0 : i32
        %dma_wait3A_784 = tpu.memref_slice %arg7[%sub3A_615, %dma_wait3A_783] : memref<79x128xi32, #tpu.memory_space<vmem>> -> memref<1x128xi32, #tpu.memory_space<vmem>>
        %dma_wait3A_785 = tpu.memref_squeeze %dma_wait3A_784 : memref<1x128xi32, #tpu.memory_space<vmem>> -> memref<128xi32, #tpu.memory_space<vmem>>
        %dma_wait3A_786 = arith.constant 0 : i32
        %dma_wait3A_787 = arith.constant 0 : i32
        %dma_wait3A_788 = tpu.memref_slice %arg12[%dma_wait3A_786, %dma_wait3A_787] : memref<10240x16xf32, #tpu.memory_space<vmem_shared>> -> memref<10240x16xf32, #tpu.memory_space<vmem_shared>>
        %dma_wait3A_789 = tpu.memref_slice %arg11[%dma_wait3A_778] : memref<13x!tpu.dma_semaphore, #tpu.memory_space<semaphore_mem>> -> memref<1x!tpu.dma_semaphore, #tpu.memory_space<semaphore_mem>>
        %dma_wait3A_790 = tpu.memref_squeeze %dma_wait3A_789 : memref<1x!tpu.dma_semaphore, #tpu.memory_space<semaphore_mem>> -> memref<!tpu.dma_semaphore, #tpu.memory_space<semaphore_mem>>
        tpu.wait_indirect_dma semaphore(%dma_wait3A_790 : memref<!tpu.dma_semaphore, #tpu.memory_space<semaphore_mem>>) src(%dma_wait3A_782 : memref<128x16xf32, #tpu.memory_space<vmem>>) dst(%dma_wait3A_788 : memref<10240x16xf32, #tpu.memory_space<vmem_shared>>)
        %add3A_791 = arith.constant 13 : i32
        %add3A_792 = arith.addi %sub3A_615, %add3A_791 : i32
        %lt3A_793 = arith.constant 78 : i32
        %lt3A_794 = arith.cmpi slt, %add3A_792, %lt3A_793 : i32
        %convert_element_type3A_795 = arith.extui %lt3A_794 : i1 to i32
        %cond3A_796 = arith.constant 0 : i32
        %cond3A_797 = arith.cmpi ne, %convert_element_type3A_795, %cond3A_796 : i32
        scf.if %cond3A_797 {
          %dma_start3A_798 = arith.constant 7 : i32
          %dma_start3A_799 = arith.constant 7 : i32
          %dma_start3A_800 = arith.constant 0 : i32
          %dma_start3A_801 = arith.constant 0 : i32
          %dma_start3A_802 = tpu.memref_slice %arg8[%dma_start3A_798, %dma_start3A_800, %dma_start3A_801] : memref<13x128x16xf32, #tpu.memory_space<vmem>> -> memref<1x128x16xf32, #tpu.memory_space<vmem>>
          %dma_start3A_803 = tpu.memref_squeeze %dma_start3A_802 : memref<1x128x16xf32, #tpu.memory_space<vmem>> -> memref<128x16xf32, #tpu.memory_space<vmem>>
          %dma_start3A_804 = arith.constant 0 : i32
          %dma_start3A_805 = tpu.memref_slice %arg6[%add3A_792, %dma_start3A_804] : memref<79x128xi32, #tpu.memory_space<vmem>> -> memref<1x128xi32, #tpu.memory_space<vmem>>
          %dma_start3A_806 = tpu.memref_squeeze %dma_start3A_805 : memref<1x128xi32, #tpu.memory_space<vmem>> -> memref<128xi32, #tpu.memory_space<vmem>>
          %dma_start3A_807 = arith.constant 0 : i32
          %dma_start3A_808 = arith.constant 0 : i32
          %dma_start3A_809 = tpu.memref_slice %arg2[%dma_start3A_807, %dma_start3A_808] : memref<10240x16xf32, #tpu.memory_space<hbm>> -> memref<10240x16xf32, #tpu.memory_space<hbm>>
          %dma_start3A_810 = tpu.memref_slice %arg10[%dma_start3A_799] : memref<13x!tpu.dma_semaphore, #tpu.memory_space<semaphore_mem>> -> memref<1x!tpu.dma_semaphore, #tpu.memory_space<semaphore_mem>>
          %dma_start3A_811 = tpu.memref_squeeze %dma_start3A_810 : memref<1x!tpu.dma_semaphore, #tpu.memory_space<semaphore_mem>> -> memref<!tpu.dma_semaphore, #tpu.memory_space<semaphore_mem>>
          tpu.enqueue_indirect_dma source(%dma_start3A_809 : memref<10240x16xf32, #tpu.memory_space<hbm>>) target(%dma_start3A_803 : memref<128x16xf32, #tpu.memory_space<vmem>>) offsets(%dma_start3A_806 : memref<128xi32, #tpu.memory_space<vmem>>) semaphore(%dma_start3A_811 : memref<!tpu.dma_semaphore, #tpu.memory_space<semaphore_mem>>)
        } else {
        }
      } else {
      }
      %mul3A_621 = arith.constant 13 : i32
      %mul3A_622 = arith.muli %scan3A_271, %mul3A_621 : i32
      %add3A_623 = arith.constant 9 : i32
      %add3A_624 = arith.addi %mul3A_622, %add3A_623 : i32
      %dma_wait3A_625 = arith.constant 9 : i32
      %dma_wait3A_626 = arith.constant 9 : i32
      %dma_wait3A_627 = arith.constant 0 : i32
      %dma_wait3A_628 = arith.constant 0 : i32
      %dma_wait3A_629 = tpu.memref_slice %arg8[%dma_wait3A_625, %dma_wait3A_627, %dma_wait3A_628] : memref<13x128x16xf32, #tpu.memory_space<vmem>> -> memref<1x128x16xf32, #tpu.memory_space<vmem>>
      %dma_wait3A_630 = tpu.memref_squeeze %dma_wait3A_629 : memref<1x128x16xf32, #tpu.memory_space<vmem>> -> memref<128x16xf32, #tpu.memory_space<vmem>>
      %dma_wait3A_631 = arith.constant 0 : i32
      %dma_wait3A_632 = tpu.memref_slice %arg6[%add3A_624, %dma_wait3A_631] : memref<79x128xi32, #tpu.memory_space<vmem>> -> memref<1x128xi32, #tpu.memory_space<vmem>>
      %dma_wait3A_633 = tpu.memref_squeeze %dma_wait3A_632 : memref<1x128xi32, #tpu.memory_space<vmem>> -> memref<128xi32, #tpu.memory_space<vmem>>
      %dma_wait3A_634 = arith.constant 0 : i32
      %dma_wait3A_635 = arith.constant 0 : i32
      %dma_wait3A_636 = tpu.memref_slice %arg2[%dma_wait3A_634, %dma_wait3A_635] : memref<10240x16xf32, #tpu.memory_space<hbm>> -> memref<10240x16xf32, #tpu.memory_space<hbm>>
      %dma_wait3A_637 = tpu.memref_slice %arg10[%dma_wait3A_626] : memref<13x!tpu.dma_semaphore, #tpu.memory_space<semaphore_mem>> -> memref<1x!tpu.dma_semaphore, #tpu.memory_space<semaphore_mem>>
      %dma_wait3A_638 = tpu.memref_squeeze %dma_wait3A_637 : memref<1x!tpu.dma_semaphore, #tpu.memory_space<semaphore_mem>> -> memref<!tpu.dma_semaphore, #tpu.memory_space<semaphore_mem>>
      tpu.wait_indirect_dma semaphore(%dma_wait3A_638 : memref<!tpu.dma_semaphore, #tpu.memory_space<semaphore_mem>>) src(%dma_wait3A_636 : memref<10240x16xf32, #tpu.memory_space<hbm>>) dst(%dma_wait3A_630 : memref<128x16xf32, #tpu.memory_space<vmem>>)
      %dma_start3A_639 = arith.constant 9 : i32
      %dma_start3A_640 = arith.constant 9 : i32
      %dma_start3A_641 = arith.constant 0 : i32
      %dma_start3A_642 = arith.constant 0 : i32
      %dma_start3A_643 = tpu.memref_slice %arg8[%dma_start3A_639, %dma_start3A_641, %dma_start3A_642] : memref<13x128x16xf32, #tpu.memory_space<vmem>> -> memref<1x128x16xf32, #tpu.memory_space<vmem>>
      %dma_start3A_644 = tpu.memref_squeeze %dma_start3A_643 : memref<1x128x16xf32, #tpu.memory_space<vmem>> -> memref<128x16xf32, #tpu.memory_space<vmem>>
      %dma_start3A_645 = arith.constant 0 : i32
      %dma_start3A_646 = tpu.memref_slice %arg7[%add3A_624, %dma_start3A_645] : memref<79x128xi32, #tpu.memory_space<vmem>> -> memref<1x128xi32, #tpu.memory_space<vmem>>
      %dma_start3A_647 = tpu.memref_squeeze %dma_start3A_646 : memref<1x128xi32, #tpu.memory_space<vmem>> -> memref<128xi32, #tpu.memory_space<vmem>>
      %dma_start3A_648 = arith.constant 0 : i32
      %dma_start3A_649 = arith.constant 0 : i32
      %dma_start3A_650 = tpu.memref_slice %arg12[%dma_start3A_648, %dma_start3A_649] : memref<10240x16xf32, #tpu.memory_space<vmem_shared>> -> memref<10240x16xf32, #tpu.memory_space<vmem_shared>>
      %dma_start3A_651 = tpu.memref_slice %arg11[%dma_start3A_640] : memref<13x!tpu.dma_semaphore, #tpu.memory_space<semaphore_mem>> -> memref<1x!tpu.dma_semaphore, #tpu.memory_space<semaphore_mem>>
      %dma_start3A_652 = tpu.memref_squeeze %dma_start3A_651 : memref<1x!tpu.dma_semaphore, #tpu.memory_space<semaphore_mem>> -> memref<!tpu.dma_semaphore, #tpu.memory_space<semaphore_mem>>
      tpu.enqueue_indirect_dma source(%dma_start3A_644 : memref<128x16xf32, #tpu.memory_space<vmem>>) target(%dma_start3A_650 : memref<10240x16xf32, #tpu.memory_space<vmem_shared>>) offsets(%dma_start3A_647 : memref<128xi32, #tpu.memory_space<vmem>>) semaphore(%dma_start3A_652 : memref<!tpu.dma_semaphore, #tpu.memory_space<semaphore_mem>>) {add = true}
      %sub3A_653 = arith.constant 1 : i32
      %sub3A_654 = arith.subi %add3A_624, %sub3A_653 : i32
      %ge3A_655 = arith.constant 0 : i32
      %ge3A_656 = arith.cmpi sge, %sub3A_654, %ge3A_655 : i32
      %convert_element_type3A_657 = arith.extui %ge3A_656 : i1 to i32
      %cond3A_658 = arith.constant 0 : i32
      %cond3A_659 = arith.cmpi ne, %convert_element_type3A_657, %cond3A_658 : i32
      scf.if %cond3A_659 {
        %dma_wait3A_777 = arith.constant 8 : i32
        %dma_wait3A_778 = arith.constant 8 : i32
        %dma_wait3A_779 = arith.constant 0 : i32
        %dma_wait3A_780 = arith.constant 0 : i32
        %dma_wait3A_781 = tpu.memref_slice %arg8[%dma_wait3A_777, %dma_wait3A_779, %dma_wait3A_780] : memref<13x128x16xf32, #tpu.memory_space<vmem>> -> memref<1x128x16xf32, #tpu.memory_space<vmem>>
        %dma_wait3A_782 = tpu.memref_squeeze %dma_wait3A_781 : memref<1x128x16xf32, #tpu.memory_space<vmem>> -> memref<128x16xf32, #tpu.memory_space<vmem>>
        %dma_wait3A_783 = arith.constant 0 : i32
        %dma_wait3A_784 = tpu.memref_slice %arg7[%sub3A_654, %dma_wait3A_783] : memref<79x128xi32, #tpu.memory_space<vmem>> -> memref<1x128xi32, #tpu.memory_space<vmem>>
        %dma_wait3A_785 = tpu.memref_squeeze %dma_wait3A_784 : memref<1x128xi32, #tpu.memory_space<vmem>> -> memref<128xi32, #tpu.memory_space<vmem>>
        %dma_wait3A_786 = arith.constant 0 : i32
        %dma_wait3A_787 = arith.constant 0 : i32
        %dma_wait3A_788 = tpu.memref_slice %arg12[%dma_wait3A_786, %dma_wait3A_787] : memref<10240x16xf32, #tpu.memory_space<vmem_shared>> -> memref<10240x16xf32, #tpu.memory_space<vmem_shared>>
        %dma_wait3A_789 = tpu.memref_slice %arg11[%dma_wait3A_778] : memref<13x!tpu.dma_semaphore, #tpu.memory_space<semaphore_mem>> -> memref<1x!tpu.dma_semaphore, #tpu.memory_space<semaphore_mem>>
        %dma_wait3A_790 = tpu.memref_squeeze %dma_wait3A_789 : memref<1x!tpu.dma_semaphore, #tpu.memory_space<semaphore_mem>> -> memref<!tpu.dma_semaphore, #tpu.memory_space<semaphore_mem>>
        tpu.wait_indirect_dma semaphore(%dma_wait3A_790 : memref<!tpu.dma_semaphore, #tpu.memory_space<semaphore_mem>>) src(%dma_wait3A_782 : memref<128x16xf32, #tpu.memory_space<vmem>>) dst(%dma_wait3A_788 : memref<10240x16xf32, #tpu.memory_space<vmem_shared>>)
        %add3A_791 = arith.constant 13 : i32
        %add3A_792 = arith.addi %sub3A_654, %add3A_791 : i32
        %lt3A_793 = arith.constant 78 : i32
        %lt3A_794 = arith.cmpi slt, %add3A_792, %lt3A_793 : i32
        %convert_element_type3A_795 = arith.extui %lt3A_794 : i1 to i32
        %cond3A_796 = arith.constant 0 : i32
        %cond3A_797 = arith.cmpi ne, %convert_element_type3A_795, %cond3A_796 : i32
        scf.if %cond3A_797 {
          %dma_start3A_798 = arith.constant 8 : i32
          %dma_start3A_799 = arith.constant 8 : i32
          %dma_start3A_800 = arith.constant 0 : i32
          %dma_start3A_801 = arith.constant 0 : i32
          %dma_start3A_802 = tpu.memref_slice %arg8[%dma_start3A_798, %dma_start3A_800, %dma_start3A_801] : memref<13x128x16xf32, #tpu.memory_space<vmem>> -> memref<1x128x16xf32, #tpu.memory_space<vmem>>
          %dma_start3A_803 = tpu.memref_squeeze %dma_start3A_802 : memref<1x128x16xf32, #tpu.memory_space<vmem>> -> memref<128x16xf32, #tpu.memory_space<vmem>>
          %dma_start3A_804 = arith.constant 0 : i32
          %dma_start3A_805 = tpu.memref_slice %arg6[%add3A_792, %dma_start3A_804] : memref<79x128xi32, #tpu.memory_space<vmem>> -> memref<1x128xi32, #tpu.memory_space<vmem>>
          %dma_start3A_806 = tpu.memref_squeeze %dma_start3A_805 : memref<1x128xi32, #tpu.memory_space<vmem>> -> memref<128xi32, #tpu.memory_space<vmem>>
          %dma_start3A_807 = arith.constant 0 : i32
          %dma_start3A_808 = arith.constant 0 : i32
          %dma_start3A_809 = tpu.memref_slice %arg2[%dma_start3A_807, %dma_start3A_808] : memref<10240x16xf32, #tpu.memory_space<hbm>> -> memref<10240x16xf32, #tpu.memory_space<hbm>>
          %dma_start3A_810 = tpu.memref_slice %arg10[%dma_start3A_799] : memref<13x!tpu.dma_semaphore, #tpu.memory_space<semaphore_mem>> -> memref<1x!tpu.dma_semaphore, #tpu.memory_space<semaphore_mem>>
          %dma_start3A_811 = tpu.memref_squeeze %dma_start3A_810 : memref<1x!tpu.dma_semaphore, #tpu.memory_space<semaphore_mem>> -> memref<!tpu.dma_semaphore, #tpu.memory_space<semaphore_mem>>
          tpu.enqueue_indirect_dma source(%dma_start3A_809 : memref<10240x16xf32, #tpu.memory_space<hbm>>) target(%dma_start3A_803 : memref<128x16xf32, #tpu.memory_space<vmem>>) offsets(%dma_start3A_806 : memref<128xi32, #tpu.memory_space<vmem>>) semaphore(%dma_start3A_811 : memref<!tpu.dma_semaphore, #tpu.memory_space<semaphore_mem>>)
        } else {
        }
      } else {
      }
      %mul3A_660 = arith.constant 13 : i32
      %mul3A_661 = arith.muli %scan3A_271, %mul3A_660 : i32
      %add3A_662 = arith.constant 10 : i32
      %add3A_663 = arith.addi %mul3A_661, %add3A_662 : i32
      %dma_wait3A_664 = arith.constant 10 : i32
      %dma_wait3A_665 = arith.constant 10 : i32
      %dma_wait3A_666 = arith.constant 0 : i32
      %dma_wait3A_667 = arith.constant 0 : i32
      %dma_wait3A_668 = tpu.memref_slice %arg8[%dma_wait3A_664, %dma_wait3A_666, %dma_wait3A_667] : memref<13x128x16xf32, #tpu.memory_space<vmem>> -> memref<1x128x16xf32, #tpu.memory_space<vmem>>
      %dma_wait3A_669 = tpu.memref_squeeze %dma_wait3A_668 : memref<1x128x16xf32, #tpu.memory_space<vmem>> -> memref<128x16xf32, #tpu.memory_space<vmem>>
      %dma_wait3A_670 = arith.constant 0 : i32
      %dma_wait3A_671 = tpu.memref_slice %arg6[%add3A_663, %dma_wait3A_670] : memref<79x128xi32, #tpu.memory_space<vmem>> -> memref<1x128xi32, #tpu.memory_space<vmem>>
      %dma_wait3A_672 = tpu.memref_squeeze %dma_wait3A_671 : memref<1x128xi32, #tpu.memory_space<vmem>> -> memref<128xi32, #tpu.memory_space<vmem>>
      %dma_wait3A_673 = arith.constant 0 : i32
      %dma_wait3A_674 = arith.constant 0 : i32
      %dma_wait3A_675 = tpu.memref_slice %arg2[%dma_wait3A_673, %dma_wait3A_674] : memref<10240x16xf32, #tpu.memory_space<hbm>> -> memref<10240x16xf32, #tpu.memory_space<hbm>>
      %dma_wait3A_676 = tpu.memref_slice %arg10[%dma_wait3A_665] : memref<13x!tpu.dma_semaphore, #tpu.memory_space<semaphore_mem>> -> memref<1x!tpu.dma_semaphore, #tpu.memory_space<semaphore_mem>>
      %dma_wait3A_677 = tpu.memref_squeeze %dma_wait3A_676 : memref<1x!tpu.dma_semaphore, #tpu.memory_space<semaphore_mem>> -> memref<!tpu.dma_semaphore, #tpu.memory_space<semaphore_mem>>
      tpu.wait_indirect_dma semaphore(%dma_wait3A_677 : memref<!tpu.dma_semaphore, #tpu.memory_space<semaphore_mem>>) src(%dma_wait3A_675 : memref<10240x16xf32, #tpu.memory_space<hbm>>) dst(%dma_wait3A_669 : memref<128x16xf32, #tpu.memory_space<vmem>>)
      %dma_start3A_678 = arith.constant 10 : i32
      %dma_start3A_679 = arith.constant 10 : i32
      %dma_start3A_680 = arith.constant 0 : i32
      %dma_start3A_681 = arith.constant 0 : i32
      %dma_start3A_682 = tpu.memref_slice %arg8[%dma_start3A_678, %dma_start3A_680, %dma_start3A_681] : memref<13x128x16xf32, #tpu.memory_space<vmem>> -> memref<1x128x16xf32, #tpu.memory_space<vmem>>
      %dma_start3A_683 = tpu.memref_squeeze %dma_start3A_682 : memref<1x128x16xf32, #tpu.memory_space<vmem>> -> memref<128x16xf32, #tpu.memory_space<vmem>>
      %dma_start3A_684 = arith.constant 0 : i32
      %dma_start3A_685 = tpu.memref_slice %arg7[%add3A_663, %dma_start3A_684] : memref<79x128xi32, #tpu.memory_space<vmem>> -> memref<1x128xi32, #tpu.memory_space<vmem>>
      %dma_start3A_686 = tpu.memref_squeeze %dma_start3A_685 : memref<1x128xi32, #tpu.memory_space<vmem>> -> memref<128xi32, #tpu.memory_space<vmem>>
      %dma_start3A_687 = arith.constant 0 : i32
      %dma_start3A_688 = arith.constant 0 : i32
      %dma_start3A_689 = tpu.memref_slice %arg12[%dma_start3A_687, %dma_start3A_688] : memref<10240x16xf32, #tpu.memory_space<vmem_shared>> -> memref<10240x16xf32, #tpu.memory_space<vmem_shared>>
      %dma_start3A_690 = tpu.memref_slice %arg11[%dma_start3A_679] : memref<13x!tpu.dma_semaphore, #tpu.memory_space<semaphore_mem>> -> memref<1x!tpu.dma_semaphore, #tpu.memory_space<semaphore_mem>>
      %dma_start3A_691 = tpu.memref_squeeze %dma_start3A_690 : memref<1x!tpu.dma_semaphore, #tpu.memory_space<semaphore_mem>> -> memref<!tpu.dma_semaphore, #tpu.memory_space<semaphore_mem>>
      tpu.enqueue_indirect_dma source(%dma_start3A_683 : memref<128x16xf32, #tpu.memory_space<vmem>>) target(%dma_start3A_689 : memref<10240x16xf32, #tpu.memory_space<vmem_shared>>) offsets(%dma_start3A_686 : memref<128xi32, #tpu.memory_space<vmem>>) semaphore(%dma_start3A_691 : memref<!tpu.dma_semaphore, #tpu.memory_space<semaphore_mem>>) {add = true}
      %sub3A_692 = arith.constant 1 : i32
      %sub3A_693 = arith.subi %add3A_663, %sub3A_692 : i32
      %ge3A_694 = arith.constant 0 : i32
      %ge3A_695 = arith.cmpi sge, %sub3A_693, %ge3A_694 : i32
      %convert_element_type3A_696 = arith.extui %ge3A_695 : i1 to i32
      %cond3A_697 = arith.constant 0 : i32
      %cond3A_698 = arith.cmpi ne, %convert_element_type3A_696, %cond3A_697 : i32
      scf.if %cond3A_698 {
        %dma_wait3A_777 = arith.constant 9 : i32
        %dma_wait3A_778 = arith.constant 9 : i32
        %dma_wait3A_779 = arith.constant 0 : i32
        %dma_wait3A_780 = arith.constant 0 : i32
        %dma_wait3A_781 = tpu.memref_slice %arg8[%dma_wait3A_777, %dma_wait3A_779, %dma_wait3A_780] : memref<13x128x16xf32, #tpu.memory_space<vmem>> -> memref<1x128x16xf32, #tpu.memory_space<vmem>>
        %dma_wait3A_782 = tpu.memref_squeeze %dma_wait3A_781 : memref<1x128x16xf32, #tpu.memory_space<vmem>> -> memref<128x16xf32, #tpu.memory_space<vmem>>
        %dma_wait3A_783 = arith.constant 0 : i32
        %dma_wait3A_784 = tpu.memref_slice %arg7[%sub3A_693, %dma_wait3A_783] : memref<79x128xi32, #tpu.memory_space<vmem>> -> memref<1x128xi32, #tpu.memory_space<vmem>>
        %dma_wait3A_785 = tpu.memref_squeeze %dma_wait3A_784 : memref<1x128xi32, #tpu.memory_space<vmem>> -> memref<128xi32, #tpu.memory_space<vmem>>
        %dma_wait3A_786 = arith.constant 0 : i32
        %dma_wait3A_787 = arith.constant 0 : i32
        %dma_wait3A_788 = tpu.memref_slice %arg12[%dma_wait3A_786, %dma_wait3A_787] : memref<10240x16xf32, #tpu.memory_space<vmem_shared>> -> memref<10240x16xf32, #tpu.memory_space<vmem_shared>>
        %dma_wait3A_789 = tpu.memref_slice %arg11[%dma_wait3A_778] : memref<13x!tpu.dma_semaphore, #tpu.memory_space<semaphore_mem>> -> memref<1x!tpu.dma_semaphore, #tpu.memory_space<semaphore_mem>>
        %dma_wait3A_790 = tpu.memref_squeeze %dma_wait3A_789 : memref<1x!tpu.dma_semaphore, #tpu.memory_space<semaphore_mem>> -> memref<!tpu.dma_semaphore, #tpu.memory_space<semaphore_mem>>
        tpu.wait_indirect_dma semaphore(%dma_wait3A_790 : memref<!tpu.dma_semaphore, #tpu.memory_space<semaphore_mem>>) src(%dma_wait3A_782 : memref<128x16xf32, #tpu.memory_space<vmem>>) dst(%dma_wait3A_788 : memref<10240x16xf32, #tpu.memory_space<vmem_shared>>)
        %add3A_791 = arith.constant 13 : i32
        %add3A_792 = arith.addi %sub3A_693, %add3A_791 : i32
        %lt3A_793 = arith.constant 78 : i32
        %lt3A_794 = arith.cmpi slt, %add3A_792, %lt3A_793 : i32
        %convert_element_type3A_795 = arith.extui %lt3A_794 : i1 to i32
        %cond3A_796 = arith.constant 0 : i32
        %cond3A_797 = arith.cmpi ne, %convert_element_type3A_795, %cond3A_796 : i32
        scf.if %cond3A_797 {
          %dma_start3A_798 = arith.constant 9 : i32
          %dma_start3A_799 = arith.constant 9 : i32
          %dma_start3A_800 = arith.constant 0 : i32
          %dma_start3A_801 = arith.constant 0 : i32
          %dma_start3A_802 = tpu.memref_slice %arg8[%dma_start3A_798, %dma_start3A_800, %dma_start3A_801] : memref<13x128x16xf32, #tpu.memory_space<vmem>> -> memref<1x128x16xf32, #tpu.memory_space<vmem>>
          %dma_start3A_803 = tpu.memref_squeeze %dma_start3A_802 : memref<1x128x16xf32, #tpu.memory_space<vmem>> -> memref<128x16xf32, #tpu.memory_space<vmem>>
          %dma_start3A_804 = arith.constant 0 : i32
          %dma_start3A_805 = tpu.memref_slice %arg6[%add3A_792, %dma_start3A_804] : memref<79x128xi32, #tpu.memory_space<vmem>> -> memref<1x128xi32, #tpu.memory_space<vmem>>
          %dma_start3A_806 = tpu.memref_squeeze %dma_start3A_805 : memref<1x128xi32, #tpu.memory_space<vmem>> -> memref<128xi32, #tpu.memory_space<vmem>>
          %dma_start3A_807 = arith.constant 0 : i32
          %dma_start3A_808 = arith.constant 0 : i32
          %dma_start3A_809 = tpu.memref_slice %arg2[%dma_start3A_807, %dma_start3A_808] : memref<10240x16xf32, #tpu.memory_space<hbm>> -> memref<10240x16xf32, #tpu.memory_space<hbm>>
          %dma_start3A_810 = tpu.memref_slice %arg10[%dma_start3A_799] : memref<13x!tpu.dma_semaphore, #tpu.memory_space<semaphore_mem>> -> memref<1x!tpu.dma_semaphore, #tpu.memory_space<semaphore_mem>>
          %dma_start3A_811 = tpu.memref_squeeze %dma_start3A_810 : memref<1x!tpu.dma_semaphore, #tpu.memory_space<semaphore_mem>> -> memref<!tpu.dma_semaphore, #tpu.memory_space<semaphore_mem>>
          tpu.enqueue_indirect_dma source(%dma_start3A_809 : memref<10240x16xf32, #tpu.memory_space<hbm>>) target(%dma_start3A_803 : memref<128x16xf32, #tpu.memory_space<vmem>>) offsets(%dma_start3A_806 : memref<128xi32, #tpu.memory_space<vmem>>) semaphore(%dma_start3A_811 : memref<!tpu.dma_semaphore, #tpu.memory_space<semaphore_mem>>)
        } else {
        }
      } else {
      }
      %mul3A_699 = arith.constant 13 : i32
      %mul3A_700 = arith.muli %scan3A_271, %mul3A_699 : i32
      %add3A_701 = arith.constant 11 : i32
      %add3A_702 = arith.addi %mul3A_700, %add3A_701 : i32
      %dma_wait3A_703 = arith.constant 11 : i32
      %dma_wait3A_704 = arith.constant 11 : i32
      %dma_wait3A_705 = arith.constant 0 : i32
      %dma_wait3A_706 = arith.constant 0 : i32
      %dma_wait3A_707 = tpu.memref_slice %arg8[%dma_wait3A_703, %dma_wait3A_705, %dma_wait3A_706] : memref<13x128x16xf32, #tpu.memory_space<vmem>> -> memref<1x128x16xf32, #tpu.memory_space<vmem>>
      %dma_wait3A_708 = tpu.memref_squeeze %dma_wait3A_707 : memref<1x128x16xf32, #tpu.memory_space<vmem>> -> memref<128x16xf32, #tpu.memory_space<vmem>>
      %dma_wait3A_709 = arith.constant 0 : i32
      %dma_wait3A_710 = tpu.memref_slice %arg6[%add3A_702, %dma_wait3A_709] : memref<79x128xi32, #tpu.memory_space<vmem>> -> memref<1x128xi32, #tpu.memory_space<vmem>>
      %dma_wait3A_711 = tpu.memref_squeeze %dma_wait3A_710 : memref<1x128xi32, #tpu.memory_space<vmem>> -> memref<128xi32, #tpu.memory_space<vmem>>
      %dma_wait3A_712 = arith.constant 0 : i32
      %dma_wait3A_713 = arith.constant 0 : i32
      %dma_wait3A_714 = tpu.memref_slice %arg2[%dma_wait3A_712, %dma_wait3A_713] : memref<10240x16xf32, #tpu.memory_space<hbm>> -> memref<10240x16xf32, #tpu.memory_space<hbm>>
      %dma_wait3A_715 = tpu.memref_slice %arg10[%dma_wait3A_704] : memref<13x!tpu.dma_semaphore, #tpu.memory_space<semaphore_mem>> -> memref<1x!tpu.dma_semaphore, #tpu.memory_space<semaphore_mem>>
      %dma_wait3A_716 = tpu.memref_squeeze %dma_wait3A_715 : memref<1x!tpu.dma_semaphore, #tpu.memory_space<semaphore_mem>> -> memref<!tpu.dma_semaphore, #tpu.memory_space<semaphore_mem>>
      tpu.wait_indirect_dma semaphore(%dma_wait3A_716 : memref<!tpu.dma_semaphore, #tpu.memory_space<semaphore_mem>>) src(%dma_wait3A_714 : memref<10240x16xf32, #tpu.memory_space<hbm>>) dst(%dma_wait3A_708 : memref<128x16xf32, #tpu.memory_space<vmem>>)
      %dma_start3A_717 = arith.constant 11 : i32
      %dma_start3A_718 = arith.constant 11 : i32
      %dma_start3A_719 = arith.constant 0 : i32
      %dma_start3A_720 = arith.constant 0 : i32
      %dma_start3A_721 = tpu.memref_slice %arg8[%dma_start3A_717, %dma_start3A_719, %dma_start3A_720] : memref<13x128x16xf32, #tpu.memory_space<vmem>> -> memref<1x128x16xf32, #tpu.memory_space<vmem>>
      %dma_start3A_722 = tpu.memref_squeeze %dma_start3A_721 : memref<1x128x16xf32, #tpu.memory_space<vmem>> -> memref<128x16xf32, #tpu.memory_space<vmem>>
      %dma_start3A_723 = arith.constant 0 : i32
      %dma_start3A_724 = tpu.memref_slice %arg7[%add3A_702, %dma_start3A_723] : memref<79x128xi32, #tpu.memory_space<vmem>> -> memref<1x128xi32, #tpu.memory_space<vmem>>
      %dma_start3A_725 = tpu.memref_squeeze %dma_start3A_724 : memref<1x128xi32, #tpu.memory_space<vmem>> -> memref<128xi32, #tpu.memory_space<vmem>>
      %dma_start3A_726 = arith.constant 0 : i32
      %dma_start3A_727 = arith.constant 0 : i32
      %dma_start3A_728 = tpu.memref_slice %arg12[%dma_start3A_726, %dma_start3A_727] : memref<10240x16xf32, #tpu.memory_space<vmem_shared>> -> memref<10240x16xf32, #tpu.memory_space<vmem_shared>>
      %dma_start3A_729 = tpu.memref_slice %arg11[%dma_start3A_718] : memref<13x!tpu.dma_semaphore, #tpu.memory_space<semaphore_mem>> -> memref<1x!tpu.dma_semaphore, #tpu.memory_space<semaphore_mem>>
      %dma_start3A_730 = tpu.memref_squeeze %dma_start3A_729 : memref<1x!tpu.dma_semaphore, #tpu.memory_space<semaphore_mem>> -> memref<!tpu.dma_semaphore, #tpu.memory_space<semaphore_mem>>
      tpu.enqueue_indirect_dma source(%dma_start3A_722 : memref<128x16xf32, #tpu.memory_space<vmem>>) target(%dma_start3A_728 : memref<10240x16xf32, #tpu.memory_space<vmem_shared>>) offsets(%dma_start3A_725 : memref<128xi32, #tpu.memory_space<vmem>>) semaphore(%dma_start3A_730 : memref<!tpu.dma_semaphore, #tpu.memory_space<semaphore_mem>>) {add = true}
      %sub3A_731 = arith.constant 1 : i32
      %sub3A_732 = arith.subi %add3A_702, %sub3A_731 : i32
      %ge3A_733 = arith.constant 0 : i32
      %ge3A_734 = arith.cmpi sge, %sub3A_732, %ge3A_733 : i32
      %convert_element_type3A_735 = arith.extui %ge3A_734 : i1 to i32
      %cond3A_736 = arith.constant 0 : i32
      %cond3A_737 = arith.cmpi ne, %convert_element_type3A_735, %cond3A_736 : i32
      scf.if %cond3A_737 {
        %dma_wait3A_777 = arith.constant 10 : i32
        %dma_wait3A_778 = arith.constant 10 : i32
        %dma_wait3A_779 = arith.constant 0 : i32
        %dma_wait3A_780 = arith.constant 0 : i32
        %dma_wait3A_781 = tpu.memref_slice %arg8[%dma_wait3A_777, %dma_wait3A_779, %dma_wait3A_780] : memref<13x128x16xf32, #tpu.memory_space<vmem>> -> memref<1x128x16xf32, #tpu.memory_space<vmem>>
        %dma_wait3A_782 = tpu.memref_squeeze %dma_wait3A_781 : memref<1x128x16xf32, #tpu.memory_space<vmem>> -> memref<128x16xf32, #tpu.memory_space<vmem>>
        %dma_wait3A_783 = arith.constant 0 : i32
        %dma_wait3A_784 = tpu.memref_slice %arg7[%sub3A_732, %dma_wait3A_783] : memref<79x128xi32, #tpu.memory_space<vmem>> -> memref<1x128xi32, #tpu.memory_space<vmem>>
        %dma_wait3A_785 = tpu.memref_squeeze %dma_wait3A_784 : memref<1x128xi32, #tpu.memory_space<vmem>> -> memref<128xi32, #tpu.memory_space<vmem>>
        %dma_wait3A_786 = arith.constant 0 : i32
        %dma_wait3A_787 = arith.constant 0 : i32
        %dma_wait3A_788 = tpu.memref_slice %arg12[%dma_wait3A_786, %dma_wait3A_787] : memref<10240x16xf32, #tpu.memory_space<vmem_shared>> -> memref<10240x16xf32, #tpu.memory_space<vmem_shared>>
        %dma_wait3A_789 = tpu.memref_slice %arg11[%dma_wait3A_778] : memref<13x!tpu.dma_semaphore, #tpu.memory_space<semaphore_mem>> -> memref<1x!tpu.dma_semaphore, #tpu.memory_space<semaphore_mem>>
        %dma_wait3A_790 = tpu.memref_squeeze %dma_wait3A_789 : memref<1x!tpu.dma_semaphore, #tpu.memory_space<semaphore_mem>> -> memref<!tpu.dma_semaphore, #tpu.memory_space<semaphore_mem>>
        tpu.wait_indirect_dma semaphore(%dma_wait3A_790 : memref<!tpu.dma_semaphore, #tpu.memory_space<semaphore_mem>>) src(%dma_wait3A_782 : memref<128x16xf32, #tpu.memory_space<vmem>>) dst(%dma_wait3A_788 : memref<10240x16xf32, #tpu.memory_space<vmem_shared>>)
        %add3A_791 = arith.constant 13 : i32
        %add3A_792 = arith.addi %sub3A_732, %add3A_791 : i32
        %lt3A_793 = arith.constant 78 : i32
        %lt3A_794 = arith.cmpi slt, %add3A_792, %lt3A_793 : i32
        %convert_element_type3A_795 = arith.extui %lt3A_794 : i1 to i32
        %cond3A_796 = arith.constant 0 : i32
        %cond3A_797 = arith.cmpi ne, %convert_element_type3A_795, %cond3A_796 : i32
        scf.if %cond3A_797 {
          %dma_start3A_798 = arith.constant 10 : i32
          %dma_start3A_799 = arith.constant 10 : i32
          %dma_start3A_800 = arith.constant 0 : i32
          %dma_start3A_801 = arith.constant 0 : i32
          %dma_start3A_802 = tpu.memref_slice %arg8[%dma_start3A_798, %dma_start3A_800, %dma_start3A_801] : memref<13x128x16xf32, #tpu.memory_space<vmem>> -> memref<1x128x16xf32, #tpu.memory_space<vmem>>
          %dma_start3A_803 = tpu.memref_squeeze %dma_start3A_802 : memref<1x128x16xf32, #tpu.memory_space<vmem>> -> memref<128x16xf32, #tpu.memory_space<vmem>>
          %dma_start3A_804 = arith.constant 0 : i32
          %dma_start3A_805 = tpu.memref_slice %arg6[%add3A_792, %dma_start3A_804] : memref<79x128xi32, #tpu.memory_space<vmem>> -> memref<1x128xi32, #tpu.memory_space<vmem>>
          %dma_start3A_806 = tpu.memref_squeeze %dma_start3A_805 : memref<1x128xi32, #tpu.memory_space<vmem>> -> memref<128xi32, #tpu.memory_space<vmem>>
          %dma_start3A_807 = arith.constant 0 : i32
          %dma_start3A_808 = arith.constant 0 : i32
          %dma_start3A_809 = tpu.memref_slice %arg2[%dma_start3A_807, %dma_start3A_808] : memref<10240x16xf32, #tpu.memory_space<hbm>> -> memref<10240x16xf32, #tpu.memory_space<hbm>>
          %dma_start3A_810 = tpu.memref_slice %arg10[%dma_start3A_799] : memref<13x!tpu.dma_semaphore, #tpu.memory_space<semaphore_mem>> -> memref<1x!tpu.dma_semaphore, #tpu.memory_space<semaphore_mem>>
          %dma_start3A_811 = tpu.memref_squeeze %dma_start3A_810 : memref<1x!tpu.dma_semaphore, #tpu.memory_space<semaphore_mem>> -> memref<!tpu.dma_semaphore, #tpu.memory_space<semaphore_mem>>
          tpu.enqueue_indirect_dma source(%dma_start3A_809 : memref<10240x16xf32, #tpu.memory_space<hbm>>) target(%dma_start3A_803 : memref<128x16xf32, #tpu.memory_space<vmem>>) offsets(%dma_start3A_806 : memref<128xi32, #tpu.memory_space<vmem>>) semaphore(%dma_start3A_811 : memref<!tpu.dma_semaphore, #tpu.memory_space<semaphore_mem>>)
        } else {
        }
      } else {
      }
      %mul3A_738 = arith.constant 13 : i32
      %mul3A_739 = arith.muli %scan3A_271, %mul3A_738 : i32
      %add3A_740 = arith.constant 12 : i32
      %add3A_741 = arith.addi %mul3A_739, %add3A_740 : i32
      %dma_wait3A_742 = arith.constant 12 : i32
      %dma_wait3A_743 = arith.constant 12 : i32
      %dma_wait3A_744 = arith.constant 0 : i32
      %dma_wait3A_745 = arith.constant 0 : i32
      %dma_wait3A_746 = tpu.memref_slice %arg8[%dma_wait3A_742, %dma_wait3A_744, %dma_wait3A_745] : memref<13x128x16xf32, #tpu.memory_space<vmem>> -> memref<1x128x16xf32, #tpu.memory_space<vmem>>
      %dma_wait3A_747 = tpu.memref_squeeze %dma_wait3A_746 : memref<1x128x16xf32, #tpu.memory_space<vmem>> -> memref<128x16xf32, #tpu.memory_space<vmem>>
      %dma_wait3A_748 = arith.constant 0 : i32
      %dma_wait3A_749 = tpu.memref_slice %arg6[%add3A_741, %dma_wait3A_748] : memref<79x128xi32, #tpu.memory_space<vmem>> -> memref<1x128xi32, #tpu.memory_space<vmem>>
      %dma_wait3A_750 = tpu.memref_squeeze %dma_wait3A_749 : memref<1x128xi32, #tpu.memory_space<vmem>> -> memref<128xi32, #tpu.memory_space<vmem>>
      %dma_wait3A_751 = arith.constant 0 : i32
      %dma_wait3A_752 = arith.constant 0 : i32
      %dma_wait3A_753 = tpu.memref_slice %arg2[%dma_wait3A_751, %dma_wait3A_752] : memref<10240x16xf32, #tpu.memory_space<hbm>> -> memref<10240x16xf32, #tpu.memory_space<hbm>>
      %dma_wait3A_754 = tpu.memref_slice %arg10[%dma_wait3A_743] : memref<13x!tpu.dma_semaphore, #tpu.memory_space<semaphore_mem>> -> memref<1x!tpu.dma_semaphore, #tpu.memory_space<semaphore_mem>>
      %dma_wait3A_755 = tpu.memref_squeeze %dma_wait3A_754 : memref<1x!tpu.dma_semaphore, #tpu.memory_space<semaphore_mem>> -> memref<!tpu.dma_semaphore, #tpu.memory_space<semaphore_mem>>
      tpu.wait_indirect_dma semaphore(%dma_wait3A_755 : memref<!tpu.dma_semaphore, #tpu.memory_space<semaphore_mem>>) src(%dma_wait3A_753 : memref<10240x16xf32, #tpu.memory_space<hbm>>) dst(%dma_wait3A_747 : memref<128x16xf32, #tpu.memory_space<vmem>>)
      %dma_start3A_756 = arith.constant 12 : i32
      %dma_start3A_757 = arith.constant 12 : i32
      %dma_start3A_758 = arith.constant 0 : i32
      %dma_start3A_759 = arith.constant 0 : i32
      %dma_start3A_760 = tpu.memref_slice %arg8[%dma_start3A_756, %dma_start3A_758, %dma_start3A_759] : memref<13x128x16xf32, #tpu.memory_space<vmem>> -> memref<1x128x16xf32, #tpu.memory_space<vmem>>
      %dma_start3A_761 = tpu.memref_squeeze %dma_start3A_760 : memref<1x128x16xf32, #tpu.memory_space<vmem>> -> memref<128x16xf32, #tpu.memory_space<vmem>>
      %dma_start3A_762 = arith.constant 0 : i32
      %dma_start3A_763 = tpu.memref_slice %arg7[%add3A_741, %dma_start3A_762] : memref<79x128xi32, #tpu.memory_space<vmem>> -> memref<1x128xi32, #tpu.memory_space<vmem>>
      %dma_start3A_764 = tpu.memref_squeeze %dma_start3A_763 : memref<1x128xi32, #tpu.memory_space<vmem>> -> memref<128xi32, #tpu.memory_space<vmem>>
      %dma_start3A_765 = arith.constant 0 : i32
      %dma_start3A_766 = arith.constant 0 : i32
      %dma_start3A_767 = tpu.memref_slice %arg12[%dma_start3A_765, %dma_start3A_766] : memref<10240x16xf32, #tpu.memory_space<vmem_shared>> -> memref<10240x16xf32, #tpu.memory_space<vmem_shared>>
      %dma_start3A_768 = tpu.memref_slice %arg11[%dma_start3A_757] : memref<13x!tpu.dma_semaphore, #tpu.memory_space<semaphore_mem>> -> memref<1x!tpu.dma_semaphore, #tpu.memory_space<semaphore_mem>>
      %dma_start3A_769 = tpu.memref_squeeze %dma_start3A_768 : memref<1x!tpu.dma_semaphore, #tpu.memory_space<semaphore_mem>> -> memref<!tpu.dma_semaphore, #tpu.memory_space<semaphore_mem>>
      tpu.enqueue_indirect_dma source(%dma_start3A_761 : memref<128x16xf32, #tpu.memory_space<vmem>>) target(%dma_start3A_767 : memref<10240x16xf32, #tpu.memory_space<vmem_shared>>) offsets(%dma_start3A_764 : memref<128xi32, #tpu.memory_space<vmem>>) semaphore(%dma_start3A_769 : memref<!tpu.dma_semaphore, #tpu.memory_space<semaphore_mem>>) {add = true}
      %sub3A_770 = arith.constant 1 : i32
      %sub3A_771 = arith.subi %add3A_741, %sub3A_770 : i32
      %ge3A_772 = arith.constant 0 : i32
      %ge3A_773 = arith.cmpi sge, %sub3A_771, %ge3A_772 : i32
      %convert_element_type3A_774 = arith.extui %ge3A_773 : i1 to i32
      %cond3A_775 = arith.constant 0 : i32
      %cond3A_776 = arith.cmpi ne, %convert_element_type3A_774, %cond3A_775 : i32
      scf.if %cond3A_776 {
        %dma_wait3A_777 = arith.constant 11 : i32
        %dma_wait3A_778 = arith.constant 11 : i32
        %dma_wait3A_779 = arith.constant 0 : i32
        %dma_wait3A_780 = arith.constant 0 : i32
        %dma_wait3A_781 = tpu.memref_slice %arg8[%dma_wait3A_777, %dma_wait3A_779, %dma_wait3A_780] : memref<13x128x16xf32, #tpu.memory_space<vmem>> -> memref<1x128x16xf32, #tpu.memory_space<vmem>>
        %dma_wait3A_782 = tpu.memref_squeeze %dma_wait3A_781 : memref<1x128x16xf32, #tpu.memory_space<vmem>> -> memref<128x16xf32, #tpu.memory_space<vmem>>
        %dma_wait3A_783 = arith.constant 0 : i32
        %dma_wait3A_784 = tpu.memref_slice %arg7[%sub3A_771, %dma_wait3A_783] : memref<79x128xi32, #tpu.memory_space<vmem>> -> memref<1x128xi32, #tpu.memory_space<vmem>>
        %dma_wait3A_785 = tpu.memref_squeeze %dma_wait3A_784 : memref<1x128xi32, #tpu.memory_space<vmem>> -> memref<128xi32, #tpu.memory_space<vmem>>
        %dma_wait3A_786 = arith.constant 0 : i32
        %dma_wait3A_787 = arith.constant 0 : i32
        %dma_wait3A_788 = tpu.memref_slice %arg12[%dma_wait3A_786, %dma_wait3A_787] : memref<10240x16xf32, #tpu.memory_space<vmem_shared>> -> memref<10240x16xf32, #tpu.memory_space<vmem_shared>>
        %dma_wait3A_789 = tpu.memref_slice %arg11[%dma_wait3A_778] : memref<13x!tpu.dma_semaphore, #tpu.memory_space<semaphore_mem>> -> memref<1x!tpu.dma_semaphore, #tpu.memory_space<semaphore_mem>>
        %dma_wait3A_790 = tpu.memref_squeeze %dma_wait3A_789 : memref<1x!tpu.dma_semaphore, #tpu.memory_space<semaphore_mem>> -> memref<!tpu.dma_semaphore, #tpu.memory_space<semaphore_mem>>
        tpu.wait_indirect_dma semaphore(%dma_wait3A_790 : memref<!tpu.dma_semaphore, #tpu.memory_space<semaphore_mem>>) src(%dma_wait3A_782 : memref<128x16xf32, #tpu.memory_space<vmem>>) dst(%dma_wait3A_788 : memref<10240x16xf32, #tpu.memory_space<vmem_shared>>)
        %add3A_791 = arith.constant 13 : i32
        %add3A_792 = arith.addi %sub3A_771, %add3A_791 : i32
        %lt3A_793 = arith.constant 78 : i32
        %lt3A_794 = arith.cmpi slt, %add3A_792, %lt3A_793 : i32
        %convert_element_type3A_795 = arith.extui %lt3A_794 : i1 to i32
        %cond3A_796 = arith.constant 0 : i32
        %cond3A_797 = arith.cmpi ne, %convert_element_type3A_795, %cond3A_796 : i32
        scf.if %cond3A_797 {
          %dma_start3A_798 = arith.constant 11 : i32
          %dma_start3A_799 = arith.constant 11 : i32
          %dma_start3A_800 = arith.constant 0 : i32
          %dma_start3A_801 = arith.constant 0 : i32
          %dma_start3A_802 = tpu.memref_slice %arg8[%dma_start3A_798, %dma_start3A_800, %dma_start3A_801] : memref<13x128x16xf32, #tpu.memory_space<vmem>> -> memref<1x128x16xf32, #tpu.memory_space<vmem>>
          %dma_start3A_803 = tpu.memref_squeeze %dma_start3A_802 : memref<1x128x16xf32, #tpu.memory_space<vmem>> -> memref<128x16xf32, #tpu.memory_space<vmem>>
          %dma_start3A_804 = arith.constant 0 : i32
          %dma_start3A_805 = tpu.memref_slice %arg6[%add3A_792, %dma_start3A_804] : memref<79x128xi32, #tpu.memory_space<vmem>> -> memref<1x128xi32, #tpu.memory_space<vmem>>
          %dma_start3A_806 = tpu.memref_squeeze %dma_start3A_805 : memref<1x128xi32, #tpu.memory_space<vmem>> -> memref<128xi32, #tpu.memory_space<vmem>>
          %dma_start3A_807 = arith.constant 0 : i32
          %dma_start3A_808 = arith.constant 0 : i32
          %dma_start3A_809 = tpu.memref_slice %arg2[%dma_start3A_807, %dma_start3A_808] : memref<10240x16xf32, #tpu.memory_space<hbm>> -> memref<10240x16xf32, #tpu.memory_space<hbm>>
          %dma_start3A_810 = tpu.memref_slice %arg10[%dma_start3A_799] : memref<13x!tpu.dma_semaphore, #tpu.memory_space<semaphore_mem>> -> memref<1x!tpu.dma_semaphore, #tpu.memory_space<semaphore_mem>>
          %dma_start3A_811 = tpu.memref_squeeze %dma_start3A_810 : memref<1x!tpu.dma_semaphore, #tpu.memory_space<semaphore_mem>> -> memref<!tpu.dma_semaphore, #tpu.memory_space<semaphore_mem>>
          tpu.enqueue_indirect_dma source(%dma_start3A_809 : memref<10240x16xf32, #tpu.memory_space<hbm>>) target(%dma_start3A_803 : memref<128x16xf32, #tpu.memory_space<vmem>>) offsets(%dma_start3A_806 : memref<128xi32, #tpu.memory_space<vmem>>) semaphore(%dma_start3A_811 : memref<!tpu.dma_semaphore, #tpu.memory_space<semaphore_mem>>)
        } else {
        }
      } else {
      }
    }
    %scan3A_250 = arith.constant 6 : i32
    %dma_wait3A = arith.constant 12 : i32
    %dma_wait3A_251 = arith.constant 77 : i32
    %dma_wait3A_252 = arith.constant 12 : i32
    %dma_wait3A_253 = arith.constant 0 : i32
    %dma_wait3A_254 = arith.constant 0 : i32
    %dma_wait3A_255 = tpu.memref_slice %arg8[%dma_wait3A, %dma_wait3A_253, %dma_wait3A_254] : memref<13x128x16xf32, #tpu.memory_space<vmem>> -> memref<1x128x16xf32, #tpu.memory_space<vmem>>
    %dma_wait3A_256 = tpu.memref_squeeze %dma_wait3A_255 : memref<1x128x16xf32, #tpu.memory_space<vmem>> -> memref<128x16xf32, #tpu.memory_space<vmem>>
    %dma_wait3A_257 = arith.constant 0 : i32
    %dma_wait3A_258 = tpu.memref_slice %arg7[%dma_wait3A_251, %dma_wait3A_257] : memref<79x128xi32, #tpu.memory_space<vmem>> -> memref<1x128xi32, #tpu.memory_space<vmem>>
    %dma_wait3A_259 = tpu.memref_squeeze %dma_wait3A_258 : memref<1x128xi32, #tpu.memory_space<vmem>> -> memref<128xi32, #tpu.memory_space<vmem>>
    %dma_wait3A_260 = arith.constant 0 : i32
    %dma_wait3A_261 = arith.constant 0 : i32
    %dma_wait3A_262 = tpu.memref_slice %arg12[%dma_wait3A_260, %dma_wait3A_261] : memref<10240x16xf32, #tpu.memory_space<vmem_shared>> -> memref<10240x16xf32, #tpu.memory_space<vmem_shared>>
    %dma_wait3A_263 = tpu.memref_slice %arg11[%dma_wait3A_252] : memref<13x!tpu.dma_semaphore, #tpu.memory_space<semaphore_mem>> -> memref<1x!tpu.dma_semaphore, #tpu.memory_space<semaphore_mem>>
    %dma_wait3A_264 = tpu.memref_squeeze %dma_wait3A_263 : memref<1x!tpu.dma_semaphore, #tpu.memory_space<semaphore_mem>> -> memref<!tpu.dma_semaphore, #tpu.memory_space<semaphore_mem>>
    tpu.wait_indirect_dma semaphore(%dma_wait3A_264 : memref<!tpu.dma_semaphore, #tpu.memory_space<semaphore_mem>>) src(%dma_wait3A_256 : memref<128x16xf32, #tpu.memory_space<vmem>>) dst(%dma_wait3A_262 : memref<10240x16xf32, #tpu.memory_space<vmem_shared>>)
    %lt3A_265 = arith.constant 4 : i32
    %lt3A_266 = arith.cmpi slt, %add3A, %lt3A_265 : i32
    %convert_element_type3A_267 = arith.extui %lt3A_266 : i1 to i32
    %cond3A_268 = arith.constant 0 : i32
    %cond3A_269 = arith.cmpi ne, %convert_element_type3A_267, %cond3A_268 : i32
    scf.if %cond3A_269 {
      %dma_start3A_271 = arith.constant 78 : i32
      %dma_start3A_272 = arith.constant 0 : i32
      %dma_start3A_273 = arith.constant 0 : i32
      %dma_start3A_274 = arith.constant 0 : i32
      %dma_start3A_275 = arith.constant 0 : i32
      %dma_start3A_276 = tpu.memref_slice %arg8[%dma_start3A_272, %dma_start3A_274, %dma_start3A_275] : memref<13x128x16xf32, #tpu.memory_space<vmem>> -> memref<1x128x16xf32, #tpu.memory_space<vmem>>
      %dma_start3A_277 = tpu.memref_squeeze %dma_start3A_276 : memref<1x128x16xf32, #tpu.memory_space<vmem>> -> memref<128x16xf32, #tpu.memory_space<vmem>>
      %dma_start3A_278 = arith.constant 0 : i32
      %dma_start3A_279 = tpu.memref_slice %arg6[%dma_start3A_271, %dma_start3A_278] : memref<79x128xi32, #tpu.memory_space<vmem>> -> memref<1x128xi32, #tpu.memory_space<vmem>>
      %dma_start3A_280 = tpu.memref_squeeze %dma_start3A_279 : memref<1x128xi32, #tpu.memory_space<vmem>> -> memref<128xi32, #tpu.memory_space<vmem>>
      %dma_start3A_281 = arith.constant 0 : i32
      %dma_start3A_282 = arith.constant 0 : i32
      %dma_start3A_283 = tpu.memref_slice %arg2[%dma_start3A_281, %dma_start3A_282] : memref<10240x16xf32, #tpu.memory_space<hbm>> -> memref<10240x16xf32, #tpu.memory_space<hbm>>
      %dma_start3A_284 = tpu.memref_slice %arg10[%dma_start3A_273] : memref<13x!tpu.dma_semaphore, #tpu.memory_space<semaphore_mem>> -> memref<1x!tpu.dma_semaphore, #tpu.memory_space<semaphore_mem>>
      %dma_start3A_285 = tpu.memref_squeeze %dma_start3A_284 : memref<1x!tpu.dma_semaphore, #tpu.memory_space<semaphore_mem>> -> memref<!tpu.dma_semaphore, #tpu.memory_space<semaphore_mem>>
      tpu.enqueue_indirect_dma source(%dma_start3A_283 : memref<10240x16xf32, #tpu.memory_space<hbm>>) target(%dma_start3A_277 : memref<128x16xf32, #tpu.memory_space<vmem>>) offsets(%dma_start3A_280 : memref<128xi32, #tpu.memory_space<vmem>>) semaphore(%dma_start3A_285 : memref<!tpu.dma_semaphore, #tpu.memory_space<semaphore_mem>>)
      %dma_wait3A_286 = arith.constant 78 : i32
      %dma_wait3A_287 = arith.constant 0 : i32
      %dma_wait3A_288 = arith.constant 0 : i32
      %dma_wait3A_289 = arith.constant 0 : i32
      %dma_wait3A_290 = arith.constant 0 : i32
      %dma_wait3A_291 = tpu.memref_slice %arg8[%dma_wait3A_287, %dma_wait3A_289, %dma_wait3A_290] : memref<13x128x16xf32, #tpu.memory_space<vmem>> -> memref<1x128x16xf32, #tpu.memory_space<vmem>>
      %dma_wait3A_292 = tpu.memref_squeeze %dma_wait3A_291 : memref<1x128x16xf32, #tpu.memory_space<vmem>> -> memref<128x16xf32, #tpu.memory_space<vmem>>
      %dma_wait3A_293 = arith.constant 0 : i32
      %dma_wait3A_294 = tpu.memref_slice %arg6[%dma_wait3A_286, %dma_wait3A_293] : memref<79x128xi32, #tpu.memory_space<vmem>> -> memref<1x128xi32, #tpu.memory_space<vmem>>
      %dma_wait3A_295 = tpu.memref_squeeze %dma_wait3A_294 : memref<1x128xi32, #tpu.memory_space<vmem>> -> memref<128xi32, #tpu.memory_space<vmem>>
      %dma_wait3A_296 = arith.constant 0 : i32
      %dma_wait3A_297 = arith.constant 0 : i32
      %dma_wait3A_298 = tpu.memref_slice %arg2[%dma_wait3A_296, %dma_wait3A_297] : memref<10240x16xf32, #tpu.memory_space<hbm>> -> memref<10240x16xf32, #tpu.memory_space<hbm>>
      %dma_wait3A_299 = tpu.memref_slice %arg10[%dma_wait3A_288] : memref<13x!tpu.dma_semaphore, #tpu.memory_space<semaphore_mem>> -> memref<1x!tpu.dma_semaphore, #tpu.memory_space<semaphore_mem>>
      %dma_wait3A_300 = tpu.memref_squeeze %dma_wait3A_299 : memref<1x!tpu.dma_semaphore, #tpu.memory_space<semaphore_mem>> -> memref<!tpu.dma_semaphore, #tpu.memory_space<semaphore_mem>>
      tpu.wait_indirect_dma semaphore(%dma_wait3A_300 : memref<!tpu.dma_semaphore, #tpu.memory_space<semaphore_mem>>) src(%dma_wait3A_298 : memref<10240x16xf32, #tpu.memory_space<hbm>>) dst(%dma_wait3A_292 : memref<128x16xf32, #tpu.memory_space<vmem>>)
      %run_scoped3A = arith.constant 0 : i32
      %run_scoped3A_301 = arith.constant 78 : i32
      "tpu.region"() ({
        %run_scoped3A_302 = tpu.sem_alloc : memref<!tpu.dma_semaphore, #tpu.memory_space<semaphore_mem>>
        %dma_start3A_303 = arith.constant 0 : i32
        %dma_start3A_304 = arith.constant 0 : i32
        %dma_start3A_305 = tpu.memref_slice %arg8[%run_scoped3A, %dma_start3A_303, %dma_start3A_304] : memref<13x128x16xf32, #tpu.memory_space<vmem>> -> memref<1x128x16xf32, #tpu.memory_space<vmem>>
        %dma_start3A_306 = tpu.memref_squeeze %dma_start3A_305 : memref<1x128x16xf32, #tpu.memory_space<vmem>> -> memref<128x16xf32, #tpu.memory_space<vmem>>
        %dma_start3A_307 = arith.constant 0 : i32
        %dma_start3A_308 = tpu.memref_slice %arg7[%run_scoped3A_301, %dma_start3A_307] : memref<79x128xi32, #tpu.memory_space<vmem>> -> memref<1x128xi32, #tpu.memory_space<vmem>>
        %dma_start3A_309 = tpu.memref_squeeze %dma_start3A_308 : memref<1x128xi32, #tpu.memory_space<vmem>> -> memref<128xi32, #tpu.memory_space<vmem>>
        %dma_start3A_310 = arith.constant 0 : i32
        %dma_start3A_311 = arith.constant 0 : i32
        %dma_start3A_312 = tpu.memref_slice %arg12[%dma_start3A_310, %dma_start3A_311] : memref<10240x16xf32, #tpu.memory_space<vmem_shared>> -> memref<10240x16xf32, #tpu.memory_space<vmem_shared>>
        tpu.enqueue_indirect_dma source(%dma_start3A_306 : memref<128x16xf32, #tpu.memory_space<vmem>>) target(%dma_start3A_312 : memref<10240x16xf32, #tpu.memory_space<vmem_shared>>) offsets(%dma_start3A_309 : memref<128xi32, #tpu.memory_space<vmem>>) semaphore(%run_scoped3A_302 : memref<!tpu.dma_semaphore, #tpu.memory_space<semaphore_mem>>) {add = true}
        %dma_wait3A_313 = arith.constant 0 : i32
        %dma_wait3A_314 = arith.constant 0 : i32
        %dma_wait3A_315 = tpu.memref_slice %arg8[%run_scoped3A, %dma_wait3A_313, %dma_wait3A_314] : memref<13x128x16xf32, #tpu.memory_space<vmem>> -> memref<1x128x16xf32, #tpu.memory_space<vmem>>
        %dma_wait3A_316 = tpu.memref_squeeze %dma_wait3A_315 : memref<1x128x16xf32, #tpu.memory_space<vmem>> -> memref<128x16xf32, #tpu.memory_space<vmem>>
        %dma_wait3A_317 = arith.constant 0 : i32
        %dma_wait3A_318 = tpu.memref_slice %arg7[%run_scoped3A_301, %dma_wait3A_317] : memref<79x128xi32, #tpu.memory_space<vmem>> -> memref<1x128xi32, #tpu.memory_space<vmem>>
        %dma_wait3A_319 = tpu.memref_squeeze %dma_wait3A_318 : memref<1x128xi32, #tpu.memory_space<vmem>> -> memref<128xi32, #tpu.memory_space<vmem>>
        %dma_wait3A_320 = arith.constant 0 : i32
        %dma_wait3A_321 = arith.constant 0 : i32
        %dma_wait3A_322 = tpu.memref_slice %arg12[%dma_wait3A_320, %dma_wait3A_321] : memref<10240x16xf32, #tpu.memory_space<vmem_shared>> -> memref<10240x16xf32, #tpu.memory_space<vmem_shared>>
        tpu.wait_indirect_dma semaphore(%run_scoped3A_302 : memref<!tpu.dma_semaphore, #tpu.memory_space<semaphore_mem>>) src(%dma_wait3A_316 : memref<128x16xf32, #tpu.memory_space<vmem>>) dst(%dma_wait3A_322 : memref<10240x16xf32, #tpu.memory_space<vmem_shared>>)
        tpu.yield
      }) : () -> ()
    } else {
    }
    %barrier3A_270 = arith.constant 0 : index
    tpu.barrier barrier_id(%barrier3A_270)
    "tpu.region"() ({
      %run_scoped3A = tpu.sem_alloc : memref<!tpu.dma_semaphore, #tpu.memory_space<semaphore_mem>>
      %dma_start3A_271 = arith.constant 0 : i32
      %dma_start3A_272 = tpu.memref_slice %arg5[%arg0, %mul3A_2, %dma_start3A_271] : memref<2x10240x16xf32, #tpu.memory_space<hbm>> -> memref<1x640x16xf32, #tpu.memory_space<hbm>>
      %dma_start3A_273 = tpu.memref_squeeze %dma_start3A_272 : memref<1x640x16xf32, #tpu.memory_space<hbm>> -> memref<640x16xf32, #tpu.memory_space<hbm>>
      %dma_start3A_274 = arith.constant 0 : i32
      %dma_start3A_275 = tpu.memref_slice %arg12[%mul3A_2, %dma_start3A_274] : memref<10240x16xf32, #tpu.memory_space<vmem_shared>> -> memref<640x16xf32, #tpu.memory_space<vmem_shared>>
      tpu.enqueue_dma source(%dma_start3A_275 : memref<640x16xf32, #tpu.memory_space<vmem_shared>>) target(%dma_start3A_273 : memref<640x16xf32, #tpu.memory_space<hbm>>) target_semaphore(%run_scoped3A : memref<!tpu.dma_semaphore, #tpu.memory_space<semaphore_mem>>)
      %dma_wait3A_276 = arith.constant 0 : i32
      %dma_wait3A_277 = tpu.memref_slice %arg5[%arg0, %mul3A_2, %dma_wait3A_276] : memref<2x10240x16xf32, #tpu.memory_space<hbm>> -> memref<1x640x16xf32, #tpu.memory_space<hbm>>
      %dma_wait3A_278 = tpu.memref_squeeze %dma_wait3A_277 : memref<1x640x16xf32, #tpu.memory_space<hbm>> -> memref<640x16xf32, #tpu.memory_space<hbm>>
      %dma_wait3A_279 = arith.constant 0 : i32
      %dma_wait3A_280 = tpu.memref_slice %arg12[%mul3A_2, %dma_wait3A_279] : memref<10240x16xf32, #tpu.memory_space<vmem_shared>> -> memref<640x16xf32, #tpu.memory_space<vmem_shared>>
      tpu.wait_dma2 semaphore(%run_scoped3A : memref<!tpu.dma_semaphore, #tpu.memory_space<semaphore_mem>>) src(%dma_wait3A_280 : memref<640x16xf32, #tpu.memory_space<vmem_shared>>) dst(%dma_wait3A_278 : memref<640x16xf32, #tpu.memory_space<hbm>>)
      tpu.yield
    }) : () -> ()
    return
  }
}

#map = affine_map<(d0, d1) -> (0, 0)>
#map1 = affine_map<(d0, d1) -> (0)>
module attributes {stable_mosaic.version = 14 : i64} {
  func.func @_deg(%arg0: i32, %arg1: i32, %arg2: memref<2x320000xi32, #tpu.memory_space<hbm>>, %arg3: memref<163840xf32, #tpu.memory_space<hbm>>, %arg4: memref<2x10240xf32, #tpu.memory_space<hbm>>, %arg5: memref<79x128xi32, #tpu.memory_space<vmem>>, %arg6: memref<128xf32, #tpu.memory_space<vmem>>, %arg7: memref<!tpu.dma_semaphore, #tpu.memory_space<semaphore_mem>>, %arg8: memref<!tpu.dma_semaphore, #tpu.memory_space<semaphore_mem>>, %arg9: memref<10240xf32, #tpu.memory_space<vmem_shared>>) attributes {dimension_semantics = [#tpu.dimension_semantics<core_parallel>, #tpu.dimension_semantics<subcore_parallel>], iteration_bounds = array<i64: 2, 16>, scalar_prefetch = 0 : i64, scratch_operands = 5 : i64, tpu.core_type = #tpu.core_type<sc_vector_subcore>, window_params = [{transform_indices = #map}, {transform_indices = #map1}, {transform_indices = #map}]} {
    %mul3A = arith.constant 2 : i32
    %mul3A_0 = arith.muli %arg1, %mul3A : i32
    %add3A = arith.addi %mul3A_0, %arg0 : i32
    %mul3A_1 = arith.constant 640 : i32
    %mul3A_2 = arith.muli %arg1, %mul3A_1 : i32
    "tpu.region"() ({
      %run_scoped3A = tpu.sem_alloc : memref<!tpu.dma_semaphore, #tpu.memory_space<semaphore_mem>>
      %dma_start3A = tpu.memref_slice %arg9[%mul3A_2] : memref<10240xf32, #tpu.memory_space<vmem_shared>> -> memref<640xf32, #tpu.memory_space<vmem_shared>>
      %dma_start3A_94 = arith.constant 0 : i32
      %dma_start3A_95 = tpu.memref_slice %arg3[%dma_start3A_94] : memref<163840xf32, #tpu.memory_space<hbm>> -> memref<640xf32, #tpu.memory_space<hbm>>
      tpu.enqueue_dma source(%dma_start3A_95 : memref<640xf32, #tpu.memory_space<hbm>>) target(%dma_start3A : memref<640xf32, #tpu.memory_space<vmem_shared>>) target_semaphore(%run_scoped3A : memref<!tpu.dma_semaphore, #tpu.memory_space<semaphore_mem>>)
      %dma_wait3A = tpu.memref_slice %arg9[%mul3A_2] : memref<10240xf32, #tpu.memory_space<vmem_shared>> -> memref<640xf32, #tpu.memory_space<vmem_shared>>
      %dma_wait3A_96 = arith.constant 0 : i32
      %dma_wait3A_97 = tpu.memref_slice %arg3[%dma_wait3A_96] : memref<163840xf32, #tpu.memory_space<hbm>> -> memref<640xf32, #tpu.memory_space<hbm>>
      tpu.wait_dma2 semaphore(%run_scoped3A : memref<!tpu.dma_semaphore, #tpu.memory_space<semaphore_mem>>) src(%dma_wait3A_97 : memref<640xf32, #tpu.memory_space<hbm>>) dst(%dma_wait3A : memref<640xf32, #tpu.memory_space<vmem_shared>>)
      tpu.yield
    }) : () -> ()
    %mul3A_3 = arith.constant 78 : i32
    %mul3A_4 = arith.muli %add3A, %mul3A_3 : i32
    %mul3A_5 = arith.constant 128 : i32
    %mul3A_6 = arith.muli %mul3A_4, %mul3A_5 : i32
    %scan3A = arith.constant 0 : i32
    %scan3A_7 = arith.constant 0 : i32
    %scan3A_8 = arith.constant 78 : i32
    %scan3A_9 = arith.addi %scan3A_7, %scan3A_8 : i32
    %scan3A_10 = arith.constant 1 : i32
    scf.for %scan3A_94 = %scan3A_7 to %scan3A_9 step %scan3A_10  : i32 {
      %mul3A_95 = arith.constant 128 : i32
      %mul3A_96 = arith.muli %scan3A_94, %mul3A_95 : i32
      %add3A_97 = arith.addi %mul3A_6, %mul3A_96 : i32
      %dma_start3A = arith.constant 1 : i32
      %dma_start3A_98 = arith.constant 0 : i32
      %dma_start3A_99 = tpu.memref_slice %arg5[%scan3A_94, %dma_start3A_98] : memref<79x128xi32, #tpu.memory_space<vmem>> -> memref<1x128xi32, #tpu.memory_space<vmem>>
      %dma_start3A_100 = tpu.memref_squeeze %dma_start3A_99 : memref<1x128xi32, #tpu.memory_space<vmem>> -> memref<128xi32, #tpu.memory_space<vmem>>
      %dma_start3A_101 = tpu.memref_slice %arg2[%dma_start3A, %add3A_97] : memref<2x320000xi32, #tpu.memory_space<hbm>> -> memref<1x128xi32, #tpu.memory_space<hbm>>
      %dma_start3A_102 = tpu.memref_squeeze %dma_start3A_101 : memref<1x128xi32, #tpu.memory_space<hbm>> -> memref<128xi32, #tpu.memory_space<hbm>>
      %dma_start3A_103 = arith.constant 0 : i32
      %dma_start3A_104 = tpu.memref_slice %arg5[%scan3A_94, %dma_start3A_103] : memref<79x128xi32, #tpu.memory_space<vmem>> -> memref<1x128xi32, #tpu.memory_space<vmem>>
      %dma_start3A_105 = tpu.memref_squeeze %dma_start3A_104 : memref<1x128xi32, #tpu.memory_space<vmem>> -> memref<128xi32, #tpu.memory_space<vmem>>
      %dma_start3A_106 = tpu.memref_slice %arg2[%dma_start3A, %add3A_97] : memref<2x320000xi32, #tpu.memory_space<hbm>> -> memref<1x128xi32, #tpu.memory_space<hbm>>
      %dma_start3A_107 = tpu.memref_squeeze %dma_start3A_106 : memref<1x128xi32, #tpu.memory_space<hbm>> -> memref<128xi32, #tpu.memory_space<hbm>>
      tpu.enqueue_dma source(%dma_start3A_107 : memref<128xi32, #tpu.memory_space<hbm>>) target(%dma_start3A_105 : memref<128xi32, #tpu.memory_space<vmem>>) target_semaphore(%arg7 : memref<!tpu.dma_semaphore, #tpu.memory_space<semaphore_mem>>)
    }
    %scan3A_11 = arith.constant 78 : i32
    %lt3A = arith.constant 4 : i32
    %lt3A_12 = arith.cmpi slt, %add3A, %lt3A : i32
    %convert_element_type3A = arith.extui %lt3A_12 : i1 to i32
    %cond3A = arith.constant 0 : i32
    %cond3A_13 = arith.cmpi ne, %convert_element_type3A, %cond3A : i32
    scf.if %cond3A_13 {
      %add3A_94 = arith.constant 2496 : i32
      %add3A_95 = arith.addi %add3A_94, %add3A : i32
      %mul3A_96 = arith.constant 128 : i32
      %mul3A_97 = arith.muli %add3A_95, %mul3A_96 : i32
      %dma_start3A = arith.constant 1 : i32
      %dma_start3A_98 = arith.constant 78 : i32
      %dma_start3A_99 = arith.constant 0 : i32
      %dma_start3A_100 = tpu.memref_slice %arg5[%dma_start3A_98, %dma_start3A_99] : memref<79x128xi32, #tpu.memory_space<vmem>> -> memref<1x128xi32, #tpu.memory_space<vmem>>
      %dma_start3A_101 = tpu.memref_squeeze %dma_start3A_100 : memref<1x128xi32, #tpu.memory_space<vmem>> -> memref<128xi32, #tpu.memory_space<vmem>>
      %dma_start3A_102 = tpu.memref_slice %arg2[%dma_start3A, %mul3A_97] : memref<2x320000xi32, #tpu.memory_space<hbm>> -> memref<1x128xi32, #tpu.memory_space<hbm>>
      %dma_start3A_103 = tpu.memref_squeeze %dma_start3A_102 : memref<1x128xi32, #tpu.memory_space<hbm>> -> memref<128xi32, #tpu.memory_space<hbm>>
      %dma_start3A_104 = arith.constant 0 : i32
      %dma_start3A_105 = tpu.memref_slice %arg5[%dma_start3A_98, %dma_start3A_104] : memref<79x128xi32, #tpu.memory_space<vmem>> -> memref<1x128xi32, #tpu.memory_space<vmem>>
      %dma_start3A_106 = tpu.memref_squeeze %dma_start3A_105 : memref<1x128xi32, #tpu.memory_space<vmem>> -> memref<128xi32, #tpu.memory_space<vmem>>
      %dma_start3A_107 = tpu.memref_slice %arg2[%dma_start3A, %mul3A_97] : memref<2x320000xi32, #tpu.memory_space<hbm>> -> memref<1x128xi32, #tpu.memory_space<hbm>>
      %dma_start3A_108 = tpu.memref_squeeze %dma_start3A_107 : memref<1x128xi32, #tpu.memory_space<hbm>> -> memref<128xi32, #tpu.memory_space<hbm>>
      tpu.enqueue_dma source(%dma_start3A_108 : memref<128xi32, #tpu.memory_space<hbm>>) target(%dma_start3A_106 : memref<128xi32, #tpu.memory_space<vmem>>) target_semaphore(%arg7 : memref<!tpu.dma_semaphore, #tpu.memory_space<semaphore_mem>>)
    } else {
    }
    %scan3A_14 = arith.constant 0 : i32
    %scan3A_15 = arith.constant 0 : i32
    %scan3A_16 = arith.constant 78 : i32
    %scan3A_17 = arith.addi %scan3A_15, %scan3A_16 : i32
    %scan3A_18 = arith.constant 1 : i32
    scf.for %scan3A_94 = %scan3A_15 to %scan3A_17 step %scan3A_18  : i32 {
      %mul3A_95 = arith.constant 128 : i32
      %mul3A_96 = arith.muli %scan3A_94, %mul3A_95 : i32
      %add3A_97 = arith.addi %mul3A_6, %mul3A_96 : i32
      %dma_wait3A = arith.constant 1 : i32
      %dma_wait3A_98 = arith.constant 0 : i32
      %dma_wait3A_99 = tpu.memref_slice %arg5[%scan3A_94, %dma_wait3A_98] : memref<79x128xi32, #tpu.memory_space<vmem>> -> memref<1x128xi32, #tpu.memory_space<vmem>>
      %dma_wait3A_100 = tpu.memref_squeeze %dma_wait3A_99 : memref<1x128xi32, #tpu.memory_space<vmem>> -> memref<128xi32, #tpu.memory_space<vmem>>
      %dma_wait3A_101 = tpu.memref_slice %arg2[%dma_wait3A, %add3A_97] : memref<2x320000xi32, #tpu.memory_space<hbm>> -> memref<1x128xi32, #tpu.memory_space<hbm>>
      %dma_wait3A_102 = tpu.memref_squeeze %dma_wait3A_101 : memref<1x128xi32, #tpu.memory_space<hbm>> -> memref<128xi32, #tpu.memory_space<hbm>>
      %dma_wait3A_103 = arith.constant 0 : i32
      %dma_wait3A_104 = tpu.memref_slice %arg5[%scan3A_94, %dma_wait3A_103] : memref<79x128xi32, #tpu.memory_space<vmem>> -> memref<1x128xi32, #tpu.memory_space<vmem>>
      %dma_wait3A_105 = tpu.memref_squeeze %dma_wait3A_104 : memref<1x128xi32, #tpu.memory_space<vmem>> -> memref<128xi32, #tpu.memory_space<vmem>>
      %dma_wait3A_106 = tpu.memref_slice %arg2[%dma_wait3A, %add3A_97] : memref<2x320000xi32, #tpu.memory_space<hbm>> -> memref<1x128xi32, #tpu.memory_space<hbm>>
      %dma_wait3A_107 = tpu.memref_squeeze %dma_wait3A_106 : memref<1x128xi32, #tpu.memory_space<hbm>> -> memref<128xi32, #tpu.memory_space<hbm>>
      tpu.wait_dma2 semaphore(%arg7 : memref<!tpu.dma_semaphore, #tpu.memory_space<semaphore_mem>>) src(%dma_wait3A_107 : memref<128xi32, #tpu.memory_space<hbm>>) dst(%dma_wait3A_105 : memref<128xi32, #tpu.memory_space<vmem>>)
    }
    %scan3A_19 = arith.constant 78 : i32
    %lt3A_20 = arith.constant 4 : i32
    %lt3A_21 = arith.cmpi slt, %add3A, %lt3A_20 : i32
    %convert_element_type3A_22 = arith.extui %lt3A_21 : i1 to i32
    %cond3A_23 = arith.constant 0 : i32
    %cond3A_24 = arith.cmpi ne, %convert_element_type3A_22, %cond3A_23 : i32
    scf.if %cond3A_24 {
      %add3A_94 = arith.constant 2496 : i32
      %add3A_95 = arith.addi %add3A_94, %add3A : i32
      %mul3A_96 = arith.constant 128 : i32
      %mul3A_97 = arith.muli %add3A_95, %mul3A_96 : i32
      %dma_wait3A = arith.constant 1 : i32
      %dma_wait3A_98 = arith.constant 78 : i32
      %dma_wait3A_99 = arith.constant 0 : i32
      %dma_wait3A_100 = tpu.memref_slice %arg5[%dma_wait3A_98, %dma_wait3A_99] : memref<79x128xi32, #tpu.memory_space<vmem>> -> memref<1x128xi32, #tpu.memory_space<vmem>>
      %dma_wait3A_101 = tpu.memref_squeeze %dma_wait3A_100 : memref<1x128xi32, #tpu.memory_space<vmem>> -> memref<128xi32, #tpu.memory_space<vmem>>
      %dma_wait3A_102 = tpu.memref_slice %arg2[%dma_wait3A, %mul3A_97] : memref<2x320000xi32, #tpu.memory_space<hbm>> -> memref<1x128xi32, #tpu.memory_space<hbm>>
      %dma_wait3A_103 = tpu.memref_squeeze %dma_wait3A_102 : memref<1x128xi32, #tpu.memory_space<hbm>> -> memref<128xi32, #tpu.memory_space<hbm>>
      %dma_wait3A_104 = arith.constant 0 : i32
      %dma_wait3A_105 = tpu.memref_slice %arg5[%dma_wait3A_98, %dma_wait3A_104] : memref<79x128xi32, #tpu.memory_space<vmem>> -> memref<1x128xi32, #tpu.memory_space<vmem>>
      %dma_wait3A_106 = tpu.memref_squeeze %dma_wait3A_105 : memref<1x128xi32, #tpu.memory_space<vmem>> -> memref<128xi32, #tpu.memory_space<vmem>>
      %dma_wait3A_107 = tpu.memref_slice %arg2[%dma_wait3A, %mul3A_97] : memref<2x320000xi32, #tpu.memory_space<hbm>> -> memref<1x128xi32, #tpu.memory_space<hbm>>
      %dma_wait3A_108 = tpu.memref_squeeze %dma_wait3A_107 : memref<1x128xi32, #tpu.memory_space<hbm>> -> memref<128xi32, #tpu.memory_space<hbm>>
      tpu.wait_dma2 semaphore(%arg7 : memref<!tpu.dma_semaphore, #tpu.memory_space<semaphore_mem>>) src(%dma_wait3A_108 : memref<128xi32, #tpu.memory_space<hbm>>) dst(%dma_wait3A_106 : memref<128xi32, #tpu.memory_space<vmem>>)
    } else {
    }
    %broadcast_in_dim3A = arith.constant 1.000000e+00 : f32
    %broadcast_in_dim3A_25 = vector.broadcast %broadcast_in_dim3A : f32 to vector<16xf32>
    %swap3A = arith.constant 0 : index
    %swap3A_26 = tpu.vector_load %arg6[%swap3A] {strides = array<i32>} : memref<128xf32, #tpu.memory_space<vmem>>, vector<16xf32>,
    %swap3A_27 = vector.shape_cast %swap3A_26 : vector<16xf32> to vector<16xf32>
    %swap3A_28 = vector.shape_cast %broadcast_in_dim3A_25 : vector<16xf32> to vector<16xf32>
    tpu.vector_store %arg6[%swap3A], %swap3A_28 {strides = array<i32>} : memref<128xf32, #tpu.memory_space<vmem>>, vector<16xf32>,
    %broadcast_in_dim3A_29 = arith.constant 1.000000e+00 : f32
    %broadcast_in_dim3A_30 = vector.broadcast %broadcast_in_dim3A_29 : f32 to vector<16xf32>
    %swap3A_31 = arith.constant 16 : index
    %swap3A_32 = tpu.vector_load %arg6[%swap3A_31] {strides = array<i32>} : memref<128xf32, #tpu.memory_space<vmem>>, vector<16xf32>,
    %swap3A_33 = vector.shape_cast %swap3A_32 : vector<16xf32> to vector<16xf32>
    %swap3A_34 = vector.shape_cast %broadcast_in_dim3A_30 : vector<16xf32> to vector<16xf32>
    tpu.vector_store %arg6[%swap3A_31], %swap3A_34 {strides = array<i32>} : memref<128xf32, #tpu.memory_space<vmem>>, vector<16xf32>,
    %broadcast_in_dim3A_35 = arith.constant 1.000000e+00 : f32
    %broadcast_in_dim3A_36 = vector.broadcast %broadcast_in_dim3A_35 : f32 to vector<16xf32>
    %swap3A_37 = arith.constant 32 : index
    %swap3A_38 = tpu.vector_load %arg6[%swap3A_37] {strides = array<i32>} : memref<128xf32, #tpu.memory_space<vmem>>, vector<16xf32>,
    %swap3A_39 = vector.shape_cast %swap3A_38 : vector<16xf32> to vector<16xf32>
    %swap3A_40 = vector.shape_cast %broadcast_in_dim3A_36 : vector<16xf32> to vector<16xf32>
    tpu.vector_store %arg6[%swap3A_37], %swap3A_40 {strides = array<i32>} : memref<128xf32, #tpu.memory_space<vmem>>, vector<16xf32>,
    %broadcast_in_dim3A_41 = arith.constant 1.000000e+00 : f32
    %broadcast_in_dim3A_42 = vector.broadcast %broadcast_in_dim3A_41 : f32 to vector<16xf32>
    %swap3A_43 = arith.constant 48 : index
    %swap3A_44 = tpu.vector_load %arg6[%swap3A_43] {strides = array<i32>} : memref<128xf32, #tpu.memory_space<vmem>>, vector<16xf32>,
    %swap3A_45 = vector.shape_cast %swap3A_44 : vector<16xf32> to vector<16xf32>
    %swap3A_46 = vector.shape_cast %broadcast_in_dim3A_42 : vector<16xf32> to vector<16xf32>
    tpu.vector_store %arg6[%swap3A_43], %swap3A_46 {strides = array<i32>} : memref<128xf32, #tpu.memory_space<vmem>>, vector<16xf32>,
    %broadcast_in_dim3A_47 = arith.constant 1.000000e+00 : f32
    %broadcast_in_dim3A_48 = vector.broadcast %broadcast_in_dim3A_47 : f32 to vector<16xf32>
    %swap3A_49 = arith.constant 64 : index
    %swap3A_50 = tpu.vector_load %arg6[%swap3A_49] {strides = array<i32>} : memref<128xf32, #tpu.memory_space<vmem>>, vector<16xf32>,
    %swap3A_51 = vector.shape_cast %swap3A_50 : vector<16xf32> to vector<16xf32>
    %swap3A_52 = vector.shape_cast %broadcast_in_dim3A_48 : vector<16xf32> to vector<16xf32>
    tpu.vector_store %arg6[%swap3A_49], %swap3A_52 {strides = array<i32>} : memref<128xf32, #tpu.memory_space<vmem>>, vector<16xf32>,
    %broadcast_in_dim3A_53 = arith.constant 1.000000e+00 : f32
    %broadcast_in_dim3A_54 = vector.broadcast %broadcast_in_dim3A_53 : f32 to vector<16xf32>
    %swap3A_55 = arith.constant 80 : index
    %swap3A_56 = tpu.vector_load %arg6[%swap3A_55] {strides = array<i32>} : memref<128xf32, #tpu.memory_space<vmem>>, vector<16xf32>,
    %swap3A_57 = vector.shape_cast %swap3A_56 : vector<16xf32> to vector<16xf32>
    %swap3A_58 = vector.shape_cast %broadcast_in_dim3A_54 : vector<16xf32> to vector<16xf32>
    tpu.vector_store %arg6[%swap3A_55], %swap3A_58 {strides = array<i32>} : memref<128xf32, #tpu.memory_space<vmem>>, vector<16xf32>,
    %broadcast_in_dim3A_59 = arith.constant 1.000000e+00 : f32
    %broadcast_in_dim3A_60 = vector.broadcast %broadcast_in_dim3A_59 : f32 to vector<16xf32>
    %swap3A_61 = arith.constant 96 : index
    %swap3A_62 = tpu.vector_load %arg6[%swap3A_61] {strides = array<i32>} : memref<128xf32, #tpu.memory_space<vmem>>, vector<16xf32>,
    %swap3A_63 = vector.shape_cast %swap3A_62 : vector<16xf32> to vector<16xf32>
    %swap3A_64 = vector.shape_cast %broadcast_in_dim3A_60 : vector<16xf32> to vector<16xf32>
    tpu.vector_store %arg6[%swap3A_61], %swap3A_64 {strides = array<i32>} : memref<128xf32, #tpu.memory_space<vmem>>, vector<16xf32>,
    %broadcast_in_dim3A_65 = arith.constant 1.000000e+00 : f32
    %broadcast_in_dim3A_66 = vector.broadcast %broadcast_in_dim3A_65 : f32 to vector<16xf32>
    %swap3A_67 = arith.constant 112 : index
    %swap3A_68 = tpu.vector_load %arg6[%swap3A_67] {strides = array<i32>} : memref<128xf32, #tpu.memory_space<vmem>>, vector<16xf32>,
    %swap3A_69 = vector.shape_cast %swap3A_68 : vector<16xf32> to vector<16xf32>
    %swap3A_70 = vector.shape_cast %broadcast_in_dim3A_66 : vector<16xf32> to vector<16xf32>
    tpu.vector_store %arg6[%swap3A_67], %swap3A_70 {strides = array<i32>} : memref<128xf32, #tpu.memory_space<vmem>>, vector<16xf32>,
    %barrier3A = arith.constant 0 : index
    tpu.barrier barrier_id(%barrier3A)
    %scan3A_71 = arith.constant 0 : i32
    %scan3A_72 = arith.constant 0 : i32
    %scan3A_73 = arith.constant 78 : i32
    %scan3A_74 = arith.addi %scan3A_72, %scan3A_73 : i32
    %scan3A_75 = arith.constant 1 : i32
    scf.for %scan3A_94 = %scan3A_72 to %scan3A_74 step %scan3A_75  : i32 {
      %dma_start3A = arith.constant 0 : i32
      %dma_start3A_95 = tpu.memref_slice %arg5[%scan3A_94, %dma_start3A] : memref<79x128xi32, #tpu.memory_space<vmem>> -> memref<1x128xi32, #tpu.memory_space<vmem>>
      %dma_start3A_96 = tpu.memref_squeeze %dma_start3A_95 : memref<1x128xi32, #tpu.memory_space<vmem>> -> memref<128xi32, #tpu.memory_space<vmem>>
      %dma_start3A_97 = arith.constant 0 : i32
      %dma_start3A_98 = tpu.memref_slice %arg9[%dma_start3A_97] : memref<10240xf32, #tpu.memory_space<vmem_shared>> -> memref<10240xf32, #tpu.memory_space<vmem_shared>>
      tpu.enqueue_indirect_dma source(%arg6 : memref<128xf32, #tpu.memory_space<vmem>>) target(%dma_start3A_98 : memref<10240xf32, #tpu.memory_space<vmem_shared>>) offsets(%dma_start3A_96 : memref<128xi32, #tpu.memory_space<vmem>>) semaphore(%arg8 : memref<!tpu.dma_semaphore, #tpu.memory_space<semaphore_mem>>) {add = true}
    }
    %scan3A_76 = arith.constant 78 : i32
    %lt3A_77 = arith.constant 4 : i32
    %lt3A_78 = arith.cmpi slt, %add3A, %lt3A_77 : i32
    %convert_element_type3A_79 = arith.extui %lt3A_78 : i1 to i32
    %cond3A_80 = arith.constant 0 : i32
    %cond3A_81 = arith.cmpi ne, %convert_element_type3A_79, %cond3A_80 : i32
    scf.if %cond3A_81 {
      %dma_start3A = arith.constant 78 : i32
      %dma_start3A_94 = arith.constant 0 : i32
      %dma_start3A_95 = tpu.memref_slice %arg5[%dma_start3A, %dma_start3A_94] : memref<79x128xi32, #tpu.memory_space<vmem>> -> memref<1x128xi32, #tpu.memory_space<vmem>>
      %dma_start3A_96 = tpu.memref_squeeze %dma_start3A_95 : memref<1x128xi32, #tpu.memory_space<vmem>> -> memref<128xi32, #tpu.memory_space<vmem>>
      %dma_start3A_97 = arith.constant 0 : i32
      %dma_start3A_98 = tpu.memref_slice %arg9[%dma_start3A_97] : memref<10240xf32, #tpu.memory_space<vmem_shared>> -> memref<10240xf32, #tpu.memory_space<vmem_shared>>
      tpu.enqueue_indirect_dma source(%arg6 : memref<128xf32, #tpu.memory_space<vmem>>) target(%dma_start3A_98 : memref<10240xf32, #tpu.memory_space<vmem_shared>>) offsets(%dma_start3A_96 : memref<128xi32, #tpu.memory_space<vmem>>) semaphore(%arg8 : memref<!tpu.dma_semaphore, #tpu.memory_space<semaphore_mem>>) {add = true}
    } else {
    }
    %scan3A_82 = arith.constant 0 : i32
    %scan3A_83 = arith.constant 0 : i32
    %scan3A_84 = arith.constant 78 : i32
    %scan3A_85 = arith.addi %scan3A_83, %scan3A_84 : i32
    %scan3A_86 = arith.constant 1 : i32
    scf.for %scan3A_94 = %scan3A_83 to %scan3A_85 step %scan3A_86  : i32 {
      %dma_wait3A = arith.constant 0 : i32
      %dma_wait3A_95 = tpu.memref_slice %arg5[%scan3A_94, %dma_wait3A] : memref<79x128xi32, #tpu.memory_space<vmem>> -> memref<1x128xi32, #tpu.memory_space<vmem>>
      %dma_wait3A_96 = tpu.memref_squeeze %dma_wait3A_95 : memref<1x128xi32, #tpu.memory_space<vmem>> -> memref<128xi32, #tpu.memory_space<vmem>>
      %dma_wait3A_97 = arith.constant 0 : i32
      %dma_wait3A_98 = tpu.memref_slice %arg9[%dma_wait3A_97] : memref<10240xf32, #tpu.memory_space<vmem_shared>> -> memref<10240xf32, #tpu.memory_space<vmem_shared>>
      tpu.wait_indirect_dma semaphore(%arg8 : memref<!tpu.dma_semaphore, #tpu.memory_space<semaphore_mem>>) src(%arg6 : memref<128xf32, #tpu.memory_space<vmem>>) dst(%dma_wait3A_98 : memref<10240xf32, #tpu.memory_space<vmem_shared>>)
    }
    %scan3A_87 = arith.constant 78 : i32
    %lt3A_88 = arith.constant 4 : i32
    %lt3A_89 = arith.cmpi slt, %add3A, %lt3A_88 : i32
    %convert_element_type3A_90 = arith.extui %lt3A_89 : i1 to i32
    %cond3A_91 = arith.constant 0 : i32
    %cond3A_92 = arith.cmpi ne, %convert_element_type3A_90, %cond3A_91 : i32
    scf.if %cond3A_92 {
      %dma_wait3A = arith.constant 78 : i32
      %dma_wait3A_94 = arith.constant 0 : i32
      %dma_wait3A_95 = tpu.memref_slice %arg5[%dma_wait3A, %dma_wait3A_94] : memref<79x128xi32, #tpu.memory_space<vmem>> -> memref<1x128xi32, #tpu.memory_space<vmem>>
      %dma_wait3A_96 = tpu.memref_squeeze %dma_wait3A_95 : memref<1x128xi32, #tpu.memory_space<vmem>> -> memref<128xi32, #tpu.memory_space<vmem>>
      %dma_wait3A_97 = arith.constant 0 : i32
      %dma_wait3A_98 = tpu.memref_slice %arg9[%dma_wait3A_97] : memref<10240xf32, #tpu.memory_space<vmem_shared>> -> memref<10240xf32, #tpu.memory_space<vmem_shared>>
      tpu.wait_indirect_dma semaphore(%arg8 : memref<!tpu.dma_semaphore, #tpu.memory_space<semaphore_mem>>) src(%arg6 : memref<128xf32, #tpu.memory_space<vmem>>) dst(%dma_wait3A_98 : memref<10240xf32, #tpu.memory_space<vmem_shared>>)
    } else {
    }
    %barrier3A_93 = arith.constant 0 : index
    tpu.barrier barrier_id(%barrier3A_93)
    "tpu.region"() ({
      %run_scoped3A = tpu.sem_alloc : memref<!tpu.dma_semaphore, #tpu.memory_space<semaphore_mem>>
      %dma_start3A = tpu.memref_slice %arg4[%arg0, %mul3A_2] : memref<2x10240xf32, #tpu.memory_space<hbm>> -> memref<1x640xf32, #tpu.memory_space<hbm>>
      %dma_start3A_94 = tpu.memref_squeeze %dma_start3A : memref<1x640xf32, #tpu.memory_space<hbm>> -> memref<640xf32, #tpu.memory_space<hbm>>
      %dma_start3A_95 = tpu.memref_slice %arg9[%mul3A_2] : memref<10240xf32, #tpu.memory_space<vmem_shared>> -> memref<640xf32, #tpu.memory_space<vmem_shared>>
      tpu.enqueue_dma source(%dma_start3A_95 : memref<640xf32, #tpu.memory_space<vmem_shared>>) target(%dma_start3A_94 : memref<640xf32, #tpu.memory_space<hbm>>) target_semaphore(%run_scoped3A : memref<!tpu.dma_semaphore, #tpu.memory_space<semaphore_mem>>)
      %dma_wait3A = tpu.memref_slice %arg4[%arg0, %mul3A_2] : memref<2x10240xf32, #tpu.memory_space<hbm>> -> memref<1x640xf32, #tpu.memory_space<hbm>>
      %dma_wait3A_96 = tpu.memref_squeeze %dma_wait3A : memref<1x640xf32, #tpu.memory_space<hbm>> -> memref<640xf32, #tpu.memory_space<hbm>>
      %dma_wait3A_97 = tpu.memref_slice %arg9[%mul3A_2] : memref<10240xf32, #tpu.memory_space<vmem_shared>> -> memref<640xf32, #tpu.memory_space<vmem_shared>>
      tpu.wait_dma2 semaphore(%run_scoped3A : memref<!tpu.dma_semaphore, #tpu.memory_space<semaphore_mem>>) src(%dma_wait3A_97 : memref<640xf32, #tpu.memory_space<vmem_shared>>) dst(%dma_wait3A_96 : memref<640xf32, #tpu.memory_space<hbm>>)
      tpu.yield
    }) : () -> ()
    return
  }
}

module attributes {stable_mosaic.version = 14 : i64} {
  func.func @_mm1_body(%arg0: memref<10000x128xf32, #tpu.memory_space<hbm>>, %arg1: memref<1024x128xf32, #tpu.memory_space<vmem>>, %arg2: memref<1280x128xf32, #tpu.memory_space<vmem>>, %arg3: memref<1250x1024xf32, #tpu.memory_space<vmem>>, %arg4: memref<!tpu.dma_semaphore, #tpu.memory_space<semaphore_mem>>) attributes {dimension_semantics = [], scalar_prefetch = 0 : i64, scratch_operands = 2 : i64, tpu.core_type = #tpu.core_type<tc>} {
    %dma_start3A = tpu.memref_reshape %arg0 : memref<10000x128xf32, #tpu.memory_space<hbm>> -> memref<1250x1024xf32, #tpu.memory_space<hbm>>
    tpu.enqueue_dma source(%dma_start3A : memref<1250x1024xf32, #tpu.memory_space<hbm>>) target(%arg3 : memref<1250x1024xf32, #tpu.memory_space<vmem>>) target_semaphore(%arg4 : memref<!tpu.dma_semaphore, #tpu.memory_space<semaphore_mem>>)
    %dma_wait3A = tpu.memref_reshape %arg0 : memref<10000x128xf32, #tpu.memory_space<hbm>> -> memref<1250x1024xf32, #tpu.memory_space<hbm>>
    tpu.wait_dma2 semaphore(%arg4 : memref<!tpu.dma_semaphore, #tpu.memory_space<semaphore_mem>>) src(%dma_wait3A : memref<1250x1024xf32, #tpu.memory_space<hbm>>) dst(%arg3 : memref<1250x1024xf32, #tpu.memory_space<vmem>>)
    %get3A = arith.constant 0 : index
    %get3A_0 = arith.constant 0 : index
    %get3A_1 = vector.load %arg3[%get3A, %get3A_0] : memref<1250x1024xf32, #tpu.memory_space<vmem>>, vector<1250x1024xf32>
    %get3A_2 = arith.constant 0 : index
    %get3A_3 = arith.constant 0 : index
    %get3A_4 = vector.load %arg1[%get3A_2, %get3A_3] : memref<1024x128xf32, #tpu.memory_space<vmem>>, vector<1024x128xf32>
    %dot_general3A = arith.constant dense<0.000000e+00> : vector<1250x128xf32>
    %dot_general3A_5 = tpu.matmul %get3A_1, %get3A_4, %dot_general3A {dimension_numbers = #tpu.dot_dimension_numbers<[1], [0], [0], [1], [0, 0, 1, 1], [], []>, transpose_lhs_hint = false} : vector<1250x1024xf32>, vector<1024x128xf32>, vector<1250x128xf32> -> vector<1250x128xf32>
    %swap3A = arith.constant 0 : index
    %swap3A_6 = arith.constant 0 : index
    %swap3A_7 = vector.load %arg2[%swap3A, %swap3A_6] : memref<1280x128xf32, #tpu.memory_space<vmem>>, vector<1250x128xf32>
    tpu.vector_store %arg2[%swap3A, %swap3A_6], %dot_general3A_5 {strides = array<i32>} : memref<1280x128xf32, #tpu.memory_space<vmem>>, vector<1250x128xf32>,
    %broadcast_in_dim3A = arith.constant 0.000000e+00 : f32
    %broadcast_in_dim3A_8 = vector.broadcast %broadcast_in_dim3A : f32 to vector<30x128xf32>
    %swap3A_9 = arith.constant 1250 : index
    %swap3A_10 = arith.constant 0 : index
    %swap3A_11 = vector.load %arg2[%swap3A_9, %swap3A_10] : memref<1280x128xf32, #tpu.memory_space<vmem>>, vector<30x128xf32>
    tpu.vector_store %arg2[%swap3A_9, %swap3A_10], %broadcast_in_dim3A_8 {strides = array<i32>} : memref<1280x128xf32, #tpu.memory_space<vmem>>, vector<30x128xf32>,
    return
  }
}

module attributes {stable_mosaic.version = 14 : i64} {
  func.func @_scale_body(%arg0: memref<2x80x128xf32, #tpu.memory_space<vmem>>, %arg1: memref<80x128xf32, #tpu.memory_space<vmem>>) attributes {dimension_semantics = [], scalar_prefetch = 0 : i64, scratch_operands = 0 : i64, tpu.core_type = #tpu.core_type<tc>} {
    %get3A = arith.constant 0 : index
    %get3A_0 = arith.constant 0 : index
    %get3A_1 = arith.constant 0 : index
    %get3A_2 = vector.load %arg0[%get3A, %get3A_0, %get3A_1] : memref<2x80x128xf32, #tpu.memory_space<vmem>>, vector<1x80x128xf32>
    %get3A_3 = vector.shape_cast %get3A_2 : vector<1x80x128xf32> to vector<80x128xf32>
    %get3A_4 = arith.constant 1 : index
    %get3A_5 = arith.constant 0 : index
    %get3A_6 = arith.constant 0 : index
    %get3A_7 = vector.load %arg0[%get3A_4, %get3A_5, %get3A_6] : memref<2x80x128xf32, #tpu.memory_space<vmem>>, vector<1x80x128xf32>
    %get3A_8 = vector.shape_cast %get3A_7 : vector<1x80x128xf32> to vector<80x128xf32>
    %add3A = arith.addf %get3A_3, %get3A_8 : vector<80x128xf32>
    %add3A_9 = arith.constant 1.000000e+00 : f32
    %add3A_10 = vector.broadcast %add3A_9 : f32 to vector<80x128xf32>
    %add3A_11 = arith.addf %add3A, %add3A_10 : vector<80x128xf32>
    %rsqrt3A = math.rsqrt %add3A_11 : vector<80x128xf32>
    %swap3A = arith.constant 0 : index
    %swap3A_12 = arith.constant 0 : index
    %swap3A_13 = vector.load %arg1[%swap3A, %swap3A_12] : memref<80x128xf32, #tpu.memory_space<vmem>>, vector<80x128xf32>
    tpu.vector_store %arg1[%swap3A, %swap3A_12], %rsqrt3A {strides = array<i32>} : memref<80x128xf32, #tpu.memory_space<vmem>>, vector<80x128xf32>,
    return
  }
}

module attributes {stable_mosaic.version = 14 : i64} {
  func.func @_mid_body(%arg0: memref<2x1280x128xf32, #tpu.memory_space<vmem>>, %arg1: memref<1280x128xf32, #tpu.memory_space<vmem>>, %arg2: memref<1280x128xf32, #tpu.memory_space<vmem>>, %arg3: memref<1x128xf32, #tpu.memory_space<vmem>>, %arg4: memref<1280x128xf32, #tpu.memory_space<vmem>>) attributes {dimension_semantics = [], scalar_prefetch = 0 : i64, scratch_operands = 0 : i64, tpu.core_type = #tpu.core_type<tc>} {
    %get3A = arith.constant 0 : index
    %get3A_0 = arith.constant 0 : index
    %get3A_1 = vector.load %arg2[%get3A, %get3A_0] : memref<1280x128xf32, #tpu.memory_space<vmem>>, vector<1280x128xf32>
    %get3A_2 = arith.constant 0 : index
    %get3A_3 = arith.constant 0 : index
    %get3A_4 = arith.constant 0 : index
    %get3A_5 = vector.load %arg0[%get3A_2, %get3A_3, %get3A_4] : memref<2x1280x128xf32, #tpu.memory_space<vmem>>, vector<1x1280x128xf32>
    %get3A_6 = vector.shape_cast %get3A_5 : vector<1x1280x128xf32> to vector<1280x128xf32>
    %get3A_7 = arith.constant 1 : index
    %get3A_8 = arith.constant 0 : index
    %get3A_9 = arith.constant 0 : index
    %get3A_10 = vector.load %arg0[%get3A_7, %get3A_8, %get3A_9] : memref<2x1280x128xf32, #tpu.memory_space<vmem>>, vector<1x1280x128xf32>
    %get3A_11 = vector.shape_cast %get3A_10 : vector<1x1280x128xf32> to vector<1280x128xf32>
    %add3A = arith.addf %get3A_6, %get3A_11 : vector<1280x128xf32>
    %get3A_12 = arith.constant 0 : index
    %get3A_13 = arith.constant 0 : index
    %get3A_14 = vector.load %arg1[%get3A_12, %get3A_13] : memref<1280x128xf32, #tpu.memory_space<vmem>>, vector<1280x128xf32>
    %add3A_15 = arith.addf %add3A, %get3A_14 : vector<1280x128xf32>
    %mul3A = arith.mulf %get3A_1, %add3A_15 : vector<1280x128xf32>
    %get3A_16 = arith.constant 0 : index
    %get3A_17 = arith.constant 0 : index
    %get3A_18 = vector.load %arg3[%get3A_16, %get3A_17] : memref<1x128xf32, #tpu.memory_space<vmem>>, vector<1x128xf32>
    %add3A_19 = vector.broadcast %get3A_18 : vector<1x128xf32> to vector<1280x128xf32>
    %add3A_20 = arith.addf %mul3A, %add3A_19 : vector<1280x128xf32>
    %max3A = arith.constant 0.000000e+00 : f32
    %max3A_21 = vector.broadcast %max3A : f32 to vector<1280x128xf32>
    %max3A_22 = arith.maximumf %add3A_20, %max3A_21 : vector<1280x128xf32>
    %get3A_23 = arith.constant 0 : index
    %get3A_24 = arith.constant 0 : index
    %get3A_25 = vector.load %arg2[%get3A_23, %get3A_24] : memref<1280x128xf32, #tpu.memory_space<vmem>>, vector<1280x128xf32>
    %mul3A_26 = arith.mulf %get3A_25, %max3A_22 : vector<1280x128xf32>
    %swap3A = arith.constant 0 : index
    %swap3A_27 = arith.constant 0 : index
    %swap3A_28 = vector.load %arg4[%swap3A, %swap3A_27] : memref<1280x128xf32, #tpu.memory_space<vmem>>, vector<1280x128xf32>
    tpu.vector_store %arg4[%swap3A, %swap3A_27], %mul3A_26 {strides = array<i32>} : memref<1280x128xf32, #tpu.memory_space<vmem>>, vector<1280x128xf32>,
    return
  }
}

module attributes {stable_mosaic.version = 14 : i64} {
  func.func @_y1_body(%arg0: memref<1280x128xf32, #tpu.memory_space<vmem>>, %arg1: memref<1280x128xf32, #tpu.memory_space<vmem>>, %arg2: memref<1280x128xf32, #tpu.memory_space<vmem>>) attributes {dimension_semantics = [], scalar_prefetch = 0 : i64, scratch_operands = 0 : i64, tpu.core_type = #tpu.core_type<tc>} {
    %get3A = arith.constant 0 : index
    %get3A_0 = arith.constant 0 : index
    %get3A_1 = vector.load %arg0[%get3A, %get3A_0] : memref<1280x128xf32, #tpu.memory_space<vmem>>, vector<1280x128xf32>
    %get3A_2 = arith.constant 0 : index
    %get3A_3 = arith.constant 0 : index
    %get3A_4 = vector.load %arg1[%get3A_2, %get3A_3] : memref<1280x128xf32, #tpu.memory_space<vmem>>, vector<1280x128xf32>
    %mul3A = arith.mulf %get3A_1, %get3A_4 : vector<1280x128xf32>
    %swap3A = arith.constant 0 : index
    %swap3A_5 = arith.constant 0 : index
    %swap3A_6 = vector.load %arg2[%swap3A, %swap3A_5] : memref<1280x128xf32, #tpu.memory_space<vmem>>, vector<1280x128xf32>
    tpu.vector_store %arg2[%swap3A, %swap3A_5], %mul3A {strides = array<i32>} : memref<1280x128xf32, #tpu.memory_space<vmem>>, vector<1280x128xf32>,
    return
  }
}

module attributes {stable_mosaic.version = 14 : i64} {
  func.func @_final_body(%arg0: memref<2x1280x128xf32, #tpu.memory_space<vmem>>, %arg1: memref<1280x128xf32, #tpu.memory_space<vmem>>, %arg2: memref<1280x128xf32, #tpu.memory_space<vmem>>, %arg3: memref<128x1024xf32, #tpu.memory_space<vmem>>, %arg4: memref<1x1024xf32, #tpu.memory_space<vmem>>, %arg5: memref<10000x128xf32, #tpu.memory_space<hbm>>, %arg6: memref<1250x1024xf32, #tpu.memory_space<vmem>>, %arg7: memref<!tpu.dma_semaphore, #tpu.memory_space<semaphore_mem>>) attributes {dimension_semantics = [], scalar_prefetch = 0 : i64, scratch_operands = 2 : i64, tpu.core_type = #tpu.core_type<tc>} {
    %get3A = arith.constant 0 : index
    %get3A_0 = arith.constant 0 : index
    %get3A_1 = vector.load %arg2[%get3A, %get3A_0] : memref<1280x128xf32, #tpu.memory_space<vmem>>, vector<1250x128xf32>
    %get3A_2 = arith.constant 0 : index
    %get3A_3 = arith.constant 0 : index
    %get3A_4 = arith.constant 0 : index
    %get3A_5 = vector.load %arg0[%get3A_2, %get3A_3, %get3A_4] : memref<2x1280x128xf32, #tpu.memory_space<vmem>>, vector<1x1250x128xf32>
    %get3A_6 = vector.shape_cast %get3A_5 : vector<1x1250x128xf32> to vector<1250x128xf32>
    %get3A_7 = arith.constant 1 : index
    %get3A_8 = arith.constant 0 : index
    %get3A_9 = arith.constant 0 : index
    %get3A_10 = vector.load %arg0[%get3A_7, %get3A_8, %get3A_9] : memref<2x1280x128xf32, #tpu.memory_space<vmem>>, vector<1x1250x128xf32>
    %get3A_11 = vector.shape_cast %get3A_10 : vector<1x1250x128xf32> to vector<1250x128xf32>
    %add3A = arith.addf %get3A_6, %get3A_11 : vector<1250x128xf32>
    %get3A_12 = arith.constant 0 : index
    %get3A_13 = arith.constant 0 : index
    %get3A_14 = vector.load %arg1[%get3A_12, %get3A_13] : memref<1280x128xf32, #tpu.memory_space<vmem>>, vector<1250x128xf32>
    %add3A_15 = arith.addf %add3A, %get3A_14 : vector<1250x128xf32>
    %mul3A = arith.mulf %get3A_1, %add3A_15 : vector<1250x128xf32>
    %get3A_16 = arith.constant 0 : index
    %get3A_17 = arith.constant 0 : index
    %get3A_18 = vector.load %arg3[%get3A_16, %get3A_17] : memref<128x1024xf32, #tpu.memory_space<vmem>>, vector<128x1024xf32>
    %dot_general3A = arith.constant dense<0.000000e+00> : vector<1250x1024xf32>
    %dot_general3A_19 = tpu.matmul %mul3A, %get3A_18, %dot_general3A {dimension_numbers = #tpu.dot_dimension_numbers<[1], [0], [0], [1], [0, 0, 1, 1], [], []>, transpose_lhs_hint = false} : vector<1250x128xf32>, vector<128x1024xf32>, vector<1250x1024xf32> -> vector<1250x1024xf32>
    %get3A_20 = arith.constant 0 : index
    %get3A_21 = arith.constant 0 : index
    %get3A_22 = vector.load %arg4[%get3A_20, %get3A_21] : memref<1x1024xf32, #tpu.memory_space<vmem>>, vector<1x1024xf32>
    %add3A_23 = vector.broadcast %get3A_22 : vector<1x1024xf32> to vector<1250x1024xf32>
    %add3A_24 = arith.addf %dot_general3A_19, %add3A_23 : vector<1250x1024xf32>
    %swap3A = arith.constant 0 : index
    %swap3A_25 = arith.constant 0 : index
    %swap3A_26 = vector.load %arg6[%swap3A, %swap3A_25] : memref<1250x1024xf32, #tpu.memory_space<vmem>>, vector<1250x1024xf32>
    tpu.vector_store %arg6[%swap3A, %swap3A_25], %add3A_24 {strides = array<i32>} : memref<1250x1024xf32, #tpu.memory_space<vmem>>, vector<1250x1024xf32>,
    %dma_start3A = tpu.memref_reshape %arg5 : memref<10000x128xf32, #tpu.memory_space<hbm>> -> memref<1250x1024xf32, #tpu.memory_space<hbm>>
    tpu.enqueue_dma source(%arg6 : memref<1250x1024xf32, #tpu.memory_space<vmem>>) target(%dma_start3A : memref<1250x1024xf32, #tpu.memory_space<hbm>>) target_semaphore(%arg7 : memref<!tpu.dma_semaphore, #tpu.memory_space<semaphore_mem>>)
    %dma_wait3A = tpu.memref_reshape %arg5 : memref<10000x128xf32, #tpu.memory_space<hbm>> -> memref<1250x1024xf32, #tpu.memory_space<hbm>>
    tpu.wait_dma2 semaphore(%arg7 : memref<!tpu.dma_semaphore, #tpu.memory_space<semaphore_mem>>) src(%arg6 : memref<1250x1024xf32, #tpu.memory_space<vmem>>) dst(%dma_wait3A : memref<1250x1024xf32, #tpu.memory_space<hbm>>)
    return
  }
}

</mosaic_0001>

<sc_bundles>
// kernel: kernel.10.cloned.1.call-start
scs
__scs_entry_jumppad:
0x0: {  	(pc) =	sbr.rel $0x88, $3  }
0x1: {  	(tag) =	ssettag $0x0;
	lr =	simm.s32 $0x1  }
0x2: {  	[smem:$0x3F9B] =	sst lr;
	_ =	strace $0xD0000000  }
0x3: {  	_ = 	snop  }
0x4: {  	_ = 	snop  }
0x5: {  	_ = 	snop  }
0x6: {  	_ = 	snop  }
0x7: {  	_ = 	snop  }
__scs_overlays_trampoline_lowered:
0x8: {  	[smem:$0x3FAA] =	sst s0  }
0x9: {  	[smem:$0x3FAB] =	sst s1  }
0xa: {  	[smem:$0x3FAC] =	sst s2  }
0xb: {  	[smem:$0x3FAD] =	sst s3  }
0xc: {  	[smem:$0x3FAE] =	sst s4  }
0xd: {  	[smem:$0x3FAF] =	sst s5  }
0xe: {  	[smem:$0x3FB0] =	sst s6  }
0xf: {  	[smem:$0x3FB1] =	sst s7  }
0x10: {  	[smem:$0x3FB2] =	sst s8  }
0x11: {  	[smem:$0x3FB3] =	sst s9;
	s0 =	simm.s32 @!p0 $0x0  }
0x12: {  	s1 =	sld [smem:$0x3F99];
	s0 =	simm.s32 @p0 $0x1  }
0x13: {  	[smem:$0x3FB4] =	sst s0;
	s0 =	simm.s32 @!p1 $0x0  }
0x14: {  	s2 =	sld [smem:$0x3F98];
	s0 =	simm.s32 @p1 $0x1  }
0x15: {  	[smem:$0x3FB5] =	sst s0;
	s0 =	simm.s32 @!p2 $0x0  }
0x16: {  	s3 =	sld [smem:$0x3FDB];
	s0 =	simm.s32 @p2 $0x1  }
0x17: {  	s4 =	simm.s32 $0x1BF5;
	[smem:$0x3FB7] =	sst s0  }
0x18: {  	s0 =	sld [smem:$0x3F9A];
	_ =	swait.ge [sflag:s4], $0x0  }
0x19: {  	s7 =	sld [smem:$0x3F9B]  }
0x1a: {  	s8 =	sadd.s32 $0xFFFFE003, lr  }
0x1b: {  	s9 =	sadd.s32 $0xFFFFFEF7, lr;
	s5 =	simm.s32 $0xFFFFFFFF;
	p2 =	slt.u32 s8, $0xFFFFF086  }
0x1c: {  	p1 =	slt.u32 s9, $0xF7A;
	s5 =	simm.s32 @!p2 $0x0  }
0x1d: {  	s5 =	simm.s32 @p1 $0x1;
	p0 =	seq.s32 s7, s2  }
0x1e: {  	s7 =	smul.u32 @!p0 $0xF7A, s2;
	p2 =	seq.s32 @!p0 s5, $0x0  }
0x1f: {  	s9 =	smul.u32 $0xF7A, s1;
	s8 =	simm.s32 @!p0 $0x1BF5;
	p2 =	por !p2, p0  }
0x20: {  	[sflag:s8] =	ssyncset.s32 @!p0 $0xFFFFF086;
	s6 =	sadd.s32 @!p0 s3, s7;
	s7 =	simm.s32 @!p0 $0x108  }
0x21: {  	s3 =	sadd.s32 s3, s9;
	s6 =	sadd.s32 @!p0 $0x88, s6;
	s7 =	simm.s32 @p2 $0x1082  }
0x22: {  	[simem:s7], [sflag:s8] =	dma.local @!p0 [hbm:s6], $0xF7A  }
0x23: {  	s9 =	sor.u32 $0xD0000000, s2;
	s6 =	simm.s32 $0x108;
	_ =	swait.ge @!p0 [sflag:s8], $0x0  }
0x24: {  	s3 =	sadd.s32 $0x88, s3;
	s6 =	simm.s32 @!p1 $0x1082;
	[sflag:s4] =	ssyncset.s32 $0xFFFFF086  }
0x25: {  	[simem:s6], [sflag:s4] =	dma.local [hbm:s3], $0xF7A  }
0x26: {  	[smem:$0x3F9B] =	sst s1;
	(tag) =	ssettag s2;
	_ =	strace s9  }
0x27: {  	s1 =	sld [smem:$0x3FAB]  }
0x28: {  	s2 =	sld [smem:$0x3FAC]  }
0x29: {  	s4 =	sld [smem:$0x3FAE]  }
0x2a: {  	p0 =	seq.s32 s5, $0x0;
	s5 =	sld [smem:$0x3FAF]  }
0x2b: {  	s6 =	sld [smem:$0x3FB0]  }
0x2c: {  	s7 =	sld [smem:$0x3FB1]  }
0x2d: {  	s3 =	simm.s32 $0x108;
	s8 =	sld [smem:$0x3FB2]  }
0x2e: {  	s3 =	simm.s32 @!p0 $0x1082;
	s9 =	sld [smem:$0x3FB3]  }
0x2f: {  	lr =	sadd.s32 s0, s3;
	s0 =	sld [smem:$0x3FAA]  }
0x30: {  	s3 =	sld [smem:$0x3FAD]  }
0x31: {  	[smem:$0x3FB6] =	sst s10  }
0x32: {  	s10 =	sld [smem:$0x3FB4];
	_ =	sdelay $0x3  }
0x33: {  	p0 =	seq.s32 s10, $0x1;
	s10 =	sld [smem:$0x3FB6];
	_ =	sdelay $0x3  }
0x34: {  	[smem:$0x3FB6] =	sst s10  }
0x35: {  	s10 =	sld [smem:$0x3FB5];
	_ =	sdelay $0x3  }
0x36: {  	p1 =	seq.s32 s10, $0x1;
	s10 =	sld [smem:$0x3FB6];
	_ =	sdelay $0x3  }
0x37: {  	[smem:$0x3FB6] =	sst s10  }
0x38: {  	s10 =	sld [smem:$0x3FB7]  }
0x39: {  	_ = 	snop;
	(pc) =	sbr.ind lr, $3  }
0x3a: {  	_ = 	snop  }
0x3b: {  	_ = 	snop  }
0x3c: {  	p2 =	seq.s32 s10, $0x1;
	s10 =	sld [smem:$0x3FB6]  }
0x3d: {  	_ =	shalt  }
0x3e: {  	_ =	shalt  }
0x3f: {  	_ =	shalt  }
0x40: {  	_ =	shalt  }
0x41: {  	_ =	shalt  }
0x42: {  	_ =	shalt  }
0x43: {  	_ =	shalt  }
0x44: {  	_ =	shalt  }
0x45: {  	_ =	shalt  }
0x46: {  	_ =	shalt  }
0x47: {  	_ =	shalt  }
0x48: {  	_ =	shalt  }
0x49: {  	_ =	shalt  }
0x4a: {  	_ =	shalt  }
0x4b: {  	_ =	shalt  }
0x4c: {  	_ =	shalt  }
0x4d: {  	_ =	shalt  }
0x4e: {  	_ =	shalt  }
0x4f: {  	_ =	shalt  }
0x50: {  	_ =	shalt  }
0x51: {  	_ =	shalt  }
0x52: {  	_ =	shalt  }
0x53: {  	_ =	shalt  }
0x54: {  	_ =	shalt  }
0x55: {  	_ =	shalt  }
0x56: {  	_ =	shalt  }
0x57: {  	_ =	shalt  }
0x58: {  	_ =	shalt  }
0x59: {  	_ =	shalt  }
0x5a: {  	_ =	shalt  }
0x5b: {  	_ =	shalt  }
0x5c: {  	_ =	shalt  }
0x5d: {  	_ =	shalt  }
0x5e: {  	_ =	shalt  }
0x5f: {  	_ =	shalt  }
0x60: {  	_ =	shalt  }
0x61: {  	_ =	shalt  }
0x62: {  	_ =	shalt  }
0x63: {  	_ =	shalt  }
0x64: {  	_ =	shalt  }
0x65: {  	_ =	shalt  }
0x66: {  	_ =	shalt  }
0x67: {  	_ =	shalt  }
0x68: {  	_ =	shalt  }
0x69: {  	_ =	shalt  }
0x6a: {  	_ =	shalt  }
0x6b: {  	_ =	shalt  }
0x6c: {  	_ =	shalt  }
0x6d: {  	_ =	shalt  }
0x6e: {  	_ =	shalt  }
0x6f: {  	_ =	shalt  }
0x70: {  	_ =	shalt  }
0x71: {  	_ =	shalt  }
0x72: {  	_ =	shalt  }
0x73: {  	_ =	shalt  }
0x74: {  	_ =	shalt  }
0x75: {  	_ =	shalt  }
0x76: {  	_ =	shalt  }
0x77: {  	_ =	shalt  }
0x78: {  	_ =	shalt  }
0x79: {  	_ =	shalt  }
0x7a: {  	_ =	shalt  }
0x7b: {  	_ =	shalt  }
0x7c: {  	_ =	shalt  }
0x7d: {  	_ =	shalt  }
0x7e: {  	_ =	shalt  }
0x7f: {  	_ =	shalt  }
0x80: {  	_ =	shalt  }
0x81: {  	_ =	shalt  }
0x82: {  	_ =	shalt  }
0x83: {  	_ =	shalt  }
0x84: {  	_ =	shalt  }
0x85: {  	_ =	shalt  }
0x86: {  	_ =	shalt  }
0x87: {  	_ =	shalt  }
.Lfunc_end0:
.L_simem_size_0:
called_computation_lowered:
.L_overlay_start_0:
0x88: {  	s2 =	sld [smem:$0x3FD9]  }
0x89: {  	s3 =	sld [smem:$0x3FFE];
	_ =	sdelay $0x1  }
0x8a: {  	s1 =	srdreg.scid  }
0x8b: {  	s0 =	sand.u32 $0x1, s1  }
0x8c: {  	s17 =	sshll.u32 s0, $0xA;
	s2 =	sadd.s32 s3, s2  }
0x8d: {  	s2 =	sadd.s32 s2, s17  }
0x8e: {  	[smem:$0x3FC2] =	sst s2  }
0x8f: {  	_ = 	snop  }
0x90: {  	s2 =	sld [smem:$0x3FC8];
	(tm) =	ssettm $0x1  }
0x91: {  	s18 =	sld [smem:$0x3FFB];
	_ =	sdelay $0x3  }
0x92: {  	_ =	strace s18  }
0x93: {  	s3 =	sld [smem:$0x3FFC];
	_ =	sdelay $0x3  }
0x94: {  	_ =	strace s3  }
0x95: {  	s3 =	sld [smem:$0x3FFD];
	_ =	sdelay $0x3  }
0x96: {  	_ =	strace s3  }
0x97: {  	_ =	strace $0x8FFFFFFF  }
0x98: {  	s19 =	sld [smem:$0x3FDB];
	_ =	sdelay $0x1  }
0x99: {  	s4 =	simm.s32 $_scs_section_size  }
0x9a: {  	s5 =	simm.s32 $_size__tile_overlayer_lowered;
	s6 =	simm.s32 $_tile_overlayer_lowered  }
0x9b: {  	s22 =	simm.s32 $0x1BFF;
	s21 =	sshll.u32 s6, $0x1;
	s3 =	sadd.s32 s4, s19  }
0x9c: {  	s7 =	simm.s32 $0x0;
	s20 =	sshll.u32 s5, $0x1;
	s5 =	sadd.s32 s21, s3  }
0x9d: {  	[timem:s7], [sflag:s22] =	dma.local [hbm:s5], s20  }
0x9e: {  	_ =	swait.ge [sflag:s22], s20  }
0x9f: {  	s4 =	ssub.s32 $0x0, s20;
	[sflag:s22] =	ssyncset.done $0x0  }
0xa0: {  	[sflag:s22] =	ssyncadd.s32 s4;
	_ =	sdelay $0x1  }
0xa1: {  	s23 =	simm.s32 $0x1B8B  }
0xa2: {  	_ =	swait.ge [sflag:s23], $0x1  }
0xa3: {  	[sflag:s23] =	ssyncset.done $0x0  }
0xa4: {  	s25 =	simm.s32 $0x1B8E;
	s24 =	sld [smem:$0x3FFE];
	[sflag:s23] =	ssyncadd.s32 $0xFFFFFFFF  }
0xa5: {  	s26 =	simm.s32 $execute0_lowered;
	[smem:$0x3FD2] =	sst s25  }
0xa6: {  	s5 =	sshll.u32 s26, $0x1;
	_ =	strace $0x80000046;
	[dreg:$0x1] =	wrdreg $0xFFFFFFFF  }
0xa7: {  	s28 =	simm.s32 $_size_execute0_lowered;
	s3 =	sadd.s32 s3, s5;
	[dreg:$0x0] =	wrdreg $0x0  }
0xa8: {  	s5 =	sshll.u32 s28, $0x1;
	[dreg:$0x2] =	wrdreg s3  }
0xa9: {  	[dreg:$0x3] =	wrdreg s5  }
0xaa: {  	[dreg:$0x4] =	wrdreg $0xC0  }
0xab: {  	_ =	task [dreg:s7], $0x5FFFF  }
0xac: {  	[dreg:$0x1] =	wrdreg $0xFFFFFFFF  }
0xad: {  	[dreg:$0x0] =	wrdreg $0x60  }
0xae: {  	[dreg:$0x2] =	wrdreg s2  }
0xaf: {  	[dreg:$0x3] =	wrdreg s24  }
0xb0: {  	[dreg:$0x4] =	wrdreg $0x28800  }
0xb1: {  	[dreg:$0x5] =	wrdreg $0x9  }
0xb2: {  	_ =	task.clear_ibuf [dreg:s7], $0x6FFFF;
	_ =	strace $0x90000046  }
0xb3: {  	s29 =	simm.s32 $0x9;
	_ =	strace $0x80000048  }
0xb4: {  	_ =	swait.ge [sflag:s29], $0x1  }
0xb5: {  	[sflag:s29] =	ssyncadd.s32 $0xFFFFFFFF  }
0xb6: {  	_ =	strace $0x90000048  }
0xb7: {  	_ =	sfence  }
0xb8: {  	s30 =	sld [smem:$0x0];
	_ =	sdelay $0x2  }
0xb9: {  	s31 =	sshll.u32 s1, $0xD;
	s1 =	sshrl.u32 s1, $0x2  }
0xba: {  	s3 =	sand.u32 $0x4000, s31;
	s1 =	sadd.s32 s1, s30  }
0xbb: {  	s0 =	sor.u32 s3, s0;
	s1 =	sshll.u32 s1, $0x11  }
0xbc: {  	s0 =	sor.u32 s1, s0  }
0xbd: {  	s0 =	sadd.s32 $0x8F2B, s0  }
0xbe: {  	[sflag:s0] =	ssyncadd.remote.s32 $0x1  }
0xbf: {  	_ =	sfence.sel $0xFFFF  }
0xc0: {  	[dreg:$0x0] =	wrdreg $0xFFFFFFFF;
	(pc) =	sbr.abs _section_cstart, $3  }
0xc1: {  	[dreg:$0x1] =	wrdreg $0xFFFFFFFF  }
0xc2: {  	_ =	task.clear_ibuf [dreg:s7], $0x2FFFF;
	_ =	strace $0x9FFFFFFF  }
0xc3: {  	(tm) =	ssettm $0x7FFFFFFF  }
tec
execute0_lowered:
.L_overlay_start_1:
0x0: {  	(tag) =	ssettag $0x1  }
0x1: {  	s9 =	rddreg [dreg:$0x0]  }
0x2: {  	s5 =	rddreg [dreg:$0x1];
	s1 =	srdreg.scid  }
0x3: {  	s0 =	stileid.u32;
	s2 =	rddreg [dreg:$0x2];
	s3 =	simm.s32 $0x0  }
0x4: {  	s15 =	simm.s32 $0x2;
	s16 =	simm.s32 $0x20;
	s17 =	simm.s32 $0x10  }
0x5: {  	s6 =	sand.u32 $0x1, s1;
	s4 =	smul.u32 $0x500, s0;
	s1 =	rddreg [dreg:$0x3]  }
0x6: {  	s18 =	simm.s32 $0x0;
	[smem:$0x7FF] =	sst s3;
	s8 =	smul.u32 $0xA00, s0  }
0x7: {  	s11 =	smul.u32 $0x4E00, s0;
	s12 =	sshll.u32 s0, $0x6;
	p0 =	sgt.u32 s0, $0x1  }
0x8: {  	s7 =	sshll.u32 s6, $0x7;
	_ =	strace $0x80000047;
	s30 =	ssub.s32 $0x2, s6  }
0x9: {  	s13 =	sshll.u32 s6, $0x5;
	s6 =	smul.u32 $0x2700, s6;
	s4 =	sor.u32 s7, s4  }
0xa: {  	s10 =	sshrl.u32 s30, $0x1;
	s8 =	sshrl.u32 s8, $0x2;
	s31 =	sor.u32 s13, s12  }
0xb: {  	s13 =	simm.s32 $0x80;
	s7 =	sshrl.u32 s4, $0x3;
	s4 =	sadd.s32 $0x2A00, s5  }
0xc: {  	s10 =	ssub.s32 s30, s10;
	s14 =	sadd.s32 s8, s2;
	s8 =	sadd.s32 s31, s9  }
0xd: {  	s11 =	sadd.s32 s6, s11;
	s7 =	sadd.s32 s7, s5;
	s5 =	sor.u32 $0x1C03, s12  }
0xe: {  	s6 =	sadd.s32 $0x13810, s8;
	s11 =	sshrl.u32 s11, $0x2;
	s8 =	smax.u32 s10, $0x1  }
0xf: {  	s10 =	sshrl.u32 s14, $0x3;
	s12 =	simm.s32 $0x1;
	s14 =	simm.s32 $0x2800  }
0x10: {  	v0 =	vimm.f32 $1.000000000e+00;
	s7 =	sadd.s32 $0x7A00, s7;
	s9 =	sadd.s32 s11, s9;
	s11 =	simm.s32 $0x3  }
.LBB2_1:
0x11: {  	[spmem:s10], [sflag:s5] =	dma.local [hbm:s4], $0x50  }
0x12: {  	_ =	swait.ge [sflag:s11], $0x50  }
0x13: {  	s19 =	simm.s32 $0x30;
	s22 =	sadd.s32 $0x10, s9;
	[sflag:s11] =	ssyncset.done $0x0  }
0x14: {  	s20 =	simm.s32 $0x80;
	s21 =	simm.s32 $0x0;
	[sflag:s11] =	ssyncadd.s32 $0xFFFFFFB0  }
.LBB2_2:
0x15: {  	[tilespmem:s21], [sflag:$0x1] =	stream.linear.gather [hbm4b:s22+s3], $0x80, $0x38;
	[tilespmem:$0x2B00] =	vst v63  }
0x16: {  	s22 =	smov.u32 s19;
	s21 =	smov.u32 s20;
	p1 =	sne.s32 s19, $0x9B0  }
.Ltmp0:
0x17: {  	s19 =	sadd.s32 $0x20, s19;
	(pc) =	sbr.rel @p1 .LBB2_2-.Ltmp0, $2  }
0x18: {  	_ =	sdelay $0x2  }
0x19: {  	s20 =	sadd.s32 $0x80, s20;
	s22 =	sadd.s32 s22, s9  }
0x1a: {  	[tilespmem:s21], [sflag:$0x1] =	stream.linear.gather [hbm4b:s22+s3], $0x80, $0x38;
	[tilespmem:$0x2B00] =	vst v63  }
0x1b: {  	s19 =	simm.s32 @!p0 $0x0;
	s20 =	simm.s32 @!p0 $0x2700  }
0x1c: {  	[tilespmem:s20], [sflag:$0x1] =	stream.linear.gather @!p0 [hbm4b:s6+s19], $0x80, $0x38;
	[tilespmem:$0x2B00] =	vst v63  }
0x1d: {  	_ =	swait.ge [sflag:s12], $0x80  }
0x1e: {  	s19 =	simm.s32 $0x4D;
	[sflag:s12] =	ssyncset.done $0x0  }
.LBB2_4:
0x1f: {  	p1 =	sne.s32 s19, $0x1;
	s19 =	sadd.s32 $0xFFFFFFFF, s19;
	[sflag:s12] =	ssyncadd.s32 $0xFFFFFF80  }
.Ltmp1:
0x20: {  	(pc) =	sbr.rel @p1 .LBB2_4-.Ltmp1, $3  }
0x21: {  	_ =	sdelay $0x1  }
0x22: {  	_ =	swait.ge [sflag:s12], $0x80  }
0x23: {  	[sflag:s12] =	ssyncset.done $0x0  }
0x24: {  	[sflag:s12] =	ssyncadd.s32 $0xFFFFFF80;
	s19 =	simm.s32 @!p0 $0x1  }
0x25: {  	_ =	swait.ge @!p0 [sflag:s19], $0x80  }
0x26: {  	[sflag:s19] =	ssyncset.done @!p0 $0x0  }
0x27: {  	[sflag:s19] =	ssyncadd.s32 @!p0 $0xFFFFFF80  }
0x28: {  	[tilespmem:$0x2800] =	vst v0  }
0x29: {  	[tilespmem:$0x2810] =	vst v0  }
0x2a: {  	[tilespmem:$0x2820] =	vst v0  }
0x2b: {  	[tilespmem:$0x2830] =	vst v0  }
0x2c: {  	[tilespmem:$0x2840] =	vst v0  }
0x2d: {  	[tilespmem:$0x2850] =	vst v0  }
0x2e: {  	[tilespmem:$0x2860] =	vst v0  }
0x2f: {  	[tilespmem:$0x2870] =	vst v0  }
0x30: {  	s20 =	simm.s32 $0x0;
	s19 =	simm.s32 $0x200;
	[bflag:$0x0] =	sbarrier.arrive $0xFFFF  }
.LBB2_6:
0x31: {  	[spmem:s2] =	stream.indirect.scatter.add.f32 [tilespmem:s14], [sflag:$0x2], $0x1, s20, s13, $0xb8;
	[tilespmem:$0x2B00] =	vst v63  }
0x32: {  	s20 =	smov.u32 s19;
	p1 =	sne.s32 s19, $0x9A00  }
.Ltmp2:
0x33: {  	s19 =	sadd.s32 $0x200, s19;
	(pc) =	sbr.rel @p1 .LBB2_6-.Ltmp2, $2  }
0x34: {  	_ =	sdelay $0x2  }
0x35: {  	s20 =	sshra.s32 s20, $0x2  }
0x36: {  	[spmem:s2] =	stream.indirect.scatter.add.f32 [tilespmem:s14], [sflag:$0x2], $0x1, s20, s13, $0xb8;
	[tilespmem:$0x2B00] =	vst v63  }
0x37: {  	s19 =	simm.s32 @!p0 $0x80;
	s20 =	simm.s32 @!p0 $0x2700;
	s21 =	simm.s32 @!p0 $0x2800  }
0x38: {  	[spmem:s2] =	stream.indirect.scatter.add.f32 @!p0 [tilespmem:s21], [sflag:$0x2], $0x1, s20, s19, $0xb8;
	[tilespmem:$0x2B00] =	vst v63  }
0x39: {  	_ =	swait.ge [sflag:s15], $0x80  }
0x3a: {  	s19 =	simm.s32 $0x4D;
	[sflag:s15] =	ssyncset.done $0x0  }
.LBB2_8:
0x3b: {  	p1 =	sne.s32 s19, $0x1;
	s19 =	sadd.s32 $0xFFFFFFFF, s19;
	[sflag:s15] =	ssyncadd.s32 $0xFFFFFF80  }
.Ltmp3:
0x3c: {  	(pc) =	sbr.rel @p1 .LBB2_8-.Ltmp3, $3  }
0x3d: {  	_ =	sdelay $0x1  }
0x3e: {  	_ =	swait.ge [sflag:s15], $0x80  }
0x3f: {  	[sflag:s15] =	ssyncset.done $0x0  }
0x40: {  	[sflag:s15] =	ssyncadd.s32 $0xFFFFFF80;
	s19 =	simm.s32 @!p0 $0x2  }
0x41: {  	_ =	swait.ge @!p0 [sflag:s19], $0x80  }
0x42: {  	s18 =	sadd.s32 $0x1, s18;
	[sflag:s19] =	ssyncset.done @!p0 $0x0  }
0x43: {  	p1 =	sne.s32 s18, s8;
	[sflag:s19] =	ssyncadd.s32 @!p0 $0xFFFFFF80  }
.Ltmp4:
0x44: {  	[bflag:$0x0] =	sbarrier.arrive $0xFFFF;
	(pc) =	sbr.rel @p1 .LBB2_1-.Ltmp4, $4  }
0x45: {  	[hbm:s7@s16], [sflag:s5] =	dma.strided [spmem:s10@s17], $0x50, s12, $0x10   }
0x46: {  	_ =	swait.ge [sflag:s11], $0x50  }
0x47: {  	[sflag:s11] =	ssyncset.done $0x0  }
0x48: {  	[sflag:s11] =	ssyncadd.s32 $0xFFFFFFB0  }
0x49: {  	_ =	sfence.sel $0x180000  }
0x4a: {  	[bflag:$0x0] =	sbarrier.arrive $0xFFFF  }
0x4b: {  	p0 =	sne.s32 s0, $0x0;
	_ =	strace $0x90000047  }
0x4c: {  	s0 =	sadd.s32 @!p0 $0x100000, s1;
	[bflag:$0x2] =	sbarrier.arrive $0xFFFF  }
0x4d: {  	[sflag:s0] =	ssyncadd.tile.s32 @!p0 $0x1;
	_ =	shalt  }
.Lfunc_end2:
_tile_overlayer_lowered:
.L_overlay_start_2:
0x4e: {  	(tag) =	ssettag $0x2  }
0x4f: {  	s0 =	rddreg [dreg:$0x0];
	s2 =	stileid.u32  }
0x50: {  	s1 =	rddreg [dreg:$0x1];
	p0 =	sne.s32 s2, $0x0  }
0x51: {  	s3 =	rddreg [dreg:$0x2];
	[bflag:$0x3] =	sbarrier.arrive $0xFFFF;
	s2 =	simm.s32 @!p0 $0x1C03  }
0x52: {  	[timem:s3], [sflag:s2] =	dma.local @!p0 [hbm:s0], s1  }
0x53: {  	s0 =	simm.s32 @!p0 $0x3  }
0x54: {  	_ =	swait.ge @!p0 [sflag:s0], s1  }
0x55: {  	s1 =	ssub.s32 @!p0 $0x0, s1;
	[sflag:s0] =	ssyncset.done @!p0 $0x0  }
0x56: {  	[sflag:s0] =	ssyncadd.s32 @!p0 s1  }
0x57: {  	[bflag:$0x3] =	sbarrier.arrive $0xFFFF  }
0x58: {  	_ =	shalt  }

// kernel: kernel.13.cloned.1.call-start
scs
__scs_entry_jumppad:
0x0: {  	(pc) =	sbr.rel $0x88, $3  }
0x1: {  	(tag) =	ssettag $0x0;
	lr =	simm.s32 $0x1  }
0x2: {  	[smem:$0x3F9B] =	sst lr;
	_ =	strace $0xD0000000  }
0x3: {  	_ = 	snop  }
0x4: {  	_ = 	snop  }
0x5: {  	_ = 	snop  }
0x6: {  	_ = 	snop  }
0x7: {  	_ = 	snop  }
__scs_overlays_trampoline_lowered:
0x8: {  	[smem:$0x3FAA] =	sst s0  }
0x9: {  	[smem:$0x3FAB] =	sst s1  }
0xa: {  	[smem:$0x3FAC] =	sst s2  }
0xb: {  	[smem:$0x3FAD] =	sst s3  }
0xc: {  	[smem:$0x3FAE] =	sst s4  }
0xd: {  	[smem:$0x3FAF] =	sst s5  }
0xe: {  	[smem:$0x3FB0] =	sst s6  }
0xf: {  	[smem:$0x3FB1] =	sst s7  }
0x10: {  	[smem:$0x3FB2] =	sst s8  }
0x11: {  	[smem:$0x3FB3] =	sst s9;
	s0 =	simm.s32 @!p0 $0x0  }
0x12: {  	s1 =	sld [smem:$0x3F99];
	s0 =	simm.s32 @p0 $0x1  }
0x13: {  	[smem:$0x3FB4] =	sst s0;
	s0 =	simm.s32 @!p1 $0x0  }
0x14: {  	s2 =	sld [smem:$0x3F98];
	s0 =	simm.s32 @p1 $0x1  }
0x15: {  	[smem:$0x3FB5] =	sst s0;
	s0 =	simm.s32 @!p2 $0x0  }
0x16: {  	s3 =	sld [smem:$0x3FDB];
	s0 =	simm.s32 @p2 $0x1  }
0x17: {  	s4 =	simm.s32 $0x1BF5;
	[smem:$0x3FB7] =	sst s0  }
0x18: {  	s0 =	sld [smem:$0x3F9A];
	_ =	swait.ge [sflag:s4], $0x0  }
0x19: {  	s7 =	sld [smem:$0x3F9B]  }
0x1a: {  	s8 =	sadd.s32 $0xFFFFE003, lr  }
0x1b: {  	s9 =	sadd.s32 $0xFFFFFEF7, lr;
	s5 =	simm.s32 $0xFFFFFFFF;
	p2 =	slt.u32 s8, $0xFFFFF086  }
0x1c: {  	p1 =	slt.u32 s9, $0xF7A;
	s5 =	simm.s32 @!p2 $0x0  }
0x1d: {  	s5 =	simm.s32 @p1 $0x1;
	p0 =	seq.s32 s7, s2  }
0x1e: {  	s7 =	smul.u32 @!p0 $0xF7A, s2;
	p2 =	seq.s32 @!p0 s5, $0x0  }
0x1f: {  	s9 =	smul.u32 $0xF7A, s1;
	s8 =	simm.s32 @!p0 $0x1BF5;
	p2 =	por !p2, p0  }
0x20: {  	[sflag:s8] =	ssyncset.s32 @!p0 $0xFFFFF086;
	s6 =	sadd.s32 @!p0 s3, s7;
	s7 =	simm.s32 @!p0 $0x108  }
0x21: {  	s3 =	sadd.s32 s3, s9;
	s6 =	sadd.s32 @!p0 $0x88, s6;
	s7 =	simm.s32 @p2 $0x1082  }
0x22: {  	[simem:s7], [sflag:s8] =	dma.local @!p0 [hbm:s6], $0xF7A  }
0x23: {  	s9 =	sor.u32 $0xD0000000, s2;
	s6 =	simm.s32 $0x108;
	_ =	swait.ge @!p0 [sflag:s8], $0x0  }
0x24: {  	s3 =	sadd.s32 $0x88, s3;
	s6 =	simm.s32 @!p1 $0x1082;
	[sflag:s4] =	ssyncset.s32 $0xFFFFF086  }
0x25: {  	[simem:s6], [sflag:s4] =	dma.local [hbm:s3], $0xF7A  }
0x26: {  	[smem:$0x3F9B] =	sst s1;
	(tag) =	ssettag s2;
	_ =	strace s9  }
0x27: {  	s1 =	sld [smem:$0x3FAB]  }
0x28: {  	s2 =	sld [smem:$0x3FAC]  }
0x29: {  	s4 =	sld [smem:$0x3FAE]  }
0x2a: {  	p0 =	seq.s32 s5, $0x0;
	s5 =	sld [smem:$0x3FAF]  }
0x2b: {  	s6 =	sld [smem:$0x3FB0]  }
0x2c: {  	s7 =	sld [smem:$0x3FB1]  }
0x2d: {  	s3 =	simm.s32 $0x108;
	s8 =	sld [smem:$0x3FB2]  }
0x2e: {  	s3 =	simm.s32 @!p0 $0x1082;
	s9 =	sld [smem:$0x3FB3]  }
0x2f: {  	lr =	sadd.s32 s0, s3;
	s0 =	sld [smem:$0x3FAA]  }
0x30: {  	s3 =	sld [smem:$0x3FAD]  }
0x31: {  	[smem:$0x3FB6] =	sst s10  }
0x32: {  	s10 =	sld [smem:$0x3FB4];
	_ =	sdelay $0x3  }
0x33: {  	p0 =	seq.s32 s10, $0x1;
	s10 =	sld [smem:$0x3FB6];
	_ =	sdelay $0x3  }
0x34: {  	[smem:$0x3FB6] =	sst s10  }
0x35: {  	s10 =	sld [smem:$0x3FB5];
	_ =	sdelay $0x3  }
0x36: {  	p1 =	seq.s32 s10, $0x1;
	s10 =	sld [smem:$0x3FB6];
	_ =	sdelay $0x3  }
0x37: {  	[smem:$0x3FB6] =	sst s10  }
0x38: {  	s10 =	sld [smem:$0x3FB7]  }
0x39: {  	_ = 	snop;
	(pc) =	sbr.ind lr, $3  }
0x3a: {  	_ = 	snop  }
0x3b: {  	_ = 	snop  }
0x3c: {  	p2 =	seq.s32 s10, $0x1;
	s10 =	sld [smem:$0x3FB6]  }
0x3d: {  	_ =	shalt  }
0x3e: {  	_ =	shalt  }
0x3f: {  	_ =	shalt  }
0x40: {  	_ =	shalt  }
0x41: {  	_ =	shalt  }
0x42: {  	_ =	shalt  }
0x43: {  	_ =	shalt  }
0x44: {  	_ =	shalt  }
0x45: {  	_ =	shalt  }
0x46: {  	_ =	shalt  }
0x47: {  	_ =	shalt  }
0x48: {  	_ =	shalt  }
0x49: {  	_ =	shalt  }
0x4a: {  	_ =	shalt  }
0x4b: {  	_ =	shalt  }
0x4c: {  	_ =	shalt  }
0x4d: {  	_ =	shalt  }
0x4e: {  	_ =	shalt  }
0x4f: {  	_ =	shalt  }
0x50: {  	_ =	shalt  }
0x51: {  	_ =	shalt  }
0x52: {  	_ =	shalt  }
0x53: {  	_ =	shalt  }
0x54: {  	_ =	shalt  }
0x55: {  	_ =	shalt  }
0x56: {  	_ =	shalt  }
0x57: {  	_ =	shalt  }
0x58: {  	_ =	shalt  }
0x59: {  	_ =	shalt  }
0x5a: {  	_ =	shalt  }
0x5b: {  	_ =	shalt  }
0x5c: {  	_ =	shalt  }
0x5d: {  	_ =	shalt  }
0x5e: {  	_ =	shalt  }
0x5f: {  	_ =	shalt  }
0x60: {  	_ =	shalt  }
0x61: {  	_ =	shalt  }
0x62: {  	_ =	shalt  }
0x63: {  	_ =	shalt  }
0x64: {  	_ =	shalt  }
0x65: {  	_ =	shalt  }
0x66: {  	_ =	shalt  }
0x67: {  	_ =	shalt  }
0x68: {  	_ =	shalt  }
0x69: {  	_ =	shalt  }
0x6a: {  	_ =	shalt  }
0x6b: {  	_ =	shalt  }
0x6c: {  	_ =	shalt  }
0x6d: {  	_ =	shalt  }
0x6e: {  	_ =	shalt  }
0x6f: {  	_ =	shalt  }
0x70: {  	_ =	shalt  }
0x71: {  	_ =	shalt  }
0x72: {  	_ =	shalt  }
0x73: {  	_ =	shalt  }
0x74: {  	_ =	shalt  }
0x75: {  	_ =	shalt  }
0x76: {  	_ =	shalt  }
0x77: {  	_ =	shalt  }
0x78: {  	_ =	shalt  }
0x79: {  	_ =	shalt  }
0x7a: {  	_ =	shalt  }
0x7b: {  	_ =	shalt  }
0x7c: {  	_ =	shalt  }
0x7d: {  	_ =	shalt  }
0x7e: {  	_ =	shalt  }
0x7f: {  	_ =	shalt  }
0x80: {  	_ =	shalt  }
0x81: {  	_ =	shalt  }
0x82: {  	_ =	shalt  }
0x83: {  	_ =	shalt  }
0x84: {  	_ =	shalt  }
0x85: {  	_ =	shalt  }
0x86: {  	_ =	shalt  }
0x87: {  	_ =	shalt  }
.Lfunc_end0:
.L_simem_size_0:
called_computation.1_lowered:
.L_overlay_start_0:
0x88: {  	s2 =	sld [smem:$0x3FD9]  }
0x89: {  	s3 =	sld [smem:$0x3FFE];
	_ =	sdelay $0x1  }
0x8a: {  	s1 =	srdreg.scid  }
0x8b: {  	s0 =	sand.u32 $0x1, s1  }
0x8c: {  	s17 =	sshll.u32 s0, $0xA;
	s2 =	sadd.s32 s3, s2  }
0x8d: {  	s2 =	sadd.s32 s2, s17  }
0x8e: {  	[smem:$0x3FC2] =	sst s2  }
0x8f: {  	_ = 	snop  }
0x90: {  	s2 =	sld [smem:$0x3FD0];
	(tm) =	ssettm $0x1  }
0x91: {  	s18 =	sld [smem:$0x3FFB];
	_ =	sdelay $0x3  }
0x92: {  	_ =	strace s18  }
0x93: {  	s3 =	sld [smem:$0x3FFC];
	_ =	sdelay $0x3  }
0x94: {  	_ =	strace s3  }
0x95: {  	s3 =	sld [smem:$0x3FFD];
	_ =	sdelay $0x3  }
0x96: {  	_ =	strace s3  }
0x97: {  	_ =	strace $0x8FFFFFFF  }
0x98: {  	s19 =	sld [smem:$0x3FDB];
	_ =	sdelay $0x1  }
0x99: {  	s4 =	simm.s32 $_scs_section_size  }
0x9a: {  	s5 =	simm.s32 $_size__tile_overlayer_lowered;
	s6 =	simm.s32 $_tile_overlayer_lowered  }
0x9b: {  	s22 =	simm.s32 $0x1BFF;
	s21 =	sshll.u32 s6, $0x1;
	s3 =	sadd.s32 s4, s19  }
0x9c: {  	s7 =	simm.s32 $0x0;
	s20 =	sshll.u32 s5, $0x1;
	s5 =	sadd.s32 s21, s3  }
0x9d: {  	[timem:s7], [sflag:s22] =	dma.local [hbm:s5], s20  }
0x9e: {  	_ =	swait.ge [sflag:s22], s20  }
0x9f: {  	s4 =	ssub.s32 $0x0, s20;
	[sflag:s22] =	ssyncset.done $0x0  }
0xa0: {  	[sflag:s22] =	ssyncadd.s32 s4;
	_ =	sdelay $0x1  }
0xa1: {  	s23 =	simm.s32 $0x1B8B  }
0xa2: {  	_ =	swait.ge [sflag:s23], $0x1  }
0xa3: {  	[sflag:s23] =	ssyncset.done $0x0  }
0xa4: {  	s25 =	simm.s32 $0x1B8E;
	s24 =	sld [smem:$0x3FFE];
	[sflag:s23] =	ssyncadd.s32 $0xFFFFFFFF  }
0xa5: {  	s26 =	simm.s32 $execute0_lowered;
	[smem:$0x3FD2] =	sst s25  }
0xa6: {  	s5 =	sshll.u32 s26, $0x1;
	_ =	strace $0x80000049;
	[dreg:$0x1] =	wrdreg $0xFFFFFFFF  }
0xa7: {  	s28 =	simm.s32 $_size_execute0_lowered;
	s3 =	sadd.s32 s3, s5;
	[dreg:$0x0] =	wrdreg $0x0  }
0xa8: {  	s5 =	sshll.u32 s28, $0x1;
	[dreg:$0x2] =	wrdreg s3  }
0xa9: {  	[dreg:$0x3] =	wrdreg s5  }
0xaa: {  	[dreg:$0x4] =	wrdreg $0xC0  }
0xab: {  	_ =	task [dreg:s7], $0x5FFFF  }
0xac: {  	[dreg:$0x1] =	wrdreg $0xFFFFFFFF  }
0xad: {  	[dreg:$0x0] =	wrdreg $0x60  }
0xae: {  	[dreg:$0x2] =	wrdreg s24  }
0xaf: {  	[dreg:$0x3] =	wrdreg s2  }
0xb0: {  	[dreg:$0x4] =	wrdreg $0xB7000  }
0xb1: {  	[dreg:$0x5] =	wrdreg $0x9  }
0xb2: {  	_ =	task.clear_ibuf [dreg:s7], $0x6FFFF;
	_ =	strace $0x90000049  }
0xb3: {  	s29 =	simm.s32 $0x9;
	_ =	strace $0x8000004B  }
0xb4: {  	_ =	swait.ge [sflag:s29], $0x1  }
0xb5: {  	[sflag:s29] =	ssyncadd.s32 $0xFFFFFFFF  }
0xb6: {  	_ =	strace $0x9000004B  }
0xb7: {  	_ =	sfence  }
0xb8: {  	s30 =	sld [smem:$0x0];
	_ =	sdelay $0x2  }
0xb9: {  	s31 =	sshll.u32 s1, $0xD;
	s1 =	sshrl.u32 s1, $0x2  }
0xba: {  	s3 =	sand.u32 $0x4000, s31;
	s1 =	sadd.s32 s1, s30  }
0xbb: {  	s0 =	sor.u32 s3, s0;
	s1 =	sshll.u32 s1, $0x11  }
0xbc: {  	s0 =	sor.u32 s1, s0  }
0xbd: {  	s0 =	sadd.s32 $0x8F2B, s0  }
0xbe: {  	[sflag:s0] =	ssyncadd.remote.s32 $0x1  }
0xbf: {  	_ =	sfence.sel $0xFFFF  }
0xc0: {  	[dreg:$0x0] =	wrdreg $0xFFFFFFFF;
	(pc) =	sbr.abs _section_cstart, $3  }
0xc1: {  	[dreg:$0x1] =	wrdreg $0xFFFFFFFF  }
0xc2: {  	_ =	task.clear_ibuf [dreg:s7], $0x2FFFF;
	_ =	strace $0x9FFFFFFF  }
0xc3: {  	(tm) =	ssettm $0x7FFFFFFF  }
tec
execute0_lowered:
.L_overlay_start_1:
0x0: {  	(tag) =	ssettag $0x1  }
0x1: {  	s0 =	rddreg [dreg:$0x0]  }
0x2: {  	s1 =	rddreg [dreg:$0x1]  }
0x3: {  	s2 =	rddreg [dreg:$0x2]  }
0x4: {  	s13 =	stileid.u32;
	s4 =	srdreg.scid;
	s3 =	simm.s32 $0x0  }
0x5: {  	s22 =	simm.s32 $0x1C;
	s15 =	simm.s32 $0x1;
	s16 =	simm.s32 $0x80  }
0x6: {  	s19 =	simm.s32 $0x5;
	s21 =	simm.s32 $0x11;
	s28 =	simm.s32 $0x13  }
0x7: {  	s14 =	simm.s32 $0x1A;
	s23 =	simm.s32 $0x0;
	s5 =	smul.u32 $0x2800, s13  }
0x8: {  	s6 =	sand.u32 $0x1, s4;
	[smem:$0x7FF] =	sst s3;
	s4 =	sadd.s32 $0x7A00, s0  }
0x9: {  	s25 =	sshll.u32 s13, $0x5;
	s11 =	smul.u32 $0x4E00, s13;
	s29 =	sshll.u32 s13, $0x6  }
0xa: {  	p0 =	sgt.u32 s13, $0x1;
	s13 =	simm.s32 $0xE;
	s7 =	smul.u32 $0x28000, s6  }
0xb: {  	_ =	strace $0x8000004A;
	s8 =	ssub.s32 $0x2, s6;
	s26 =	sshll.u32 s6, $0x4  }
0xc: {  	s6 =	smul.u32 $0x2700, s6;
	s18 =	sor.u32 $0x1C1C, s29;
	s9 =	sshrl.u32 s5, $0x3  }
0xd: {  	s10 =	sshrl.u32 s8, $0x1;
	[dreg:$0x5] =	wrdreg s18;
	s7 =	sadd.s32 s5, s7  }
0xe: {  	s9 =	sadd.s32 s9, s0;
	s24 =	ssub.s32 s8, s10;
	s5 =	sadd.s32 s5, s2  }
0xf: {  	s8 =	sor.u32 s26, s25;
	s6 =	sadd.s32 s6, s11;
	s25 =	simm.s32 $0xA700  }
0x10: {  	s10 =	simm.s32 $0xD;
	s7 =	sshrl.u32 s7, $0x3;
	s9 =	sadd.s32 $0x2A00, s9  }
0x11: {  	s8 =	sadd.s32 s8, s1;
	s31 =	sadd.s32 $0x4E200, s6;
	s6 =	sshrl.u32 s6, $0x3  }
0x12: {  	s20 =	sshrl.u32 s5, $0x3;
	s5 =	simm.s32 $0x9;
	s0 =	sadd.s32 s7, s0  }
0x13: {  	[dreg:$0x4] =	wrdreg s9;
	s30 =	sadd.s32 $0x9C00, s8;
	s8 =	sadd.s32 $0x13840, s8  }
0x14: {  	s7 =	smax.u32 s24, $0x1;
	s11 =	sadd.s32 s6, s1;
	[dreg:$0xa] =	wrdreg s20  }
.Ltmp0:
0x15: {  	s24 =	simm.s32 $0x7;
	[dreg:$0x6] =	wrdreg s30;
	(pc) =	sbr.rel .LBB2_1-.Ltmp0, $4  }
0x16: {  	s9 =	simm.s32 $0x17;
	s6 =	simm.s32 $0x19;
	[dreg:$0x7] =	wrdreg s8  }
0x17: {  	s0 =	sadd.s32 $0xCA00, s0;
	[dreg:$0x9] =	wrdreg s7;
	s7 =	simm.s32 $0x15  }
0x18: {  	s8 =	simm.s32 $0xB;
	[dreg:$0x8] =	wrdreg s0;
	s0 =	sshrl.u32 s31, $0x3  }
0x19: {  	s12 =	sadd.s32 s0, s1;
	s0 =	simm.s32 $0x3;
	s1 =	simm.s32 $0xF  }
.LBB2_12:
0x1a: {  	_ =	swait.ge [sflag:s13], $0x800  }
0x1b: {  	[sflag:s13] =	ssyncset.done $0x0  }
0x1c: {  	s17 =	simm.s32 $0xAF00;
	[sflag:s13] =	ssyncadd.s32 $0xFFFFF800  }
0x1d: {  	[spmem:s2] =	stream.indirect.scatter.add.f32 [tilespmem:s17], [sflag:$0x1B], $0x10, s22, s16, $0xb8;
	[tilespmem:$0xDF00] =	vst v63  }
0x1e: {  	_ =	swait.ge [sflag:s14], $0x800  }
0x1f: {  	[sflag:s14] =	ssyncset.done $0x0  }
0x20: {  	s29 =	simm.s32 $0x1B;
	[sflag:s14] =	ssyncadd.s32 $0xFFFFF800  }
0x21: {  	_ =	swait.ge [sflag:s29], $0x800  }
0x22: {  	s18 =	simm.s32 @!p0 $0x2700;
	[sflag:s29] =	ssyncset.done $0x0  }
0x23: {  	s20 =	simm.s32 @!p0 $0x4F00;
	s17 =	simm.s32 @!p0 $0x80;
	[sflag:s29] =	ssyncadd.s32 $0xFFFFF800  }
0x24: {  	[tilespmem:s20], [sflag:$0x2] =	stream.indirect.gather @!p0 [hbm4b:s4+s17], $0x10, s18, s17, $0xb8;
	[tilespmem:$0xDF00] =	vst v63  }
0x25: {  	s18 =	simm.s32 @!p0 $0x2  }
0x26: {  	_ =	swait.ge @!p0 [sflag:s18], $0x800  }
0x27: {  	[sflag:s18] =	ssyncset.done @!p0 $0x0  }
0x28: {  	[sflag:s18] =	ssyncadd.s32 @!p0 $0xFFFFF800;
	s18 =	simm.s32 @!p0 $0x4E80  }
0x29: {  	[spmem:s2] =	stream.indirect.scatter.add.f32 @!p0 [tilespmem:s20], [sflag:$0x1C], $0x10, s18, s17, $0xb8;
	[tilespmem:$0xDF00] =	vst v63  }
0x2a: {  	s17 =	simm.s32 @!p0 $0x1C  }
0x2b: {  	_ =	swait.ge @!p0 [sflag:s17], $0x800  }
0x2c: {  	[sflag:s17] =	ssyncset.done @!p0 $0x0  }
0x2d: {  	[sflag:s17] =	ssyncadd.s32 @!p0 $0xFFFFF800  }
0x2e: {  	[bflag:$0x0] =	sbarrier.arrive $0xFFFF  }
0x2f: {  	s18 =	rddreg [dreg:$0x5]  }
0x30: {  	s30 =	rddreg [dreg:$0x8]  }
0x31: {  	s22 =	simm.s32 $0x1C;
	s20 =	rddreg [dreg:$0xa]  }
0x32: {  	[hbm:s30], [sflag:s18] =	dma.local [spmem:s20], $0x500  }
0x33: {  	_ =	swait.ge [sflag:s22], $0x500  }
0x34: {  	s23 =	rddreg [dreg:$0xb]  }
0x35: {  	s31 =	rddreg [dreg:$0x9];
	s23 =	sadd.s32 $0x1, s23  }
0x36: {  	p1 =	sne.s32 s23, s31  }
.Ltmp1:
0x37: {  	_ = 	snop;
	(pc) =	sbr.rel @!p1 .LBB2_13-.Ltmp1, $3  }
0x38: {  	_ =	sdelay $0x1  }
0x39: {  	[sflag:s22] =	ssyncset.done $0x0  }
0x3a: {  	[sflag:s22] =	ssyncadd.s32 $0xFFFFFB00  }
.LBB2_1:
0x3b: {  	[dreg:$0xb] =	wrdreg s23  }
0x3c: {  	s17 =	rddreg [dreg:$0x4]  }
0x3d: {  	[spmem:s20], [sflag:s18] =	dma.local [hbm:s17], $0x500  }
0x3e: {  	_ =	swait.ge [sflag:s22], $0x500  }
0x3f: {  	s23 =	sadd.s32 $0x0, s11;
	s17 =	simm.s32 $0x10;
	[sflag:s22] =	ssyncset.done $0x0  }
0x40: {  	s18 =	simm.s32 $0x80;
	[sflag:s22] =	ssyncadd.s32 $0xFFFFFB00;
	s22 =	simm.s32 $0x0  }
.LBB2_2:
0x41: {  	[tilespmem:s22], [sflag:$0x1] =	stream.linear.gather [hbm4b:s23+s3], $0x80, $0x38;
	[tilespmem:$0xDF00] =	vst v63  }
0x42: {  	s23 =	smov.u32 s17;
	s22 =	smov.u32 s18;
	p1 =	sne.s32 s17, $0x4D0  }
.Ltmp2:
0x43: {  	s17 =	sadd.s32 $0x10, s17;
	(pc) =	sbr.rel @p1 .LBB2_2-.Ltmp2, $2  }
0x44: {  	_ =	sdelay $0x2  }
0x45: {  	s18 =	sadd.s32 $0x80, s18;
	s23 =	sadd.s32 s23, s11  }
0x46: {  	[tilespmem:s22], [sflag:$0x1] =	stream.linear.gather [hbm4b:s23+s3], $0x80, $0x38;
	[tilespmem:$0xDF00] =	vst v63  }
0x47: {  	s17 =	simm.s32 @!p0 $0x0;
	s18 =	simm.s32 @!p0 $0x2700;
	s20 =	rddreg [dreg:$0x6]  }
0x48: {  	[tilespmem:s18], [sflag:$0x1] =	stream.linear.gather @!p0 [hbm4b:s20+s17], $0x80, $0x38;
	[tilespmem:$0xDF00] =	vst v63  }
0x49: {  	_ =	swait.ge [sflag:s15], $0x80  }
0x4a: {  	s17 =	simm.s32 $0x4D;
	[sflag:s15] =	ssyncset.done $0x0  }
.LBB2_4:
0x4b: {  	p1 =	sne.s32 s17, $0x1;
	s17 =	sadd.s32 $0xFFFFFFFF, s17;
	[sflag:s15] =	ssyncadd.s32 $0xFFFFFF80  }
.Ltmp3:
0x4c: {  	(pc) =	sbr.rel @p1 .LBB2_4-.Ltmp3, $3  }
0x4d: {  	_ =	sdelay $0x1  }
0x4e: {  	_ =	swait.ge [sflag:s15], $0x80  }
0x4f: {  	[sflag:s15] =	ssyncset.done $0x0  }
0x50: {  	[sflag:s15] =	ssyncadd.s32 $0xFFFFFF80;
	s17 =	simm.s32 @!p0 $0x1  }
0x51: {  	_ =	swait.ge @!p0 [sflag:s17], $0x80  }
0x52: {  	s18 =	simm.s32 $0x10;
	s23 =	sadd.s32 $0x0, s12;
	[sflag:s17] =	ssyncset.done @!p0 $0x0  }
0x53: {  	s22 =	simm.s32 $0x2800;
	[sflag:s17] =	ssyncadd.s32 @!p0 $0xFFFFFF80;
	s17 =	simm.s32 $0x2780  }
.LBB2_6:
0x54: {  	[tilespmem:s17], [sflag:$0x1] =	stream.linear.gather [hbm4b:s23+s3], $0x80, $0x38;
	[tilespmem:$0xDF00] =	vst v63  }
0x55: {  	s23 =	smov.u32 s18;
	s17 =	smov.u32 s22;
	p1 =	sne.s32 s18, $0x4D0  }
.Ltmp4:
0x56: {  	s18 =	sadd.s32 $0x10, s18;
	(pc) =	sbr.rel @p1 .LBB2_6-.Ltmp4, $2  }
0x57: {  	_ =	sdelay $0x2  }
0x58: {  	s22 =	sadd.s32 $0x80, s22;
	s23 =	sadd.s32 s23, s12  }
0x59: {  	[tilespmem:s17], [sflag:$0x1] =	stream.linear.gather [hbm4b:s23+s3], $0x80, $0x38;
	[tilespmem:$0xDF00] =	vst v63  }
0x5a: {  	s17 =	simm.s32 @!p0 $0x0;
	s18 =	simm.s32 @!p0 $0x4E80;
	s20 =	rddreg [dreg:$0x7]  }
0x5b: {  	[tilespmem:s18], [sflag:$0x1] =	stream.linear.gather @!p0 [hbm4b:s20+s17], $0x80, $0x38;
	[tilespmem:$0xDF00] =	vst v63  }
0x5c: {  	_ =	swait.ge [sflag:s15], $0x80  }
0x5d: {  	s17 =	simm.s32 $0x4D;
	[sflag:s15] =	ssyncset.done $0x0  }
.LBB2_8:
0x5e: {  	p1 =	sne.s32 s17, $0x1;
	s17 =	sadd.s32 $0xFFFFFFFF, s17;
	[sflag:s15] =	ssyncadd.s32 $0xFFFFFF80  }
.Ltmp5:
0x5f: {  	(pc) =	sbr.rel @p1 .LBB2_8-.Ltmp5, $3  }
0x60: {  	_ =	sdelay $0x1  }
0x61: {  	_ =	swait.ge [sflag:s15], $0x80  }
0x62: {  	[sflag:s15] =	ssyncset.done $0x0  }
0x63: {  	[sflag:s15] =	ssyncadd.s32 $0xFFFFFF80;
	s17 =	simm.s32 @!p0 $0x1  }
0x64: {  	_ =	swait.ge @!p0 [sflag:s17], $0x80  }
0x65: {  	[sflag:s17] =	ssyncset.done @!p0 $0x0  }
0x66: {  	[sflag:s17] =	ssyncadd.s32 @!p0 $0xFFFFFF80  }
0x67: {  	s18 =	simm.s32 $0x4F00;
	s17 =	simm.s32 $0x0;
	[bflag:$0x0] =	sbarrier.arrive $0xFFFF  }
0x68: {  	[tilespmem:s18], [sflag:$0x2] =	stream.indirect.gather [hbm4b:s4+s16], $0x10, s17, s16, $0xb8;
	[tilespmem:$0xDF00] =	vst v63  }
0x69: {  	s23 =	simm.s32 $0x5700  }
0x6a: {  	[tilespmem:s23], [sflag:$0x3] =	stream.indirect.gather [hbm4b:s4+s16], $0x10, s16, s16, $0xb8;
	[tilespmem:$0xDF00] =	vst v63  }
0x6b: {  	s26 =	simm.s32 $0x100;
	s20 =	simm.s32 $0x5F00  }
0x6c: {  	[tilespmem:s20], [sflag:$0x4] =	stream.indirect.gather [hbm4b:s4+s16], $0x10, s26, s16, $0xb8;
	[tilespmem:$0xDF00] =	vst v63  }
0x6d: {  	s29 =	simm.s32 $0x180;
	s31 =	simm.s32 $0x6700  }
0x6e: {  	[tilespmem:s31], [sflag:$0x5] =	stream.indirect.gather [hbm4b:s4+s16], $0x10, s29, s16, $0xb8;
	[tilespmem:$0xDF00] =	vst v63  }
0x6f: {  	s22 =	simm.s32 $0x6F00;
	s20 =	simm.s32 $0x200  }
0x70: {  	[tilespmem:s22], [sflag:$0x6] =	stream.indirect.gather [hbm4b:s4+s16], $0x10, s20, s16, $0xb8;
	[tilespmem:$0xDF00] =	vst v63  }
0x71: {  	s23 =	simm.s32 $0x280;
	s26 =	simm.s32 $0x7700  }
0x72: {  	[tilespmem:s26], [sflag:$0x7] =	stream.indirect.gather [hbm4b:s4+s16], $0x10, s23, s16, $0xb8;
	[tilespmem:$0xDF00] =	vst v63  }
0x73: {  	s29 =	simm.s32 $0x300;
	s31 =	simm.s32 $0x7F00  }
0x74: {  	[tilespmem:s31], [sflag:$0x8] =	stream.indirect.gather [hbm4b:s4+s16], $0x10, s29, s16, $0xb8;
	[tilespmem:$0xDF00] =	vst v63  }
0x75: {  	s20 =	simm.s32 $0x380;
	s22 =	simm.s32 $0x8700  }
0x76: {  	[tilespmem:s22], [sflag:$0x9] =	stream.indirect.gather [hbm4b:s4+s16], $0x10, s20, s16, $0xb8;
	[tilespmem:$0xDF00] =	vst v63  }
0x77: {  	s23 =	simm.s32 $0x400;
	s26 =	simm.s32 $0x8F00  }
0x78: {  	[tilespmem:s26], [sflag:$0xA] =	stream.indirect.gather [hbm4b:s4+s16], $0x10, s23, s16, $0xb8;
	[tilespmem:$0xDF00] =	vst v63  }
0x79: {  	s29 =	simm.s32 $0x480;
	s31 =	simm.s32 $0x9700  }
0x7a: {  	[tilespmem:s31], [sflag:$0xB] =	stream.indirect.gather [hbm4b:s4+s16], $0x10, s29, s16, $0xb8;
	[tilespmem:$0xDF00] =	vst v63  }
0x7b: {  	s22 =	simm.s32 $0x500;
	s23 =	simm.s32 $0x9F00  }
0x7c: {  	[tilespmem:s23], [sflag:$0xC] =	stream.indirect.gather [hbm4b:s4+s16], $0x10, s22, s16, $0xb8;
	[tilespmem:$0xDF00] =	vst v63  }
0x7d: {  	s26 =	simm.s32 $0x580  }
0x7e: {  	[tilespmem:s25], [sflag:$0xD] =	stream.indirect.gather [hbm4b:s4+s16], $0x10, s26, s16, $0xb8;
	[tilespmem:$0xDF00] =	vst v63  }
0x7f: {  	s30 =	simm.s32 $0xA700;
	s29 =	simm.s32 $0x600;
	s31 =	simm.s32 $0xAF00  }
0x80: {  	[tilespmem:s31], [sflag:$0xE] =	stream.indirect.gather [hbm4b:s4+s16], $0x10, s29, s16, $0xb8;
	[tilespmem:$0xDF00] =	vst v63  }
.LBB2_10:
0x81: {  	s20 =	simm.s32 $0x2  }
0x82: {  	_ =	swait.ge [sflag:s20], $0x800  }
0x83: {  	s18 =	sshra.s32 s17, $0x2;
	s25 =	simm.s32 $0x4F00;
	[sflag:s20] =	ssyncset.done $0x0  }
0x84: {  	p1 =	seq.s32 s17, $0x0;
	s22 =	sadd.s32 $0x2780, s18;
	[sflag:s20] =	ssyncadd.s32 $0xFFFFF800  }
0x85: {  	[spmem:s2] =	stream.indirect.scatter.add.f32 [tilespmem:s25], [sflag:$0xF], $0x10, s22, s16, $0xb8;
	[tilespmem:$0xDF00] =	vst v63  }
0x86: {  	s22 =	simm.s32 @!p1 $0x1B  }
0x87: {  	_ =	swait.ge @!p1 [sflag:s22], $0x800  }
0x88: {  	[sflag:s22] =	ssyncset.done @!p1 $0x0  }
0x89: {  	[sflag:s22] =	ssyncadd.s32 @!p1 $0xFFFFF800;
	s22 =	sshra.s32 @!p1 s17, $0x2  }
0x8a: {  	s23 =	simm.s32 @!p1 $0x80;
	s26 =	simm.s32 @!p1 $0xAF00;
	s22 =	sadd.s32 @!p1 $0x600, s22  }
0x8b: {  	[tilespmem:s26], [sflag:$0xE] =	stream.indirect.gather @!p1 [hbm4b:s4+s23], $0x10, s22, s23, $0xb8;
	[tilespmem:$0xDF00] =	vst v63  }
0x8c: {  	_ =	swait.ge [sflag:s0], $0x800  }
0x8d: {  	[sflag:s0] =	ssyncset.done $0x0  }
0x8e: {  	s29 =	simm.s32 $0x5700;
	s26 =	sadd.s32 $0x2800, s18;
	[sflag:s0] =	ssyncadd.s32 $0xFFFFF800  }
0x8f: {  	[spmem:s2] =	stream.indirect.scatter.add.f32 [tilespmem:s29], [sflag:$0x10], $0x10, s26, s16, $0xb8;
	[tilespmem:$0xDF00] =	vst v63  }
0x90: {  	_ =	swait.ge [sflag:s1], $0x800  }
0x91: {  	p1 =	seq.s32 s17, $0x8200;
	[sflag:s1] =	ssyncset.done $0x0  }
0x92: {  	s22 =	simm.s32 @p1 $0x4;
	[sflag:s1] =	ssyncadd.s32 $0xFFFFF800  }
0x93: {  	_ =	swait.ge @p1 [sflag:s22], $0x800  }
0x94: {  	s31 =	simm.s32 @p1 $0x80;
	s26 =	sshra.s32 @p1 s17, $0x2;
	[sflag:s22] =	ssyncset.done @p1 $0x0  }
0x95: {  	s23 =	simm.s32 @p1 $0x5F00;
	[sflag:s22] =	ssyncadd.s32 @p1 $0xFFFFF800;
	s22 =	sadd.s32 @p1 $0x2880, s26  }
0x96: {  	[spmem:s2] =	stream.indirect.scatter.add.f32 @p1 [tilespmem:s23], [sflag:$0x11], $0x10, s22, s31, $0xb8;
	[tilespmem:$0xDF00] =	vst v63  }
0x97: {  	s22 =	simm.s32 @p1 $0x10  }
0x98: {  	_ =	swait.ge @p1 [sflag:s22], $0x800  }
0x99: {  	[sflag:s22] =	ssyncset.done @p1 $0x0  }
0x9a: {  	[sflag:s22] =	ssyncadd.s32 @p1 $0xFFFFF800;
	s22 =	sshra.s32 @!p1 s17, $0x2  }
0x9b: {  	s29 =	simm.s32 @!p1 $0x4F00;
	s23 =	simm.s32 @!p1 $0x80;
	s20 =	sadd.s32 @!p1 $0x680, s22  }
0x9c: {  	[tilespmem:s29], [sflag:$0x2] =	stream.indirect.gather @!p1 [hbm4b:s4+s23], $0x10, s20, s23, $0xb8;
	[tilespmem:$0xDF00] =	vst v63  }
0x9d: {  	s20 =	simm.s32 @!p1 $0x4  }
0x9e: {  	_ =	swait.ge @!p1 [sflag:s20], $0x800  }
0x9f: {  	[sflag:s20] =	ssyncset.done @!p1 $0x0  }
0xa0: {  	s29 =	simm.s32 @!p1 $0x5F00;
	[sflag:s20] =	ssyncadd.s32 @!p1 $0xFFFFF800;
	s20 =	sadd.s32 @!p1 $0x2880, s22  }
0xa1: {  	[spmem:s2] =	stream.indirect.scatter.add.f32 @!p1 [tilespmem:s29], [sflag:$0x11], $0x10, s20, s23, $0xb8;
	[tilespmem:$0xDF00] =	vst v63  }
0xa2: {  	s20 =	simm.s32 @!p1 $0x10  }
0xa3: {  	_ =	swait.ge @!p1 [sflag:s20], $0x800  }
0xa4: {  	[sflag:s20] =	ssyncset.done @!p1 $0x0  }
0xa5: {  	s25 =	simm.s32 @!p1 $0x5700;
	[sflag:s20] =	ssyncadd.s32 @!p1 $0xFFFFF800;
	s20 =	sadd.s32 @!p1 $0x700, s22  }
0xa6: {  	[tilespmem:s25], [sflag:$0x3] =	stream.indirect.gather @!p1 [hbm4b:s4+s23], $0x10, s20, s23, $0xb8;
	[tilespmem:$0xDF00] =	vst v63  }
0xa7: {  	_ =	swait.ge [sflag:s19], $0x800  }
0xa8: {  	[sflag:s19] =	ssyncset.done $0x0  }
0xa9: {  	s20 =	sadd.s32 $0x2900, s18;
	s25 =	simm.s32 $0x6700;
	[sflag:s19] =	ssyncadd.s32 $0xFFFFF800  }
0xaa: {  	[spmem:s2] =	stream.indirect.scatter.add.f32 [tilespmem:s25], [sflag:$0x12], $0x10, s20, s16, $0xb8;
	[tilespmem:$0xDF00] =	vst v63  }
0xab: {  	_ =	swait.ge [sflag:s21], $0x800  }
0xac: {  	[sflag:s21] =	ssyncset.done $0x0  }
0xad: {  	s20 =	simm.s32 @p1 $0x6;
	[sflag:s21] =	ssyncadd.s32 $0xFFFFF800  }
0xae: {  	_ =	swait.ge @p1 [sflag:s20], $0x800  }
0xaf: {  	[sflag:s20] =	ssyncset.done @p1 $0x0  }
0xb0: {  	s25 =	simm.s32 @p1 $0x6F00;
	[sflag:s20] =	ssyncadd.s32 @p1 $0xFFFFF800;
	s20 =	sadd.s32 @p1 $0x2980, s26  }
0xb1: {  	[spmem:s2] =	stream.indirect.scatter.add.f32 @p1 [tilespmem:s25], [sflag:$0x13], $0x10, s20, s31, $0xb8;
	[tilespmem:$0xDF00] =	vst v63  }
0xb2: {  	s20 =	simm.s32 @p1 $0x12  }
0xb3: {  	_ =	swait.ge @p1 [sflag:s20], $0x800  }
0xb4: {  	[sflag:s20] =	ssyncset.done @p1 $0x0  }
0xb5: {  	[sflag:s20] =	ssyncadd.s32 @p1 $0xFFFFF800;
	s20 =	sadd.s32 @!p1 $0x780, s22  }
0xb6: {  	[tilespmem:s29], [sflag:$0x4] =	stream.indirect.gather @!p1 [hbm4b:s4+s23], $0x10, s20, s23, $0xb8;
	[tilespmem:$0xDF00] =	vst v63  }
0xb7: {  	s20 =	simm.s32 @!p1 $0x6  }
0xb8: {  	_ =	swait.ge @!p1 [sflag:s20], $0x800  }
0xb9: {  	[sflag:s20] =	ssyncset.done @!p1 $0x0  }
0xba: {  	s25 =	simm.s32 @!p1 $0x6F00;
	[sflag:s20] =	ssyncadd.s32 @!p1 $0xFFFFF800;
	s20 =	sadd.s32 @!p1 $0x2980, s22  }
0xbb: {  	[spmem:s2] =	stream.indirect.scatter.add.f32 @!p1 [tilespmem:s25], [sflag:$0x13], $0x10, s20, s23, $0xb8;
	[tilespmem:$0xDF00] =	vst v63  }
0xbc: {  	s20 =	simm.s32 @!p1 $0x12  }
0xbd: {  	_ =	swait.ge @!p1 [sflag:s20], $0x800  }
0xbe: {  	[sflag:s20] =	ssyncset.done @!p1 $0x0  }
0xbf: {  	s29 =	simm.s32 @!p1 $0x6700;
	[sflag:s20] =	ssyncadd.s32 @!p1 $0xFFFFF800;
	s20 =	sadd.s32 @!p1 $0x800, s22  }
0xc0: {  	[tilespmem:s29], [sflag:$0x5] =	stream.indirect.gather @!p1 [hbm4b:s4+s23], $0x10, s20, s23, $0xb8;
	[tilespmem:$0xDF00] =	vst v63  }
0xc1: {  	_ =	swait.ge [sflag:s24], $0x800  }
0xc2: {  	[sflag:s24] =	ssyncset.done $0x0  }
0xc3: {  	s20 =	sadd.s32 $0x2A00, s18;
	s29 =	simm.s32 $0x7700;
	[sflag:s24] =	ssyncadd.s32 $0xFFFFF800  }
0xc4: {  	[spmem:s2] =	stream.indirect.scatter.add.f32 [tilespmem:s29], [sflag:$0x14], $0x10, s20, s16, $0xb8;
	[tilespmem:$0xDF00] =	vst v63  }
0xc5: {  	_ =	swait.ge [sflag:s28], $0x800  }
0xc6: {  	[sflag:s28] =	ssyncset.done $0x0  }
0xc7: {  	s20 =	simm.s32 @p1 $0x8;
	[sflag:s28] =	ssyncadd.s32 $0xFFFFF800  }
0xc8: {  	_ =	swait.ge @p1 [sflag:s20], $0x800  }
0xc9: {  	[sflag:s20] =	ssyncset.done @p1 $0x0  }
0xca: {  	s29 =	simm.s32 @p1 $0x7F00;
	[sflag:s20] =	ssyncadd.s32 @p1 $0xFFFFF800;
	s20 =	sadd.s32 @p1 $0x2A80, s26  }
0xcb: {  	[spmem:s2] =	stream.indirect.scatter.add.f32 @p1 [tilespmem:s29], [sflag:$0x15], $0x10, s20, s31, $0xb8;
	[tilespmem:$0xDF00] =	vst v63  }
0xcc: {  	s20 =	simm.s32 @p1 $0x14  }
0xcd: {  	_ =	swait.ge @p1 [sflag:s20], $0x800  }
0xce: {  	[sflag:s20] =	ssyncset.done @p1 $0x0  }
0xcf: {  	[sflag:s20] =	ssyncadd.s32 @p1 $0xFFFFF800;
	s20 =	sadd.s32 @!p1 $0x880, s22  }
0xd0: {  	[tilespmem:s25], [sflag:$0x6] =	stream.indirect.gather @!p1 [hbm4b:s4+s23], $0x10, s20, s23, $0xb8;
	[tilespmem:$0xDF00] =	vst v63  }
0xd1: {  	s20 =	simm.s32 @!p1 $0x8  }
0xd2: {  	_ =	swait.ge @!p1 [sflag:s20], $0x800  }
0xd3: {  	[sflag:s20] =	ssyncset.done @!p1 $0x0  }
0xd4: {  	s25 =	simm.s32 @!p1 $0x7F00;
	[sflag:s20] =	ssyncadd.s32 @!p1 $0xFFFFF800;
	s20 =	sadd.s32 @!p1 $0x2A80, s22  }
0xd5: {  	[spmem:s2] =	stream.indirect.scatter.add.f32 @!p1 [tilespmem:s25], [sflag:$0x15], $0x10, s20, s23, $0xb8;
	[tilespmem:$0xDF00] =	vst v63  }
0xd6: {  	s20 =	simm.s32 @!p1 $0x14  }
0xd7: {  	_ =	swait.ge @!p1 [sflag:s20], $0x800  }
0xd8: {  	[sflag:s20] =	ssyncset.done @!p1 $0x0  }
0xd9: {  	s29 =	simm.s32 @!p1 $0x7700;
	[sflag:s20] =	ssyncadd.s32 @!p1 $0xFFFFF800;
	s20 =	sadd.s32 @!p1 $0x900, s22  }
0xda: {  	[tilespmem:s29], [sflag:$0x7] =	stream.indirect.gather @!p1 [hbm4b:s4+s23], $0x10, s20, s23, $0xb8;
	[tilespmem:$0xDF00] =	vst v63  }
0xdb: {  	_ =	swait.ge [sflag:s5], $0x800  }
0xdc: {  	[sflag:s5] =	ssyncset.done $0x0  }
0xdd: {  	s20 =	sadd.s32 $0x2B00, s18;
	s29 =	simm.s32 $0x8700;
	[sflag:s5] =	ssyncadd.s32 $0xFFFFF800  }
0xde: {  	[spmem:s2] =	stream.indirect.scatter.add.f32 [tilespmem:s29], [sflag:$0x16], $0x10, s20, s16, $0xb8;
	[tilespmem:$0xDF00] =	vst v63  }
0xdf: {  	_ =	swait.ge [sflag:s7], $0x800  }
0xe0: {  	[sflag:s7] =	ssyncset.done $0x0  }
0xe1: {  	s20 =	simm.s32 @p1 $0xA;
	[sflag:s7] =	ssyncadd.s32 $0xFFFFF800  }
0xe2: {  	_ =	swait.ge @p1 [sflag:s20], $0x800  }
0xe3: {  	[sflag:s20] =	ssyncset.done @p1 $0x0  }
0xe4: {  	s29 =	simm.s32 @p1 $0x8F00;
	[sflag:s20] =	ssyncadd.s32 @p1 $0xFFFFF800;
	s20 =	sadd.s32 @p1 $0x2B80, s26  }
0xe5: {  	[spmem:s2] =	stream.indirect.scatter.add.f32 @p1 [tilespmem:s29], [sflag:$0x17], $0x10, s20, s31, $0xb8;
	[tilespmem:$0xDF00] =	vst v63  }
0xe6: {  	s20 =	simm.s32 @p1 $0x16  }
0xe7: {  	_ =	swait.ge @p1 [sflag:s20], $0x800  }
0xe8: {  	[sflag:s20] =	ssyncset.done @p1 $0x0  }
0xe9: {  	[sflag:s20] =	ssyncadd.s32 @p1 $0xFFFFF800;
	s20 =	sadd.s32 @!p1 $0x980, s22  }
0xea: {  	[tilespmem:s25], [sflag:$0x8] =	stream.indirect.gather @!p1 [hbm4b:s4+s23], $0x10, s20, s23, $0xb8;
	[tilespmem:$0xDF00] =	vst v63  }
0xeb: {  	s20 =	simm.s32 @!p1 $0xA  }
0xec: {  	_ =	swait.ge @!p1 [sflag:s20], $0x800  }
0xed: {  	[sflag:s20] =	ssyncset.done @!p1 $0x0  }
0xee: {  	s25 =	simm.s32 @!p1 $0x8F00;
	[sflag:s20] =	ssyncadd.s32 @!p1 $0xFFFFF800;
	s20 =	sadd.s32 @!p1 $0x2B80, s22  }
0xef: {  	[spmem:s2] =	stream.indirect.scatter.add.f32 @!p1 [tilespmem:s25], [sflag:$0x17], $0x10, s20, s23, $0xb8;
	[tilespmem:$0xDF00] =	vst v63  }
0xf0: {  	s20 =	simm.s32 @!p1 $0x16  }
0xf1: {  	_ =	swait.ge @!p1 [sflag:s20], $0x800  }
0xf2: {  	[sflag:s20] =	ssyncset.done @!p1 $0x0  }
0xf3: {  	s29 =	simm.s32 @!p1 $0x8700;
	[sflag:s20] =	ssyncadd.s32 @!p1 $0xFFFFF800;
	s20 =	sadd.s32 @!p1 $0xA00, s22  }
0xf4: {  	[tilespmem:s29], [sflag:$0x9] =	stream.indirect.gather @!p1 [hbm4b:s4+s23], $0x10, s20, s23, $0xb8;
	[tilespmem:$0xDF00] =	vst v63  }
0xf5: {  	_ =	swait.ge [sflag:s8], $0x800  }
0xf6: {  	[sflag:s8] =	ssyncset.done $0x0  }
0xf7: {  	s20 =	sadd.s32 $0x2C00, s18;
	s29 =	simm.s32 $0x9700;
	[sflag:s8] =	ssyncadd.s32 $0xFFFFF800  }
0xf8: {  	[spmem:s2] =	stream.indirect.scatter.add.f32 [tilespmem:s29], [sflag:$0x18], $0x10, s20, s16, $0xb8;
	[tilespmem:$0xDF00] =	vst v63  }
0xf9: {  	_ =	swait.ge [sflag:s9], $0x800  }
0xfa: {  	[sflag:s9] =	ssyncset.done $0x0  }
0xfb: {  	s20 =	simm.s32 @p1 $0xC;
	[sflag:s9] =	ssyncadd.s32 $0xFFFFF800  }
0xfc: {  	_ =	swait.ge @p1 [sflag:s20], $0x800  }
0xfd: {  	[sflag:s20] =	ssyncset.done @p1 $0x0  }
0xfe: {  	[sflag:s20] =	ssyncadd.s32 @p1 $0xFFFFF800;
	s20 =	sadd.s32 @p1 $0x2C80, s26;
	s26 =	simm.s32 @p1 $0x9F00  }
0xff: {  	[spmem:s2] =	stream.indirect.scatter.add.f32 @p1 [tilespmem:s26], [sflag:$0x19], $0x10, s20, s31, $0xb8;
	[tilespmem:$0xDF00] =	vst v63  }
0x100: {  	s20 =	simm.s32 @p1 $0x18  }
0x101: {  	_ =	swait.ge @p1 [sflag:s20], $0x800  }
0x102: {  	[sflag:s20] =	ssyncset.done @p1 $0x0  }
0x103: {  	[sflag:s20] =	ssyncadd.s32 @p1 $0xFFFFF800;
	s20 =	sadd.s32 @!p1 $0xA80, s22  }
0x104: {  	[tilespmem:s25], [sflag:$0xA] =	stream.indirect.gather @!p1 [hbm4b:s4+s23], $0x10, s20, s23, $0xb8;
	[tilespmem:$0xDF00] =	vst v63  }
0x105: {  	s20 =	simm.s32 @!p1 $0xC  }
0x106: {  	_ =	swait.ge @!p1 [sflag:s20], $0x800  }
0x107: {  	[sflag:s20] =	ssyncset.done @!p1 $0x0  }
0x108: {  	s25 =	simm.s32 @!p1 $0x9F00;
	[sflag:s20] =	ssyncadd.s32 @!p1 $0xFFFFF800;
	s20 =	sadd.s32 @!p1 $0x2C80, s22  }
0x109: {  	[spmem:s2] =	stream.indirect.scatter.add.f32 @!p1 [tilespmem:s25], [sflag:$0x19], $0x10, s20, s23, $0xb8;
	[tilespmem:$0xDF00] =	vst v63  }
0x10a: {  	s20 =	simm.s32 @!p1 $0x18  }
0x10b: {  	_ =	swait.ge @!p1 [sflag:s20], $0x800  }
0x10c: {  	[sflag:s20] =	ssyncset.done @!p1 $0x0  }
0x10d: {  	[sflag:s20] =	ssyncadd.s32 @!p1 $0xFFFFF800;
	s20 =	sadd.s32 @!p1 $0xB00, s22;
	s22 =	simm.s32 @!p1 $0x9700  }
0x10e: {  	[tilespmem:s22], [sflag:$0xB] =	stream.indirect.gather @!p1 [hbm4b:s4+s23], $0x10, s20, s23, $0xb8;
	[tilespmem:$0xDF00] =	vst v63  }
0x10f: {  	_ =	swait.ge [sflag:s10], $0x800  }
0x110: {  	[sflag:s10] =	ssyncset.done $0x0  }
.Ltmp6:
0x111: {  	s31 =	sadd.s32 $0x2D00, s18;
	[sflag:s10] =	ssyncadd.s32 $0xFFFFF800;
	(pc) =	sbr.rel @p1 .LBB2_12-.Ltmp6, $4  }
0x112: {  	[spmem:s2] =	stream.indirect.scatter.add.f32 [tilespmem:s30], [sflag:$0x1A], $0x10, s31, s16, $0xb8;
	[tilespmem:$0xDF00] =	vst v63  }
0x113: {  	_ =	swait.ge [sflag:s6], $0x800  }
0x114: {  	[sflag:s6] =	ssyncset.done $0x0  }
0x115: {  	s25 =	simm.s32 $0xA700;
	s22 =	sadd.s32 $0x2D80, s18;
	[sflag:s6] =	ssyncadd.s32 $0xFFFFF800  }
0x116: {  	s20 =	sadd.s32 $0xB80, s18;
	s23 =	simm.s32 $0x9F00  }
0x117: {  	[tilespmem:s23], [sflag:$0xC] =	stream.indirect.gather [hbm4b:s4+s16], $0x10, s20, s16, $0xb8;
	[tilespmem:$0xDF00] =	vst v63  }
0x118: {  	_ =	swait.ge [sflag:s13], $0x800  }
0x119: {  	[sflag:s13] =	ssyncset.done $0x0  }
0x11a: {  	s29 =	simm.s32 $0xAF00;
	[sflag:s13] =	ssyncadd.s32 $0xFFFFF800  }
0x11b: {  	[spmem:s2] =	stream.indirect.scatter.add.f32 [tilespmem:s29], [sflag:$0x1B], $0x10, s22, s16, $0xb8;
	[tilespmem:$0xDF00] =	vst v63  }
.Ltmp7:
0x11c: {  	_ = 	snop;
	(pc) =	sbr.rel .LBB2_10-.Ltmp7, $4  }
0x11d: {  	_ =	swait.ge [sflag:s14], $0x800  }
0x11e: {  	s31 =	sadd.s32 $0xC00, s18;
	[sflag:s14] =	ssyncset.done $0x0  }
0x11f: {  	s17 =	sadd.s32 $0x1A00, s17;
	s30 =	simm.s32 $0xA700;
	[sflag:s14] =	ssyncadd.s32 $0xFFFFF800  }
0x120: {  	[tilespmem:s25], [sflag:$0xD] =	stream.indirect.gather [hbm4b:s4+s16], $0x10, s31, s16, $0xb8;
	[tilespmem:$0xDF00] =	vst v63  }
.LBB2_13:
0x121: {  	_ =	sfence.sel $0x180000  }
0x122: {  	[bflag:$0x0] =	sbarrier.arrive $0xFFFF  }
0x123: {  	_ =	strace $0x9000004A  }
0x124: {  	s0 =	stileid.u32;
	[bflag:$0x2] =	sbarrier.arrive $0xFFFF  }
0x125: {  	p0 =	sne.s32 s0, $0x0;
	s0 =	rddreg [dreg:$0x3]  }
0x126: {  	s0 =	sadd.s32 @!p0 $0x100000, s0  }
0x127: {  	[sflag:s0] =	ssyncadd.tile.s32 @!p0 $0x1;
	_ =	shalt  }
.Lfunc_end2:
_tile_overlayer_lowered:
.L_overlay_start_2:
0x128: {  	(tag) =	ssettag $0x2  }
0x129: {  	s0 =	rddreg [dreg:$0x0];
	s2 =	stileid.u32  }
0x12a: {  	s1 =	rddreg [dreg:$0x1];
	p0 =	sne.s32 s2, $0x0  }
0x12b: {  	s3 =	rddreg [dreg:$0x2];
	[bflag:$0x3] =	sbarrier.arrive $0xFFFF;
	s2 =	simm.s32 @!p0 $0x1C1C  }
0x12c: {  	[timem:s3], [sflag:s2] =	dma.local @!p0 [hbm:s0], s1  }
0x12d: {  	s0 =	simm.s32 @!p0 $0x1C  }
0x12e: {  	_ =	swait.ge @!p0 [sflag:s0], s1  }
0x12f: {  	s1 =	ssub.s32 @!p0 $0x0, s1;
	[sflag:s0] =	ssyncset.done @!p0 $0x0  }
0x130: {  	[sflag:s0] =	ssyncadd.s32 @!p0 s1  }
0x131: {  	[bflag:$0x3] =	sbarrier.arrive $0xFFFF  }
0x132: {  	_ =	shalt  }

// kernel: kernel.16.cloned.1.call-start
scs
__scs_entry_jumppad:
0x0: {  	(pc) =	sbr.rel $0x88, $3  }
0x1: {  	(tag) =	ssettag $0x0;
	lr =	simm.s32 $0x1  }
0x2: {  	[smem:$0x3F9B] =	sst lr;
	_ =	strace $0xD0000000  }
0x3: {  	_ = 	snop  }
0x4: {  	_ = 	snop  }
0x5: {  	_ = 	snop  }
0x6: {  	_ = 	snop  }
0x7: {  	_ = 	snop  }
__scs_overlays_trampoline_lowered:
0x8: {  	[smem:$0x3FAA] =	sst s0  }
0x9: {  	[smem:$0x3FAB] =	sst s1  }
0xa: {  	[smem:$0x3FAC] =	sst s2  }
0xb: {  	[smem:$0x3FAD] =	sst s3  }
0xc: {  	[smem:$0x3FAE] =	sst s4  }
0xd: {  	[smem:$0x3FAF] =	sst s5  }
0xe: {  	[smem:$0x3FB0] =	sst s6  }
0xf: {  	[smem:$0x3FB1] =	sst s7  }
0x10: {  	[smem:$0x3FB2] =	sst s8  }
0x11: {  	[smem:$0x3FB3] =	sst s9;
	s0 =	simm.s32 @!p0 $0x0  }
0x12: {  	s1 =	sld [smem:$0x3F99];
	s0 =	simm.s32 @p0 $0x1  }
0x13: {  	[smem:$0x3FB4] =	sst s0;
	s0 =	simm.s32 @!p1 $0x0  }
0x14: {  	s2 =	sld [smem:$0x3F98];
	s0 =	simm.s32 @p1 $0x1  }
0x15: {  	[smem:$0x3FB5] =	sst s0;
	s0 =	simm.s32 @!p2 $0x0  }
0x16: {  	s3 =	sld [smem:$0x3FDB];
	s0 =	simm.s32 @p2 $0x1  }
0x17: {  	s4 =	simm.s32 $0x1BF5;
	[smem:$0x3FB7] =	sst s0  }
0x18: {  	s0 =	sld [smem:$0x3F9A];
	_ =	swait.ge [sflag:s4], $0x0  }
0x19: {  	s7 =	sld [smem:$0x3F9B]  }
0x1a: {  	s8 =	sadd.s32 $0xFFFFE003, lr  }
0x1b: {  	s9 =	sadd.s32 $0xFFFFFEF7, lr;
	s5 =	simm.s32 $0xFFFFFFFF;
	p2 =	slt.u32 s8, $0xFFFFF086  }
0x1c: {  	p1 =	slt.u32 s9, $0xF7A;
	s5 =	simm.s32 @!p2 $0x0  }
0x1d: {  	s5 =	simm.s32 @p1 $0x1;
	p0 =	seq.s32 s7, s2  }
0x1e: {  	s7 =	smul.u32 @!p0 $0xF7A, s2;
	p2 =	seq.s32 @!p0 s5, $0x0  }
0x1f: {  	s9 =	smul.u32 $0xF7A, s1;
	s8 =	simm.s32 @!p0 $0x1BF5;
	p2 =	por !p2, p0  }
0x20: {  	[sflag:s8] =	ssyncset.s32 @!p0 $0xFFFFF086;
	s6 =	sadd.s32 @!p0 s3, s7;
	s7 =	simm.s32 @!p0 $0x108  }
0x21: {  	s3 =	sadd.s32 s3, s9;
	s6 =	sadd.s32 @!p0 $0x88, s6;
	s7 =	simm.s32 @p2 $0x1082  }
0x22: {  	[simem:s7], [sflag:s8] =	dma.local @!p0 [hbm:s6], $0xF7A  }
0x23: {  	s9 =	sor.u32 $0xD0000000, s2;
	s6 =	simm.s32 $0x108;
	_ =	swait.ge @!p0 [sflag:s8], $0x0  }
0x24: {  	s3 =	sadd.s32 $0x88, s3;
	s6 =	simm.s32 @!p1 $0x1082;
	[sflag:s4] =	ssyncset.s32 $0xFFFFF086  }
0x25: {  	[simem:s6], [sflag:s4] =	dma.local [hbm:s3], $0xF7A  }
0x26: {  	[smem:$0x3F9B] =	sst s1;
	(tag) =	ssettag s2;
	_ =	strace s9  }
0x27: {  	s1 =	sld [smem:$0x3FAB]  }
0x28: {  	s2 =	sld [smem:$0x3FAC]  }
0x29: {  	s4 =	sld [smem:$0x3FAE]  }
0x2a: {  	p0 =	seq.s32 s5, $0x0;
	s5 =	sld [smem:$0x3FAF]  }
0x2b: {  	s6 =	sld [smem:$0x3FB0]  }
0x2c: {  	s7 =	sld [smem:$0x3FB1]  }
0x2d: {  	s3 =	simm.s32 $0x108;
	s8 =	sld [smem:$0x3FB2]  }
0x2e: {  	s3 =	simm.s32 @!p0 $0x1082;
	s9 =	sld [smem:$0x3FB3]  }
0x2f: {  	lr =	sadd.s32 s0, s3;
	s0 =	sld [smem:$0x3FAA]  }
0x30: {  	s3 =	sld [smem:$0x3FAD]  }
0x31: {  	[smem:$0x3FB6] =	sst s10  }
0x32: {  	s10 =	sld [smem:$0x3FB4];
	_ =	sdelay $0x3  }
0x33: {  	p0 =	seq.s32 s10, $0x1;
	s10 =	sld [smem:$0x3FB6];
	_ =	sdelay $0x3  }
0x34: {  	[smem:$0x3FB6] =	sst s10  }
0x35: {  	s10 =	sld [smem:$0x3FB5];
	_ =	sdelay $0x3  }
0x36: {  	p1 =	seq.s32 s10, $0x1;
	s10 =	sld [smem:$0x3FB6];
	_ =	sdelay $0x3  }
0x37: {  	[smem:$0x3FB6] =	sst s10  }
0x38: {  	s10 =	sld [smem:$0x3FB7]  }
0x39: {  	_ = 	snop;
	(pc) =	sbr.ind lr, $3  }
0x3a: {  	_ = 	snop  }
0x3b: {  	_ = 	snop  }
0x3c: {  	p2 =	seq.s32 s10, $0x1;
	s10 =	sld [smem:$0x3FB6]  }
0x3d: {  	_ =	shalt  }
0x3e: {  	_ =	shalt  }
0x3f: {  	_ =	shalt  }
0x40: {  	_ =	shalt  }
0x41: {  	_ =	shalt  }
0x42: {  	_ =	shalt  }
0x43: {  	_ =	shalt  }
0x44: {  	_ =	shalt  }
0x45: {  	_ =	shalt  }
0x46: {  	_ =	shalt  }
0x47: {  	_ =	shalt  }
0x48: {  	_ =	shalt  }
0x49: {  	_ =	shalt  }
0x4a: {  	_ =	shalt  }
0x4b: {  	_ =	shalt  }
0x4c: {  	_ =	shalt  }
0x4d: {  	_ =	shalt  }
0x4e: {  	_ =	shalt  }
0x4f: {  	_ =	shalt  }
0x50: {  	_ =	shalt  }
0x51: {  	_ =	shalt  }
0x52: {  	_ =	shalt  }
0x53: {  	_ =	shalt  }
0x54: {  	_ =	shalt  }
0x55: {  	_ =	shalt  }
0x56: {  	_ =	shalt  }
0x57: {  	_ =	shalt  }
0x58: {  	_ =	shalt  }
0x59: {  	_ =	shalt  }
0x5a: {  	_ =	shalt  }
0x5b: {  	_ =	shalt  }
0x5c: {  	_ =	shalt  }
0x5d: {  	_ =	shalt  }
0x5e: {  	_ =	shalt  }
0x5f: {  	_ =	shalt  }
0x60: {  	_ =	shalt  }
0x61: {  	_ =	shalt  }
0x62: {  	_ =	shalt  }
0x63: {  	_ =	shalt  }
0x64: {  	_ =	shalt  }
0x65: {  	_ =	shalt  }
0x66: {  	_ =	shalt  }
0x67: {  	_ =	shalt  }
0x68: {  	_ =	shalt  }
0x69: {  	_ =	shalt  }
0x6a: {  	_ =	shalt  }
0x6b: {  	_ =	shalt  }
0x6c: {  	_ =	shalt  }
0x6d: {  	_ =	shalt  }
0x6e: {  	_ =	shalt  }
0x6f: {  	_ =	shalt  }
0x70: {  	_ =	shalt  }
0x71: {  	_ =	shalt  }
0x72: {  	_ =	shalt  }
0x73: {  	_ =	shalt  }
0x74: {  	_ =	shalt  }
0x75: {  	_ =	shalt  }
0x76: {  	_ =	shalt  }
0x77: {  	_ =	shalt  }
0x78: {  	_ =	shalt  }
0x79: {  	_ =	shalt  }
0x7a: {  	_ =	shalt  }
0x7b: {  	_ =	shalt  }
0x7c: {  	_ =	shalt  }
0x7d: {  	_ =	shalt  }
0x7e: {  	_ =	shalt  }
0x7f: {  	_ =	shalt  }
0x80: {  	_ =	shalt  }
0x81: {  	_ =	shalt  }
0x82: {  	_ =	shalt  }
0x83: {  	_ =	shalt  }
0x84: {  	_ =	shalt  }
0x85: {  	_ =	shalt  }
0x86: {  	_ =	shalt  }
0x87: {  	_ =	shalt  }
.Lfunc_end0:
.L_simem_size_0:
called_computation.2_lowered:
.L_overlay_start_0:
0x88: {  	s2 =	sld [smem:$0x3FD9]  }
0x89: {  	s3 =	sld [smem:$0x3FFE];
	_ =	sdelay $0x1  }
0x8a: {  	s1 =	srdreg.scid  }
0x8b: {  	s0 =	sand.u32 $0x1, s1  }
0x8c: {  	s17 =	sshll.u32 s0, $0xA;
	s2 =	sadd.s32 s3, s2  }
0x8d: {  	s2 =	sadd.s32 s2, s17  }
0x8e: {  	[smem:$0x3FC2] =	sst s2  }
0x8f: {  	_ = 	snop  }
0x90: {  	s2 =	sld [smem:$0x3FD0];
	(tm) =	ssettm $0x1  }
0x91: {  	s18 =	sld [smem:$0x3FFB];
	_ =	sdelay $0x3  }
0x92: {  	_ =	strace s18  }
0x93: {  	s3 =	sld [smem:$0x3FFC];
	_ =	sdelay $0x3  }
0x94: {  	_ =	strace s3  }
0x95: {  	s3 =	sld [smem:$0x3FFD];
	_ =	sdelay $0x3  }
0x96: {  	_ =	strace s3  }
0x97: {  	_ =	strace $0x8FFFFFFF  }
0x98: {  	s19 =	sld [smem:$0x3FDB];
	_ =	sdelay $0x1  }
0x99: {  	s4 =	simm.s32 $_scs_section_size  }
0x9a: {  	s5 =	simm.s32 $_size__tile_overlayer_lowered;
	s6 =	simm.s32 $_tile_overlayer_lowered  }
0x9b: {  	s22 =	simm.s32 $0x1BFF;
	s21 =	sshll.u32 s6, $0x1;
	s3 =	sadd.s32 s4, s19  }
0x9c: {  	s7 =	simm.s32 $0x0;
	s20 =	sshll.u32 s5, $0x1;
	s5 =	sadd.s32 s21, s3  }
0x9d: {  	[timem:s7], [sflag:s22] =	dma.local [hbm:s5], s20  }
0x9e: {  	_ =	swait.ge [sflag:s22], s20  }
0x9f: {  	s4 =	ssub.s32 $0x0, s20;
	[sflag:s22] =	ssyncset.done $0x0  }
0xa0: {  	[sflag:s22] =	ssyncadd.s32 s4;
	_ =	sdelay $0x1  }
0xa1: {  	s23 =	simm.s32 $0x1B8B  }
0xa2: {  	_ =	swait.ge [sflag:s23], $0x1  }
0xa3: {  	[sflag:s23] =	ssyncset.done $0x0  }
0xa4: {  	s25 =	simm.s32 $0x1B8E;
	s24 =	sld [smem:$0x3FFE];
	[sflag:s23] =	ssyncadd.s32 $0xFFFFFFFF  }
0xa5: {  	s26 =	simm.s32 $execute0_lowered;
	[smem:$0x3FD2] =	sst s25  }
0xa6: {  	s5 =	sshll.u32 s26, $0x1;
	_ =	strace $0x8000004C;
	[dreg:$0x1] =	wrdreg $0xFFFFFFFF  }
0xa7: {  	s28 =	simm.s32 $_size_execute0_lowered;
	s3 =	sadd.s32 s3, s5;
	[dreg:$0x0] =	wrdreg $0x0  }
0xa8: {  	s5 =	sshll.u32 s28, $0x1;
	[dreg:$0x2] =	wrdreg s3  }
0xa9: {  	[dreg:$0x3] =	wrdreg s5  }
0xaa: {  	[dreg:$0x4] =	wrdreg $0xC0  }
0xab: {  	_ =	task [dreg:s7], $0x5FFFF  }
0xac: {  	[dreg:$0x1] =	wrdreg $0xFFFFFFFF  }
0xad: {  	[dreg:$0x0] =	wrdreg $0x60  }
0xae: {  	[dreg:$0x2] =	wrdreg s24  }
0xaf: {  	[dreg:$0x3] =	wrdreg s2  }
0xb0: {  	[dreg:$0x4] =	wrdreg $0xB7000  }
0xb1: {  	[dreg:$0x5] =	wrdreg $0x9  }
0xb2: {  	_ =	task.clear_ibuf [dreg:s7], $0x6FFFF;
	_ =	strace $0x9000004C  }
0xb3: {  	s29 =	simm.s32 $0x9;
	_ =	strace $0x8000004E  }
0xb4: {  	_ =	swait.ge [sflag:s29], $0x1  }
0xb5: {  	[sflag:s29] =	ssyncadd.s32 $0xFFFFFFFF  }
0xb6: {  	_ =	strace $0x9000004E  }
0xb7: {  	_ =	sfence  }
0xb8: {  	s30 =	sld [smem:$0x0];
	_ =	sdelay $0x2  }
0xb9: {  	s31 =	sshll.u32 s1, $0xD;
	s1 =	sshrl.u32 s1, $0x2  }
0xba: {  	s3 =	sand.u32 $0x4000, s31;
	s1 =	sadd.s32 s1, s30  }
0xbb: {  	s0 =	sor.u32 s3, s0;
	s1 =	sshll.u32 s1, $0x11  }
0xbc: {  	s0 =	sor.u32 s1, s0  }
0xbd: {  	s0 =	sadd.s32 $0x8F2B, s0  }
0xbe: {  	[sflag:s0] =	ssyncadd.remote.s32 $0x1  }
0xbf: {  	_ =	sfence.sel $0xFFFF  }
0xc0: {  	[dreg:$0x0] =	wrdreg $0xFFFFFFFF;
	(pc) =	sbr.abs _section_cstart, $3  }
0xc1: {  	[dreg:$0x1] =	wrdreg $0xFFFFFFFF  }
0xc2: {  	_ =	task.clear_ibuf [dreg:s7], $0x2FFFF;
	_ =	strace $0x9FFFFFFF  }
0xc3: {  	(tm) =	ssettm $0x7FFFFFFF  }
tec
execute0_lowered:
.L_overlay_start_1:
0x0: {  	(tag) =	ssettag $0x1  }
0x1: {  	s0 =	rddreg [dreg:$0x0]  }
0x2: {  	s1 =	rddreg [dreg:$0x1]  }
0x3: {  	s2 =	rddreg [dreg:$0x2]  }
0x4: {  	s13 =	stileid.u32;
	s4 =	srdreg.scid;
	s3 =	simm.s32 $0x0  }
0x5: {  	s22 =	simm.s32 $0x1C;
	s15 =	simm.s32 $0x1;
	s16 =	simm.s32 $0x80  }
0x6: {  	s19 =	simm.s32 $0x5;
	s21 =	simm.s32 $0x11;
	s28 =	simm.s32 $0x13  }
0x7: {  	s14 =	simm.s32 $0x1A;
	s23 =	simm.s32 $0x0;
	s5 =	smul.u32 $0x2800, s13  }
0x8: {  	s6 =	sand.u32 $0x1, s4;
	[smem:$0x7FF] =	sst s3;
	s4 =	sadd.s32 $0x7A00, s0  }
0x9: {  	s25 =	sshll.u32 s13, $0x5;
	s11 =	smul.u32 $0x4E00, s13;
	s29 =	sshll.u32 s13, $0x6  }
0xa: {  	p0 =	sgt.u32 s13, $0x1;
	s13 =	simm.s32 $0xE;
	s7 =	smul.u32 $0x28000, s6  }
0xb: {  	_ =	strace $0x8000004D;
	s8 =	ssub.s32 $0x2, s6;
	s26 =	sshll.u32 s6, $0x4  }
0xc: {  	s6 =	smul.u32 $0x2700, s6;
	s18 =	sor.u32 $0x1C1C, s29;
	s9 =	sshrl.u32 s5, $0x3  }
0xd: {  	s10 =	sshrl.u32 s8, $0x1;
	[dreg:$0x5] =	wrdreg s18;
	s7 =	sadd.s32 s5, s7  }
0xe: {  	s9 =	sadd.s32 s9, s0;
	s24 =	ssub.s32 s8, s10;
	s5 =	sadd.s32 s5, s2  }
0xf: {  	s8 =	sor.u32 s26, s25;
	s6 =	sadd.s32 s6, s11;
	s25 =	simm.s32 $0xA700  }
0x10: {  	s10 =	simm.s32 $0xD;
	s7 =	sshrl.u32 s7, $0x3;
	s9 =	sadd.s32 $0x2A00, s9  }
0x11: {  	s8 =	sadd.s32 s8, s1;
	s31 =	sadd.s32 $0x4E200, s6;
	s6 =	sshrl.u32 s6, $0x3  }
0x12: {  	s20 =	sshrl.u32 s5, $0x3;
	s5 =	simm.s32 $0x9;
	s0 =	sadd.s32 s7, s0  }
0x13: {  	[dreg:$0x4] =	wrdreg s9;
	s30 =	sadd.s32 $0x9C00, s8;
	s8 =	sadd.s32 $0x13840, s8  }
0x14: {  	s7 =	smax.u32 s24, $0x1;
	s11 =	sadd.s32 s6, s1;
	[dreg:$0xa] =	wrdreg s20  }
.Ltmp0:
0x15: {  	s24 =	simm.s32 $0x7;
	[dreg:$0x6] =	wrdreg s30;
	(pc) =	sbr.rel .LBB2_1-.Ltmp0, $4  }
0x16: {  	s9 =	simm.s32 $0x17;
	s6 =	simm.s32 $0x19;
	[dreg:$0x7] =	wrdreg s8  }
0x17: {  	s0 =	sadd.s32 $0xCA00, s0;
	[dreg:$0x9] =	wrdreg s7;
	s7 =	simm.s32 $0x15  }
0x18: {  	s8 =	simm.s32 $0xB;
	[dreg:$0x8] =	wrdreg s0;
	s0 =	sshrl.u32 s31, $0x3  }
0x19: {  	s12 =	sadd.s32 s0, s1;
	s0 =	simm.s32 $0x3;
	s1 =	simm.s32 $0xF  }
.LBB2_12:
0x1a: {  	_ =	swait.ge [sflag:s13], $0x800  }
0x1b: {  	[sflag:s13] =	ssyncset.done $0x0  }
0x1c: {  	s17 =	simm.s32 $0xAF00;
	[sflag:s13] =	ssyncadd.s32 $0xFFFFF800  }
0x1d: {  	[spmem:s2] =	stream.indirect.scatter.add.f32 [tilespmem:s17], [sflag:$0x1B], $0x10, s22, s16, $0xb8;
	[tilespmem:$0xDF00] =	vst v63  }
0x1e: {  	_ =	swait.ge [sflag:s14], $0x800  }
0x1f: {  	[sflag:s14] =	ssyncset.done $0x0  }
0x20: {  	s29 =	simm.s32 $0x1B;
	[sflag:s14] =	ssyncadd.s32 $0xFFFFF800  }
0x21: {  	_ =	swait.ge [sflag:s29], $0x800  }
0x22: {  	s18 =	simm.s32 @!p0 $0x2700;
	[sflag:s29] =	ssyncset.done $0x0  }
0x23: {  	s20 =	simm.s32 @!p0 $0x4F00;
	s17 =	simm.s32 @!p0 $0x80;
	[sflag:s29] =	ssyncadd.s32 $0xFFFFF800  }
0x24: {  	[tilespmem:s20], [sflag:$0x2] =	stream.indirect.gather @!p0 [hbm4b:s4+s17], $0x10, s18, s17, $0xb8;
	[tilespmem:$0xDF00] =	vst v63  }
0x25: {  	s18 =	simm.s32 @!p0 $0x2  }
0x26: {  	_ =	swait.ge @!p0 [sflag:s18], $0x800  }
0x27: {  	[sflag:s18] =	ssyncset.done @!p0 $0x0  }
0x28: {  	[sflag:s18] =	ssyncadd.s32 @!p0 $0xFFFFF800;
	s18 =	simm.s32 @!p0 $0x4E80  }
0x29: {  	[spmem:s2] =	stream.indirect.scatter.add.f32 @!p0 [tilespmem:s20], [sflag:$0x1C], $0x10, s18, s17, $0xb8;
	[tilespmem:$0xDF00] =	vst v63  }
0x2a: {  	s17 =	simm.s32 @!p0 $0x1C  }
0x2b: {  	_ =	swait.ge @!p0 [sflag:s17], $0x800  }
0x2c: {  	[sflag:s17] =	ssyncset.done @!p0 $0x0  }
0x2d: {  	[sflag:s17] =	ssyncadd.s32 @!p0 $0xFFFFF800  }
0x2e: {  	[bflag:$0x0] =	sbarrier.arrive $0xFFFF  }
0x2f: {  	s18 =	rddreg [dreg:$0x5]  }
0x30: {  	s30 =	rddreg [dreg:$0x8]  }
0x31: {  	s22 =	simm.s32 $0x1C;
	s20 =	rddreg [dreg:$0xa]  }
0x32: {  	[hbm:s30], [sflag:s18] =	dma.local [spmem:s20], $0x500  }
0x33: {  	_ =	swait.ge [sflag:s22], $0x500  }
0x34: {  	s23 =	rddreg [dreg:$0xb]  }
0x35: {  	s31 =	rddreg [dreg:$0x9];
	s23 =	sadd.s32 $0x1, s23  }
0x36: {  	p1 =	sne.s32 s23, s31  }
.Ltmp1:
0x37: {  	_ = 	snop;
	(pc) =	sbr.rel @!p1 .LBB2_13-.Ltmp1, $3  }
0x38: {  	_ =	sdelay $0x1  }
0x39: {  	[sflag:s22] =	ssyncset.done $0x0  }
0x3a: {  	[sflag:s22] =	ssyncadd.s32 $0xFFFFFB00  }
.LBB2_1:
0x3b: {  	[dreg:$0xb] =	wrdreg s23  }
0x3c: {  	s17 =	rddreg [dreg:$0x4]  }
0x3d: {  	[spmem:s20], [sflag:s18] =	dma.local [hbm:s17], $0x500  }
0x3e: {  	_ =	swait.ge [sflag:s22], $0x500  }
0x3f: {  	s23 =	sadd.s32 $0x0, s11;
	s17 =	simm.s32 $0x10;
	[sflag:s22] =	ssyncset.done $0x0  }
0x40: {  	s18 =	simm.s32 $0x80;
	[sflag:s22] =	ssyncadd.s32 $0xFFFFFB00;
	s22 =	simm.s32 $0x0  }
.LBB2_2:
0x41: {  	[tilespmem:s22], [sflag:$0x1] =	stream.linear.gather [hbm4b:s23+s3], $0x80, $0x38;
	[tilespmem:$0xDF00] =	vst v63  }
0x42: {  	s23 =	smov.u32 s17;
	s22 =	smov.u32 s18;
	p1 =	sne.s32 s17, $0x4D0  }
.Ltmp2:
0x43: {  	s17 =	sadd.s32 $0x10, s17;
	(pc) =	sbr.rel @p1 .LBB2_2-.Ltmp2, $2  }
0x44: {  	_ =	sdelay $0x2  }
0x45: {  	s18 =	sadd.s32 $0x80, s18;
	s23 =	sadd.s32 s23, s11  }
0x46: {  	[tilespmem:s22], [sflag:$0x1] =	stream.linear.gather [hbm4b:s23+s3], $0x80, $0x38;
	[tilespmem:$0xDF00] =	vst v63  }
0x47: {  	s17 =	simm.s32 @!p0 $0x0;
	s18 =	simm.s32 @!p0 $0x2700;
	s20 =	rddreg [dreg:$0x6]  }
0x48: {  	[tilespmem:s18], [sflag:$0x1] =	stream.linear.gather @!p0 [hbm4b:s20+s17], $0x80, $0x38;
	[tilespmem:$0xDF00] =	vst v63  }
0x49: {  	_ =	swait.ge [sflag:s15], $0x80  }
0x4a: {  	s17 =	simm.s32 $0x4D;
	[sflag:s15] =	ssyncset.done $0x0  }
.LBB2_4:
0x4b: {  	p1 =	sne.s32 s17, $0x1;
	s17 =	sadd.s32 $0xFFFFFFFF, s17;
	[sflag:s15] =	ssyncadd.s32 $0xFFFFFF80  }
.Ltmp3:
0x4c: {  	(pc) =	sbr.rel @p1 .LBB2_4-.Ltmp3, $3  }
0x4d: {  	_ =	sdelay $0x1  }
0x4e: {  	_ =	swait.ge [sflag:s15], $0x80  }
0x4f: {  	[sflag:s15] =	ssyncset.done $0x0  }
0x50: {  	[sflag:s15] =	ssyncadd.s32 $0xFFFFFF80;
	s17 =	simm.s32 @!p0 $0x1  }
0x51: {  	_ =	swait.ge @!p0 [sflag:s17], $0x80  }
0x52: {  	s18 =	simm.s32 $0x10;
	s23 =	sadd.s32 $0x0, s12;
	[sflag:s17] =	ssyncset.done @!p0 $0x0  }
0x53: {  	s22 =	simm.s32 $0x2800;
	[sflag:s17] =	ssyncadd.s32 @!p0 $0xFFFFFF80;
	s17 =	simm.s32 $0x2780  }
.LBB2_6:
0x54: {  	[tilespmem:s17], [sflag:$0x1] =	stream.linear.gather [hbm4b:s23+s3], $0x80, $0x38;
	[tilespmem:$0xDF00] =	vst v63  }
0x55: {  	s23 =	smov.u32 s18;
	s17 =	smov.u32 s22;
	p1 =	sne.s32 s18, $0x4D0  }
.Ltmp4:
0x56: {  	s18 =	sadd.s32 $0x10, s18;
	(pc) =	sbr.rel @p1 .LBB2_6-.Ltmp4, $2  }
0x57: {  	_ =	sdelay $0x2  }
0x58: {  	s22 =	sadd.s32 $0x80, s22;
	s23 =	sadd.s32 s23, s12  }
0x59: {  	[tilespmem:s17], [sflag:$0x1] =	stream.linear.gather [hbm4b:s23+s3], $0x80, $0x38;
	[tilespmem:$0xDF00] =	vst v63  }
0x5a: {  	s17 =	simm.s32 @!p0 $0x0;
	s18 =	simm.s32 @!p0 $0x4E80;
	s20 =	rddreg [dreg:$0x7]  }
0x5b: {  	[tilespmem:s18], [sflag:$0x1] =	stream.linear.gather @!p0 [hbm4b:s20+s17], $0x80, $0x38;
	[tilespmem:$0xDF00] =	vst v63  }
0x5c: {  	_ =	swait.ge [sflag:s15], $0x80  }
0x5d: {  	s17 =	simm.s32 $0x4D;
	[sflag:s15] =	ssyncset.done $0x0  }
.LBB2_8:
0x5e: {  	p1 =	sne.s32 s17, $0x1;
	s17 =	sadd.s32 $0xFFFFFFFF, s17;
	[sflag:s15] =	ssyncadd.s32 $0xFFFFFF80  }
.Ltmp5:
0x5f: {  	(pc) =	sbr.rel @p1 .LBB2_8-.Ltmp5, $3  }
0x60: {  	_ =	sdelay $0x1  }
0x61: {  	_ =	swait.ge [sflag:s15], $0x80  }
0x62: {  	[sflag:s15] =	ssyncset.done $0x0  }
0x63: {  	[sflag:s15] =	ssyncadd.s32 $0xFFFFFF80;
	s17 =	simm.s32 @!p0 $0x1  }
0x64: {  	_ =	swait.ge @!p0 [sflag:s17], $0x80  }
0x65: {  	[sflag:s17] =	ssyncset.done @!p0 $0x0  }
0x66: {  	[sflag:s17] =	ssyncadd.s32 @!p0 $0xFFFFFF80  }
0x67: {  	s18 =	simm.s32 $0x4F00;
	s17 =	simm.s32 $0x0;
	[bflag:$0x0] =	sbarrier.arrive $0xFFFF  }
0x68: {  	[tilespmem:s18], [sflag:$0x2] =	stream.indirect.gather [hbm4b:s4+s16], $0x10, s17, s16, $0xb8;
	[tilespmem:$0xDF00] =	vst v63  }
0x69: {  	s23 =	simm.s32 $0x5700  }
0x6a: {  	[tilespmem:s23], [sflag:$0x3] =	stream.indirect.gather [hbm4b:s4+s16], $0x10, s16, s16, $0xb8;
	[tilespmem:$0xDF00] =	vst v63  }
0x6b: {  	s26 =	simm.s32 $0x100;
	s20 =	simm.s32 $0x5F00  }
0x6c: {  	[tilespmem:s20], [sflag:$0x4] =	stream.indirect.gather [hbm4b:s4+s16], $0x10, s26, s16, $0xb8;
	[tilespmem:$0xDF00] =	vst v63  }
0x6d: {  	s29 =	simm.s32 $0x180;
	s31 =	simm.s32 $0x6700  }
0x6e: {  	[tilespmem:s31], [sflag:$0x5] =	stream.indirect.gather [hbm4b:s4+s16], $0x10, s29, s16, $0xb8;
	[tilespmem:$0xDF00] =	vst v63  }
0x6f: {  	s22 =	simm.s32 $0x6F00;
	s20 =	simm.s32 $0x200  }
0x70: {  	[tilespmem:s22], [sflag:$0x6] =	stream.indirect.gather [hbm4b:s4+s16], $0x10, s20, s16, $0xb8;
	[tilespmem:$0xDF00] =	vst v63  }
0x71: {  	s23 =	simm.s32 $0x280;
	s26 =	simm.s32 $0x7700  }
0x72: {  	[tilespmem:s26], [sflag:$0x7] =	stream.indirect.gather [hbm4b:s4+s16], $0x10, s23, s16, $0xb8;
	[tilespmem:$0xDF00] =	vst v63  }
0x73: {  	s29 =	simm.s32 $0x300;
	s31 =	simm.s32 $0x7F00  }
0x74: {  	[tilespmem:s31], [sflag:$0x8] =	stream.indirect.gather [hbm4b:s4+s16], $0x10, s29, s16, $0xb8;
	[tilespmem:$0xDF00] =	vst v63  }
0x75: {  	s20 =	simm.s32 $0x380;
	s22 =	simm.s32 $0x8700  }
0x76: {  	[tilespmem:s22], [sflag:$0x9] =	stream.indirect.gather [hbm4b:s4+s16], $0x10, s20, s16, $0xb8;
	[tilespmem:$0xDF00] =	vst v63  }
0x77: {  	s23 =	simm.s32 $0x400;
	s26 =	simm.s32 $0x8F00  }
0x78: {  	[tilespmem:s26], [sflag:$0xA] =	stream.indirect.gather [hbm4b:s4+s16], $0x10, s23, s16, $0xb8;
	[tilespmem:$0xDF00] =	vst v63  }
0x79: {  	s29 =	simm.s32 $0x480;
	s31 =	simm.s32 $0x9700  }
0x7a: {  	[tilespmem:s31], [sflag:$0xB] =	stream.indirect.gather [hbm4b:s4+s16], $0x10, s29, s16, $0xb8;
	[tilespmem:$0xDF00] =	vst v63  }
0x7b: {  	s22 =	simm.s32 $0x500;
	s23 =	simm.s32 $0x9F00  }
0x7c: {  	[tilespmem:s23], [sflag:$0xC] =	stream.indirect.gather [hbm4b:s4+s16], $0x10, s22, s16, $0xb8;
	[tilespmem:$0xDF00] =	vst v63  }
0x7d: {  	s26 =	simm.s32 $0x580  }
0x7e: {  	[tilespmem:s25], [sflag:$0xD] =	stream.indirect.gather [hbm4b:s4+s16], $0x10, s26, s16, $0xb8;
	[tilespmem:$0xDF00] =	vst v63  }
0x7f: {  	s30 =	simm.s32 $0xA700;
	s29 =	simm.s32 $0x600;
	s31 =	simm.s32 $0xAF00  }
0x80: {  	[tilespmem:s31], [sflag:$0xE] =	stream.indirect.gather [hbm4b:s4+s16], $0x10, s29, s16, $0xb8;
	[tilespmem:$0xDF00] =	vst v63  }
.LBB2_10:
0x81: {  	s20 =	simm.s32 $0x2  }
0x82: {  	_ =	swait.ge [sflag:s20], $0x800  }
0x83: {  	s18 =	sshra.s32 s17, $0x2;
	s25 =	simm.s32 $0x4F00;
	[sflag:s20] =	ssyncset.done $0x0  }
0x84: {  	p1 =	seq.s32 s17, $0x0;
	s22 =	sadd.s32 $0x2780, s18;
	[sflag:s20] =	ssyncadd.s32 $0xFFFFF800  }
0x85: {  	[spmem:s2] =	stream.indirect.scatter.add.f32 [tilespmem:s25], [sflag:$0xF], $0x10, s22, s16, $0xb8;
	[tilespmem:$0xDF00] =	vst v63  }
0x86: {  	s22 =	simm.s32 @!p1 $0x1B  }
0x87: {  	_ =	swait.ge @!p1 [sflag:s22], $0x800  }
0x88: {  	[sflag:s22] =	ssyncset.done @!p1 $0x0  }
0x89: {  	[sflag:s22] =	ssyncadd.s32 @!p1 $0xFFFFF800;
	s22 =	sshra.s32 @!p1 s17, $0x2  }
0x8a: {  	s23 =	simm.s32 @!p1 $0x80;
	s26 =	simm.s32 @!p1 $0xAF00;
	s22 =	sadd.s32 @!p1 $0x600, s22  }
0x8b: {  	[tilespmem:s26], [sflag:$0xE] =	stream.indirect.gather @!p1 [hbm4b:s4+s23], $0x10, s22, s23, $0xb8;
	[tilespmem:$0xDF00] =	vst v63  }
0x8c: {  	_ =	swait.ge [sflag:s0], $0x800  }
0x8d: {  	[sflag:s0] =	ssyncset.done $0x0  }
0x8e: {  	s29 =	simm.s32 $0x5700;
	s26 =	sadd.s32 $0x2800, s18;
	[sflag:s0] =	ssyncadd.s32 $0xFFFFF800  }
0x8f: {  	[spmem:s2] =	stream.indirect.scatter.add.f32 [tilespmem:s29], [sflag:$0x10], $0x10, s26, s16, $0xb8;
	[tilespmem:$0xDF00] =	vst v63  }
0x90: {  	_ =	swait.ge [sflag:s1], $0x800  }
0x91: {  	p1 =	seq.s32 s17, $0x8200;
	[sflag:s1] =	ssyncset.done $0x0  }
0x92: {  	s22 =	simm.s32 @p1 $0x4;
	[sflag:s1] =	ssyncadd.s32 $0xFFFFF800  }
0x93: {  	_ =	swait.ge @p1 [sflag:s22], $0x800  }
0x94: {  	s31 =	simm.s32 @p1 $0x80;
	s26 =	sshra.s32 @p1 s17, $0x2;
	[sflag:s22] =	ssyncset.done @p1 $0x0  }
0x95: {  	s23 =	simm.s32 @p1 $0x5F00;
	[sflag:s22] =	ssyncadd.s32 @p1 $0xFFFFF800;
	s22 =	sadd.s32 @p1 $0x2880, s26  }
0x96: {  	[spmem:s2] =	stream.indirect.scatter.add.f32 @p1 [tilespmem:s23], [sflag:$0x11], $0x10, s22, s31, $0xb8;
	[tilespmem:$0xDF00] =	vst v63  }
0x97: {  	s22 =	simm.s32 @p1 $0x10  }
0x98: {  	_ =	swait.ge @p1 [sflag:s22], $0x800  }
0x99: {  	[sflag:s22] =	ssyncset.done @p1 $0x0  }
0x9a: {  	[sflag:s22] =	ssyncadd.s32 @p1 $0xFFFFF800;
	s22 =	sshra.s32 @!p1 s17, $0x2  }
0x9b: {  	s29 =	simm.s32 @!p1 $0x4F00;
	s23 =	simm.s32 @!p1 $0x80;
	s20 =	sadd.s32 @!p1 $0x680, s22  }
0x9c: {  	[tilespmem:s29], [sflag:$0x2] =	stream.indirect.gather @!p1 [hbm4b:s4+s23], $0x10, s20, s23, $0xb8;
	[tilespmem:$0xDF00] =	vst v63  }
0x9d: {  	s20 =	simm.s32 @!p1 $0x4  }
0x9e: {  	_ =	swait.ge @!p1 [sflag:s20], $0x800  }
0x9f: {  	[sflag:s20] =	ssyncset.done @!p1 $0x0  }
0xa0: {  	s29 =	simm.s32 @!p1 $0x5F00;
	[sflag:s20] =	ssyncadd.s32 @!p1 $0xFFFFF800;
	s20 =	sadd.s32 @!p1 $0x2880, s22  }
0xa1: {  	[spmem:s2] =	stream.indirect.scatter.add.f32 @!p1 [tilespmem:s29], [sflag:$0x11], $0x10, s20, s23, $0xb8;
	[tilespmem:$0xDF00] =	vst v63  }
0xa2: {  	s20 =	simm.s32 @!p1 $0x10  }
0xa3: {  	_ =	swait.ge @!p1 [sflag:s20], $0x800  }
0xa4: {  	[sflag:s20] =	ssyncset.done @!p1 $0x0  }
0xa5: {  	s25 =	simm.s32 @!p1 $0x5700;
	[sflag:s20] =	ssyncadd.s32 @!p1 $0xFFFFF800;
	s20 =	sadd.s32 @!p1 $0x700, s22  }
0xa6: {  	[tilespmem:s25], [sflag:$0x3] =	stream.indirect.gather @!p1 [hbm4b:s4+s23], $0x10, s20, s23, $0xb8;
	[tilespmem:$0xDF00] =	vst v63  }
0xa7: {  	_ =	swait.ge [sflag:s19], $0x800  }
0xa8: {  	[sflag:s19] =	ssyncset.done $0x0  }
0xa9: {  	s20 =	sadd.s32 $0x2900, s18;
	s25 =	simm.s32 $0x6700;
	[sflag:s19] =	ssyncadd.s32 $0xFFFFF800  }
0xaa: {  	[spmem:s2] =	stream.indirect.scatter.add.f32 [tilespmem:s25], [sflag:$0x12], $0x10, s20, s16, $0xb8;
	[tilespmem:$0xDF00] =	vst v63  }
0xab: {  	_ =	swait.ge [sflag:s21], $0x800  }
0xac: {  	[sflag:s21] =	ssyncset.done $0x0  }
0xad: {  	s20 =	simm.s32 @p1 $0x6;
	[sflag:s21] =	ssyncadd.s32 $0xFFFFF800  }
0xae: {  	_ =	swait.ge @p1 [sflag:s20], $0x800  }
0xaf: {  	[sflag:s20] =	ssyncset.done @p1 $0x0  }
0xb0: {  	s25 =	simm.s32 @p1 $0x6F00;
	[sflag:s20] =	ssyncadd.s32 @p1 $0xFFFFF800;
	s20 =	sadd.s32 @p1 $0x2980, s26  }
0xb1: {  	[spmem:s2] =	stream.indirect.scatter.add.f32 @p1 [tilespmem:s25], [sflag:$0x13], $0x10, s20, s31, $0xb8;
	[tilespmem:$0xDF00] =	vst v63  }
0xb2: {  	s20 =	simm.s32 @p1 $0x12  }
0xb3: {  	_ =	swait.ge @p1 [sflag:s20], $0x800  }
0xb4: {  	[sflag:s20] =	ssyncset.done @p1 $0x0  }
0xb5: {  	[sflag:s20] =	ssyncadd.s32 @p1 $0xFFFFF800;
	s20 =	sadd.s32 @!p1 $0x780, s22  }
0xb6: {  	[tilespmem:s29], [sflag:$0x4] =	stream.indirect.gather @!p1 [hbm4b:s4+s23], $0x10, s20, s23, $0xb8;
	[tilespmem:$0xDF00] =	vst v63  }
0xb7: {  	s20 =	simm.s32 @!p1 $0x6  }
0xb8: {  	_ =	swait.ge @!p1 [sflag:s20], $0x800  }
0xb9: {  	[sflag:s20] =	ssyncset.done @!p1 $0x0  }
0xba: {  	s25 =	simm.s32 @!p1 $0x6F00;
	[sflag:s20] =	ssyncadd.s32 @!p1 $0xFFFFF800;
	s20 =	sadd.s32 @!p1 $0x2980, s22  }
0xbb: {  	[spmem:s2] =	stream.indirect.scatter.add.f32 @!p1 [tilespmem:s25], [sflag:$0x13], $0x10, s20, s23, $0xb8;
	[tilespmem:$0xDF00] =	vst v63  }
0xbc: {  	s20 =	simm.s32 @!p1 $0x12  }
0xbd: {  	_ =	swait.ge @!p1 [sflag:s20], $0x800  }
0xbe: {  	[sflag:s20] =	ssyncset.done @!p1 $0x0  }
0xbf: {  	s29 =	simm.s32 @!p1 $0x6700;
	[sflag:s20] =	ssyncadd.s32 @!p1 $0xFFFFF800;
	s20 =	sadd.s32 @!p1 $0x800, s22  }
0xc0: {  	[tilespmem:s29], [sflag:$0x5] =	stream.indirect.gather @!p1 [hbm4b:s4+s23], $0x10, s20, s23, $0xb8;
	[tilespmem:$0xDF00] =	vst v63  }
0xc1: {  	_ =	swait.ge [sflag:s24], $0x800  }
0xc2: {  	[sflag:s24] =	ssyncset.done $0x0  }
0xc3: {  	s20 =	sadd.s32 $0x2A00, s18;
	s29 =	simm.s32 $0x7700;
	[sflag:s24] =	ssyncadd.s32 $0xFFFFF800  }
0xc4: {  	[spmem:s2] =	stream.indirect.scatter.add.f32 [tilespmem:s29], [sflag:$0x14], $0x10, s20, s16, $0xb8;
	[tilespmem:$0xDF00] =	vst v63  }
0xc5: {  	_ =	swait.ge [sflag:s28], $0x800  }
0xc6: {  	[sflag:s28] =	ssyncset.done $0x0  }
0xc7: {  	s20 =	simm.s32 @p1 $0x8;
	[sflag:s28] =	ssyncadd.s32 $0xFFFFF800  }
0xc8: {  	_ =	swait.ge @p1 [sflag:s20], $0x800  }
0xc9: {  	[sflag:s20] =	ssyncset.done @p1 $0x0  }
0xca: {  	s29 =	simm.s32 @p1 $0x7F00;
	[sflag:s20] =	ssyncadd.s32 @p1 $0xFFFFF800;
	s20 =	sadd.s32 @p1 $0x2A80, s26  }
0xcb: {  	[spmem:s2] =	stream.indirect.scatter.add.f32 @p1 [tilespmem:s29], [sflag:$0x15], $0x10, s20, s31, $0xb8;
	[tilespmem:$0xDF00] =	vst v63  }
0xcc: {  	s20 =	simm.s32 @p1 $0x14  }
0xcd: {  	_ =	swait.ge @p1 [sflag:s20], $0x800  }
0xce: {  	[sflag:s20] =	ssyncset.done @p1 $0x0  }
0xcf: {  	[sflag:s20] =	ssyncadd.s32 @p1 $0xFFFFF800;
	s20 =	sadd.s32 @!p1 $0x880, s22  }
0xd0: {  	[tilespmem:s25], [sflag:$0x6] =	stream.indirect.gather @!p1 [hbm4b:s4+s23], $0x10, s20, s23, $0xb8;
	[tilespmem:$0xDF00] =	vst v63  }
0xd1: {  	s20 =	simm.s32 @!p1 $0x8  }
0xd2: {  	_ =	swait.ge @!p1 [sflag:s20], $0x800  }
0xd3: {  	[sflag:s20] =	ssyncset.done @!p1 $0x0  }
0xd4: {  	s25 =	simm.s32 @!p1 $0x7F00;
	[sflag:s20] =	ssyncadd.s32 @!p1 $0xFFFFF800;
	s20 =	sadd.s32 @!p1 $0x2A80, s22  }
0xd5: {  	[spmem:s2] =	stream.indirect.scatter.add.f32 @!p1 [tilespmem:s25], [sflag:$0x15], $0x10, s20, s23, $0xb8;
	[tilespmem:$0xDF00] =	vst v63  }
0xd6: {  	s20 =	simm.s32 @!p1 $0x14  }
0xd7: {  	_ =	swait.ge @!p1 [sflag:s20], $0x800  }
0xd8: {  	[sflag:s20] =	ssyncset.done @!p1 $0x0  }
0xd9: {  	s29 =	simm.s32 @!p1 $0x7700;
	[sflag:s20] =	ssyncadd.s32 @!p1 $0xFFFFF800;
	s20 =	sadd.s32 @!p1 $0x900, s22  }
0xda: {  	[tilespmem:s29], [sflag:$0x7] =	stream.indirect.gather @!p1 [hbm4b:s4+s23], $0x10, s20, s23, $0xb8;
	[tilespmem:$0xDF00] =	vst v63  }
0xdb: {  	_ =	swait.ge [sflag:s5], $0x800  }
0xdc: {  	[sflag:s5] =	ssyncset.done $0x0  }
0xdd: {  	s20 =	sadd.s32 $0x2B00, s18;
	s29 =	simm.s32 $0x8700;
	[sflag:s5] =	ssyncadd.s32 $0xFFFFF800  }
0xde: {  	[spmem:s2] =	stream.indirect.scatter.add.f32 [tilespmem:s29], [sflag:$0x16], $0x10, s20, s16, $0xb8;
	[tilespmem:$0xDF00] =	vst v63  }
0xdf: {  	_ =	swait.ge [sflag:s7], $0x800  }
0xe0: {  	[sflag:s7] =	ssyncset.done $0x0  }
0xe1: {  	s20 =	simm.s32 @p1 $0xA;
	[sflag:s7] =	ssyncadd.s32 $0xFFFFF800  }
0xe2: {  	_ =	swait.ge @p1 [sflag:s20], $0x800  }
0xe3: {  	[sflag:s20] =	ssyncset.done @p1 $0x0  }
0xe4: {  	s29 =	simm.s32 @p1 $0x8F00;
	[sflag:s20] =	ssyncadd.s32 @p1 $0xFFFFF800;
	s20 =	sadd.s32 @p1 $0x2B80, s26  }
0xe5: {  	[spmem:s2] =	stream.indirect.scatter.add.f32 @p1 [tilespmem:s29], [sflag:$0x17], $0x10, s20, s31, $0xb8;
	[tilespmem:$0xDF00] =	vst v63  }
0xe6: {  	s20 =	simm.s32 @p1 $0x16  }
0xe7: {  	_ =	swait.ge @p1 [sflag:s20], $0x800  }
0xe8: {  	[sflag:s20] =	ssyncset.done @p1 $0x0  }
0xe9: {  	[sflag:s20] =	ssyncadd.s32 @p1 $0xFFFFF800;
	s20 =	sadd.s32 @!p1 $0x980, s22  }
0xea: {  	[tilespmem:s25], [sflag:$0x8] =	stream.indirect.gather @!p1 [hbm4b:s4+s23], $0x10, s20, s23, $0xb8;
	[tilespmem:$0xDF00] =	vst v63  }
0xeb: {  	s20 =	simm.s32 @!p1 $0xA  }
0xec: {  	_ =	swait.ge @!p1 [sflag:s20], $0x800  }
0xed: {  	[sflag:s20] =	ssyncset.done @!p1 $0x0  }
0xee: {  	s25 =	simm.s32 @!p1 $0x8F00;
	[sflag:s20] =	ssyncadd.s32 @!p1 $0xFFFFF800;
	s20 =	sadd.s32 @!p1 $0x2B80, s22  }
0xef: {  	[spmem:s2] =	stream.indirect.scatter.add.f32 @!p1 [tilespmem:s25], [sflag:$0x17], $0x10, s20, s23, $0xb8;
	[tilespmem:$0xDF00] =	vst v63  }
0xf0: {  	s20 =	simm.s32 @!p1 $0x16  }
0xf1: {  	_ =	swait.ge @!p1 [sflag:s20], $0x800  }
0xf2: {  	[sflag:s20] =	ssyncset.done @!p1 $0x0  }
0xf3: {  	s29 =	simm.s32 @!p1 $0x8700;
	[sflag:s20] =	ssyncadd.s32 @!p1 $0xFFFFF800;
	s20 =	sadd.s32 @!p1 $0xA00, s22  }
0xf4: {  	[tilespmem:s29], [sflag:$0x9] =	stream.indirect.gather @!p1 [hbm4b:s4+s23], $0x10, s20, s23, $0xb8;
	[tilespmem:$0xDF00] =	vst v63  }
0xf5: {  	_ =	swait.ge [sflag:s8], $0x800  }
0xf6: {  	[sflag:s8] =	ssyncset.done $0x0  }
0xf7: {  	s20 =	sadd.s32 $0x2C00, s18;
	s29 =	simm.s32 $0x9700;
	[sflag:s8] =	ssyncadd.s32 $0xFFFFF800  }
0xf8: {  	[spmem:s2] =	stream.indirect.scatter.add.f32 [tilespmem:s29], [sflag:$0x18], $0x10, s20, s16, $0xb8;
	[tilespmem:$0xDF00] =	vst v63  }
0xf9: {  	_ =	swait.ge [sflag:s9], $0x800  }
0xfa: {  	[sflag:s9] =	ssyncset.done $0x0  }
0xfb: {  	s20 =	simm.s32 @p1 $0xC;
	[sflag:s9] =	ssyncadd.s32 $0xFFFFF800  }
0xfc: {  	_ =	swait.ge @p1 [sflag:s20], $0x800  }
0xfd: {  	[sflag:s20] =	ssyncset.done @p1 $0x0  }
0xfe: {  	[sflag:s20] =	ssyncadd.s32 @p1 $0xFFFFF800;
	s20 =	sadd.s32 @p1 $0x2C80, s26;
	s26 =	simm.s32 @p1 $0x9F00  }
0xff: {  	[spmem:s2] =	stream.indirect.scatter.add.f32 @p1 [tilespmem:s26], [sflag:$0x19], $0x10, s20, s31, $0xb8;
	[tilespmem:$0xDF00] =	vst v63  }
0x100: {  	s20 =	simm.s32 @p1 $0x18  }
0x101: {  	_ =	swait.ge @p1 [sflag:s20], $0x800  }
0x102: {  	[sflag:s20] =	ssyncset.done @p1 $0x0  }
0x103: {  	[sflag:s20] =	ssyncadd.s32 @p1 $0xFFFFF800;
	s20 =	sadd.s32 @!p1 $0xA80, s22  }
0x104: {  	[tilespmem:s25], [sflag:$0xA] =	stream.indirect.gather @!p1 [hbm4b:s4+s23], $0x10, s20, s23, $0xb8;
	[tilespmem:$0xDF00] =	vst v63  }
0x105: {  	s20 =	simm.s32 @!p1 $0xC  }
0x106: {  	_ =	swait.ge @!p1 [sflag:s20], $0x800  }
0x107: {  	[sflag:s20] =	ssyncset.done @!p1 $0x0  }
0x108: {  	s25 =	simm.s32 @!p1 $0x9F00;
	[sflag:s20] =	ssyncadd.s32 @!p1 $0xFFFFF800;
	s20 =	sadd.s32 @!p1 $0x2C80, s22  }
0x109: {  	[spmem:s2] =	stream.indirect.scatter.add.f32 @!p1 [tilespmem:s25], [sflag:$0x19], $0x10, s20, s23, $0xb8;
	[tilespmem:$0xDF00] =	vst v63  }
0x10a: {  	s20 =	simm.s32 @!p1 $0x18  }
0x10b: {  	_ =	swait.ge @!p1 [sflag:s20], $0x800  }
0x10c: {  	[sflag:s20] =	ssyncset.done @!p1 $0x0  }
0x10d: {  	[sflag:s20] =	ssyncadd.s32 @!p1 $0xFFFFF800;
	s20 =	sadd.s32 @!p1 $0xB00, s22;
	s22 =	simm.s32 @!p1 $0x9700  }
0x10e: {  	[tilespmem:s22], [sflag:$0xB] =	stream.indirect.gather @!p1 [hbm4b:s4+s23], $0x10, s20, s23, $0xb8;
	[tilespmem:$0xDF00] =	vst v63  }
0x10f: {  	_ =	swait.ge [sflag:s10], $0x800  }
0x110: {  	[sflag:s10] =	ssyncset.done $0x0  }
.Ltmp6:
0x111: {  	s31 =	sadd.s32 $0x2D00, s18;
	[sflag:s10] =	ssyncadd.s32 $0xFFFFF800;
	(pc) =	sbr.rel @p1 .LBB2_12-.Ltmp6, $4  }
0x112: {  	[spmem:s2] =	stream.indirect.scatter.add.f32 [tilespmem:s30], [sflag:$0x1A], $0x10, s31, s16, $0xb8;
	[tilespmem:$0xDF00] =	vst v63  }
0x113: {  	_ =	swait.ge [sflag:s6], $0x800  }
0x114: {  	[sflag:s6] =	ssyncset.done $0x0  }
0x115: {  	s25 =	simm.s32 $0xA700;
	s22 =	sadd.s32 $0x2D80, s18;
	[sflag:s6] =	ssyncadd.s32 $0xFFFFF800  }
0x116: {  	s20 =	sadd.s32 $0xB80, s18;
	s23 =	simm.s32 $0x9F00  }
0x117: {  	[tilespmem:s23], [sflag:$0xC] =	stream.indirect.gather [hbm4b:s4+s16], $0x10, s20, s16, $0xb8;
	[tilespmem:$0xDF00] =	vst v63  }
0x118: {  	_ =	swait.ge [sflag:s13], $0x800  }
0x119: {  	[sflag:s13] =	ssyncset.done $0x0  }
0x11a: {  	s29 =	simm.s32 $0xAF00;
	[sflag:s13] =	ssyncadd.s32 $0xFFFFF800  }
0x11b: {  	[spmem:s2] =	stream.indirect.scatter.add.f32 [tilespmem:s29], [sflag:$0x1B], $0x10, s22, s16, $0xb8;
	[tilespmem:$0xDF00] =	vst v63  }
.Ltmp7:
0x11c: {  	_ = 	snop;
	(pc) =	sbr.rel .LBB2_10-.Ltmp7, $4  }
0x11d: {  	_ =	swait.ge [sflag:s14], $0x800  }
0x11e: {  	s31 =	sadd.s32 $0xC00, s18;
	[sflag:s14] =	ssyncset.done $0x0  }
0x11f: {  	s17 =	sadd.s32 $0x1A00, s17;
	s30 =	simm.s32 $0xA700;
	[sflag:s14] =	ssyncadd.s32 $0xFFFFF800  }
0x120: {  	[tilespmem:s25], [sflag:$0xD] =	stream.indirect.gather [hbm4b:s4+s16], $0x10, s31, s16, $0xb8;
	[tilespmem:$0xDF00] =	vst v63  }
.LBB2_13:
0x121: {  	_ =	sfence.sel $0x180000  }
0x122: {  	[bflag:$0x0] =	sbarrier.arrive $0xFFFF  }
0x123: {  	_ =	strace $0x9000004D  }
0x124: {  	s0 =	stileid.u32;
	[bflag:$0x2] =	sbarrier.arrive $0xFFFF  }
0x125: {  	p0 =	sne.s32 s0, $0x0;
	s0 =	rddreg [dreg:$0x3]  }
0x126: {  	s0 =	sadd.s32 @!p0 $0x100000, s0  }
0x127: {  	[sflag:s0] =	ssyncadd.tile.s32 @!p0 $0x1;
	_ =	shalt  }
.Lfunc_end2:
_tile_overlayer_lowered:
.L_overlay_start_2:
0x128: {  	(tag) =	ssettag $0x2  }
0x129: {  	s0 =	rddreg [dreg:$0x0];
	s2 =	stileid.u32  }
0x12a: {  	s1 =	rddreg [dreg:$0x1];
	p0 =	sne.s32 s2, $0x0  }
0x12b: {  	s3 =	rddreg [dreg:$0x2];
	[bflag:$0x3] =	sbarrier.arrive $0xFFFF;
	s2 =	simm.s32 @!p0 $0x1C1C  }
0x12c: {  	[timem:s3], [sflag:s2] =	dma.local @!p0 [hbm:s0], s1  }
0x12d: {  	s0 =	simm.s32 @!p0 $0x1C  }
0x12e: {  	_ =	swait.ge @!p0 [sflag:s0], s1  }
0x12f: {  	s1 =	ssub.s32 @!p0 $0x0, s1;
	[sflag:s0] =	ssyncset.done @!p0 $0x0  }
0x130: {  	[sflag:s0] =	ssyncadd.s32 @!p0 s1  }
0x131: {  	[bflag:$0x3] =	sbarrier.arrive $0xFFFF  }
0x132: {  	_ =	shalt  }

</sc_bundles>
